<compile_context>
chip_gen: v7x
topology: tpu7x:2x2x1
jax: 0.10.2.dev20260603
libtpu: 0.0.44.dev20260713+nightly
codegen_flags: <defaults>
</compile_context>

<pallas_src>
import functools

import jax
import jax.numpy as jnp
from jax import lax
from jax.experimental import pallas as pl
from jax.experimental.pallas import tpu as pltpu
from jax.experimental.pallas import tpu_sc as plsc

N = 10000
D = 128
E = 320000
NPAD = 10240
SLICE = NPAD // 16
SLICEA_STRIDE = 624
SLICEA = 640
CH = 128
NCHUNK = E // CH
NW = 32
BASE_CH = NCHUNK // NW
EXTRA = NCHUNK - BASE_CH * NW

G = 4
NG = NCHUNK // G
BASE_G = NG // NW
EXTRA_G = NG - BASE_G * NW

BLK = 400
GRID = N // BLK

_MESH = plsc.VectorSubcoreMesh(core_axis_name="c", subcore_axis_name="s")


def _sc_deg_body(eint_hbm, zeros_hbm, out0_hbm, out1_hbm, idx, ones_v, acc,
                 sem_l, sem_s, sem_z):
    c = lax.axis_index("c")
    s = lax.axis_index("s")
    wid = s * 2 + c
    for k in range(CH // 16):
        ones_v[pl.ds(16 * k, 16)] = jnp.ones((16,), jnp.float32)
    sl = pl.ds(pl.multiple_of(s * SLICE, SLICE), SLICE)

    ng = BASE_G + jnp.where(wid < EXTRA_G, 1, 0)

    def fire_load(i):
        goff = (wid + NW * i) * G
        pltpu.async_copy(eint_hbm.at[pl.ds(goff, G)], idx.at[lax.rem(i, 2)],
                         sem_l)

    def drain_load(i):
        goff = (wid + NW * i) * G
        pltpu.make_async_copy(eint_hbm.at[pl.ds(goff, G)],
                              idx.at[lax.rem(i, 2)], sem_l).wait()

    def fire_scat(i, j):
        pltpu.async_copy(ones_v, acc.at[idx.at[lax.rem(i, 2), j, 1]], sem_s,
                         add=True)

    def drain_scat(i, j):
        pltpu.make_async_copy(ones_v, acc.at[idx.at[lax.rem(i, 2), j, 1]],
                              sem_s).wait()

    pltpu.async_copy(zeros_hbm.at[sl], acc.at[sl], sem_z)
    fire_load(0)
    pltpu.make_async_copy(zeros_hbm.at[sl], acc.at[sl], sem_z).wait()
    plsc.subcore_barrier()

    def body(i, carry):
        @pl.when(i >= 1)
        def _():
            for j in range(G):
                drain_scat(i - 1, j)

        @pl.when(i + 1 < ng)
        def _():
            fire_load(i + 1)

        drain_load(i)
        for j in range(G):
            fire_scat(i, j)
        return carry

    lax.fori_loop(0, ng, body, 0)
    for j in range(G):
        drain_scat(ng - 1, j)
    plsc.subcore_barrier()

    @pl.when(c == 0)
    def _():
        pltpu.sync_copy(acc.at[sl], out0_hbm.at[sl])

    @pl.when(c == 1)
    def _():
        pltpu.sync_copy(acc.at[sl], out1_hbm.at[sl])


_sc_deg = functools.partial(
    pl.kernel,
    mesh=_MESH,
    out_type=[
        jax.ShapeDtypeStruct((NPAD,), jnp.float32),
        jax.ShapeDtypeStruct((NPAD,), jnp.float32),
    ],
    scratch_types=[
        pltpu.VMEM((2, G, 2, CH), jnp.int32),
        pltpu.VMEM((CH,), jnp.float32),
        pltpu.VMEM_SHARED((NPAD,), jnp.float32),
        pltpu.SemaphoreType.DMA,
        pltpu.SemaphoreType.DMA,
        pltpu.SemaphoreType.DMA,
    ],
)(_sc_deg_body)


def _sc_agg_body(h_hbm, eint_hbm, zeros_hbm, out0_hbm, out1_hbm,
                 idx, rows, acc, sem_g, sem_s, sem_i, sem_z):
    c = lax.axis_index("c")
    s = lax.axis_index("s")
    wid = s * 2 + c
    sl = pl.ds(pl.multiple_of(s * SLICEA_STRIDE, 8), SLICEA)

    nch = BASE_CH + jnp.where(wid < EXTRA, 1, 0)

    def fire_idx(i):
        pltpu.async_copy(eint_hbm.at[wid + NW * i], idx.at[lax.rem(i, 6)],
                         sem_i)

    def drain_idx(i):
        pltpu.make_async_copy(eint_hbm.at[wid + NW * i],
                              idx.at[lax.rem(i, 6)], sem_i).wait()

    def fire_gather(i):
        pltpu.async_copy(h_hbm.at[idx.at[lax.rem(i, 6), 0]],
                         rows.at[lax.rem(i, 3)], sem_g)

    def drain_gather(i):
        pltpu.make_async_copy(h_hbm.at[idx.at[lax.rem(i, 6), 0]],
                              rows.at[lax.rem(i, 3)], sem_g).wait()

    def fire_scatter(i):
        pltpu.async_copy(rows.at[lax.rem(i, 3)],
                         acc.at[idx.at[lax.rem(i, 6), 1]], sem_s, add=True)

    def drain_scatter(i):
        pltpu.make_async_copy(rows.at[lax.rem(i, 3)],
                              acc.at[idx.at[lax.rem(i, 6), 1]], sem_s).wait()

    pltpu.async_copy(zeros_hbm.at[sl], acc.at[sl], sem_z)
    for k in range(4):
        fire_idx(k)
    drain_idx(0)
    fire_gather(0)
    drain_idx(1)
    fire_gather(1)
    pltpu.make_async_copy(zeros_hbm.at[sl], acc.at[sl], sem_z).wait()
    plsc.subcore_barrier()

    def body(i, carry):
        @pl.when(i >= 1)
        def _():
            drain_scatter(i - 1)

        @pl.when(i + 2 < nch)
        def _():
            drain_idx(i + 2)
            fire_gather(i + 2)

        @pl.when(i + 4 < nch)
        def _():
            fire_idx(i + 4)

        drain_gather(i)
        fire_scatter(i)
        return carry

    lax.fori_loop(0, nch, body, 0)
    drain_scatter(nch - 1)
    plsc.subcore_barrier()

    @pl.when(c == 0)
    def _():
        pltpu.sync_copy(acc.at[sl], out0_hbm.at[sl])

    @pl.when(c == 1)
    def _():
        pltpu.sync_copy(acc.at[sl], out1_hbm.at[sl])


_sc_agg = functools.partial(
    pl.kernel,
    mesh=_MESH,
    out_type=[
        jax.ShapeDtypeStruct((N, D), jnp.float32),
        jax.ShapeDtypeStruct((N, D), jnp.float32),
    ],
    scratch_types=[
        pltpu.VMEM((6, 2, CH), jnp.int32),
        pltpu.VMEM((3, CH, D), jnp.float32),
        pltpu.VMEM_SHARED((N, D), jnp.float32),
        pltpu.SemaphoreType.DMA,
        pltpu.SemaphoreType.DMA,
        pltpu.SemaphoreType.DMA,
        pltpu.SemaphoreType.DMA,
    ],
)(_sc_agg_body)


def _tc_mm_body(x_ref, w_ref, u_ref):
    u_ref[...] = jnp.dot(x_ref[...], w_ref[...],
                         preferred_element_type=jnp.float32)


_tc_mm = pl.pallas_call(
    _tc_mm_body,
    grid=(GRID,),
    in_specs=[
        pl.BlockSpec((BLK, D), lambda i: (i, 0)),
        pl.BlockSpec((D, D), lambda i: (0, 0)),
    ],
    out_specs=pl.BlockSpec((BLK, D), lambda i: (i, 0)),
    out_shape=jax.ShapeDtypeStruct((N, D), jnp.float32),
)


def _tc_scale_body(d0_ref, d1_ref, u_ref, dinv_ref, h_ref):
    deg = d0_ref[...] + d1_ref[...] + 1.0
    dinv = lax.rsqrt(deg)
    dinv_ref[...] = dinv
    h_ref[...] = u_ref[...] * dinv


_tc_scale = pl.pallas_call(
    _tc_scale_body,
    grid=(GRID,),
    in_specs=[
        pl.BlockSpec((BLK, 1), lambda i: (i, 0)),
        pl.BlockSpec((BLK, 1), lambda i: (i, 0)),
        pl.BlockSpec((BLK, D), lambda i: (i, 0)),
    ],
    out_specs=[
        pl.BlockSpec((BLK, 1), lambda i: (i, 0)),
        pl.BlockSpec((BLK, D), lambda i: (i, 0)),
    ],
    out_shape=[
        jax.ShapeDtypeStruct((N, 1), jnp.float32),
        jax.ShapeDtypeStruct((N, D), jnp.float32),
    ],
)


def _tc_layer_body(sa_ref, sb_ref, hp_ref, dinv_ref, b_ref, w_ref,
                   x_ref, hn_ref):
    agg = sa_ref[...] + sb_ref[...] + hp_ref[...]
    xl = jnp.maximum(dinv_ref[...] * agg + b_ref[...][None, :], 0.0)
    x_ref[...] = xl
    hn = jnp.dot(xl, w_ref[...], preferred_element_type=jnp.float32)
    hn_ref[...] = hn * dinv_ref[...]


_tc_layer = pl.pallas_call(
    _tc_layer_body,
    grid=(GRID,),
    in_specs=[
        pl.BlockSpec((BLK, D), lambda i: (i, 0)),
        pl.BlockSpec((BLK, D), lambda i: (i, 0)),
        pl.BlockSpec((BLK, D), lambda i: (i, 0)),
        pl.BlockSpec((BLK, 1), lambda i: (i, 0)),
        pl.BlockSpec((D,), lambda i: (0,)),
        pl.BlockSpec((D, D), lambda i: (0, 0)),
    ],
    out_specs=[
        pl.BlockSpec((BLK, D), lambda i: (i, 0)),
        pl.BlockSpec((BLK, D), lambda i: (i, 0)),
    ],
    out_shape=[
        jax.ShapeDtypeStruct((N, D), jnp.float32),
        jax.ShapeDtypeStruct((N, D), jnp.float32),
    ],
)


def _tc_final_body(tgt_ref, sa_ref, sb_ref, hp_ref, dinv_ref, b_ref,
                   x1_ref, x2_ref, wfc_ref, bfc_ref,
                   emb_ref, gmax_ref, out_ref, row_acc):
    i = pl.program_id(0)
    agg = sa_ref[...] + sb_ref[...] + hp_ref[...]
    x3 = dinv_ref[...] * agg + b_ref[...][None, :]
    cat = jnp.concatenate([x1_ref[...], x2_ref[...], x3], axis=1)
    emb_ref[...] = cat
    bm = jnp.max(cat, axis=0, keepdims=True)
    ids = i * BLK + lax.broadcasted_iota(jnp.int32, (BLK, 3 * D), 0)
    contrib = jnp.sum(jnp.where(ids == tgt_ref[0], cat, 0.0), axis=0,
                      keepdims=True)

    @pl.when(i == 0)
    def _():
        gmax_ref[...] = bm
        row_acc[...] = contrib

    @pl.when(i > 0)
    def _():
        gmax_ref[...] = jnp.maximum(gmax_ref[...], bm)
        row_acc[...] = row_acc[...] + contrib

    @pl.when(i == GRID - 1)
    def _():
        out_ref[...] = (jnp.dot(row_acc[...], wfc_ref[...],
                                preferred_element_type=jnp.float32)
                        + bfc_ref[...][None, :])


_tc_final = pl.pallas_call(
    _tc_final_body,
    grid=(GRID,),
    in_specs=[
        pl.BlockSpec(memory_space=pltpu.SMEM),
        pl.BlockSpec((BLK, D), lambda i: (i, 0)),
        pl.BlockSpec((BLK, D), lambda i: (i, 0)),
        pl.BlockSpec((BLK, D), lambda i: (i, 0)),
        pl.BlockSpec((BLK, 1), lambda i: (i, 0)),
        pl.BlockSpec((D,), lambda i: (0,)),
        pl.BlockSpec((BLK, D), lambda i: (i, 0)),
        pl.BlockSpec((BLK, D), lambda i: (i, 0)),
        pl.BlockSpec((3 * D, 10), lambda i: (0, 0)),
        pl.BlockSpec((10,), lambda i: (0,)),
    ],
    out_specs=[
        pl.BlockSpec((BLK, 3 * D), lambda i: (i, 0)),
        pl.BlockSpec((1, 3 * D), lambda i: (0, 0)),
        pl.BlockSpec((1, 10), lambda i: (0, 0)),
    ],
    out_shape=[
        jax.ShapeDtypeStruct((N, 3 * D), jnp.float32),
        jax.ShapeDtypeStruct((1, 3 * D), jnp.float32),
        jax.ShapeDtypeStruct((1, 10), jnp.float32),
    ],
    scratch_shapes=[pltpu.VMEM((1, 3 * D), jnp.float32)],
)


def kernel(x, edge_index, batch, target_node, W1, b1, W2, b2, W3, b3, Wfc, bfc):
    eint = edge_index.reshape(2, NCHUNK, CH).transpose(1, 0, 2)
    zrow = jnp.zeros((NPAD, D), jnp.float32)
    zdeg = jnp.zeros((NPAD,), jnp.float32)

    d0, d1 = _sc_deg(eint, zdeg)
    u1 = _tc_mm(x, W1)
    dinv, h1p = _tc_scale(d0.reshape(NPAD, 1), d1.reshape(NPAD, 1), u1)
    s1a, s1b = _sc_agg(h1p, eint, zrow)
    x1, h2p = _tc_layer(s1a, s1b, h1p, dinv, b1, W2)
    s2a, s2b = _sc_agg(h2p, eint, zrow)
    x2, h3p = _tc_layer(s2a, s2b, h2p, dinv, b2, W3)
    s3a, s3b = _sc_agg(h3p, eint, zrow)
    tgt = jnp.asarray(target_node, jnp.int32).reshape(1)
    emb, gmax, out = _tc_final(tgt, s3a, s3b, h3p, dinv, b3, x1, x2, Wfc, bfc)
    return emb, gmax, out

# --- scband reference (transcript-rebuilt; emitter-appended) ---
"""Pipeline reference for scband-gnn-synthetic-76639396430551 (READ-ONLY COPY).

The authoritative reference and input builder live on the scoring server;
editing this copy changes nothing except your own understanding.
"""

import jax, jax.numpy as jnp
import numpy as np

N = 10000
E = 320000
NFEAT = 128
NHID = 128
NOUT = 128
NCLASS = 10


def setup_inputs(seed: int = 0) -> dict:
    key = jax.random.key(seed)
    ks = jax.random.split(key, 12)
    x = jax.random.normal(ks[0], (N, NFEAT), dtype=jnp.float32)
    edge_index = jax.random.randint(ks[1], (2, E), 0, N, dtype=jnp.int32)
    batch = jnp.zeros((N,), dtype=jnp.int32)
    target_node = 123
    W1 = jax.random.normal(ks[2], (NFEAT, NHID), dtype=jnp.float32) / np.sqrt(NFEAT)
    b1 = jnp.zeros((NHID,), dtype=jnp.float32)
    W2 = jax.random.normal(ks[3], (NHID, NHID), dtype=jnp.float32) / np.sqrt(NHID)
    b2 = jnp.zeros((NHID,), dtype=jnp.float32)
    W3 = jax.random.normal(ks[4], (NHID, NOUT), dtype=jnp.float32) / np.sqrt(NHID)
    b3 = jnp.zeros((NOUT,), dtype=jnp.float32)
    Wfc = jax.random.normal(ks[5], (NHID + NHID + NOUT, NCLASS), dtype=jnp.float32) / np.sqrt(NHID + NHID + NOUT)
    bfc = jnp.zeros((NCLASS,), dtype=jnp.float32)
    return {"x": x, "edge_index": edge_index, "batch": batch, "target_node": target_node,
            "W1": W1, "b1": b1, "W2": W2, "b2": b2, "W3": W3, "b3": b3, "Wfc": Wfc, "bfc": bfc}


def _gcn_conv(x, s, d, norm, W, b):
    h = x @ W
    msg = h[s] * norm[:, None]
    out = jnp.zeros((x.shape[0], W.shape[1]), dtype=x.dtype).at[d].add(msg)
    return out + b


def reference(x, edge_index, batch, target_node, W1, b1, W2, b2, W3, b3, Wfc, bfc):
    n = x.shape[0]
    src, dst = edge_index[0], edge_index[1]
    loop = jnp.arange(n, dtype=src.dtype)
    s = jnp.concatenate([src, loop])
    d = jnp.concatenate([dst, loop])
    # symmetric GCN normalization with self-loops
    deg = jnp.zeros((n,), dtype=x.dtype).at[d].add(1.0)
    dinv = jnp.where(deg > 0, 1.0 / jnp.sqrt(deg), 0.0)
    norm = dinv[s] * dinv[d]
    x1 = jax.nn.relu(_gcn_conv(x, s, d, norm, W1, b1))
    x2 = jax.nn.relu(_gcn_conv(x1, s, d, norm, W2, b2))
    x3 = _gcn_conv(x2, s, d, norm, W3, b3)
    node_embeddings = jnp.concatenate((x1, x2, x3), axis=1)
    graph_embedding = jax.ops.segment_max(node_embeddings, batch, num_segments=1)
    logits = node_embeddings @ Wfc + bfc
    out = jax.lax.dynamic_slice_in_dim(logits, target_node, 1, axis=0)
    return (node_embeddings, graph_embedding, out)

if __name__ == "__main__":
    import jax
    _d = setup_inputs()
    print(jax.jit(kernel)(*tuple(_d.values())))

</pallas_src>

<mosaic_0001>
#map = affine_map<(d0, d1) -> (0, 0)>
#map1 = affine_map<(d0, d1) -> (0, 0, 0)>
module attributes {stable_mosaic.version = 14 : i64} {
  func.func @_sc_agg_body(%arg0: i32, %arg1: i32, %arg2: memref<10000x128xf32, #tpu.memory_space<hbm>>, %arg3: memref<2500x2x128xi32, #tpu.memory_space<hbm>>, %arg4: memref<10240x128xf32, #tpu.memory_space<hbm>>, %arg5: memref<10000x128xf32, #tpu.memory_space<hbm>>, %arg6: memref<10000x128xf32, #tpu.memory_space<hbm>>, %arg7: memref<6x2x128xi32, #tpu.memory_space<vmem>>, %arg8: memref<3x128x128xf32, #tpu.memory_space<vmem>>, %arg9: memref<10000x128xf32, #tpu.memory_space<vmem_shared>>, %arg10: memref<!tpu.dma_semaphore, #tpu.memory_space<semaphore_mem>>, %arg11: memref<!tpu.dma_semaphore, #tpu.memory_space<semaphore_mem>>, %arg12: memref<!tpu.dma_semaphore, #tpu.memory_space<semaphore_mem>>, %arg13: memref<!tpu.dma_semaphore, #tpu.memory_space<semaphore_mem>>) attributes {dimension_semantics = [#tpu.dimension_semantics<core_parallel>, #tpu.dimension_semantics<subcore_parallel>], iteration_bounds = array<i64: 2, 16>, scalar_prefetch = 0 : i64, scratch_operands = 7 : i64, tpu.core_type = #tpu.core_type<sc_vector_subcore>, window_params = [{transform_indices = #map}, {transform_indices = #map1}, {transform_indices = #map}, {transform_indices = #map}, {transform_indices = #map}]} {
    %mul3A = arith.constant 2 : i32
    %mul3A_0 = arith.muli %arg1, %mul3A : i32
    %add3A = arith.addi %mul3A_0, %arg0 : i32
    %mul3A_1 = arith.constant 624 : i32
    %mul3A_2 = arith.muli %arg1, %mul3A_1 : i32
    %multiple_of3A = tpu.assume_multiple %mul3A_2, 8 : i32
    %lt3A = arith.constant 4 : i32
    %lt3A_3 = arith.cmpi slt, %add3A, %lt3A : i32
    %jit3A = arith.constant 1 : i32
    %jit3A_4 = arith.constant 0 : i32
    %select_n3A = arith.select %lt3A_3, %jit3A, %jit3A_4 : i32
    %add3A_5 = arith.constant 78 : i32
    %add3A_6 = arith.addi %add3A_5, %select_n3A : i32
    %dma_start3A = arith.constant 0 : i32
    %dma_start3A_7 = tpu.memref_slice %arg9[%multiple_of3A, %dma_start3A] : memref<10000x128xf32, #tpu.memory_space<vmem_shared>> -> memref<640x128xf32, #tpu.memory_space<vmem_shared>>
    %dma_start3A_8 = arith.constant 0 : i32
    %dma_start3A_9 = tpu.memref_slice %arg4[%multiple_of3A, %dma_start3A_8] : memref<10240x128xf32, #tpu.memory_space<hbm>> -> memref<640x128xf32, #tpu.memory_space<hbm>>
    tpu.enqueue_dma source(%dma_start3A_9 : memref<640x128xf32, #tpu.memory_space<hbm>>) target(%dma_start3A_7 : memref<640x128xf32, #tpu.memory_space<vmem_shared>>) target_semaphore(%arg13 : memref<!tpu.dma_semaphore, #tpu.memory_space<semaphore_mem>>)
    %add3A_10 = arith.constant 0 : i32
    %add3A_11 = arith.addi %add3A, %add3A_10 : i32
    %rem3A = arith.constant 0 : i32
    %rem3A_12 = arith.constant 6 : i32
    %rem3A_13 = arith.remsi %rem3A, %rem3A_12 : i32
    %dma_start3A_14 = arith.constant 0 : i32
    %dma_start3A_15 = arith.constant 0 : i32
    %dma_start3A_16 = tpu.memref_slice %arg7[%rem3A_13, %dma_start3A_14, %dma_start3A_15] : memref<6x2x128xi32, #tpu.memory_space<vmem>> -> memref<1x2x128xi32, #tpu.memory_space<vmem>>
    %dma_start3A_17 = tpu.memref_squeeze %dma_start3A_16 : memref<1x2x128xi32, #tpu.memory_space<vmem>> -> memref<2x128xi32, #tpu.memory_space<vmem>>
    %dma_start3A_18 = arith.constant 0 : i32
    %dma_start3A_19 = arith.constant 0 : i32
    %dma_start3A_20 = tpu.memref_slice %arg3[%add3A_11, %dma_start3A_18, %dma_start3A_19] : memref<2500x2x128xi32, #tpu.memory_space<hbm>> -> memref<1x2x128xi32, #tpu.memory_space<hbm>>
    %dma_start3A_21 = tpu.memref_squeeze %dma_start3A_20 : memref<1x2x128xi32, #tpu.memory_space<hbm>> -> memref<2x128xi32, #tpu.memory_space<hbm>>
    %dma_start3A_22 = arith.constant 0 : i32
    %dma_start3A_23 = arith.constant 0 : i32
    %dma_start3A_24 = tpu.memref_slice %arg7[%rem3A_13, %dma_start3A_22, %dma_start3A_23] : memref<6x2x128xi32, #tpu.memory_space<vmem>> -> memref<1x2x128xi32, #tpu.memory_space<vmem>>
    %dma_start3A_25 = tpu.memref_squeeze %dma_start3A_24 : memref<1x2x128xi32, #tpu.memory_space<vmem>> -> memref<2x128xi32, #tpu.memory_space<vmem>>
    %dma_start3A_26 = arith.constant 0 : i32
    %dma_start3A_27 = arith.constant 0 : i32
    %dma_start3A_28 = tpu.memref_slice %arg3[%add3A_11, %dma_start3A_26, %dma_start3A_27] : memref<2500x2x128xi32, #tpu.memory_space<hbm>> -> memref<1x2x128xi32, #tpu.memory_space<hbm>>
    %dma_start3A_29 = tpu.memref_squeeze %dma_start3A_28 : memref<1x2x128xi32, #tpu.memory_space<hbm>> -> memref<2x128xi32, #tpu.memory_space<hbm>>
    tpu.enqueue_dma source(%dma_start3A_29 : memref<2x128xi32, #tpu.memory_space<hbm>>) target(%dma_start3A_25 : memref<2x128xi32, #tpu.memory_space<vmem>>) target_semaphore(%arg12 : memref<!tpu.dma_semaphore, #tpu.memory_space<semaphore_mem>>)
    %add3A_30 = arith.constant 32 : i32
    %add3A_31 = arith.addi %add3A, %add3A_30 : i32
    %rem3A_32 = arith.constant 1 : i32
    %rem3A_33 = arith.constant 6 : i32
    %rem3A_34 = arith.remsi %rem3A_32, %rem3A_33 : i32
    %dma_start3A_35 = arith.constant 0 : i32
    %dma_start3A_36 = arith.constant 0 : i32
    %dma_start3A_37 = tpu.memref_slice %arg7[%rem3A_34, %dma_start3A_35, %dma_start3A_36] : memref<6x2x128xi32, #tpu.memory_space<vmem>> -> memref<1x2x128xi32, #tpu.memory_space<vmem>>
    %dma_start3A_38 = tpu.memref_squeeze %dma_start3A_37 : memref<1x2x128xi32, #tpu.memory_space<vmem>> -> memref<2x128xi32, #tpu.memory_space<vmem>>
    %dma_start3A_39 = arith.constant 0 : i32
    %dma_start3A_40 = arith.constant 0 : i32
    %dma_start3A_41 = tpu.memref_slice %arg3[%add3A_31, %dma_start3A_39, %dma_start3A_40] : memref<2500x2x128xi32, #tpu.memory_space<hbm>> -> memref<1x2x128xi32, #tpu.memory_space<hbm>>
    %dma_start3A_42 = tpu.memref_squeeze %dma_start3A_41 : memref<1x2x128xi32, #tpu.memory_space<hbm>> -> memref<2x128xi32, #tpu.memory_space<hbm>>
    %dma_start3A_43 = arith.constant 0 : i32
    %dma_start3A_44 = arith.constant 0 : i32
    %dma_start3A_45 = tpu.memref_slice %arg7[%rem3A_34, %dma_start3A_43, %dma_start3A_44] : memref<6x2x128xi32, #tpu.memory_space<vmem>> -> memref<1x2x128xi32, #tpu.memory_space<vmem>>
    %dma_start3A_46 = tpu.memref_squeeze %dma_start3A_45 : memref<1x2x128xi32, #tpu.memory_space<vmem>> -> memref<2x128xi32, #tpu.memory_space<vmem>>
    %dma_start3A_47 = arith.constant 0 : i32
    %dma_start3A_48 = arith.constant 0 : i32
    %dma_start3A_49 = tpu.memref_slice %arg3[%add3A_31, %dma_start3A_47, %dma_start3A_48] : memref<2500x2x128xi32, #tpu.memory_space<hbm>> -> memref<1x2x128xi32, #tpu.memory_space<hbm>>
    %dma_start3A_50 = tpu.memref_squeeze %dma_start3A_49 : memref<1x2x128xi32, #tpu.memory_space<hbm>> -> memref<2x128xi32, #tpu.memory_space<hbm>>
    tpu.enqueue_dma source(%dma_start3A_50 : memref<2x128xi32, #tpu.memory_space<hbm>>) target(%dma_start3A_46 : memref<2x128xi32, #tpu.memory_space<vmem>>) target_semaphore(%arg12 : memref<!tpu.dma_semaphore, #tpu.memory_space<semaphore_mem>>)
    %add3A_51 = arith.constant 64 : i32
    %add3A_52 = arith.addi %add3A, %add3A_51 : i32
    %rem3A_53 = arith.constant 2 : i32
    %rem3A_54 = arith.constant 6 : i32
    %rem3A_55 = arith.remsi %rem3A_53, %rem3A_54 : i32
    %dma_start3A_56 = arith.constant 0 : i32
    %dma_start3A_57 = arith.constant 0 : i32
    %dma_start3A_58 = tpu.memref_slice %arg7[%rem3A_55, %dma_start3A_56, %dma_start3A_57] : memref<6x2x128xi32, #tpu.memory_space<vmem>> -> memref<1x2x128xi32, #tpu.memory_space<vmem>>
    %dma_start3A_59 = tpu.memref_squeeze %dma_start3A_58 : memref<1x2x128xi32, #tpu.memory_space<vmem>> -> memref<2x128xi32, #tpu.memory_space<vmem>>
    %dma_start3A_60 = arith.constant 0 : i32
    %dma_start3A_61 = arith.constant 0 : i32
    %dma_start3A_62 = tpu.memref_slice %arg3[%add3A_52, %dma_start3A_60, %dma_start3A_61] : memref<2500x2x128xi32, #tpu.memory_space<hbm>> -> memref<1x2x128xi32, #tpu.memory_space<hbm>>
    %dma_start3A_63 = tpu.memref_squeeze %dma_start3A_62 : memref<1x2x128xi32, #tpu.memory_space<hbm>> -> memref<2x128xi32, #tpu.memory_space<hbm>>
    %dma_start3A_64 = arith.constant 0 : i32
    %dma_start3A_65 = arith.constant 0 : i32
    %dma_start3A_66 = tpu.memref_slice %arg7[%rem3A_55, %dma_start3A_64, %dma_start3A_65] : memref<6x2x128xi32, #tpu.memory_space<vmem>> -> memref<1x2x128xi32, #tpu.memory_space<vmem>>
    %dma_start3A_67 = tpu.memref_squeeze %dma_start3A_66 : memref<1x2x128xi32, #tpu.memory_space<vmem>> -> memref<2x128xi32, #tpu.memory_space<vmem>>
    %dma_start3A_68 = arith.constant 0 : i32
    %dma_start3A_69 = arith.constant 0 : i32
    %dma_start3A_70 = tpu.memref_slice %arg3[%add3A_52, %dma_start3A_68, %dma_start3A_69] : memref<2500x2x128xi32, #tpu.memory_space<hbm>> -> memref<1x2x128xi32, #tpu.memory_space<hbm>>
    %dma_start3A_71 = tpu.memref_squeeze %dma_start3A_70 : memref<1x2x128xi32, #tpu.memory_space<hbm>> -> memref<2x128xi32, #tpu.memory_space<hbm>>
    tpu.enqueue_dma source(%dma_start3A_71 : memref<2x128xi32, #tpu.memory_space<hbm>>) target(%dma_start3A_67 : memref<2x128xi32, #tpu.memory_space<vmem>>) target_semaphore(%arg12 : memref<!tpu.dma_semaphore, #tpu.memory_space<semaphore_mem>>)
    %add3A_72 = arith.constant 96 : i32
    %add3A_73 = arith.addi %add3A, %add3A_72 : i32
    %rem3A_74 = arith.constant 3 : i32
    %rem3A_75 = arith.constant 6 : i32
    %rem3A_76 = arith.remsi %rem3A_74, %rem3A_75 : i32
    %dma_start3A_77 = arith.constant 0 : i32
    %dma_start3A_78 = arith.constant 0 : i32
    %dma_start3A_79 = tpu.memref_slice %arg7[%rem3A_76, %dma_start3A_77, %dma_start3A_78] : memref<6x2x128xi32, #tpu.memory_space<vmem>> -> memref<1x2x128xi32, #tpu.memory_space<vmem>>
    %dma_start3A_80 = tpu.memref_squeeze %dma_start3A_79 : memref<1x2x128xi32, #tpu.memory_space<vmem>> -> memref<2x128xi32, #tpu.memory_space<vmem>>
    %dma_start3A_81 = arith.constant 0 : i32
    %dma_start3A_82 = arith.constant 0 : i32
    %dma_start3A_83 = tpu.memref_slice %arg3[%add3A_73, %dma_start3A_81, %dma_start3A_82] : memref<2500x2x128xi32, #tpu.memory_space<hbm>> -> memref<1x2x128xi32, #tpu.memory_space<hbm>>
    %dma_start3A_84 = tpu.memref_squeeze %dma_start3A_83 : memref<1x2x128xi32, #tpu.memory_space<hbm>> -> memref<2x128xi32, #tpu.memory_space<hbm>>
    %dma_start3A_85 = arith.constant 0 : i32
    %dma_start3A_86 = arith.constant 0 : i32
    %dma_start3A_87 = tpu.memref_slice %arg7[%rem3A_76, %dma_start3A_85, %dma_start3A_86] : memref<6x2x128xi32, #tpu.memory_space<vmem>> -> memref<1x2x128xi32, #tpu.memory_space<vmem>>
    %dma_start3A_88 = tpu.memref_squeeze %dma_start3A_87 : memref<1x2x128xi32, #tpu.memory_space<vmem>> -> memref<2x128xi32, #tpu.memory_space<vmem>>
    %dma_start3A_89 = arith.constant 0 : i32
    %dma_start3A_90 = arith.constant 0 : i32
    %dma_start3A_91 = tpu.memref_slice %arg3[%add3A_73, %dma_start3A_89, %dma_start3A_90] : memref<2500x2x128xi32, #tpu.memory_space<hbm>> -> memref<1x2x128xi32, #tpu.memory_space<hbm>>
    %dma_start3A_92 = tpu.memref_squeeze %dma_start3A_91 : memref<1x2x128xi32, #tpu.memory_space<hbm>> -> memref<2x128xi32, #tpu.memory_space<hbm>>
    tpu.enqueue_dma source(%dma_start3A_92 : memref<2x128xi32, #tpu.memory_space<hbm>>) target(%dma_start3A_88 : memref<2x128xi32, #tpu.memory_space<vmem>>) target_semaphore(%arg12 : memref<!tpu.dma_semaphore, #tpu.memory_space<semaphore_mem>>)
    %add3A_93 = arith.constant 0 : i32
    %add3A_94 = arith.addi %add3A, %add3A_93 : i32
    %rem3A_95 = arith.constant 0 : i32
    %rem3A_96 = arith.constant 6 : i32
    %rem3A_97 = arith.remsi %rem3A_95, %rem3A_96 : i32
    %dma_wait3A = arith.constant 0 : i32
    %dma_wait3A_98 = arith.constant 0 : i32
    %dma_wait3A_99 = tpu.memref_slice %arg7[%rem3A_97, %dma_wait3A, %dma_wait3A_98] : memref<6x2x128xi32, #tpu.memory_space<vmem>> -> memref<1x2x128xi32, #tpu.memory_space<vmem>>
    %dma_wait3A_100 = tpu.memref_squeeze %dma_wait3A_99 : memref<1x2x128xi32, #tpu.memory_space<vmem>> -> memref<2x128xi32, #tpu.memory_space<vmem>>
    %dma_wait3A_101 = arith.constant 0 : i32
    %dma_wait3A_102 = arith.constant 0 : i32
    %dma_wait3A_103 = tpu.memref_slice %arg3[%add3A_94, %dma_wait3A_101, %dma_wait3A_102] : memref<2500x2x128xi32, #tpu.memory_space<hbm>> -> memref<1x2x128xi32, #tpu.memory_space<hbm>>
    %dma_wait3A_104 = tpu.memref_squeeze %dma_wait3A_103 : memref<1x2x128xi32, #tpu.memory_space<hbm>> -> memref<2x128xi32, #tpu.memory_space<hbm>>
    %dma_wait3A_105 = arith.constant 0 : i32
    %dma_wait3A_106 = arith.constant 0 : i32
    %dma_wait3A_107 = tpu.memref_slice %arg7[%rem3A_97, %dma_wait3A_105, %dma_wait3A_106] : memref<6x2x128xi32, #tpu.memory_space<vmem>> -> memref<1x2x128xi32, #tpu.memory_space<vmem>>
    %dma_wait3A_108 = tpu.memref_squeeze %dma_wait3A_107 : memref<1x2x128xi32, #tpu.memory_space<vmem>> -> memref<2x128xi32, #tpu.memory_space<vmem>>
    %dma_wait3A_109 = arith.constant 0 : i32
    %dma_wait3A_110 = arith.constant 0 : i32
    %dma_wait3A_111 = tpu.memref_slice %arg3[%add3A_94, %dma_wait3A_109, %dma_wait3A_110] : memref<2500x2x128xi32, #tpu.memory_space<hbm>> -> memref<1x2x128xi32, #tpu.memory_space<hbm>>
    %dma_wait3A_112 = tpu.memref_squeeze %dma_wait3A_111 : memref<1x2x128xi32, #tpu.memory_space<hbm>> -> memref<2x128xi32, #tpu.memory_space<hbm>>
    tpu.wait_dma2 semaphore(%arg12 : memref<!tpu.dma_semaphore, #tpu.memory_space<semaphore_mem>>) src(%dma_wait3A_112 : memref<2x128xi32, #tpu.memory_space<hbm>>) dst(%dma_wait3A_108 : memref<2x128xi32, #tpu.memory_space<vmem>>)
    %rem3A_113 = arith.constant 0 : i32
    %rem3A_114 = arith.constant 6 : i32
    %rem3A_115 = arith.remsi %rem3A_113, %rem3A_114 : i32
    %rem3A_116 = arith.constant 0 : i32
    %rem3A_117 = arith.constant 3 : i32
    %rem3A_118 = arith.remsi %rem3A_116, %rem3A_117 : i32
    %dma_start3A_119 = arith.constant 0 : i32
    %dma_start3A_120 = arith.constant 0 : i32
    %dma_start3A_121 = arith.constant 0 : i32
    %dma_start3A_122 = tpu.memref_slice %arg8[%rem3A_118, %dma_start3A_120, %dma_start3A_121] : memref<3x128x128xf32, #tpu.memory_space<vmem>> -> memref<1x128x128xf32, #tpu.memory_space<vmem>>
    %dma_start3A_123 = tpu.memref_squeeze %dma_start3A_122 : memref<1x128x128xf32, #tpu.memory_space<vmem>> -> memref<128x128xf32, #tpu.memory_space<vmem>>
    %dma_start3A_124 = arith.constant 0 : i32
    %dma_start3A_125 = tpu.memref_slice %arg7[%rem3A_115, %dma_start3A_119, %dma_start3A_124] : memref<6x2x128xi32, #tpu.memory_space<vmem>> -> memref<1x1x128xi32, #tpu.memory_space<vmem>>
    %dma_start3A_126 = tpu.memref_squeeze %dma_start3A_125 : memref<1x1x128xi32, #tpu.memory_space<vmem>> -> memref<128xi32, #tpu.memory_space<vmem>>
    %dma_start3A_127 = arith.constant 0 : i32
    %dma_start3A_128 = arith.constant 0 : i32
    %dma_start3A_129 = tpu.memref_slice %arg2[%dma_start3A_127, %dma_start3A_128] : memref<10000x128xf32, #tpu.memory_space<hbm>> -> memref<10000x128xf32, #tpu.memory_space<hbm>>
    tpu.enqueue_indirect_dma source(%dma_start3A_129 : memref<10000x128xf32, #tpu.memory_space<hbm>>) target(%dma_start3A_123 : memref<128x128xf32, #tpu.memory_space<vmem>>) offsets(%dma_start3A_126 : memref<128xi32, #tpu.memory_space<vmem>>) semaphore(%arg10 : memref<!tpu.dma_semaphore, #tpu.memory_space<semaphore_mem>>)
    %add3A_130 = arith.constant 32 : i32
    %add3A_131 = arith.addi %add3A, %add3A_130 : i32
    %rem3A_132 = arith.constant 1 : i32
    %rem3A_133 = arith.constant 6 : i32
    %rem3A_134 = arith.remsi %rem3A_132, %rem3A_133 : i32
    %dma_wait3A_135 = arith.constant 0 : i32
    %dma_wait3A_136 = arith.constant 0 : i32
    %dma_wait3A_137 = tpu.memref_slice %arg7[%rem3A_134, %dma_wait3A_135, %dma_wait3A_136] : memref<6x2x128xi32, #tpu.memory_space<vmem>> -> memref<1x2x128xi32, #tpu.memory_space<vmem>>
    %dma_wait3A_138 = tpu.memref_squeeze %dma_wait3A_137 : memref<1x2x128xi32, #tpu.memory_space<vmem>> -> memref<2x128xi32, #tpu.memory_space<vmem>>
    %dma_wait3A_139 = arith.constant 0 : i32
    %dma_wait3A_140 = arith.constant 0 : i32
    %dma_wait3A_141 = tpu.memref_slice %arg3[%add3A_131, %dma_wait3A_139, %dma_wait3A_140] : memref<2500x2x128xi32, #tpu.memory_space<hbm>> -> memref<1x2x128xi32, #tpu.memory_space<hbm>>
    %dma_wait3A_142 = tpu.memref_squeeze %dma_wait3A_141 : memref<1x2x128xi32, #tpu.memory_space<hbm>> -> memref<2x128xi32, #tpu.memory_space<hbm>>
    %dma_wait3A_143 = arith.constant 0 : i32
    %dma_wait3A_144 = arith.constant 0 : i32
    %dma_wait3A_145 = tpu.memref_slice %arg7[%rem3A_134, %dma_wait3A_143, %dma_wait3A_144] : memref<6x2x128xi32, #tpu.memory_space<vmem>> -> memref<1x2x128xi32, #tpu.memory_space<vmem>>
    %dma_wait3A_146 = tpu.memref_squeeze %dma_wait3A_145 : memref<1x2x128xi32, #tpu.memory_space<vmem>> -> memref<2x128xi32, #tpu.memory_space<vmem>>
    %dma_wait3A_147 = arith.constant 0 : i32
    %dma_wait3A_148 = arith.constant 0 : i32
    %dma_wait3A_149 = tpu.memref_slice %arg3[%add3A_131, %dma_wait3A_147, %dma_wait3A_148] : memref<2500x2x128xi32, #tpu.memory_space<hbm>> -> memref<1x2x128xi32, #tpu.memory_space<hbm>>
    %dma_wait3A_150 = tpu.memref_squeeze %dma_wait3A_149 : memref<1x2x128xi32, #tpu.memory_space<hbm>> -> memref<2x128xi32, #tpu.memory_space<hbm>>
    tpu.wait_dma2 semaphore(%arg12 : memref<!tpu.dma_semaphore, #tpu.memory_space<semaphore_mem>>) src(%dma_wait3A_150 : memref<2x128xi32, #tpu.memory_space<hbm>>) dst(%dma_wait3A_146 : memref<2x128xi32, #tpu.memory_space<vmem>>)
    %rem3A_151 = arith.constant 1 : i32
    %rem3A_152 = arith.constant 6 : i32
    %rem3A_153 = arith.remsi %rem3A_151, %rem3A_152 : i32
    %rem3A_154 = arith.constant 1 : i32
    %rem3A_155 = arith.constant 3 : i32
    %rem3A_156 = arith.remsi %rem3A_154, %rem3A_155 : i32
    %dma_start3A_157 = arith.constant 0 : i32
    %dma_start3A_158 = arith.constant 0 : i32
    %dma_start3A_159 = arith.constant 0 : i32
    %dma_start3A_160 = tpu.memref_slice %arg8[%rem3A_156, %dma_start3A_158, %dma_start3A_159] : memref<3x128x128xf32, #tpu.memory_space<vmem>> -> memref<1x128x128xf32, #tpu.memory_space<vmem>>
    %dma_start3A_161 = tpu.memref_squeeze %dma_start3A_160 : memref<1x128x128xf32, #tpu.memory_space<vmem>> -> memref<128x128xf32, #tpu.memory_space<vmem>>
    %dma_start3A_162 = arith.constant 0 : i32
    %dma_start3A_163 = tpu.memref_slice %arg7[%rem3A_153, %dma_start3A_157, %dma_start3A_162] : memref<6x2x128xi32, #tpu.memory_space<vmem>> -> memref<1x1x128xi32, #tpu.memory_space<vmem>>
    %dma_start3A_164 = tpu.memref_squeeze %dma_start3A_163 : memref<1x1x128xi32, #tpu.memory_space<vmem>> -> memref<128xi32, #tpu.memory_space<vmem>>
    %dma_start3A_165 = arith.constant 0 : i32
    %dma_start3A_166 = arith.constant 0 : i32
    %dma_start3A_167 = tpu.memref_slice %arg2[%dma_start3A_165, %dma_start3A_166] : memref<10000x128xf32, #tpu.memory_space<hbm>> -> memref<10000x128xf32, #tpu.memory_space<hbm>>
    tpu.enqueue_indirect_dma source(%dma_start3A_167 : memref<10000x128xf32, #tpu.memory_space<hbm>>) target(%dma_start3A_161 : memref<128x128xf32, #tpu.memory_space<vmem>>) offsets(%dma_start3A_164 : memref<128xi32, #tpu.memory_space<vmem>>) semaphore(%arg10 : memref<!tpu.dma_semaphore, #tpu.memory_space<semaphore_mem>>)
    %dma_wait3A_168 = arith.constant 0 : i32
    %dma_wait3A_169 = tpu.memref_slice %arg9[%multiple_of3A, %dma_wait3A_168] : memref<10000x128xf32, #tpu.memory_space<vmem_shared>> -> memref<640x128xf32, #tpu.memory_space<vmem_shared>>
    %dma_wait3A_170 = arith.constant 0 : i32
    %dma_wait3A_171 = tpu.memref_slice %arg4[%multiple_of3A, %dma_wait3A_170] : memref<10240x128xf32, #tpu.memory_space<hbm>> -> memref<640x128xf32, #tpu.memory_space<hbm>>
    tpu.wait_dma2 semaphore(%arg13 : memref<!tpu.dma_semaphore, #tpu.memory_space<semaphore_mem>>) src(%dma_wait3A_171 : memref<640x128xf32, #tpu.memory_space<hbm>>) dst(%dma_wait3A_169 : memref<640x128xf32, #tpu.memory_space<vmem_shared>>)
    %barrier3A = arith.constant 0 : index
    tpu.barrier barrier_id(%barrier3A)
    %while3A = arith.constant 0 : i32
    %while3A_172 = arith.constant 0 : i32
    %while3A_173 = arith.subi %add3A_6, %while3A_172 : i32
    %while3A_174 = arith.addi %while3A_172, %while3A_173 : i32
    %while3A_175 = arith.constant 1 : i32
    %while3A_176 = arith.divsi %while3A_173, %while3A_175 : i32
    %while3A_177 = arith.muli %while3A_176, %while3A_175 : i32
    %while3A_178 = arith.addi %while3A_172, %while3A_177 : i32
    %while3A_179 = arith.constant 1 : i32
    scf.for %while3A_205 = %while3A_172 to %while3A_178 step %while3A_179  : i32 {
      %ge3A = arith.constant 1 : i32
      %ge3A_206 = arith.cmpi sge, %while3A_205, %ge3A : i32
      %convert_element_type3A_207 = arith.extui %ge3A_206 : i1 to i32
      %cond3A_208 = arith.constant 0 : i32
      %cond3A_209 = arith.cmpi ne, %convert_element_type3A_207, %cond3A_208 : i32
      scf.if %cond3A_209 {
        %sub3A_252 = arith.constant 1 : i32
        %sub3A_253 = arith.subi %while3A_205, %sub3A_252 : i32
        %rem3A_254 = arith.constant 3 : i32
        %rem3A_255 = arith.remsi %sub3A_253, %rem3A_254 : i32
        %rem3A_256 = arith.constant 6 : i32
        %rem3A_257 = arith.remsi %sub3A_253, %rem3A_256 : i32
        %dma_wait3A_258 = arith.constant 1 : i32
        %dma_wait3A_259 = arith.constant 0 : i32
        %dma_wait3A_260 = arith.constant 0 : i32
        %dma_wait3A_261 = tpu.memref_slice %arg8[%rem3A_255, %dma_wait3A_259, %dma_wait3A_260] : memref<3x128x128xf32, #tpu.memory_space<vmem>> -> memref<1x128x128xf32, #tpu.memory_space<vmem>>
        %dma_wait3A_262 = tpu.memref_squeeze %dma_wait3A_261 : memref<1x128x128xf32, #tpu.memory_space<vmem>> -> memref<128x128xf32, #tpu.memory_space<vmem>>
        %dma_wait3A_263 = arith.constant 0 : i32
        %dma_wait3A_264 = tpu.memref_slice %arg7[%rem3A_257, %dma_wait3A_258, %dma_wait3A_263] : memref<6x2x128xi32, #tpu.memory_space<vmem>> -> memref<1x1x128xi32, #tpu.memory_space<vmem>>
        %dma_wait3A_265 = tpu.memref_squeeze %dma_wait3A_264 : memref<1x1x128xi32, #tpu.memory_space<vmem>> -> memref<128xi32, #tpu.memory_space<vmem>>
        %dma_wait3A_266 = arith.constant 0 : i32
        %dma_wait3A_267 = arith.constant 0 : i32
        %dma_wait3A_268 = tpu.memref_slice %arg9[%dma_wait3A_266, %dma_wait3A_267] : memref<10000x128xf32, #tpu.memory_space<vmem_shared>> -> memref<10000x128xf32, #tpu.memory_space<vmem_shared>>
        tpu.wait_indirect_dma semaphore(%arg11 : memref<!tpu.dma_semaphore, #tpu.memory_space<semaphore_mem>>) src(%dma_wait3A_262 : memref<128x128xf32, #tpu.memory_space<vmem>>) dst(%dma_wait3A_268 : memref<10000x128xf32, #tpu.memory_space<vmem_shared>>)
      } else {
      }
      %add3A_210 = arith.constant 2 : i32
      %add3A_211 = arith.addi %while3A_205, %add3A_210 : i32
      %lt3A_212 = arith.cmpi slt, %add3A_211, %add3A_6 : i32
      %convert_element_type3A_213 = arith.extui %lt3A_212 : i1 to i32
      %cond3A_214 = arith.constant 0 : i32
      %cond3A_215 = arith.cmpi ne, %convert_element_type3A_213, %cond3A_214 : i32
      scf.if %cond3A_215 {
        %add3A_252 = arith.constant 2 : i32
        %add3A_253 = arith.addi %while3A_205, %add3A_252 : i32
        %mul3A_254 = arith.constant 32 : i32
        %mul3A_255 = arith.muli %mul3A_254, %add3A_253 : i32
        %add3A_256 = arith.addi %add3A, %mul3A_255 : i32
        %rem3A_257 = arith.constant 6 : i32
        %rem3A_258 = arith.remsi %add3A_253, %rem3A_257 : i32
        %dma_wait3A_259 = arith.constant 0 : i32
        %dma_wait3A_260 = arith.constant 0 : i32
        %dma_wait3A_261 = tpu.memref_slice %arg7[%rem3A_258, %dma_wait3A_259, %dma_wait3A_260] : memref<6x2x128xi32, #tpu.memory_space<vmem>> -> memref<1x2x128xi32, #tpu.memory_space<vmem>>
        %dma_wait3A_262 = tpu.memref_squeeze %dma_wait3A_261 : memref<1x2x128xi32, #tpu.memory_space<vmem>> -> memref<2x128xi32, #tpu.memory_space<vmem>>
        %dma_wait3A_263 = arith.constant 0 : i32
        %dma_wait3A_264 = arith.constant 0 : i32
        %dma_wait3A_265 = tpu.memref_slice %arg3[%add3A_256, %dma_wait3A_263, %dma_wait3A_264] : memref<2500x2x128xi32, #tpu.memory_space<hbm>> -> memref<1x2x128xi32, #tpu.memory_space<hbm>>
        %dma_wait3A_266 = tpu.memref_squeeze %dma_wait3A_265 : memref<1x2x128xi32, #tpu.memory_space<hbm>> -> memref<2x128xi32, #tpu.memory_space<hbm>>
        %dma_wait3A_267 = arith.constant 0 : i32
        %dma_wait3A_268 = arith.constant 0 : i32
        %dma_wait3A_269 = tpu.memref_slice %arg7[%rem3A_258, %dma_wait3A_267, %dma_wait3A_268] : memref<6x2x128xi32, #tpu.memory_space<vmem>> -> memref<1x2x128xi32, #tpu.memory_space<vmem>>
        %dma_wait3A_270 = tpu.memref_squeeze %dma_wait3A_269 : memref<1x2x128xi32, #tpu.memory_space<vmem>> -> memref<2x128xi32, #tpu.memory_space<vmem>>
        %dma_wait3A_271 = arith.constant 0 : i32
        %dma_wait3A_272 = arith.constant 0 : i32
        %dma_wait3A_273 = tpu.memref_slice %arg3[%add3A_256, %dma_wait3A_271, %dma_wait3A_272] : memref<2500x2x128xi32, #tpu.memory_space<hbm>> -> memref<1x2x128xi32, #tpu.memory_space<hbm>>
        %dma_wait3A_274 = tpu.memref_squeeze %dma_wait3A_273 : memref<1x2x128xi32, #tpu.memory_space<hbm>> -> memref<2x128xi32, #tpu.memory_space<hbm>>
        tpu.wait_dma2 semaphore(%arg12 : memref<!tpu.dma_semaphore, #tpu.memory_space<semaphore_mem>>) src(%dma_wait3A_274 : memref<2x128xi32, #tpu.memory_space<hbm>>) dst(%dma_wait3A_270 : memref<2x128xi32, #tpu.memory_space<vmem>>)
        %add3A_275 = arith.constant 2 : i32
        %add3A_276 = arith.addi %while3A_205, %add3A_275 : i32
        %rem3A_277 = arith.constant 6 : i32
        %rem3A_278 = arith.remsi %add3A_276, %rem3A_277 : i32
        %rem3A_279 = arith.constant 3 : i32
        %rem3A_280 = arith.remsi %add3A_276, %rem3A_279 : i32
        %dma_start3A_281 = arith.constant 0 : i32
        %dma_start3A_282 = arith.constant 0 : i32
        %dma_start3A_283 = arith.constant 0 : i32
        %dma_start3A_284 = tpu.memref_slice %arg8[%rem3A_280, %dma_start3A_282, %dma_start3A_283] : memref<3x128x128xf32, #tpu.memory_space<vmem>> -> memref<1x128x128xf32, #tpu.memory_space<vmem>>
        %dma_start3A_285 = tpu.memref_squeeze %dma_start3A_284 : memref<1x128x128xf32, #tpu.memory_space<vmem>> -> memref<128x128xf32, #tpu.memory_space<vmem>>
        %dma_start3A_286 = arith.constant 0 : i32
        %dma_start3A_287 = tpu.memref_slice %arg7[%rem3A_278, %dma_start3A_281, %dma_start3A_286] : memref<6x2x128xi32, #tpu.memory_space<vmem>> -> memref<1x1x128xi32, #tpu.memory_space<vmem>>
        %dma_start3A_288 = tpu.memref_squeeze %dma_start3A_287 : memref<1x1x128xi32, #tpu.memory_space<vmem>> -> memref<128xi32, #tpu.memory_space<vmem>>
        %dma_start3A_289 = arith.constant 0 : i32
        %dma_start3A_290 = arith.constant 0 : i32
        %dma_start3A_291 = tpu.memref_slice %arg2[%dma_start3A_289, %dma_start3A_290] : memref<10000x128xf32, #tpu.memory_space<hbm>> -> memref<10000x128xf32, #tpu.memory_space<hbm>>
        tpu.enqueue_indirect_dma source(%dma_start3A_291 : memref<10000x128xf32, #tpu.memory_space<hbm>>) target(%dma_start3A_285 : memref<128x128xf32, #tpu.memory_space<vmem>>) offsets(%dma_start3A_288 : memref<128xi32, #tpu.memory_space<vmem>>) semaphore(%arg10 : memref<!tpu.dma_semaphore, #tpu.memory_space<semaphore_mem>>)
      } else {
      }
      %add3A_216 = arith.constant 4 : i32
      %add3A_217 = arith.addi %while3A_205, %add3A_216 : i32
      %lt3A_218 = arith.cmpi slt, %add3A_217, %add3A_6 : i32
      %convert_element_type3A_219 = arith.extui %lt3A_218 : i1 to i32
      %cond3A_220 = arith.constant 0 : i32
      %cond3A_221 = arith.cmpi ne, %convert_element_type3A_219, %cond3A_220 : i32
      scf.if %cond3A_221 {
        %add3A_252 = arith.constant 4 : i32
        %add3A_253 = arith.addi %while3A_205, %add3A_252 : i32
        %mul3A_254 = arith.constant 32 : i32
        %mul3A_255 = arith.muli %mul3A_254, %add3A_253 : i32
        %add3A_256 = arith.addi %add3A, %mul3A_255 : i32
        %rem3A_257 = arith.constant 6 : i32
        %rem3A_258 = arith.remsi %add3A_253, %rem3A_257 : i32
        %dma_start3A_259 = arith.constant 0 : i32
        %dma_start3A_260 = arith.constant 0 : i32
        %dma_start3A_261 = tpu.memref_slice %arg7[%rem3A_258, %dma_start3A_259, %dma_start3A_260] : memref<6x2x128xi32, #tpu.memory_space<vmem>> -> memref<1x2x128xi32, #tpu.memory_space<vmem>>
        %dma_start3A_262 = tpu.memref_squeeze %dma_start3A_261 : memref<1x2x128xi32, #tpu.memory_space<vmem>> -> memref<2x128xi32, #tpu.memory_space<vmem>>
        %dma_start3A_263 = arith.constant 0 : i32
        %dma_start3A_264 = arith.constant 0 : i32
        %dma_start3A_265 = tpu.memref_slice %arg3[%add3A_256, %dma_start3A_263, %dma_start3A_264] : memref<2500x2x128xi32, #tpu.memory_space<hbm>> -> memref<1x2x128xi32, #tpu.memory_space<hbm>>
        %dma_start3A_266 = tpu.memref_squeeze %dma_start3A_265 : memref<1x2x128xi32, #tpu.memory_space<hbm>> -> memref<2x128xi32, #tpu.memory_space<hbm>>
        %dma_start3A_267 = arith.constant 0 : i32
        %dma_start3A_268 = arith.constant 0 : i32
        %dma_start3A_269 = tpu.memref_slice %arg7[%rem3A_258, %dma_start3A_267, %dma_start3A_268] : memref<6x2x128xi32, #tpu.memory_space<vmem>> -> memref<1x2x128xi32, #tpu.memory_space<vmem>>
        %dma_start3A_270 = tpu.memref_squeeze %dma_start3A_269 : memref<1x2x128xi32, #tpu.memory_space<vmem>> -> memref<2x128xi32, #tpu.memory_space<vmem>>
        %dma_start3A_271 = arith.constant 0 : i32
        %dma_start3A_272 = arith.constant 0 : i32
        %dma_start3A_273 = tpu.memref_slice %arg3[%add3A_256, %dma_start3A_271, %dma_start3A_272] : memref<2500x2x128xi32, #tpu.memory_space<hbm>> -> memref<1x2x128xi32, #tpu.memory_space<hbm>>
        %dma_start3A_274 = tpu.memref_squeeze %dma_start3A_273 : memref<1x2x128xi32, #tpu.memory_space<hbm>> -> memref<2x128xi32, #tpu.memory_space<hbm>>
        tpu.enqueue_dma source(%dma_start3A_274 : memref<2x128xi32, #tpu.memory_space<hbm>>) target(%dma_start3A_270 : memref<2x128xi32, #tpu.memory_space<vmem>>) target_semaphore(%arg12 : memref<!tpu.dma_semaphore, #tpu.memory_space<semaphore_mem>>)
      } else {
      }
      %rem3A_222 = arith.constant 6 : i32
      %rem3A_223 = arith.remsi %while3A_205, %rem3A_222 : i32
      %rem3A_224 = arith.constant 3 : i32
      %rem3A_225 = arith.remsi %while3A_205, %rem3A_224 : i32
      %dma_wait3A_226 = arith.constant 0 : i32
      %dma_wait3A_227 = arith.constant 0 : i32
      %dma_wait3A_228 = arith.constant 0 : i32
      %dma_wait3A_229 = tpu.memref_slice %arg8[%rem3A_225, %dma_wait3A_227, %dma_wait3A_228] : memref<3x128x128xf32, #tpu.memory_space<vmem>> -> memref<1x128x128xf32, #tpu.memory_space<vmem>>
      %dma_wait3A_230 = tpu.memref_squeeze %dma_wait3A_229 : memref<1x128x128xf32, #tpu.memory_space<vmem>> -> memref<128x128xf32, #tpu.memory_space<vmem>>
      %dma_wait3A_231 = arith.constant 0 : i32
      %dma_wait3A_232 = tpu.memref_slice %arg7[%rem3A_223, %dma_wait3A_226, %dma_wait3A_231] : memref<6x2x128xi32, #tpu.memory_space<vmem>> -> memref<1x1x128xi32, #tpu.memory_space<vmem>>
      %dma_wait3A_233 = tpu.memref_squeeze %dma_wait3A_232 : memref<1x1x128xi32, #tpu.memory_space<vmem>> -> memref<128xi32, #tpu.memory_space<vmem>>
      %dma_wait3A_234 = arith.constant 0 : i32
      %dma_wait3A_235 = arith.constant 0 : i32
      %dma_wait3A_236 = tpu.memref_slice %arg2[%dma_wait3A_234, %dma_wait3A_235] : memref<10000x128xf32, #tpu.memory_space<hbm>> -> memref<10000x128xf32, #tpu.memory_space<hbm>>
      tpu.wait_indirect_dma semaphore(%arg10 : memref<!tpu.dma_semaphore, #tpu.memory_space<semaphore_mem>>) src(%dma_wait3A_236 : memref<10000x128xf32, #tpu.memory_space<hbm>>) dst(%dma_wait3A_230 : memref<128x128xf32, #tpu.memory_space<vmem>>)
      %rem3A_237 = arith.constant 3 : i32
      %rem3A_238 = arith.remsi %while3A_205, %rem3A_237 : i32
      %rem3A_239 = arith.constant 6 : i32
      %rem3A_240 = arith.remsi %while3A_205, %rem3A_239 : i32
      %dma_start3A_241 = arith.constant 1 : i32
      %dma_start3A_242 = arith.constant 0 : i32
      %dma_start3A_243 = arith.constant 0 : i32
      %dma_start3A_244 = tpu.memref_slice %arg8[%rem3A_238, %dma_start3A_242, %dma_start3A_243] : memref<3x128x128xf32, #tpu.memory_space<vmem>> -> memref<1x128x128xf32, #tpu.memory_space<vmem>>
      %dma_start3A_245 = tpu.memref_squeeze %dma_start3A_244 : memref<1x128x128xf32, #tpu.memory_space<vmem>> -> memref<128x128xf32, #tpu.memory_space<vmem>>
      %dma_start3A_246 = arith.constant 0 : i32
      %dma_start3A_247 = tpu.memref_slice %arg7[%rem3A_240, %dma_start3A_241, %dma_start3A_246] : memref<6x2x128xi32, #tpu.memory_space<vmem>> -> memref<1x1x128xi32, #tpu.memory_space<vmem>>
      %dma_start3A_248 = tpu.memref_squeeze %dma_start3A_247 : memref<1x1x128xi32, #tpu.memory_space<vmem>> -> memref<128xi32, #tpu.memory_space<vmem>>
      %dma_start3A_249 = arith.constant 0 : i32
      %dma_start3A_250 = arith.constant 0 : i32
      %dma_start3A_251 = tpu.memref_slice %arg9[%dma_start3A_249, %dma_start3A_250] : memref<10000x128xf32, #tpu.memory_space<vmem_shared>> -> memref<10000x128xf32, #tpu.memory_space<vmem_shared>>
      tpu.enqueue_indirect_dma source(%dma_start3A_245 : memref<128x128xf32, #tpu.memory_space<vmem>>) target(%dma_start3A_251 : memref<10000x128xf32, #tpu.memory_space<vmem_shared>>) offsets(%dma_start3A_248 : memref<128xi32, #tpu.memory_space<vmem>>) semaphore(%arg11 : memref<!tpu.dma_semaphore, #tpu.memory_space<semaphore_mem>>) {add = true}
    }
    %while3A_180 = arith.constant 1 : i32
    scf.for %while3A_205 = %while3A_178 to %while3A_174 step %while3A_180  : i32 {
      %ge3A = arith.constant 1 : i32
      %ge3A_206 = arith.cmpi sge, %while3A_205, %ge3A : i32
      %convert_element_type3A_207 = arith.extui %ge3A_206 : i1 to i32
      %cond3A_208 = arith.constant 0 : i32
      %cond3A_209 = arith.cmpi ne, %convert_element_type3A_207, %cond3A_208 : i32
      scf.if %cond3A_209 {
        %sub3A_252 = arith.constant 1 : i32
        %sub3A_253 = arith.subi %while3A_205, %sub3A_252 : i32
        %rem3A_254 = arith.constant 3 : i32
        %rem3A_255 = arith.remsi %sub3A_253, %rem3A_254 : i32
        %rem3A_256 = arith.constant 6 : i32
        %rem3A_257 = arith.remsi %sub3A_253, %rem3A_256 : i32
        %dma_wait3A_258 = arith.constant 1 : i32
        %dma_wait3A_259 = arith.constant 0 : i32
        %dma_wait3A_260 = arith.constant 0 : i32
        %dma_wait3A_261 = tpu.memref_slice %arg8[%rem3A_255, %dma_wait3A_259, %dma_wait3A_260] : memref<3x128x128xf32, #tpu.memory_space<vmem>> -> memref<1x128x128xf32, #tpu.memory_space<vmem>>
        %dma_wait3A_262 = tpu.memref_squeeze %dma_wait3A_261 : memref<1x128x128xf32, #tpu.memory_space<vmem>> -> memref<128x128xf32, #tpu.memory_space<vmem>>
        %dma_wait3A_263 = arith.constant 0 : i32
        %dma_wait3A_264 = tpu.memref_slice %arg7[%rem3A_257, %dma_wait3A_258, %dma_wait3A_263] : memref<6x2x128xi32, #tpu.memory_space<vmem>> -> memref<1x1x128xi32, #tpu.memory_space<vmem>>
        %dma_wait3A_265 = tpu.memref_squeeze %dma_wait3A_264 : memref<1x1x128xi32, #tpu.memory_space<vmem>> -> memref<128xi32, #tpu.memory_space<vmem>>
        %dma_wait3A_266 = arith.constant 0 : i32
        %dma_wait3A_267 = arith.constant 0 : i32
        %dma_wait3A_268 = tpu.memref_slice %arg9[%dma_wait3A_266, %dma_wait3A_267] : memref<10000x128xf32, #tpu.memory_space<vmem_shared>> -> memref<10000x128xf32, #tpu.memory_space<vmem_shared>>
        tpu.wait_indirect_dma semaphore(%arg11 : memref<!tpu.dma_semaphore, #tpu.memory_space<semaphore_mem>>) src(%dma_wait3A_262 : memref<128x128xf32, #tpu.memory_space<vmem>>) dst(%dma_wait3A_268 : memref<10000x128xf32, #tpu.memory_space<vmem_shared>>)
      } else {
      }
      %add3A_210 = arith.constant 2 : i32
      %add3A_211 = arith.addi %while3A_205, %add3A_210 : i32
      %lt3A_212 = arith.cmpi slt, %add3A_211, %add3A_6 : i32
      %convert_element_type3A_213 = arith.extui %lt3A_212 : i1 to i32
      %cond3A_214 = arith.constant 0 : i32
      %cond3A_215 = arith.cmpi ne, %convert_element_type3A_213, %cond3A_214 : i32
      scf.if %cond3A_215 {
        %add3A_252 = arith.constant 2 : i32
        %add3A_253 = arith.addi %while3A_205, %add3A_252 : i32
        %mul3A_254 = arith.constant 32 : i32
        %mul3A_255 = arith.muli %mul3A_254, %add3A_253 : i32
        %add3A_256 = arith.addi %add3A, %mul3A_255 : i32
        %rem3A_257 = arith.constant 6 : i32
        %rem3A_258 = arith.remsi %add3A_253, %rem3A_257 : i32
        %dma_wait3A_259 = arith.constant 0 : i32
        %dma_wait3A_260 = arith.constant 0 : i32
        %dma_wait3A_261 = tpu.memref_slice %arg7[%rem3A_258, %dma_wait3A_259, %dma_wait3A_260] : memref<6x2x128xi32, #tpu.memory_space<vmem>> -> memref<1x2x128xi32, #tpu.memory_space<vmem>>
        %dma_wait3A_262 = tpu.memref_squeeze %dma_wait3A_261 : memref<1x2x128xi32, #tpu.memory_space<vmem>> -> memref<2x128xi32, #tpu.memory_space<vmem>>
        %dma_wait3A_263 = arith.constant 0 : i32
        %dma_wait3A_264 = arith.constant 0 : i32
        %dma_wait3A_265 = tpu.memref_slice %arg3[%add3A_256, %dma_wait3A_263, %dma_wait3A_264] : memref<2500x2x128xi32, #tpu.memory_space<hbm>> -> memref<1x2x128xi32, #tpu.memory_space<hbm>>
        %dma_wait3A_266 = tpu.memref_squeeze %dma_wait3A_265 : memref<1x2x128xi32, #tpu.memory_space<hbm>> -> memref<2x128xi32, #tpu.memory_space<hbm>>
        %dma_wait3A_267 = arith.constant 0 : i32
        %dma_wait3A_268 = arith.constant 0 : i32
        %dma_wait3A_269 = tpu.memref_slice %arg7[%rem3A_258, %dma_wait3A_267, %dma_wait3A_268] : memref<6x2x128xi32, #tpu.memory_space<vmem>> -> memref<1x2x128xi32, #tpu.memory_space<vmem>>
        %dma_wait3A_270 = tpu.memref_squeeze %dma_wait3A_269 : memref<1x2x128xi32, #tpu.memory_space<vmem>> -> memref<2x128xi32, #tpu.memory_space<vmem>>
        %dma_wait3A_271 = arith.constant 0 : i32
        %dma_wait3A_272 = arith.constant 0 : i32
        %dma_wait3A_273 = tpu.memref_slice %arg3[%add3A_256, %dma_wait3A_271, %dma_wait3A_272] : memref<2500x2x128xi32, #tpu.memory_space<hbm>> -> memref<1x2x128xi32, #tpu.memory_space<hbm>>
        %dma_wait3A_274 = tpu.memref_squeeze %dma_wait3A_273 : memref<1x2x128xi32, #tpu.memory_space<hbm>> -> memref<2x128xi32, #tpu.memory_space<hbm>>
        tpu.wait_dma2 semaphore(%arg12 : memref<!tpu.dma_semaphore, #tpu.memory_space<semaphore_mem>>) src(%dma_wait3A_274 : memref<2x128xi32, #tpu.memory_space<hbm>>) dst(%dma_wait3A_270 : memref<2x128xi32, #tpu.memory_space<vmem>>)
        %add3A_275 = arith.constant 2 : i32
        %add3A_276 = arith.addi %while3A_205, %add3A_275 : i32
        %rem3A_277 = arith.constant 6 : i32
        %rem3A_278 = arith.remsi %add3A_276, %rem3A_277 : i32
        %rem3A_279 = arith.constant 3 : i32
        %rem3A_280 = arith.remsi %add3A_276, %rem3A_279 : i32
        %dma_start3A_281 = arith.constant 0 : i32
        %dma_start3A_282 = arith.constant 0 : i32
        %dma_start3A_283 = arith.constant 0 : i32
        %dma_start3A_284 = tpu.memref_slice %arg8[%rem3A_280, %dma_start3A_282, %dma_start3A_283] : memref<3x128x128xf32, #tpu.memory_space<vmem>> -> memref<1x128x128xf32, #tpu.memory_space<vmem>>
        %dma_start3A_285 = tpu.memref_squeeze %dma_start3A_284 : memref<1x128x128xf32, #tpu.memory_space<vmem>> -> memref<128x128xf32, #tpu.memory_space<vmem>>
        %dma_start3A_286 = arith.constant 0 : i32
        %dma_start3A_287 = tpu.memref_slice %arg7[%rem3A_278, %dma_start3A_281, %dma_start3A_286] : memref<6x2x128xi32, #tpu.memory_space<vmem>> -> memref<1x1x128xi32, #tpu.memory_space<vmem>>
        %dma_start3A_288 = tpu.memref_squeeze %dma_start3A_287 : memref<1x1x128xi32, #tpu.memory_space<vmem>> -> memref<128xi32, #tpu.memory_space<vmem>>
        %dma_start3A_289 = arith.constant 0 : i32
        %dma_start3A_290 = arith.constant 0 : i32
        %dma_start3A_291 = tpu.memref_slice %arg2[%dma_start3A_289, %dma_start3A_290] : memref<10000x128xf32, #tpu.memory_space<hbm>> -> memref<10000x128xf32, #tpu.memory_space<hbm>>
        tpu.enqueue_indirect_dma source(%dma_start3A_291 : memref<10000x128xf32, #tpu.memory_space<hbm>>) target(%dma_start3A_285 : memref<128x128xf32, #tpu.memory_space<vmem>>) offsets(%dma_start3A_288 : memref<128xi32, #tpu.memory_space<vmem>>) semaphore(%arg10 : memref<!tpu.dma_semaphore, #tpu.memory_space<semaphore_mem>>)
      } else {
      }
      %add3A_216 = arith.constant 4 : i32
      %add3A_217 = arith.addi %while3A_205, %add3A_216 : i32
      %lt3A_218 = arith.cmpi slt, %add3A_217, %add3A_6 : i32
      %convert_element_type3A_219 = arith.extui %lt3A_218 : i1 to i32
      %cond3A_220 = arith.constant 0 : i32
      %cond3A_221 = arith.cmpi ne, %convert_element_type3A_219, %cond3A_220 : i32
      scf.if %cond3A_221 {
        %add3A_252 = arith.constant 4 : i32
        %add3A_253 = arith.addi %while3A_205, %add3A_252 : i32
        %mul3A_254 = arith.constant 32 : i32
        %mul3A_255 = arith.muli %mul3A_254, %add3A_253 : i32
        %add3A_256 = arith.addi %add3A, %mul3A_255 : i32
        %rem3A_257 = arith.constant 6 : i32
        %rem3A_258 = arith.remsi %add3A_253, %rem3A_257 : i32
        %dma_start3A_259 = arith.constant 0 : i32
        %dma_start3A_260 = arith.constant 0 : i32
        %dma_start3A_261 = tpu.memref_slice %arg7[%rem3A_258, %dma_start3A_259, %dma_start3A_260] : memref<6x2x128xi32, #tpu.memory_space<vmem>> -> memref<1x2x128xi32, #tpu.memory_space<vmem>>
        %dma_start3A_262 = tpu.memref_squeeze %dma_start3A_261 : memref<1x2x128xi32, #tpu.memory_space<vmem>> -> memref<2x128xi32, #tpu.memory_space<vmem>>
        %dma_start3A_263 = arith.constant 0 : i32
        %dma_start3A_264 = arith.constant 0 : i32
        %dma_start3A_265 = tpu.memref_slice %arg3[%add3A_256, %dma_start3A_263, %dma_start3A_264] : memref<2500x2x128xi32, #tpu.memory_space<hbm>> -> memref<1x2x128xi32, #tpu.memory_space<hbm>>
        %dma_start3A_266 = tpu.memref_squeeze %dma_start3A_265 : memref<1x2x128xi32, #tpu.memory_space<hbm>> -> memref<2x128xi32, #tpu.memory_space<hbm>>
        %dma_start3A_267 = arith.constant 0 : i32
        %dma_start3A_268 = arith.constant 0 : i32
        %dma_start3A_269 = tpu.memref_slice %arg7[%rem3A_258, %dma_start3A_267, %dma_start3A_268] : memref<6x2x128xi32, #tpu.memory_space<vmem>> -> memref<1x2x128xi32, #tpu.memory_space<vmem>>
        %dma_start3A_270 = tpu.memref_squeeze %dma_start3A_269 : memref<1x2x128xi32, #tpu.memory_space<vmem>> -> memref<2x128xi32, #tpu.memory_space<vmem>>
        %dma_start3A_271 = arith.constant 0 : i32
        %dma_start3A_272 = arith.constant 0 : i32
        %dma_start3A_273 = tpu.memref_slice %arg3[%add3A_256, %dma_start3A_271, %dma_start3A_272] : memref<2500x2x128xi32, #tpu.memory_space<hbm>> -> memref<1x2x128xi32, #tpu.memory_space<hbm>>
        %dma_start3A_274 = tpu.memref_squeeze %dma_start3A_273 : memref<1x2x128xi32, #tpu.memory_space<hbm>> -> memref<2x128xi32, #tpu.memory_space<hbm>>
        tpu.enqueue_dma source(%dma_start3A_274 : memref<2x128xi32, #tpu.memory_space<hbm>>) target(%dma_start3A_270 : memref<2x128xi32, #tpu.memory_space<vmem>>) target_semaphore(%arg12 : memref<!tpu.dma_semaphore, #tpu.memory_space<semaphore_mem>>)
      } else {
      }
      %rem3A_222 = arith.constant 6 : i32
      %rem3A_223 = arith.remsi %while3A_205, %rem3A_222 : i32
      %rem3A_224 = arith.constant 3 : i32
      %rem3A_225 = arith.remsi %while3A_205, %rem3A_224 : i32
      %dma_wait3A_226 = arith.constant 0 : i32
      %dma_wait3A_227 = arith.constant 0 : i32
      %dma_wait3A_228 = arith.constant 0 : i32
      %dma_wait3A_229 = tpu.memref_slice %arg8[%rem3A_225, %dma_wait3A_227, %dma_wait3A_228] : memref<3x128x128xf32, #tpu.memory_space<vmem>> -> memref<1x128x128xf32, #tpu.memory_space<vmem>>
      %dma_wait3A_230 = tpu.memref_squeeze %dma_wait3A_229 : memref<1x128x128xf32, #tpu.memory_space<vmem>> -> memref<128x128xf32, #tpu.memory_space<vmem>>
      %dma_wait3A_231 = arith.constant 0 : i32
      %dma_wait3A_232 = tpu.memref_slice %arg7[%rem3A_223, %dma_wait3A_226, %dma_wait3A_231] : memref<6x2x128xi32, #tpu.memory_space<vmem>> -> memref<1x1x128xi32, #tpu.memory_space<vmem>>
      %dma_wait3A_233 = tpu.memref_squeeze %dma_wait3A_232 : memref<1x1x128xi32, #tpu.memory_space<vmem>> -> memref<128xi32, #tpu.memory_space<vmem>>
      %dma_wait3A_234 = arith.constant 0 : i32
      %dma_wait3A_235 = arith.constant 0 : i32
      %dma_wait3A_236 = tpu.memref_slice %arg2[%dma_wait3A_234, %dma_wait3A_235] : memref<10000x128xf32, #tpu.memory_space<hbm>> -> memref<10000x128xf32, #tpu.memory_space<hbm>>
      tpu.wait_indirect_dma semaphore(%arg10 : memref<!tpu.dma_semaphore, #tpu.memory_space<semaphore_mem>>) src(%dma_wait3A_236 : memref<10000x128xf32, #tpu.memory_space<hbm>>) dst(%dma_wait3A_230 : memref<128x128xf32, #tpu.memory_space<vmem>>)
      %rem3A_237 = arith.constant 3 : i32
      %rem3A_238 = arith.remsi %while3A_205, %rem3A_237 : i32
      %rem3A_239 = arith.constant 6 : i32
      %rem3A_240 = arith.remsi %while3A_205, %rem3A_239 : i32
      %dma_start3A_241 = arith.constant 1 : i32
      %dma_start3A_242 = arith.constant 0 : i32
      %dma_start3A_243 = arith.constant 0 : i32
      %dma_start3A_244 = tpu.memref_slice %arg8[%rem3A_238, %dma_start3A_242, %dma_start3A_243] : memref<3x128x128xf32, #tpu.memory_space<vmem>> -> memref<1x128x128xf32, #tpu.memory_space<vmem>>
      %dma_start3A_245 = tpu.memref_squeeze %dma_start3A_244 : memref<1x128x128xf32, #tpu.memory_space<vmem>> -> memref<128x128xf32, #tpu.memory_space<vmem>>
      %dma_start3A_246 = arith.constant 0 : i32
      %dma_start3A_247 = tpu.memref_slice %arg7[%rem3A_240, %dma_start3A_241, %dma_start3A_246] : memref<6x2x128xi32, #tpu.memory_space<vmem>> -> memref<1x1x128xi32, #tpu.memory_space<vmem>>
      %dma_start3A_248 = tpu.memref_squeeze %dma_start3A_247 : memref<1x1x128xi32, #tpu.memory_space<vmem>> -> memref<128xi32, #tpu.memory_space<vmem>>
      %dma_start3A_249 = arith.constant 0 : i32
      %dma_start3A_250 = arith.constant 0 : i32
      %dma_start3A_251 = tpu.memref_slice %arg9[%dma_start3A_249, %dma_start3A_250] : memref<10000x128xf32, #tpu.memory_space<vmem_shared>> -> memref<10000x128xf32, #tpu.memory_space<vmem_shared>>
      tpu.enqueue_indirect_dma source(%dma_start3A_245 : memref<128x128xf32, #tpu.memory_space<vmem>>) target(%dma_start3A_251 : memref<10000x128xf32, #tpu.memory_space<vmem_shared>>) offsets(%dma_start3A_248 : memref<128xi32, #tpu.memory_space<vmem>>) semaphore(%arg11 : memref<!tpu.dma_semaphore, #tpu.memory_space<semaphore_mem>>) {add = true}
    }
    %sub3A = arith.constant 1 : i32
    %sub3A_181 = arith.subi %add3A_6, %sub3A : i32
    %rem3A_182 = arith.constant 3 : i32
    %rem3A_183 = arith.remsi %sub3A_181, %rem3A_182 : i32
    %rem3A_184 = arith.constant 6 : i32
    %rem3A_185 = arith.remsi %sub3A_181, %rem3A_184 : i32
    %dma_wait3A_186 = arith.constant 1 : i32
    %dma_wait3A_187 = arith.constant 0 : i32
    %dma_wait3A_188 = arith.constant 0 : i32
    %dma_wait3A_189 = tpu.memref_slice %arg8[%rem3A_183, %dma_wait3A_187, %dma_wait3A_188] : memref<3x128x128xf32, #tpu.memory_space<vmem>> -> memref<1x128x128xf32, #tpu.memory_space<vmem>>
    %dma_wait3A_190 = tpu.memref_squeeze %dma_wait3A_189 : memref<1x128x128xf32, #tpu.memory_space<vmem>> -> memref<128x128xf32, #tpu.memory_space<vmem>>
    %dma_wait3A_191 = arith.constant 0 : i32
    %dma_wait3A_192 = tpu.memref_slice %arg7[%rem3A_185, %dma_wait3A_186, %dma_wait3A_191] : memref<6x2x128xi32, #tpu.memory_space<vmem>> -> memref<1x1x128xi32, #tpu.memory_space<vmem>>
    %dma_wait3A_193 = tpu.memref_squeeze %dma_wait3A_192 : memref<1x1x128xi32, #tpu.memory_space<vmem>> -> memref<128xi32, #tpu.memory_space<vmem>>
    %dma_wait3A_194 = arith.constant 0 : i32
    %dma_wait3A_195 = arith.constant 0 : i32
    %dma_wait3A_196 = tpu.memref_slice %arg9[%dma_wait3A_194, %dma_wait3A_195] : memref<10000x128xf32, #tpu.memory_space<vmem_shared>> -> memref<10000x128xf32, #tpu.memory_space<vmem_shared>>
    tpu.wait_indirect_dma semaphore(%arg11 : memref<!tpu.dma_semaphore, #tpu.memory_space<semaphore_mem>>) src(%dma_wait3A_190 : memref<128x128xf32, #tpu.memory_space<vmem>>) dst(%dma_wait3A_196 : memref<10000x128xf32, #tpu.memory_space<vmem_shared>>)
    %barrier3A_197 = arith.constant 0 : index
    tpu.barrier barrier_id(%barrier3A_197)
    %eq3A = arith.constant 0 : i32
    %eq3A_198 = arith.cmpi eq, %arg0, %eq3A : i32
    %convert_element_type3A = arith.extui %eq3A_198 : i1 to i32
    %cond3A = arith.constant 0 : i32
    %cond3A_199 = arith.cmpi ne, %convert_element_type3A, %cond3A : i32
    scf.if %cond3A_199 {
      "tpu.region"() ({
        %run_scoped3A = tpu.sem_alloc : memref<!tpu.dma_semaphore, #tpu.memory_space<semaphore_mem>>
        %dma_start3A_205 = arith.constant 0 : i32
        %dma_start3A_206 = tpu.memref_slice %arg5[%multiple_of3A, %dma_start3A_205] : memref<10000x128xf32, #tpu.memory_space<hbm>> -> memref<640x128xf32, #tpu.memory_space<hbm>>
        %dma_start3A_207 = arith.constant 0 : i32
        %dma_start3A_208 = tpu.memref_slice %arg9[%multiple_of3A, %dma_start3A_207] : memref<10000x128xf32, #tpu.memory_space<vmem_shared>> -> memref<640x128xf32, #tpu.memory_space<vmem_shared>>
        tpu.enqueue_dma source(%dma_start3A_208 : memref<640x128xf32, #tpu.memory_space<vmem_shared>>) target(%dma_start3A_206 : memref<640x128xf32, #tpu.memory_space<hbm>>) target_semaphore(%run_scoped3A : memref<!tpu.dma_semaphore, #tpu.memory_space<semaphore_mem>>)
        %dma_wait3A_209 = arith.constant 0 : i32
        %dma_wait3A_210 = tpu.memref_slice %arg5[%multiple_of3A, %dma_wait3A_209] : memref<10000x128xf32, #tpu.memory_space<hbm>> -> memref<640x128xf32, #tpu.memory_space<hbm>>
        %dma_wait3A_211 = arith.constant 0 : i32
        %dma_wait3A_212 = tpu.memref_slice %arg9[%multiple_of3A, %dma_wait3A_211] : memref<10000x128xf32, #tpu.memory_space<vmem_shared>> -> memref<640x128xf32, #tpu.memory_space<vmem_shared>>
        tpu.wait_dma2 semaphore(%run_scoped3A : memref<!tpu.dma_semaphore, #tpu.memory_space<semaphore_mem>>) src(%dma_wait3A_212 : memref<640x128xf32, #tpu.memory_space<vmem_shared>>) dst(%dma_wait3A_210 : memref<640x128xf32, #tpu.memory_space<hbm>>)
        tpu.yield
      }) : () -> ()
    } else {
    }
    %eq3A_200 = arith.constant 1 : i32
    %eq3A_201 = arith.cmpi eq, %arg0, %eq3A_200 : i32
    %convert_element_type3A_202 = arith.extui %eq3A_201 : i1 to i32
    %cond3A_203 = arith.constant 0 : i32
    %cond3A_204 = arith.cmpi ne, %convert_element_type3A_202, %cond3A_203 : i32
    scf.if %cond3A_204 {
      "tpu.region"() ({
        %run_scoped3A = tpu.sem_alloc : memref<!tpu.dma_semaphore, #tpu.memory_space<semaphore_mem>>
        %dma_start3A_205 = arith.constant 0 : i32
        %dma_start3A_206 = tpu.memref_slice %arg6[%multiple_of3A, %dma_start3A_205] : memref<10000x128xf32, #tpu.memory_space<hbm>> -> memref<640x128xf32, #tpu.memory_space<hbm>>
        %dma_start3A_207 = arith.constant 0 : i32
        %dma_start3A_208 = tpu.memref_slice %arg9[%multiple_of3A, %dma_start3A_207] : memref<10000x128xf32, #tpu.memory_space<vmem_shared>> -> memref<640x128xf32, #tpu.memory_space<vmem_shared>>
        tpu.enqueue_dma source(%dma_start3A_208 : memref<640x128xf32, #tpu.memory_space<vmem_shared>>) target(%dma_start3A_206 : memref<640x128xf32, #tpu.memory_space<hbm>>) target_semaphore(%run_scoped3A : memref<!tpu.dma_semaphore, #tpu.memory_space<semaphore_mem>>)
        %dma_wait3A_209 = arith.constant 0 : i32
        %dma_wait3A_210 = tpu.memref_slice %arg6[%multiple_of3A, %dma_wait3A_209] : memref<10000x128xf32, #tpu.memory_space<hbm>> -> memref<640x128xf32, #tpu.memory_space<hbm>>
        %dma_wait3A_211 = arith.constant 0 : i32
        %dma_wait3A_212 = tpu.memref_slice %arg9[%multiple_of3A, %dma_wait3A_211] : memref<10000x128xf32, #tpu.memory_space<vmem_shared>> -> memref<640x128xf32, #tpu.memory_space<vmem_shared>>
        tpu.wait_dma2 semaphore(%run_scoped3A : memref<!tpu.dma_semaphore, #tpu.memory_space<semaphore_mem>>) src(%dma_wait3A_212 : memref<640x128xf32, #tpu.memory_space<vmem_shared>>) dst(%dma_wait3A_210 : memref<640x128xf32, #tpu.memory_space<hbm>>)
        tpu.yield
      }) : () -> ()
    } else {
    }
    return
  }
}

#map = affine_map<(d0, d1) -> (0, 0)>
#map1 = affine_map<(d0, d1) -> (0, 0, 0)>
module attributes {stable_mosaic.version = 14 : i64} {
  func.func @_sc_agg_body(%arg0: i32, %arg1: i32, %arg2: memref<10000x128xf32, #tpu.memory_space<hbm>>, %arg3: memref<2500x2x128xi32, #tpu.memory_space<hbm>>, %arg4: memref<10240x128xf32, #tpu.memory_space<hbm>>, %arg5: memref<10000x128xf32, #tpu.memory_space<hbm>>, %arg6: memref<10000x128xf32, #tpu.memory_space<hbm>>, %arg7: memref<6x2x128xi32, #tpu.memory_space<vmem>>, %arg8: memref<3x128x128xf32, #tpu.memory_space<vmem>>, %arg9: memref<10000x128xf32, #tpu.memory_space<vmem_shared>>, %arg10: memref<!tpu.dma_semaphore, #tpu.memory_space<semaphore_mem>>, %arg11: memref<!tpu.dma_semaphore, #tpu.memory_space<semaphore_mem>>, %arg12: memref<!tpu.dma_semaphore, #tpu.memory_space<semaphore_mem>>, %arg13: memref<!tpu.dma_semaphore, #tpu.memory_space<semaphore_mem>>) attributes {dimension_semantics = [#tpu.dimension_semantics<core_parallel>, #tpu.dimension_semantics<subcore_parallel>], iteration_bounds = array<i64: 2, 16>, scalar_prefetch = 0 : i64, scratch_operands = 7 : i64, tpu.core_type = #tpu.core_type<sc_vector_subcore>, window_params = [{transform_indices = #map}, {transform_indices = #map1}, {transform_indices = #map}, {transform_indices = #map}, {transform_indices = #map}]} {
    %mul3A = arith.constant 2 : i32
    %mul3A_0 = arith.muli %arg1, %mul3A : i32
    %add3A = arith.addi %mul3A_0, %arg0 : i32
    %mul3A_1 = arith.constant 624 : i32
    %mul3A_2 = arith.muli %arg1, %mul3A_1 : i32
    %multiple_of3A = tpu.assume_multiple %mul3A_2, 8 : i32
    %lt3A = arith.constant 4 : i32
    %lt3A_3 = arith.cmpi slt, %add3A, %lt3A : i32
    %jit3A = arith.constant 1 : i32
    %jit3A_4 = arith.constant 0 : i32
    %select_n3A = arith.select %lt3A_3, %jit3A, %jit3A_4 : i32
    %add3A_5 = arith.constant 78 : i32
    %add3A_6 = arith.addi %add3A_5, %select_n3A : i32
    %dma_start3A = arith.constant 0 : i32
    %dma_start3A_7 = tpu.memref_slice %arg9[%multiple_of3A, %dma_start3A] : memref<10000x128xf32, #tpu.memory_space<vmem_shared>> -> memref<640x128xf32, #tpu.memory_space<vmem_shared>>
    %dma_start3A_8 = arith.constant 0 : i32
    %dma_start3A_9 = tpu.memref_slice %arg4[%multiple_of3A, %dma_start3A_8] : memref<10240x128xf32, #tpu.memory_space<hbm>> -> memref<640x128xf32, #tpu.memory_space<hbm>>
    tpu.enqueue_dma source(%dma_start3A_9 : memref<640x128xf32, #tpu.memory_space<hbm>>) target(%dma_start3A_7 : memref<640x128xf32, #tpu.memory_space<vmem_shared>>) target_semaphore(%arg13 : memref<!tpu.dma_semaphore, #tpu.memory_space<semaphore_mem>>)
    %add3A_10 = arith.constant 0 : i32
    %add3A_11 = arith.addi %add3A, %add3A_10 : i32
    %rem3A = arith.constant 0 : i32
    %rem3A_12 = arith.constant 6 : i32
    %rem3A_13 = arith.remsi %rem3A, %rem3A_12 : i32
    %dma_start3A_14 = arith.constant 0 : i32
    %dma_start3A_15 = arith.constant 0 : i32
    %dma_start3A_16 = tpu.memref_slice %arg7[%rem3A_13, %dma_start3A_14, %dma_start3A_15] : memref<6x2x128xi32, #tpu.memory_space<vmem>> -> memref<1x2x128xi32, #tpu.memory_space<vmem>>
    %dma_start3A_17 = tpu.memref_squeeze %dma_start3A_16 : memref<1x2x128xi32, #tpu.memory_space<vmem>> -> memref<2x128xi32, #tpu.memory_space<vmem>>
    %dma_start3A_18 = arith.constant 0 : i32
    %dma_start3A_19 = arith.constant 0 : i32
    %dma_start3A_20 = tpu.memref_slice %arg3[%add3A_11, %dma_start3A_18, %dma_start3A_19] : memref<2500x2x128xi32, #tpu.memory_space<hbm>> -> memref<1x2x128xi32, #tpu.memory_space<hbm>>
    %dma_start3A_21 = tpu.memref_squeeze %dma_start3A_20 : memref<1x2x128xi32, #tpu.memory_space<hbm>> -> memref<2x128xi32, #tpu.memory_space<hbm>>
    %dma_start3A_22 = arith.constant 0 : i32
    %dma_start3A_23 = arith.constant 0 : i32
    %dma_start3A_24 = tpu.memref_slice %arg7[%rem3A_13, %dma_start3A_22, %dma_start3A_23] : memref<6x2x128xi32, #tpu.memory_space<vmem>> -> memref<1x2x128xi32, #tpu.memory_space<vmem>>
    %dma_start3A_25 = tpu.memref_squeeze %dma_start3A_24 : memref<1x2x128xi32, #tpu.memory_space<vmem>> -> memref<2x128xi32, #tpu.memory_space<vmem>>
    %dma_start3A_26 = arith.constant 0 : i32
    %dma_start3A_27 = arith.constant 0 : i32
    %dma_start3A_28 = tpu.memref_slice %arg3[%add3A_11, %dma_start3A_26, %dma_start3A_27] : memref<2500x2x128xi32, #tpu.memory_space<hbm>> -> memref<1x2x128xi32, #tpu.memory_space<hbm>>
    %dma_start3A_29 = tpu.memref_squeeze %dma_start3A_28 : memref<1x2x128xi32, #tpu.memory_space<hbm>> -> memref<2x128xi32, #tpu.memory_space<hbm>>
    tpu.enqueue_dma source(%dma_start3A_29 : memref<2x128xi32, #tpu.memory_space<hbm>>) target(%dma_start3A_25 : memref<2x128xi32, #tpu.memory_space<vmem>>) target_semaphore(%arg12 : memref<!tpu.dma_semaphore, #tpu.memory_space<semaphore_mem>>)
    %add3A_30 = arith.constant 32 : i32
    %add3A_31 = arith.addi %add3A, %add3A_30 : i32
    %rem3A_32 = arith.constant 1 : i32
    %rem3A_33 = arith.constant 6 : i32
    %rem3A_34 = arith.remsi %rem3A_32, %rem3A_33 : i32
    %dma_start3A_35 = arith.constant 0 : i32
    %dma_start3A_36 = arith.constant 0 : i32
    %dma_start3A_37 = tpu.memref_slice %arg7[%rem3A_34, %dma_start3A_35, %dma_start3A_36] : memref<6x2x128xi32, #tpu.memory_space<vmem>> -> memref<1x2x128xi32, #tpu.memory_space<vmem>>
    %dma_start3A_38 = tpu.memref_squeeze %dma_start3A_37 : memref<1x2x128xi32, #tpu.memory_space<vmem>> -> memref<2x128xi32, #tpu.memory_space<vmem>>
    %dma_start3A_39 = arith.constant 0 : i32
    %dma_start3A_40 = arith.constant 0 : i32
    %dma_start3A_41 = tpu.memref_slice %arg3[%add3A_31, %dma_start3A_39, %dma_start3A_40] : memref<2500x2x128xi32, #tpu.memory_space<hbm>> -> memref<1x2x128xi32, #tpu.memory_space<hbm>>
    %dma_start3A_42 = tpu.memref_squeeze %dma_start3A_41 : memref<1x2x128xi32, #tpu.memory_space<hbm>> -> memref<2x128xi32, #tpu.memory_space<hbm>>
    %dma_start3A_43 = arith.constant 0 : i32
    %dma_start3A_44 = arith.constant 0 : i32
    %dma_start3A_45 = tpu.memref_slice %arg7[%rem3A_34, %dma_start3A_43, %dma_start3A_44] : memref<6x2x128xi32, #tpu.memory_space<vmem>> -> memref<1x2x128xi32, #tpu.memory_space<vmem>>
    %dma_start3A_46 = tpu.memref_squeeze %dma_start3A_45 : memref<1x2x128xi32, #tpu.memory_space<vmem>> -> memref<2x128xi32, #tpu.memory_space<vmem>>
    %dma_start3A_47 = arith.constant 0 : i32
    %dma_start3A_48 = arith.constant 0 : i32
    %dma_start3A_49 = tpu.memref_slice %arg3[%add3A_31, %dma_start3A_47, %dma_start3A_48] : memref<2500x2x128xi32, #tpu.memory_space<hbm>> -> memref<1x2x128xi32, #tpu.memory_space<hbm>>
    %dma_start3A_50 = tpu.memref_squeeze %dma_start3A_49 : memref<1x2x128xi32, #tpu.memory_space<hbm>> -> memref<2x128xi32, #tpu.memory_space<hbm>>
    tpu.enqueue_dma source(%dma_start3A_50 : memref<2x128xi32, #tpu.memory_space<hbm>>) target(%dma_start3A_46 : memref<2x128xi32, #tpu.memory_space<vmem>>) target_semaphore(%arg12 : memref<!tpu.dma_semaphore, #tpu.memory_space<semaphore_mem>>)
    %add3A_51 = arith.constant 64 : i32
    %add3A_52 = arith.addi %add3A, %add3A_51 : i32
    %rem3A_53 = arith.constant 2 : i32
    %rem3A_54 = arith.constant 6 : i32
    %rem3A_55 = arith.remsi %rem3A_53, %rem3A_54 : i32
    %dma_start3A_56 = arith.constant 0 : i32
    %dma_start3A_57 = arith.constant 0 : i32
    %dma_start3A_58 = tpu.memref_slice %arg7[%rem3A_55, %dma_start3A_56, %dma_start3A_57] : memref<6x2x128xi32, #tpu.memory_space<vmem>> -> memref<1x2x128xi32, #tpu.memory_space<vmem>>
    %dma_start3A_59 = tpu.memref_squeeze %dma_start3A_58 : memref<1x2x128xi32, #tpu.memory_space<vmem>> -> memref<2x128xi32, #tpu.memory_space<vmem>>
    %dma_start3A_60 = arith.constant 0 : i32
    %dma_start3A_61 = arith.constant 0 : i32
    %dma_start3A_62 = tpu.memref_slice %arg3[%add3A_52, %dma_start3A_60, %dma_start3A_61] : memref<2500x2x128xi32, #tpu.memory_space<hbm>> -> memref<1x2x128xi32, #tpu.memory_space<hbm>>
    %dma_start3A_63 = tpu.memref_squeeze %dma_start3A_62 : memref<1x2x128xi32, #tpu.memory_space<hbm>> -> memref<2x128xi32, #tpu.memory_space<hbm>>
    %dma_start3A_64 = arith.constant 0 : i32
    %dma_start3A_65 = arith.constant 0 : i32
    %dma_start3A_66 = tpu.memref_slice %arg7[%rem3A_55, %dma_start3A_64, %dma_start3A_65] : memref<6x2x128xi32, #tpu.memory_space<vmem>> -> memref<1x2x128xi32, #tpu.memory_space<vmem>>
    %dma_start3A_67 = tpu.memref_squeeze %dma_start3A_66 : memref<1x2x128xi32, #tpu.memory_space<vmem>> -> memref<2x128xi32, #tpu.memory_space<vmem>>
    %dma_start3A_68 = arith.constant 0 : i32
    %dma_start3A_69 = arith.constant 0 : i32
    %dma_start3A_70 = tpu.memref_slice %arg3[%add3A_52, %dma_start3A_68, %dma_start3A_69] : memref<2500x2x128xi32, #tpu.memory_space<hbm>> -> memref<1x2x128xi32, #tpu.memory_space<hbm>>
    %dma_start3A_71 = tpu.memref_squeeze %dma_start3A_70 : memref<1x2x128xi32, #tpu.memory_space<hbm>> -> memref<2x128xi32, #tpu.memory_space<hbm>>
    tpu.enqueue_dma source(%dma_start3A_71 : memref<2x128xi32, #tpu.memory_space<hbm>>) target(%dma_start3A_67 : memref<2x128xi32, #tpu.memory_space<vmem>>) target_semaphore(%arg12 : memref<!tpu.dma_semaphore, #tpu.memory_space<semaphore_mem>>)
    %add3A_72 = arith.constant 96 : i32
    %add3A_73 = arith.addi %add3A, %add3A_72 : i32
    %rem3A_74 = arith.constant 3 : i32
    %rem3A_75 = arith.constant 6 : i32
    %rem3A_76 = arith.remsi %rem3A_74, %rem3A_75 : i32
    %dma_start3A_77 = arith.constant 0 : i32
    %dma_start3A_78 = arith.constant 0 : i32
    %dma_start3A_79 = tpu.memref_slice %arg7[%rem3A_76, %dma_start3A_77, %dma_start3A_78] : memref<6x2x128xi32, #tpu.memory_space<vmem>> -> memref<1x2x128xi32, #tpu.memory_space<vmem>>
    %dma_start3A_80 = tpu.memref_squeeze %dma_start3A_79 : memref<1x2x128xi32, #tpu.memory_space<vmem>> -> memref<2x128xi32, #tpu.memory_space<vmem>>
    %dma_start3A_81 = arith.constant 0 : i32
    %dma_start3A_82 = arith.constant 0 : i32
    %dma_start3A_83 = tpu.memref_slice %arg3[%add3A_73, %dma_start3A_81, %dma_start3A_82] : memref<2500x2x128xi32, #tpu.memory_space<hbm>> -> memref<1x2x128xi32, #tpu.memory_space<hbm>>
    %dma_start3A_84 = tpu.memref_squeeze %dma_start3A_83 : memref<1x2x128xi32, #tpu.memory_space<hbm>> -> memref<2x128xi32, #tpu.memory_space<hbm>>
    %dma_start3A_85 = arith.constant 0 : i32
    %dma_start3A_86 = arith.constant 0 : i32
    %dma_start3A_87 = tpu.memref_slice %arg7[%rem3A_76, %dma_start3A_85, %dma_start3A_86] : memref<6x2x128xi32, #tpu.memory_space<vmem>> -> memref<1x2x128xi32, #tpu.memory_space<vmem>>
    %dma_start3A_88 = tpu.memref_squeeze %dma_start3A_87 : memref<1x2x128xi32, #tpu.memory_space<vmem>> -> memref<2x128xi32, #tpu.memory_space<vmem>>
    %dma_start3A_89 = arith.constant 0 : i32
    %dma_start3A_90 = arith.constant 0 : i32
    %dma_start3A_91 = tpu.memref_slice %arg3[%add3A_73, %dma_start3A_89, %dma_start3A_90] : memref<2500x2x128xi32, #tpu.memory_space<hbm>> -> memref<1x2x128xi32, #tpu.memory_space<hbm>>
    %dma_start3A_92 = tpu.memref_squeeze %dma_start3A_91 : memref<1x2x128xi32, #tpu.memory_space<hbm>> -> memref<2x128xi32, #tpu.memory_space<hbm>>
    tpu.enqueue_dma source(%dma_start3A_92 : memref<2x128xi32, #tpu.memory_space<hbm>>) target(%dma_start3A_88 : memref<2x128xi32, #tpu.memory_space<vmem>>) target_semaphore(%arg12 : memref<!tpu.dma_semaphore, #tpu.memory_space<semaphore_mem>>)
    %add3A_93 = arith.constant 0 : i32
    %add3A_94 = arith.addi %add3A, %add3A_93 : i32
    %rem3A_95 = arith.constant 0 : i32
    %rem3A_96 = arith.constant 6 : i32
    %rem3A_97 = arith.remsi %rem3A_95, %rem3A_96 : i32
    %dma_wait3A = arith.constant 0 : i32
    %dma_wait3A_98 = arith.constant 0 : i32
    %dma_wait3A_99 = tpu.memref_slice %arg7[%rem3A_97, %dma_wait3A, %dma_wait3A_98] : memref<6x2x128xi32, #tpu.memory_space<vmem>> -> memref<1x2x128xi32, #tpu.memory_space<vmem>>
    %dma_wait3A_100 = tpu.memref_squeeze %dma_wait3A_99 : memref<1x2x128xi32, #tpu.memory_space<vmem>> -> memref<2x128xi32, #tpu.memory_space<vmem>>
    %dma_wait3A_101 = arith.constant 0 : i32
    %dma_wait3A_102 = arith.constant 0 : i32
    %dma_wait3A_103 = tpu.memref_slice %arg3[%add3A_94, %dma_wait3A_101, %dma_wait3A_102] : memref<2500x2x128xi32, #tpu.memory_space<hbm>> -> memref<1x2x128xi32, #tpu.memory_space<hbm>>
    %dma_wait3A_104 = tpu.memref_squeeze %dma_wait3A_103 : memref<1x2x128xi32, #tpu.memory_space<hbm>> -> memref<2x128xi32, #tpu.memory_space<hbm>>
    %dma_wait3A_105 = arith.constant 0 : i32
    %dma_wait3A_106 = arith.constant 0 : i32
    %dma_wait3A_107 = tpu.memref_slice %arg7[%rem3A_97, %dma_wait3A_105, %dma_wait3A_106] : memref<6x2x128xi32, #tpu.memory_space<vmem>> -> memref<1x2x128xi32, #tpu.memory_space<vmem>>
    %dma_wait3A_108 = tpu.memref_squeeze %dma_wait3A_107 : memref<1x2x128xi32, #tpu.memory_space<vmem>> -> memref<2x128xi32, #tpu.memory_space<vmem>>
    %dma_wait3A_109 = arith.constant 0 : i32
    %dma_wait3A_110 = arith.constant 0 : i32
    %dma_wait3A_111 = tpu.memref_slice %arg3[%add3A_94, %dma_wait3A_109, %dma_wait3A_110] : memref<2500x2x128xi32, #tpu.memory_space<hbm>> -> memref<1x2x128xi32, #tpu.memory_space<hbm>>
    %dma_wait3A_112 = tpu.memref_squeeze %dma_wait3A_111 : memref<1x2x128xi32, #tpu.memory_space<hbm>> -> memref<2x128xi32, #tpu.memory_space<hbm>>
    tpu.wait_dma2 semaphore(%arg12 : memref<!tpu.dma_semaphore, #tpu.memory_space<semaphore_mem>>) src(%dma_wait3A_112 : memref<2x128xi32, #tpu.memory_space<hbm>>) dst(%dma_wait3A_108 : memref<2x128xi32, #tpu.memory_space<vmem>>)
    %rem3A_113 = arith.constant 0 : i32
    %rem3A_114 = arith.constant 6 : i32
    %rem3A_115 = arith.remsi %rem3A_113, %rem3A_114 : i32
    %rem3A_116 = arith.constant 0 : i32
    %rem3A_117 = arith.constant 3 : i32
    %rem3A_118 = arith.remsi %rem3A_116, %rem3A_117 : i32
    %dma_start3A_119 = arith.constant 0 : i32
    %dma_start3A_120 = arith.constant 0 : i32
    %dma_start3A_121 = arith.constant 0 : i32
    %dma_start3A_122 = tpu.memref_slice %arg8[%rem3A_118, %dma_start3A_120, %dma_start3A_121] : memref<3x128x128xf32, #tpu.memory_space<vmem>> -> memref<1x128x128xf32, #tpu.memory_space<vmem>>
    %dma_start3A_123 = tpu.memref_squeeze %dma_start3A_122 : memref<1x128x128xf32, #tpu.memory_space<vmem>> -> memref<128x128xf32, #tpu.memory_space<vmem>>
    %dma_start3A_124 = arith.constant 0 : i32
    %dma_start3A_125 = tpu.memref_slice %arg7[%rem3A_115, %dma_start3A_119, %dma_start3A_124] : memref<6x2x128xi32, #tpu.memory_space<vmem>> -> memref<1x1x128xi32, #tpu.memory_space<vmem>>
    %dma_start3A_126 = tpu.memref_squeeze %dma_start3A_125 : memref<1x1x128xi32, #tpu.memory_space<vmem>> -> memref<128xi32, #tpu.memory_space<vmem>>
    %dma_start3A_127 = arith.constant 0 : i32
    %dma_start3A_128 = arith.constant 0 : i32
    %dma_start3A_129 = tpu.memref_slice %arg2[%dma_start3A_127, %dma_start3A_128] : memref<10000x128xf32, #tpu.memory_space<hbm>> -> memref<10000x128xf32, #tpu.memory_space<hbm>>
    tpu.enqueue_indirect_dma source(%dma_start3A_129 : memref<10000x128xf32, #tpu.memory_space<hbm>>) target(%dma_start3A_123 : memref<128x128xf32, #tpu.memory_space<vmem>>) offsets(%dma_start3A_126 : memref<128xi32, #tpu.memory_space<vmem>>) semaphore(%arg10 : memref<!tpu.dma_semaphore, #tpu.memory_space<semaphore_mem>>)
    %add3A_130 = arith.constant 32 : i32
    %add3A_131 = arith.addi %add3A, %add3A_130 : i32
    %rem3A_132 = arith.constant 1 : i32
    %rem3A_133 = arith.constant 6 : i32
    %rem3A_134 = arith.remsi %rem3A_132, %rem3A_133 : i32
    %dma_wait3A_135 = arith.constant 0 : i32
    %dma_wait3A_136 = arith.constant 0 : i32
    %dma_wait3A_137 = tpu.memref_slice %arg7[%rem3A_134, %dma_wait3A_135, %dma_wait3A_136] : memref<6x2x128xi32, #tpu.memory_space<vmem>> -> memref<1x2x128xi32, #tpu.memory_space<vmem>>
    %dma_wait3A_138 = tpu.memref_squeeze %dma_wait3A_137 : memref<1x2x128xi32, #tpu.memory_space<vmem>> -> memref<2x128xi32, #tpu.memory_space<vmem>>
    %dma_wait3A_139 = arith.constant 0 : i32
    %dma_wait3A_140 = arith.constant 0 : i32
    %dma_wait3A_141 = tpu.memref_slice %arg3[%add3A_131, %dma_wait3A_139, %dma_wait3A_140] : memref<2500x2x128xi32, #tpu.memory_space<hbm>> -> memref<1x2x128xi32, #tpu.memory_space<hbm>>
    %dma_wait3A_142 = tpu.memref_squeeze %dma_wait3A_141 : memref<1x2x128xi32, #tpu.memory_space<hbm>> -> memref<2x128xi32, #tpu.memory_space<hbm>>
    %dma_wait3A_143 = arith.constant 0 : i32
    %dma_wait3A_144 = arith.constant 0 : i32
    %dma_wait3A_145 = tpu.memref_slice %arg7[%rem3A_134, %dma_wait3A_143, %dma_wait3A_144] : memref<6x2x128xi32, #tpu.memory_space<vmem>> -> memref<1x2x128xi32, #tpu.memory_space<vmem>>
    %dma_wait3A_146 = tpu.memref_squeeze %dma_wait3A_145 : memref<1x2x128xi32, #tpu.memory_space<vmem>> -> memref<2x128xi32, #tpu.memory_space<vmem>>
    %dma_wait3A_147 = arith.constant 0 : i32
    %dma_wait3A_148 = arith.constant 0 : i32
    %dma_wait3A_149 = tpu.memref_slice %arg3[%add3A_131, %dma_wait3A_147, %dma_wait3A_148] : memref<2500x2x128xi32, #tpu.memory_space<hbm>> -> memref<1x2x128xi32, #tpu.memory_space<hbm>>
    %dma_wait3A_150 = tpu.memref_squeeze %dma_wait3A_149 : memref<1x2x128xi32, #tpu.memory_space<hbm>> -> memref<2x128xi32, #tpu.memory_space<hbm>>
    tpu.wait_dma2 semaphore(%arg12 : memref<!tpu.dma_semaphore, #tpu.memory_space<semaphore_mem>>) src(%dma_wait3A_150 : memref<2x128xi32, #tpu.memory_space<hbm>>) dst(%dma_wait3A_146 : memref<2x128xi32, #tpu.memory_space<vmem>>)
    %rem3A_151 = arith.constant 1 : i32
    %rem3A_152 = arith.constant 6 : i32
    %rem3A_153 = arith.remsi %rem3A_151, %rem3A_152 : i32
    %rem3A_154 = arith.constant 1 : i32
    %rem3A_155 = arith.constant 3 : i32
    %rem3A_156 = arith.remsi %rem3A_154, %rem3A_155 : i32
    %dma_start3A_157 = arith.constant 0 : i32
    %dma_start3A_158 = arith.constant 0 : i32
    %dma_start3A_159 = arith.constant 0 : i32
    %dma_start3A_160 = tpu.memref_slice %arg8[%rem3A_156, %dma_start3A_158, %dma_start3A_159] : memref<3x128x128xf32, #tpu.memory_space<vmem>> -> memref<1x128x128xf32, #tpu.memory_space<vmem>>
    %dma_start3A_161 = tpu.memref_squeeze %dma_start3A_160 : memref<1x128x128xf32, #tpu.memory_space<vmem>> -> memref<128x128xf32, #tpu.memory_space<vmem>>
    %dma_start3A_162 = arith.constant 0 : i32
    %dma_start3A_163 = tpu.memref_slice %arg7[%rem3A_153, %dma_start3A_157, %dma_start3A_162] : memref<6x2x128xi32, #tpu.memory_space<vmem>> -> memref<1x1x128xi32, #tpu.memory_space<vmem>>
    %dma_start3A_164 = tpu.memref_squeeze %dma_start3A_163 : memref<1x1x128xi32, #tpu.memory_space<vmem>> -> memref<128xi32, #tpu.memory_space<vmem>>
    %dma_start3A_165 = arith.constant 0 : i32
    %dma_start3A_166 = arith.constant 0 : i32
    %dma_start3A_167 = tpu.memref_slice %arg2[%dma_start3A_165, %dma_start3A_166] : memref<10000x128xf32, #tpu.memory_space<hbm>> -> memref<10000x128xf32, #tpu.memory_space<hbm>>
    tpu.enqueue_indirect_dma source(%dma_start3A_167 : memref<10000x128xf32, #tpu.memory_space<hbm>>) target(%dma_start3A_161 : memref<128x128xf32, #tpu.memory_space<vmem>>) offsets(%dma_start3A_164 : memref<128xi32, #tpu.memory_space<vmem>>) semaphore(%arg10 : memref<!tpu.dma_semaphore, #tpu.memory_space<semaphore_mem>>)
    %dma_wait3A_168 = arith.constant 0 : i32
    %dma_wait3A_169 = tpu.memref_slice %arg9[%multiple_of3A, %dma_wait3A_168] : memref<10000x128xf32, #tpu.memory_space<vmem_shared>> -> memref<640x128xf32, #tpu.memory_space<vmem_shared>>
    %dma_wait3A_170 = arith.constant 0 : i32
    %dma_wait3A_171 = tpu.memref_slice %arg4[%multiple_of3A, %dma_wait3A_170] : memref<10240x128xf32, #tpu.memory_space<hbm>> -> memref<640x128xf32, #tpu.memory_space<hbm>>
    tpu.wait_dma2 semaphore(%arg13 : memref<!tpu.dma_semaphore, #tpu.memory_space<semaphore_mem>>) src(%dma_wait3A_171 : memref<640x128xf32, #tpu.memory_space<hbm>>) dst(%dma_wait3A_169 : memref<640x128xf32, #tpu.memory_space<vmem_shared>>)
    %barrier3A = arith.constant 0 : index
    tpu.barrier barrier_id(%barrier3A)
    %while3A = arith.constant 0 : i32
    %while3A_172 = arith.constant 0 : i32
    %while3A_173 = arith.subi %add3A_6, %while3A_172 : i32
    %while3A_174 = arith.addi %while3A_172, %while3A_173 : i32
    %while3A_175 = arith.constant 1 : i32
    %while3A_176 = arith.divsi %while3A_173, %while3A_175 : i32
    %while3A_177 = arith.muli %while3A_176, %while3A_175 : i32
    %while3A_178 = arith.addi %while3A_172, %while3A_177 : i32
    %while3A_179 = arith.constant 1 : i32
    scf.for %while3A_205 = %while3A_172 to %while3A_178 step %while3A_179  : i32 {
      %ge3A = arith.constant 1 : i32
      %ge3A_206 = arith.cmpi sge, %while3A_205, %ge3A : i32
      %convert_element_type3A_207 = arith.extui %ge3A_206 : i1 to i32
      %cond3A_208 = arith.constant 0 : i32
      %cond3A_209 = arith.cmpi ne, %convert_element_type3A_207, %cond3A_208 : i32
      scf.if %cond3A_209 {
        %sub3A_252 = arith.constant 1 : i32
        %sub3A_253 = arith.subi %while3A_205, %sub3A_252 : i32
        %rem3A_254 = arith.constant 3 : i32
        %rem3A_255 = arith.remsi %sub3A_253, %rem3A_254 : i32
        %rem3A_256 = arith.constant 6 : i32
        %rem3A_257 = arith.remsi %sub3A_253, %rem3A_256 : i32
        %dma_wait3A_258 = arith.constant 1 : i32
        %dma_wait3A_259 = arith.constant 0 : i32
        %dma_wait3A_260 = arith.constant 0 : i32
        %dma_wait3A_261 = tpu.memref_slice %arg8[%rem3A_255, %dma_wait3A_259, %dma_wait3A_260] : memref<3x128x128xf32, #tpu.memory_space<vmem>> -> memref<1x128x128xf32, #tpu.memory_space<vmem>>
        %dma_wait3A_262 = tpu.memref_squeeze %dma_wait3A_261 : memref<1x128x128xf32, #tpu.memory_space<vmem>> -> memref<128x128xf32, #tpu.memory_space<vmem>>
        %dma_wait3A_263 = arith.constant 0 : i32
        %dma_wait3A_264 = tpu.memref_slice %arg7[%rem3A_257, %dma_wait3A_258, %dma_wait3A_263] : memref<6x2x128xi32, #tpu.memory_space<vmem>> -> memref<1x1x128xi32, #tpu.memory_space<vmem>>
        %dma_wait3A_265 = tpu.memref_squeeze %dma_wait3A_264 : memref<1x1x128xi32, #tpu.memory_space<vmem>> -> memref<128xi32, #tpu.memory_space<vmem>>
        %dma_wait3A_266 = arith.constant 0 : i32
        %dma_wait3A_267 = arith.constant 0 : i32
        %dma_wait3A_268 = tpu.memref_slice %arg9[%dma_wait3A_266, %dma_wait3A_267] : memref<10000x128xf32, #tpu.memory_space<vmem_shared>> -> memref<10000x128xf32, #tpu.memory_space<vmem_shared>>
        tpu.wait_indirect_dma semaphore(%arg11 : memref<!tpu.dma_semaphore, #tpu.memory_space<semaphore_mem>>) src(%dma_wait3A_262 : memref<128x128xf32, #tpu.memory_space<vmem>>) dst(%dma_wait3A_268 : memref<10000x128xf32, #tpu.memory_space<vmem_shared>>)
      } else {
      }
      %add3A_210 = arith.constant 2 : i32
      %add3A_211 = arith.addi %while3A_205, %add3A_210 : i32
      %lt3A_212 = arith.cmpi slt, %add3A_211, %add3A_6 : i32
      %convert_element_type3A_213 = arith.extui %lt3A_212 : i1 to i32
      %cond3A_214 = arith.constant 0 : i32
      %cond3A_215 = arith.cmpi ne, %convert_element_type3A_213, %cond3A_214 : i32
      scf.if %cond3A_215 {
        %add3A_252 = arith.constant 2 : i32
        %add3A_253 = arith.addi %while3A_205, %add3A_252 : i32
        %mul3A_254 = arith.constant 32 : i32
        %mul3A_255 = arith.muli %mul3A_254, %add3A_253 : i32
        %add3A_256 = arith.addi %add3A, %mul3A_255 : i32
        %rem3A_257 = arith.constant 6 : i32
        %rem3A_258 = arith.remsi %add3A_253, %rem3A_257 : i32
        %dma_wait3A_259 = arith.constant 0 : i32
        %dma_wait3A_260 = arith.constant 0 : i32
        %dma_wait3A_261 = tpu.memref_slice %arg7[%rem3A_258, %dma_wait3A_259, %dma_wait3A_260] : memref<6x2x128xi32, #tpu.memory_space<vmem>> -> memref<1x2x128xi32, #tpu.memory_space<vmem>>
        %dma_wait3A_262 = tpu.memref_squeeze %dma_wait3A_261 : memref<1x2x128xi32, #tpu.memory_space<vmem>> -> memref<2x128xi32, #tpu.memory_space<vmem>>
        %dma_wait3A_263 = arith.constant 0 : i32
        %dma_wait3A_264 = arith.constant 0 : i32
        %dma_wait3A_265 = tpu.memref_slice %arg3[%add3A_256, %dma_wait3A_263, %dma_wait3A_264] : memref<2500x2x128xi32, #tpu.memory_space<hbm>> -> memref<1x2x128xi32, #tpu.memory_space<hbm>>
        %dma_wait3A_266 = tpu.memref_squeeze %dma_wait3A_265 : memref<1x2x128xi32, #tpu.memory_space<hbm>> -> memref<2x128xi32, #tpu.memory_space<hbm>>
        %dma_wait3A_267 = arith.constant 0 : i32
        %dma_wait3A_268 = arith.constant 0 : i32
        %dma_wait3A_269 = tpu.memref_slice %arg7[%rem3A_258, %dma_wait3A_267, %dma_wait3A_268] : memref<6x2x128xi32, #tpu.memory_space<vmem>> -> memref<1x2x128xi32, #tpu.memory_space<vmem>>
        %dma_wait3A_270 = tpu.memref_squeeze %dma_wait3A_269 : memref<1x2x128xi32, #tpu.memory_space<vmem>> -> memref<2x128xi32, #tpu.memory_space<vmem>>
        %dma_wait3A_271 = arith.constant 0 : i32
        %dma_wait3A_272 = arith.constant 0 : i32
        %dma_wait3A_273 = tpu.memref_slice %arg3[%add3A_256, %dma_wait3A_271, %dma_wait3A_272] : memref<2500x2x128xi32, #tpu.memory_space<hbm>> -> memref<1x2x128xi32, #tpu.memory_space<hbm>>
        %dma_wait3A_274 = tpu.memref_squeeze %dma_wait3A_273 : memref<1x2x128xi32, #tpu.memory_space<hbm>> -> memref<2x128xi32, #tpu.memory_space<hbm>>
        tpu.wait_dma2 semaphore(%arg12 : memref<!tpu.dma_semaphore, #tpu.memory_space<semaphore_mem>>) src(%dma_wait3A_274 : memref<2x128xi32, #tpu.memory_space<hbm>>) dst(%dma_wait3A_270 : memref<2x128xi32, #tpu.memory_space<vmem>>)
        %add3A_275 = arith.constant 2 : i32
        %add3A_276 = arith.addi %while3A_205, %add3A_275 : i32
        %rem3A_277 = arith.constant 6 : i32
        %rem3A_278 = arith.remsi %add3A_276, %rem3A_277 : i32
        %rem3A_279 = arith.constant 3 : i32
        %rem3A_280 = arith.remsi %add3A_276, %rem3A_279 : i32
        %dma_start3A_281 = arith.constant 0 : i32
        %dma_start3A_282 = arith.constant 0 : i32
        %dma_start3A_283 = arith.constant 0 : i32
        %dma_start3A_284 = tpu.memref_slice %arg8[%rem3A_280, %dma_start3A_282, %dma_start3A_283] : memref<3x128x128xf32, #tpu.memory_space<vmem>> -> memref<1x128x128xf32, #tpu.memory_space<vmem>>
        %dma_start3A_285 = tpu.memref_squeeze %dma_start3A_284 : memref<1x128x128xf32, #tpu.memory_space<vmem>> -> memref<128x128xf32, #tpu.memory_space<vmem>>
        %dma_start3A_286 = arith.constant 0 : i32
        %dma_start3A_287 = tpu.memref_slice %arg7[%rem3A_278, %dma_start3A_281, %dma_start3A_286] : memref<6x2x128xi32, #tpu.memory_space<vmem>> -> memref<1x1x128xi32, #tpu.memory_space<vmem>>
        %dma_start3A_288 = tpu.memref_squeeze %dma_start3A_287 : memref<1x1x128xi32, #tpu.memory_space<vmem>> -> memref<128xi32, #tpu.memory_space<vmem>>
        %dma_start3A_289 = arith.constant 0 : i32
        %dma_start3A_290 = arith.constant 0 : i32
        %dma_start3A_291 = tpu.memref_slice %arg2[%dma_start3A_289, %dma_start3A_290] : memref<10000x128xf32, #tpu.memory_space<hbm>> -> memref<10000x128xf32, #tpu.memory_space<hbm>>
        tpu.enqueue_indirect_dma source(%dma_start3A_291 : memref<10000x128xf32, #tpu.memory_space<hbm>>) target(%dma_start3A_285 : memref<128x128xf32, #tpu.memory_space<vmem>>) offsets(%dma_start3A_288 : memref<128xi32, #tpu.memory_space<vmem>>) semaphore(%arg10 : memref<!tpu.dma_semaphore, #tpu.memory_space<semaphore_mem>>)
      } else {
      }
      %add3A_216 = arith.constant 4 : i32
      %add3A_217 = arith.addi %while3A_205, %add3A_216 : i32
      %lt3A_218 = arith.cmpi slt, %add3A_217, %add3A_6 : i32
      %convert_element_type3A_219 = arith.extui %lt3A_218 : i1 to i32
      %cond3A_220 = arith.constant 0 : i32
      %cond3A_221 = arith.cmpi ne, %convert_element_type3A_219, %cond3A_220 : i32
      scf.if %cond3A_221 {
        %add3A_252 = arith.constant 4 : i32
        %add3A_253 = arith.addi %while3A_205, %add3A_252 : i32
        %mul3A_254 = arith.constant 32 : i32
        %mul3A_255 = arith.muli %mul3A_254, %add3A_253 : i32
        %add3A_256 = arith.addi %add3A, %mul3A_255 : i32
        %rem3A_257 = arith.constant 6 : i32
        %rem3A_258 = arith.remsi %add3A_253, %rem3A_257 : i32
        %dma_start3A_259 = arith.constant 0 : i32
        %dma_start3A_260 = arith.constant 0 : i32
        %dma_start3A_261 = tpu.memref_slice %arg7[%rem3A_258, %dma_start3A_259, %dma_start3A_260] : memref<6x2x128xi32, #tpu.memory_space<vmem>> -> memref<1x2x128xi32, #tpu.memory_space<vmem>>
        %dma_start3A_262 = tpu.memref_squeeze %dma_start3A_261 : memref<1x2x128xi32, #tpu.memory_space<vmem>> -> memref<2x128xi32, #tpu.memory_space<vmem>>
        %dma_start3A_263 = arith.constant 0 : i32
        %dma_start3A_264 = arith.constant 0 : i32
        %dma_start3A_265 = tpu.memref_slice %arg3[%add3A_256, %dma_start3A_263, %dma_start3A_264] : memref<2500x2x128xi32, #tpu.memory_space<hbm>> -> memref<1x2x128xi32, #tpu.memory_space<hbm>>
        %dma_start3A_266 = tpu.memref_squeeze %dma_start3A_265 : memref<1x2x128xi32, #tpu.memory_space<hbm>> -> memref<2x128xi32, #tpu.memory_space<hbm>>
        %dma_start3A_267 = arith.constant 0 : i32
        %dma_start3A_268 = arith.constant 0 : i32
        %dma_start3A_269 = tpu.memref_slice %arg7[%rem3A_258, %dma_start3A_267, %dma_start3A_268] : memref<6x2x128xi32, #tpu.memory_space<vmem>> -> memref<1x2x128xi32, #tpu.memory_space<vmem>>
        %dma_start3A_270 = tpu.memref_squeeze %dma_start3A_269 : memref<1x2x128xi32, #tpu.memory_space<vmem>> -> memref<2x128xi32, #tpu.memory_space<vmem>>
        %dma_start3A_271 = arith.constant 0 : i32
        %dma_start3A_272 = arith.constant 0 : i32
        %dma_start3A_273 = tpu.memref_slice %arg3[%add3A_256, %dma_start3A_271, %dma_start3A_272] : memref<2500x2x128xi32, #tpu.memory_space<hbm>> -> memref<1x2x128xi32, #tpu.memory_space<hbm>>
        %dma_start3A_274 = tpu.memref_squeeze %dma_start3A_273 : memref<1x2x128xi32, #tpu.memory_space<hbm>> -> memref<2x128xi32, #tpu.memory_space<hbm>>
        tpu.enqueue_dma source(%dma_start3A_274 : memref<2x128xi32, #tpu.memory_space<hbm>>) target(%dma_start3A_270 : memref<2x128xi32, #tpu.memory_space<vmem>>) target_semaphore(%arg12 : memref<!tpu.dma_semaphore, #tpu.memory_space<semaphore_mem>>)
      } else {
      }
      %rem3A_222 = arith.constant 6 : i32
      %rem3A_223 = arith.remsi %while3A_205, %rem3A_222 : i32
      %rem3A_224 = arith.constant 3 : i32
      %rem3A_225 = arith.remsi %while3A_205, %rem3A_224 : i32
      %dma_wait3A_226 = arith.constant 0 : i32
      %dma_wait3A_227 = arith.constant 0 : i32
      %dma_wait3A_228 = arith.constant 0 : i32
      %dma_wait3A_229 = tpu.memref_slice %arg8[%rem3A_225, %dma_wait3A_227, %dma_wait3A_228] : memref<3x128x128xf32, #tpu.memory_space<vmem>> -> memref<1x128x128xf32, #tpu.memory_space<vmem>>
      %dma_wait3A_230 = tpu.memref_squeeze %dma_wait3A_229 : memref<1x128x128xf32, #tpu.memory_space<vmem>> -> memref<128x128xf32, #tpu.memory_space<vmem>>
      %dma_wait3A_231 = arith.constant 0 : i32
      %dma_wait3A_232 = tpu.memref_slice %arg7[%rem3A_223, %dma_wait3A_226, %dma_wait3A_231] : memref<6x2x128xi32, #tpu.memory_space<vmem>> -> memref<1x1x128xi32, #tpu.memory_space<vmem>>
      %dma_wait3A_233 = tpu.memref_squeeze %dma_wait3A_232 : memref<1x1x128xi32, #tpu.memory_space<vmem>> -> memref<128xi32, #tpu.memory_space<vmem>>
      %dma_wait3A_234 = arith.constant 0 : i32
      %dma_wait3A_235 = arith.constant 0 : i32
      %dma_wait3A_236 = tpu.memref_slice %arg2[%dma_wait3A_234, %dma_wait3A_235] : memref<10000x128xf32, #tpu.memory_space<hbm>> -> memref<10000x128xf32, #tpu.memory_space<hbm>>
      tpu.wait_indirect_dma semaphore(%arg10 : memref<!tpu.dma_semaphore, #tpu.memory_space<semaphore_mem>>) src(%dma_wait3A_236 : memref<10000x128xf32, #tpu.memory_space<hbm>>) dst(%dma_wait3A_230 : memref<128x128xf32, #tpu.memory_space<vmem>>)
      %rem3A_237 = arith.constant 3 : i32
      %rem3A_238 = arith.remsi %while3A_205, %rem3A_237 : i32
      %rem3A_239 = arith.constant 6 : i32
      %rem3A_240 = arith.remsi %while3A_205, %rem3A_239 : i32
      %dma_start3A_241 = arith.constant 1 : i32
      %dma_start3A_242 = arith.constant 0 : i32
      %dma_start3A_243 = arith.constant 0 : i32
      %dma_start3A_244 = tpu.memref_slice %arg8[%rem3A_238, %dma_start3A_242, %dma_start3A_243] : memref<3x128x128xf32, #tpu.memory_space<vmem>> -> memref<1x128x128xf32, #tpu.memory_space<vmem>>
      %dma_start3A_245 = tpu.memref_squeeze %dma_start3A_244 : memref<1x128x128xf32, #tpu.memory_space<vmem>> -> memref<128x128xf32, #tpu.memory_space<vmem>>
      %dma_start3A_246 = arith.constant 0 : i32
      %dma_start3A_247 = tpu.memref_slice %arg7[%rem3A_240, %dma_start3A_241, %dma_start3A_246] : memref<6x2x128xi32, #tpu.memory_space<vmem>> -> memref<1x1x128xi32, #tpu.memory_space<vmem>>
      %dma_start3A_248 = tpu.memref_squeeze %dma_start3A_247 : memref<1x1x128xi32, #tpu.memory_space<vmem>> -> memref<128xi32, #tpu.memory_space<vmem>>
      %dma_start3A_249 = arith.constant 0 : i32
      %dma_start3A_250 = arith.constant 0 : i32
      %dma_start3A_251 = tpu.memref_slice %arg9[%dma_start3A_249, %dma_start3A_250] : memref<10000x128xf32, #tpu.memory_space<vmem_shared>> -> memref<10000x128xf32, #tpu.memory_space<vmem_shared>>
      tpu.enqueue_indirect_dma source(%dma_start3A_245 : memref<128x128xf32, #tpu.memory_space<vmem>>) target(%dma_start3A_251 : memref<10000x128xf32, #tpu.memory_space<vmem_shared>>) offsets(%dma_start3A_248 : memref<128xi32, #tpu.memory_space<vmem>>) semaphore(%arg11 : memref<!tpu.dma_semaphore, #tpu.memory_space<semaphore_mem>>) {add = true}
    }
    %while3A_180 = arith.constant 1 : i32
    scf.for %while3A_205 = %while3A_178 to %while3A_174 step %while3A_180  : i32 {
      %ge3A = arith.constant 1 : i32
      %ge3A_206 = arith.cmpi sge, %while3A_205, %ge3A : i32
      %convert_element_type3A_207 = arith.extui %ge3A_206 : i1 to i32
      %cond3A_208 = arith.constant 0 : i32
      %cond3A_209 = arith.cmpi ne, %convert_element_type3A_207, %cond3A_208 : i32
      scf.if %cond3A_209 {
        %sub3A_252 = arith.constant 1 : i32
        %sub3A_253 = arith.subi %while3A_205, %sub3A_252 : i32
        %rem3A_254 = arith.constant 3 : i32
        %rem3A_255 = arith.remsi %sub3A_253, %rem3A_254 : i32
        %rem3A_256 = arith.constant 6 : i32
        %rem3A_257 = arith.remsi %sub3A_253, %rem3A_256 : i32
        %dma_wait3A_258 = arith.constant 1 : i32
        %dma_wait3A_259 = arith.constant 0 : i32
        %dma_wait3A_260 = arith.constant 0 : i32
        %dma_wait3A_261 = tpu.memref_slice %arg8[%rem3A_255, %dma_wait3A_259, %dma_wait3A_260] : memref<3x128x128xf32, #tpu.memory_space<vmem>> -> memref<1x128x128xf32, #tpu.memory_space<vmem>>
        %dma_wait3A_262 = tpu.memref_squeeze %dma_wait3A_261 : memref<1x128x128xf32, #tpu.memory_space<vmem>> -> memref<128x128xf32, #tpu.memory_space<vmem>>
        %dma_wait3A_263 = arith.constant 0 : i32
        %dma_wait3A_264 = tpu.memref_slice %arg7[%rem3A_257, %dma_wait3A_258, %dma_wait3A_263] : memref<6x2x128xi32, #tpu.memory_space<vmem>> -> memref<1x1x128xi32, #tpu.memory_space<vmem>>
        %dma_wait3A_265 = tpu.memref_squeeze %dma_wait3A_264 : memref<1x1x128xi32, #tpu.memory_space<vmem>> -> memref<128xi32, #tpu.memory_space<vmem>>
        %dma_wait3A_266 = arith.constant 0 : i32
        %dma_wait3A_267 = arith.constant 0 : i32
        %dma_wait3A_268 = tpu.memref_slice %arg9[%dma_wait3A_266, %dma_wait3A_267] : memref<10000x128xf32, #tpu.memory_space<vmem_shared>> -> memref<10000x128xf32, #tpu.memory_space<vmem_shared>>
        tpu.wait_indirect_dma semaphore(%arg11 : memref<!tpu.dma_semaphore, #tpu.memory_space<semaphore_mem>>) src(%dma_wait3A_262 : memref<128x128xf32, #tpu.memory_space<vmem>>) dst(%dma_wait3A_268 : memref<10000x128xf32, #tpu.memory_space<vmem_shared>>)
      } else {
      }
      %add3A_210 = arith.constant 2 : i32
      %add3A_211 = arith.addi %while3A_205, %add3A_210 : i32
      %lt3A_212 = arith.cmpi slt, %add3A_211, %add3A_6 : i32
      %convert_element_type3A_213 = arith.extui %lt3A_212 : i1 to i32
      %cond3A_214 = arith.constant 0 : i32
      %cond3A_215 = arith.cmpi ne, %convert_element_type3A_213, %cond3A_214 : i32
      scf.if %cond3A_215 {
        %add3A_252 = arith.constant 2 : i32
        %add3A_253 = arith.addi %while3A_205, %add3A_252 : i32
        %mul3A_254 = arith.constant 32 : i32
        %mul3A_255 = arith.muli %mul3A_254, %add3A_253 : i32
        %add3A_256 = arith.addi %add3A, %mul3A_255 : i32
        %rem3A_257 = arith.constant 6 : i32
        %rem3A_258 = arith.remsi %add3A_253, %rem3A_257 : i32
        %dma_wait3A_259 = arith.constant 0 : i32
        %dma_wait3A_260 = arith.constant 0 : i32
        %dma_wait3A_261 = tpu.memref_slice %arg7[%rem3A_258, %dma_wait3A_259, %dma_wait3A_260] : memref<6x2x128xi32, #tpu.memory_space<vmem>> -> memref<1x2x128xi32, #tpu.memory_space<vmem>>
        %dma_wait3A_262 = tpu.memref_squeeze %dma_wait3A_261 : memref<1x2x128xi32, #tpu.memory_space<vmem>> -> memref<2x128xi32, #tpu.memory_space<vmem>>
        %dma_wait3A_263 = arith.constant 0 : i32
        %dma_wait3A_264 = arith.constant 0 : i32
        %dma_wait3A_265 = tpu.memref_slice %arg3[%add3A_256, %dma_wait3A_263, %dma_wait3A_264] : memref<2500x2x128xi32, #tpu.memory_space<hbm>> -> memref<1x2x128xi32, #tpu.memory_space<hbm>>
        %dma_wait3A_266 = tpu.memref_squeeze %dma_wait3A_265 : memref<1x2x128xi32, #tpu.memory_space<hbm>> -> memref<2x128xi32, #tpu.memory_space<hbm>>
        %dma_wait3A_267 = arith.constant 0 : i32
        %dma_wait3A_268 = arith.constant 0 : i32
        %dma_wait3A_269 = tpu.memref_slice %arg7[%rem3A_258, %dma_wait3A_267, %dma_wait3A_268] : memref<6x2x128xi32, #tpu.memory_space<vmem>> -> memref<1x2x128xi32, #tpu.memory_space<vmem>>
        %dma_wait3A_270 = tpu.memref_squeeze %dma_wait3A_269 : memref<1x2x128xi32, #tpu.memory_space<vmem>> -> memref<2x128xi32, #tpu.memory_space<vmem>>
        %dma_wait3A_271 = arith.constant 0 : i32
        %dma_wait3A_272 = arith.constant 0 : i32
        %dma_wait3A_273 = tpu.memref_slice %arg3[%add3A_256, %dma_wait3A_271, %dma_wait3A_272] : memref<2500x2x128xi32, #tpu.memory_space<hbm>> -> memref<1x2x128xi32, #tpu.memory_space<hbm>>
        %dma_wait3A_274 = tpu.memref_squeeze %dma_wait3A_273 : memref<1x2x128xi32, #tpu.memory_space<hbm>> -> memref<2x128xi32, #tpu.memory_space<hbm>>
        tpu.wait_dma2 semaphore(%arg12 : memref<!tpu.dma_semaphore, #tpu.memory_space<semaphore_mem>>) src(%dma_wait3A_274 : memref<2x128xi32, #tpu.memory_space<hbm>>) dst(%dma_wait3A_270 : memref<2x128xi32, #tpu.memory_space<vmem>>)
        %add3A_275 = arith.constant 2 : i32
        %add3A_276 = arith.addi %while3A_205, %add3A_275 : i32
        %rem3A_277 = arith.constant 6 : i32
        %rem3A_278 = arith.remsi %add3A_276, %rem3A_277 : i32
        %rem3A_279 = arith.constant 3 : i32
        %rem3A_280 = arith.remsi %add3A_276, %rem3A_279 : i32
        %dma_start3A_281 = arith.constant 0 : i32
        %dma_start3A_282 = arith.constant 0 : i32
        %dma_start3A_283 = arith.constant 0 : i32
        %dma_start3A_284 = tpu.memref_slice %arg8[%rem3A_280, %dma_start3A_282, %dma_start3A_283] : memref<3x128x128xf32, #tpu.memory_space<vmem>> -> memref<1x128x128xf32, #tpu.memory_space<vmem>>
        %dma_start3A_285 = tpu.memref_squeeze %dma_start3A_284 : memref<1x128x128xf32, #tpu.memory_space<vmem>> -> memref<128x128xf32, #tpu.memory_space<vmem>>
        %dma_start3A_286 = arith.constant 0 : i32
        %dma_start3A_287 = tpu.memref_slice %arg7[%rem3A_278, %dma_start3A_281, %dma_start3A_286] : memref<6x2x128xi32, #tpu.memory_space<vmem>> -> memref<1x1x128xi32, #tpu.memory_space<vmem>>
        %dma_start3A_288 = tpu.memref_squeeze %dma_start3A_287 : memref<1x1x128xi32, #tpu.memory_space<vmem>> -> memref<128xi32, #tpu.memory_space<vmem>>
        %dma_start3A_289 = arith.constant 0 : i32
        %dma_start3A_290 = arith.constant 0 : i32
        %dma_start3A_291 = tpu.memref_slice %arg2[%dma_start3A_289, %dma_start3A_290] : memref<10000x128xf32, #tpu.memory_space<hbm>> -> memref<10000x128xf32, #tpu.memory_space<hbm>>
        tpu.enqueue_indirect_dma source(%dma_start3A_291 : memref<10000x128xf32, #tpu.memory_space<hbm>>) target(%dma_start3A_285 : memref<128x128xf32, #tpu.memory_space<vmem>>) offsets(%dma_start3A_288 : memref<128xi32, #tpu.memory_space<vmem>>) semaphore(%arg10 : memref<!tpu.dma_semaphore, #tpu.memory_space<semaphore_mem>>)
      } else {
      }
      %add3A_216 = arith.constant 4 : i32
      %add3A_217 = arith.addi %while3A_205, %add3A_216 : i32
      %lt3A_218 = arith.cmpi slt, %add3A_217, %add3A_6 : i32
      %convert_element_type3A_219 = arith.extui %lt3A_218 : i1 to i32
      %cond3A_220 = arith.constant 0 : i32
      %cond3A_221 = arith.cmpi ne, %convert_element_type3A_219, %cond3A_220 : i32
      scf.if %cond3A_221 {
        %add3A_252 = arith.constant 4 : i32
        %add3A_253 = arith.addi %while3A_205, %add3A_252 : i32
        %mul3A_254 = arith.constant 32 : i32
        %mul3A_255 = arith.muli %mul3A_254, %add3A_253 : i32
        %add3A_256 = arith.addi %add3A, %mul3A_255 : i32
        %rem3A_257 = arith.constant 6 : i32
        %rem3A_258 = arith.remsi %add3A_253, %rem3A_257 : i32
        %dma_start3A_259 = arith.constant 0 : i32
        %dma_start3A_260 = arith.constant 0 : i32
        %dma_start3A_261 = tpu.memref_slice %arg7[%rem3A_258, %dma_start3A_259, %dma_start3A_260] : memref<6x2x128xi32, #tpu.memory_space<vmem>> -> memref<1x2x128xi32, #tpu.memory_space<vmem>>
        %dma_start3A_262 = tpu.memref_squeeze %dma_start3A_261 : memref<1x2x128xi32, #tpu.memory_space<vmem>> -> memref<2x128xi32, #tpu.memory_space<vmem>>
        %dma_start3A_263 = arith.constant 0 : i32
        %dma_start3A_264 = arith.constant 0 : i32
        %dma_start3A_265 = tpu.memref_slice %arg3[%add3A_256, %dma_start3A_263, %dma_start3A_264] : memref<2500x2x128xi32, #tpu.memory_space<hbm>> -> memref<1x2x128xi32, #tpu.memory_space<hbm>>
        %dma_start3A_266 = tpu.memref_squeeze %dma_start3A_265 : memref<1x2x128xi32, #tpu.memory_space<hbm>> -> memref<2x128xi32, #tpu.memory_space<hbm>>
        %dma_start3A_267 = arith.constant 0 : i32
        %dma_start3A_268 = arith.constant 0 : i32
        %dma_start3A_269 = tpu.memref_slice %arg7[%rem3A_258, %dma_start3A_267, %dma_start3A_268] : memref<6x2x128xi32, #tpu.memory_space<vmem>> -> memref<1x2x128xi32, #tpu.memory_space<vmem>>
        %dma_start3A_270 = tpu.memref_squeeze %dma_start3A_269 : memref<1x2x128xi32, #tpu.memory_space<vmem>> -> memref<2x128xi32, #tpu.memory_space<vmem>>
        %dma_start3A_271 = arith.constant 0 : i32
        %dma_start3A_272 = arith.constant 0 : i32
        %dma_start3A_273 = tpu.memref_slice %arg3[%add3A_256, %dma_start3A_271, %dma_start3A_272] : memref<2500x2x128xi32, #tpu.memory_space<hbm>> -> memref<1x2x128xi32, #tpu.memory_space<hbm>>
        %dma_start3A_274 = tpu.memref_squeeze %dma_start3A_273 : memref<1x2x128xi32, #tpu.memory_space<hbm>> -> memref<2x128xi32, #tpu.memory_space<hbm>>
        tpu.enqueue_dma source(%dma_start3A_274 : memref<2x128xi32, #tpu.memory_space<hbm>>) target(%dma_start3A_270 : memref<2x128xi32, #tpu.memory_space<vmem>>) target_semaphore(%arg12 : memref<!tpu.dma_semaphore, #tpu.memory_space<semaphore_mem>>)
      } else {
      }
      %rem3A_222 = arith.constant 6 : i32
      %rem3A_223 = arith.remsi %while3A_205, %rem3A_222 : i32
      %rem3A_224 = arith.constant 3 : i32
      %rem3A_225 = arith.remsi %while3A_205, %rem3A_224 : i32
      %dma_wait3A_226 = arith.constant 0 : i32
      %dma_wait3A_227 = arith.constant 0 : i32
      %dma_wait3A_228 = arith.constant 0 : i32
      %dma_wait3A_229 = tpu.memref_slice %arg8[%rem3A_225, %dma_wait3A_227, %dma_wait3A_228] : memref<3x128x128xf32, #tpu.memory_space<vmem>> -> memref<1x128x128xf32, #tpu.memory_space<vmem>>
      %dma_wait3A_230 = tpu.memref_squeeze %dma_wait3A_229 : memref<1x128x128xf32, #tpu.memory_space<vmem>> -> memref<128x128xf32, #tpu.memory_space<vmem>>
      %dma_wait3A_231 = arith.constant 0 : i32
      %dma_wait3A_232 = tpu.memref_slice %arg7[%rem3A_223, %dma_wait3A_226, %dma_wait3A_231] : memref<6x2x128xi32, #tpu.memory_space<vmem>> -> memref<1x1x128xi32, #tpu.memory_space<vmem>>
      %dma_wait3A_233 = tpu.memref_squeeze %dma_wait3A_232 : memref<1x1x128xi32, #tpu.memory_space<vmem>> -> memref<128xi32, #tpu.memory_space<vmem>>
      %dma_wait3A_234 = arith.constant 0 : i32
      %dma_wait3A_235 = arith.constant 0 : i32
      %dma_wait3A_236 = tpu.memref_slice %arg2[%dma_wait3A_234, %dma_wait3A_235] : memref<10000x128xf32, #tpu.memory_space<hbm>> -> memref<10000x128xf32, #tpu.memory_space<hbm>>
      tpu.wait_indirect_dma semaphore(%arg10 : memref<!tpu.dma_semaphore, #tpu.memory_space<semaphore_mem>>) src(%dma_wait3A_236 : memref<10000x128xf32, #tpu.memory_space<hbm>>) dst(%dma_wait3A_230 : memref<128x128xf32, #tpu.memory_space<vmem>>)
      %rem3A_237 = arith.constant 3 : i32
      %rem3A_238 = arith.remsi %while3A_205, %rem3A_237 : i32
      %rem3A_239 = arith.constant 6 : i32
      %rem3A_240 = arith.remsi %while3A_205, %rem3A_239 : i32
      %dma_start3A_241 = arith.constant 1 : i32
      %dma_start3A_242 = arith.constant 0 : i32
      %dma_start3A_243 = arith.constant 0 : i32
      %dma_start3A_244 = tpu.memref_slice %arg8[%rem3A_238, %dma_start3A_242, %dma_start3A_243] : memref<3x128x128xf32, #tpu.memory_space<vmem>> -> memref<1x128x128xf32, #tpu.memory_space<vmem>>
      %dma_start3A_245 = tpu.memref_squeeze %dma_start3A_244 : memref<1x128x128xf32, #tpu.memory_space<vmem>> -> memref<128x128xf32, #tpu.memory_space<vmem>>
      %dma_start3A_246 = arith.constant 0 : i32
      %dma_start3A_247 = tpu.memref_slice %arg7[%rem3A_240, %dma_start3A_241, %dma_start3A_246] : memref<6x2x128xi32, #tpu.memory_space<vmem>> -> memref<1x1x128xi32, #tpu.memory_space<vmem>>
      %dma_start3A_248 = tpu.memref_squeeze %dma_start3A_247 : memref<1x1x128xi32, #tpu.memory_space<vmem>> -> memref<128xi32, #tpu.memory_space<vmem>>
      %dma_start3A_249 = arith.constant 0 : i32
      %dma_start3A_250 = arith.constant 0 : i32
      %dma_start3A_251 = tpu.memref_slice %arg9[%dma_start3A_249, %dma_start3A_250] : memref<10000x128xf32, #tpu.memory_space<vmem_shared>> -> memref<10000x128xf32, #tpu.memory_space<vmem_shared>>
      tpu.enqueue_indirect_dma source(%dma_start3A_245 : memref<128x128xf32, #tpu.memory_space<vmem>>) target(%dma_start3A_251 : memref<10000x128xf32, #tpu.memory_space<vmem_shared>>) offsets(%dma_start3A_248 : memref<128xi32, #tpu.memory_space<vmem>>) semaphore(%arg11 : memref<!tpu.dma_semaphore, #tpu.memory_space<semaphore_mem>>) {add = true}
    }
    %sub3A = arith.constant 1 : i32
    %sub3A_181 = arith.subi %add3A_6, %sub3A : i32
    %rem3A_182 = arith.constant 3 : i32
    %rem3A_183 = arith.remsi %sub3A_181, %rem3A_182 : i32
    %rem3A_184 = arith.constant 6 : i32
    %rem3A_185 = arith.remsi %sub3A_181, %rem3A_184 : i32
    %dma_wait3A_186 = arith.constant 1 : i32
    %dma_wait3A_187 = arith.constant 0 : i32
    %dma_wait3A_188 = arith.constant 0 : i32
    %dma_wait3A_189 = tpu.memref_slice %arg8[%rem3A_183, %dma_wait3A_187, %dma_wait3A_188] : memref<3x128x128xf32, #tpu.memory_space<vmem>> -> memref<1x128x128xf32, #tpu.memory_space<vmem>>
    %dma_wait3A_190 = tpu.memref_squeeze %dma_wait3A_189 : memref<1x128x128xf32, #tpu.memory_space<vmem>> -> memref<128x128xf32, #tpu.memory_space<vmem>>
    %dma_wait3A_191 = arith.constant 0 : i32
    %dma_wait3A_192 = tpu.memref_slice %arg7[%rem3A_185, %dma_wait3A_186, %dma_wait3A_191] : memref<6x2x128xi32, #tpu.memory_space<vmem>> -> memref<1x1x128xi32, #tpu.memory_space<vmem>>
    %dma_wait3A_193 = tpu.memref_squeeze %dma_wait3A_192 : memref<1x1x128xi32, #tpu.memory_space<vmem>> -> memref<128xi32, #tpu.memory_space<vmem>>
    %dma_wait3A_194 = arith.constant 0 : i32
    %dma_wait3A_195 = arith.constant 0 : i32
    %dma_wait3A_196 = tpu.memref_slice %arg9[%dma_wait3A_194, %dma_wait3A_195] : memref<10000x128xf32, #tpu.memory_space<vmem_shared>> -> memref<10000x128xf32, #tpu.memory_space<vmem_shared>>
    tpu.wait_indirect_dma semaphore(%arg11 : memref<!tpu.dma_semaphore, #tpu.memory_space<semaphore_mem>>) src(%dma_wait3A_190 : memref<128x128xf32, #tpu.memory_space<vmem>>) dst(%dma_wait3A_196 : memref<10000x128xf32, #tpu.memory_space<vmem_shared>>)
    %barrier3A_197 = arith.constant 0 : index
    tpu.barrier barrier_id(%barrier3A_197)
    %eq3A = arith.constant 0 : i32
    %eq3A_198 = arith.cmpi eq, %arg0, %eq3A : i32
    %convert_element_type3A = arith.extui %eq3A_198 : i1 to i32
    %cond3A = arith.constant 0 : i32
    %cond3A_199 = arith.cmpi ne, %convert_element_type3A, %cond3A : i32
    scf.if %cond3A_199 {
      "tpu.region"() ({
        %run_scoped3A = tpu.sem_alloc : memref<!tpu.dma_semaphore, #tpu.memory_space<semaphore_mem>>
        %dma_start3A_205 = arith.constant 0 : i32
        %dma_start3A_206 = tpu.memref_slice %arg5[%multiple_of3A, %dma_start3A_205] : memref<10000x128xf32, #tpu.memory_space<hbm>> -> memref<640x128xf32, #tpu.memory_space<hbm>>
        %dma_start3A_207 = arith.constant 0 : i32
        %dma_start3A_208 = tpu.memref_slice %arg9[%multiple_of3A, %dma_start3A_207] : memref<10000x128xf32, #tpu.memory_space<vmem_shared>> -> memref<640x128xf32, #tpu.memory_space<vmem_shared>>
        tpu.enqueue_dma source(%dma_start3A_208 : memref<640x128xf32, #tpu.memory_space<vmem_shared>>) target(%dma_start3A_206 : memref<640x128xf32, #tpu.memory_space<hbm>>) target_semaphore(%run_scoped3A : memref<!tpu.dma_semaphore, #tpu.memory_space<semaphore_mem>>)
        %dma_wait3A_209 = arith.constant 0 : i32
        %dma_wait3A_210 = tpu.memref_slice %arg5[%multiple_of3A, %dma_wait3A_209] : memref<10000x128xf32, #tpu.memory_space<hbm>> -> memref<640x128xf32, #tpu.memory_space<hbm>>
        %dma_wait3A_211 = arith.constant 0 : i32
        %dma_wait3A_212 = tpu.memref_slice %arg9[%multiple_of3A, %dma_wait3A_211] : memref<10000x128xf32, #tpu.memory_space<vmem_shared>> -> memref<640x128xf32, #tpu.memory_space<vmem_shared>>
        tpu.wait_dma2 semaphore(%run_scoped3A : memref<!tpu.dma_semaphore, #tpu.memory_space<semaphore_mem>>) src(%dma_wait3A_212 : memref<640x128xf32, #tpu.memory_space<vmem_shared>>) dst(%dma_wait3A_210 : memref<640x128xf32, #tpu.memory_space<hbm>>)
        tpu.yield
      }) : () -> ()
    } else {
    }
    %eq3A_200 = arith.constant 1 : i32
    %eq3A_201 = arith.cmpi eq, %arg0, %eq3A_200 : i32
    %convert_element_type3A_202 = arith.extui %eq3A_201 : i1 to i32
    %cond3A_203 = arith.constant 0 : i32
    %cond3A_204 = arith.cmpi ne, %convert_element_type3A_202, %cond3A_203 : i32
    scf.if %cond3A_204 {
      "tpu.region"() ({
        %run_scoped3A = tpu.sem_alloc : memref<!tpu.dma_semaphore, #tpu.memory_space<semaphore_mem>>
        %dma_start3A_205 = arith.constant 0 : i32
        %dma_start3A_206 = tpu.memref_slice %arg6[%multiple_of3A, %dma_start3A_205] : memref<10000x128xf32, #tpu.memory_space<hbm>> -> memref<640x128xf32, #tpu.memory_space<hbm>>
        %dma_start3A_207 = arith.constant 0 : i32
        %dma_start3A_208 = tpu.memref_slice %arg9[%multiple_of3A, %dma_start3A_207] : memref<10000x128xf32, #tpu.memory_space<vmem_shared>> -> memref<640x128xf32, #tpu.memory_space<vmem_shared>>
        tpu.enqueue_dma source(%dma_start3A_208 : memref<640x128xf32, #tpu.memory_space<vmem_shared>>) target(%dma_start3A_206 : memref<640x128xf32, #tpu.memory_space<hbm>>) target_semaphore(%run_scoped3A : memref<!tpu.dma_semaphore, #tpu.memory_space<semaphore_mem>>)
        %dma_wait3A_209 = arith.constant 0 : i32
        %dma_wait3A_210 = tpu.memref_slice %arg6[%multiple_of3A, %dma_wait3A_209] : memref<10000x128xf32, #tpu.memory_space<hbm>> -> memref<640x128xf32, #tpu.memory_space<hbm>>
        %dma_wait3A_211 = arith.constant 0 : i32
        %dma_wait3A_212 = tpu.memref_slice %arg9[%multiple_of3A, %dma_wait3A_211] : memref<10000x128xf32, #tpu.memory_space<vmem_shared>> -> memref<640x128xf32, #tpu.memory_space<vmem_shared>>
        tpu.wait_dma2 semaphore(%run_scoped3A : memref<!tpu.dma_semaphore, #tpu.memory_space<semaphore_mem>>) src(%dma_wait3A_212 : memref<640x128xf32, #tpu.memory_space<vmem_shared>>) dst(%dma_wait3A_210 : memref<640x128xf32, #tpu.memory_space<hbm>>)
        tpu.yield
      }) : () -> ()
    } else {
    }
    return
  }
}

#map = affine_map<(d0, d1) -> (0, 0, 0)>
#map1 = affine_map<(d0, d1) -> (0)>
module attributes {stable_mosaic.version = 14 : i64} {
  func.func @_sc_deg_body(%arg0: i32, %arg1: i32, %arg2: memref<2500x2x128xi32, #tpu.memory_space<hbm>>, %arg3: memref<10240xf32, #tpu.memory_space<hbm>>, %arg4: memref<10240xf32, #tpu.memory_space<hbm>>, %arg5: memref<10240xf32, #tpu.memory_space<hbm>>, %arg6: memref<2x4x2x128xi32, #tpu.memory_space<vmem>>, %arg7: memref<128xf32, #tpu.memory_space<vmem>>, %arg8: memref<10240xf32, #tpu.memory_space<vmem_shared>>, %arg9: memref<!tpu.dma_semaphore, #tpu.memory_space<semaphore_mem>>, %arg10: memref<!tpu.dma_semaphore, #tpu.memory_space<semaphore_mem>>, %arg11: memref<!tpu.dma_semaphore, #tpu.memory_space<semaphore_mem>>) attributes {dimension_semantics = [#tpu.dimension_semantics<core_parallel>, #tpu.dimension_semantics<subcore_parallel>], iteration_bounds = array<i64: 2, 16>, scalar_prefetch = 0 : i64, scratch_operands = 6 : i64, tpu.core_type = #tpu.core_type<sc_vector_subcore>, window_params = [{transform_indices = #map}, {transform_indices = #map1}, {transform_indices = #map1}, {transform_indices = #map1}]} {
    %mul3A = arith.constant 2 : i32
    %mul3A_0 = arith.muli %arg1, %mul3A : i32
    %add3A = arith.addi %mul3A_0, %arg0 : i32
    %broadcast_in_dim3A = arith.constant 1.000000e+00 : f32
    %broadcast_in_dim3A_1 = vector.broadcast %broadcast_in_dim3A : f32 to vector<16xf32>
    %swap3A = arith.constant 0 : index
    %swap3A_2 = tpu.vector_load %arg7[%swap3A] {strides = array<i32>} : memref<128xf32, #tpu.memory_space<vmem>>, vector<16xf32>,
    %swap3A_3 = vector.shape_cast %swap3A_2 : vector<16xf32> to vector<16xf32>
    %swap3A_4 = vector.shape_cast %broadcast_in_dim3A_1 : vector<16xf32> to vector<16xf32>
    tpu.vector_store %arg7[%swap3A], %swap3A_4 {strides = array<i32>} : memref<128xf32, #tpu.memory_space<vmem>>, vector<16xf32>,
    %broadcast_in_dim3A_5 = arith.constant 1.000000e+00 : f32
    %broadcast_in_dim3A_6 = vector.broadcast %broadcast_in_dim3A_5 : f32 to vector<16xf32>
    %swap3A_7 = arith.constant 16 : index
    %swap3A_8 = tpu.vector_load %arg7[%swap3A_7] {strides = array<i32>} : memref<128xf32, #tpu.memory_space<vmem>>, vector<16xf32>,
    %swap3A_9 = vector.shape_cast %swap3A_8 : vector<16xf32> to vector<16xf32>
    %swap3A_10 = vector.shape_cast %broadcast_in_dim3A_6 : vector<16xf32> to vector<16xf32>
    tpu.vector_store %arg7[%swap3A_7], %swap3A_10 {strides = array<i32>} : memref<128xf32, #tpu.memory_space<vmem>>, vector<16xf32>,
    %broadcast_in_dim3A_11 = arith.constant 1.000000e+00 : f32
    %broadcast_in_dim3A_12 = vector.broadcast %broadcast_in_dim3A_11 : f32 to vector<16xf32>
    %swap3A_13 = arith.constant 32 : index
    %swap3A_14 = tpu.vector_load %arg7[%swap3A_13] {strides = array<i32>} : memref<128xf32, #tpu.memory_space<vmem>>, vector<16xf32>,
    %swap3A_15 = vector.shape_cast %swap3A_14 : vector<16xf32> to vector<16xf32>
    %swap3A_16 = vector.shape_cast %broadcast_in_dim3A_12 : vector<16xf32> to vector<16xf32>
    tpu.vector_store %arg7[%swap3A_13], %swap3A_16 {strides = array<i32>} : memref<128xf32, #tpu.memory_space<vmem>>, vector<16xf32>,
    %broadcast_in_dim3A_17 = arith.constant 1.000000e+00 : f32
    %broadcast_in_dim3A_18 = vector.broadcast %broadcast_in_dim3A_17 : f32 to vector<16xf32>
    %swap3A_19 = arith.constant 48 : index
    %swap3A_20 = tpu.vector_load %arg7[%swap3A_19] {strides = array<i32>} : memref<128xf32, #tpu.memory_space<vmem>>, vector<16xf32>,
    %swap3A_21 = vector.shape_cast %swap3A_20 : vector<16xf32> to vector<16xf32>
    %swap3A_22 = vector.shape_cast %broadcast_in_dim3A_18 : vector<16xf32> to vector<16xf32>
    tpu.vector_store %arg7[%swap3A_19], %swap3A_22 {strides = array<i32>} : memref<128xf32, #tpu.memory_space<vmem>>, vector<16xf32>,
    %broadcast_in_dim3A_23 = arith.constant 1.000000e+00 : f32
    %broadcast_in_dim3A_24 = vector.broadcast %broadcast_in_dim3A_23 : f32 to vector<16xf32>
    %swap3A_25 = arith.constant 64 : index
    %swap3A_26 = tpu.vector_load %arg7[%swap3A_25] {strides = array<i32>} : memref<128xf32, #tpu.memory_space<vmem>>, vector<16xf32>,
    %swap3A_27 = vector.shape_cast %swap3A_26 : vector<16xf32> to vector<16xf32>
    %swap3A_28 = vector.shape_cast %broadcast_in_dim3A_24 : vector<16xf32> to vector<16xf32>
    tpu.vector_store %arg7[%swap3A_25], %swap3A_28 {strides = array<i32>} : memref<128xf32, #tpu.memory_space<vmem>>, vector<16xf32>,
    %broadcast_in_dim3A_29 = arith.constant 1.000000e+00 : f32
    %broadcast_in_dim3A_30 = vector.broadcast %broadcast_in_dim3A_29 : f32 to vector<16xf32>
    %swap3A_31 = arith.constant 80 : index
    %swap3A_32 = tpu.vector_load %arg7[%swap3A_31] {strides = array<i32>} : memref<128xf32, #tpu.memory_space<vmem>>, vector<16xf32>,
    %swap3A_33 = vector.shape_cast %swap3A_32 : vector<16xf32> to vector<16xf32>
    %swap3A_34 = vector.shape_cast %broadcast_in_dim3A_30 : vector<16xf32> to vector<16xf32>
    tpu.vector_store %arg7[%swap3A_31], %swap3A_34 {strides = array<i32>} : memref<128xf32, #tpu.memory_space<vmem>>, vector<16xf32>,
    %broadcast_in_dim3A_35 = arith.constant 1.000000e+00 : f32
    %broadcast_in_dim3A_36 = vector.broadcast %broadcast_in_dim3A_35 : f32 to vector<16xf32>
    %swap3A_37 = arith.constant 96 : index
    %swap3A_38 = tpu.vector_load %arg7[%swap3A_37] {strides = array<i32>} : memref<128xf32, #tpu.memory_space<vmem>>, vector<16xf32>,
    %swap3A_39 = vector.shape_cast %swap3A_38 : vector<16xf32> to vector<16xf32>
    %swap3A_40 = vector.shape_cast %broadcast_in_dim3A_36 : vector<16xf32> to vector<16xf32>
    tpu.vector_store %arg7[%swap3A_37], %swap3A_40 {strides = array<i32>} : memref<128xf32, #tpu.memory_space<vmem>>, vector<16xf32>,
    %broadcast_in_dim3A_41 = arith.constant 1.000000e+00 : f32
    %broadcast_in_dim3A_42 = vector.broadcast %broadcast_in_dim3A_41 : f32 to vector<16xf32>
    %swap3A_43 = arith.constant 112 : index
    %swap3A_44 = tpu.vector_load %arg7[%swap3A_43] {strides = array<i32>} : memref<128xf32, #tpu.memory_space<vmem>>, vector<16xf32>,
    %swap3A_45 = vector.shape_cast %swap3A_44 : vector<16xf32> to vector<16xf32>
    %swap3A_46 = vector.shape_cast %broadcast_in_dim3A_42 : vector<16xf32> to vector<16xf32>
    tpu.vector_store %arg7[%swap3A_43], %swap3A_46 {strides = array<i32>} : memref<128xf32, #tpu.memory_space<vmem>>, vector<16xf32>,
    %mul3A_47 = arith.constant 640 : i32
    %mul3A_48 = arith.muli %arg1, %mul3A_47 : i32
    %multiple_of3A = tpu.assume_multiple %mul3A_48, 640 : i32
    %lt3A = arith.constant 17 : i32
    %lt3A_49 = arith.cmpi slt, %add3A, %lt3A : i32
    %jit3A = arith.constant 1 : i32
    %jit3A_50 = arith.constant 0 : i32
    %select_n3A = arith.select %lt3A_49, %jit3A, %jit3A_50 : i32
    %add3A_51 = arith.constant 19 : i32
    %add3A_52 = arith.addi %add3A_51, %select_n3A : i32
    %dma_start3A = tpu.memref_slice %arg8[%multiple_of3A] : memref<10240xf32, #tpu.memory_space<vmem_shared>> -> memref<640xf32, #tpu.memory_space<vmem_shared>>
    %dma_start3A_53 = tpu.memref_slice %arg3[%multiple_of3A] : memref<10240xf32, #tpu.memory_space<hbm>> -> memref<640xf32, #tpu.memory_space<hbm>>
    tpu.enqueue_dma source(%dma_start3A_53 : memref<640xf32, #tpu.memory_space<hbm>>) target(%dma_start3A : memref<640xf32, #tpu.memory_space<vmem_shared>>) target_semaphore(%arg11 : memref<!tpu.dma_semaphore, #tpu.memory_space<semaphore_mem>>)
    %add3A_54 = arith.constant 0 : i32
    %add3A_55 = arith.addi %add3A, %add3A_54 : i32
    %mul3A_56 = arith.constant 4 : i32
    %mul3A_57 = arith.muli %add3A_55, %mul3A_56 : i32
    %rem3A = arith.constant 0 : i32
    %rem3A_58 = arith.constant 2 : i32
    %rem3A_59 = arith.remsi %rem3A, %rem3A_58 : i32
    %dma_start3A_60 = arith.constant 0 : i32
    %dma_start3A_61 = arith.constant 0 : i32
    %dma_start3A_62 = arith.constant 0 : i32
    %dma_start3A_63 = tpu.memref_slice %arg6[%rem3A_59, %dma_start3A_60, %dma_start3A_61, %dma_start3A_62] : memref<2x4x2x128xi32, #tpu.memory_space<vmem>> -> memref<1x4x2x128xi32, #tpu.memory_space<vmem>>
    %dma_start3A_64 = tpu.memref_squeeze %dma_start3A_63 : memref<1x4x2x128xi32, #tpu.memory_space<vmem>> -> memref<4x2x128xi32, #tpu.memory_space<vmem>>
    %dma_start3A_65 = arith.constant 0 : i32
    %dma_start3A_66 = arith.constant 0 : i32
    %dma_start3A_67 = tpu.memref_slice %arg2[%mul3A_57, %dma_start3A_65, %dma_start3A_66] : memref<2500x2x128xi32, #tpu.memory_space<hbm>> -> memref<4x2x128xi32, #tpu.memory_space<hbm>>
    %dma_start3A_68 = arith.constant 0 : i32
    %dma_start3A_69 = arith.constant 0 : i32
    %dma_start3A_70 = arith.constant 0 : i32
    %dma_start3A_71 = tpu.memref_slice %arg6[%rem3A_59, %dma_start3A_68, %dma_start3A_69, %dma_start3A_70] : memref<2x4x2x128xi32, #tpu.memory_space<vmem>> -> memref<1x4x2x128xi32, #tpu.memory_space<vmem>>
    %dma_start3A_72 = tpu.memref_squeeze %dma_start3A_71 : memref<1x4x2x128xi32, #tpu.memory_space<vmem>> -> memref<4x2x128xi32, #tpu.memory_space<vmem>>
    %dma_start3A_73 = arith.constant 0 : i32
    %dma_start3A_74 = arith.constant 0 : i32
    %dma_start3A_75 = tpu.memref_slice %arg2[%mul3A_57, %dma_start3A_73, %dma_start3A_74] : memref<2500x2x128xi32, #tpu.memory_space<hbm>> -> memref<4x2x128xi32, #tpu.memory_space<hbm>>
    tpu.enqueue_dma source(%dma_start3A_75 : memref<4x2x128xi32, #tpu.memory_space<hbm>>) target(%dma_start3A_72 : memref<4x2x128xi32, #tpu.memory_space<vmem>>) target_semaphore(%arg9 : memref<!tpu.dma_semaphore, #tpu.memory_space<semaphore_mem>>)
    %dma_wait3A = tpu.memref_slice %arg8[%multiple_of3A] : memref<10240xf32, #tpu.memory_space<vmem_shared>> -> memref<640xf32, #tpu.memory_space<vmem_shared>>
    %dma_wait3A_76 = tpu.memref_slice %arg3[%multiple_of3A] : memref<10240xf32, #tpu.memory_space<hbm>> -> memref<640xf32, #tpu.memory_space<hbm>>
    tpu.wait_dma2 semaphore(%arg11 : memref<!tpu.dma_semaphore, #tpu.memory_space<semaphore_mem>>) src(%dma_wait3A_76 : memref<640xf32, #tpu.memory_space<hbm>>) dst(%dma_wait3A : memref<640xf32, #tpu.memory_space<vmem_shared>>)
    %barrier3A = arith.constant 0 : index
    tpu.barrier barrier_id(%barrier3A)
    %while3A = arith.constant 0 : i32
    %while3A_77 = arith.constant 0 : i32
    %while3A_78 = arith.subi %add3A_52, %while3A_77 : i32
    %while3A_79 = arith.addi %while3A_77, %while3A_78 : i32
    %while3A_80 = arith.constant 1 : i32
    %while3A_81 = arith.divsi %while3A_78, %while3A_80 : i32
    %while3A_82 = arith.muli %while3A_81, %while3A_80 : i32
    %while3A_83 = arith.addi %while3A_77, %while3A_82 : i32
    %while3A_84 = arith.constant 1 : i32
    scf.for %while3A_137 = %while3A_77 to %while3A_83 step %while3A_84  : i32 {
      %ge3A = arith.constant 1 : i32
      %ge3A_138 = arith.cmpi sge, %while3A_137, %ge3A : i32
      %convert_element_type3A_139 = arith.extui %ge3A_138 : i1 to i32
      %cond3A_140 = arith.constant 0 : i32
      %cond3A_141 = arith.cmpi ne, %convert_element_type3A_139, %cond3A_140 : i32
      scf.if %cond3A_141 {
        %sub3A_207 = arith.constant 1 : i32
        %sub3A_208 = arith.subi %while3A_137, %sub3A_207 : i32
        %rem3A_209 = arith.constant 2 : i32
        %rem3A_210 = arith.remsi %sub3A_208, %rem3A_209 : i32
        %dma_wait3A_211 = arith.constant 0 : i32
        %dma_wait3A_212 = arith.constant 1 : i32
        %dma_wait3A_213 = arith.constant 0 : i32
        %dma_wait3A_214 = tpu.memref_slice %arg6[%rem3A_210, %dma_wait3A_211, %dma_wait3A_212, %dma_wait3A_213] : memref<2x4x2x128xi32, #tpu.memory_space<vmem>> -> memref<1x1x1x128xi32, #tpu.memory_space<vmem>>
        %dma_wait3A_215 = tpu.memref_squeeze %dma_wait3A_214 : memref<1x1x1x128xi32, #tpu.memory_space<vmem>> -> memref<128xi32, #tpu.memory_space<vmem>>
        %dma_wait3A_216 = arith.constant 0 : i32
        %dma_wait3A_217 = tpu.memref_slice %arg8[%dma_wait3A_216] : memref<10240xf32, #tpu.memory_space<vmem_shared>> -> memref<10240xf32, #tpu.memory_space<vmem_shared>>
        tpu.wait_indirect_dma semaphore(%arg10 : memref<!tpu.dma_semaphore, #tpu.memory_space<semaphore_mem>>) src(%arg7 : memref<128xf32, #tpu.memory_space<vmem>>) dst(%dma_wait3A_217 : memref<10240xf32, #tpu.memory_space<vmem_shared>>)
        %sub3A_218 = arith.constant 1 : i32
        %sub3A_219 = arith.subi %while3A_137, %sub3A_218 : i32
        %rem3A_220 = arith.constant 2 : i32
        %rem3A_221 = arith.remsi %sub3A_219, %rem3A_220 : i32
        %dma_wait3A_222 = arith.constant 1 : i32
        %dma_wait3A_223 = arith.constant 1 : i32
        %dma_wait3A_224 = arith.constant 0 : i32
        %dma_wait3A_225 = tpu.memref_slice %arg6[%rem3A_221, %dma_wait3A_222, %dma_wait3A_223, %dma_wait3A_224] : memref<2x4x2x128xi32, #tpu.memory_space<vmem>> -> memref<1x1x1x128xi32, #tpu.memory_space<vmem>>
        %dma_wait3A_226 = tpu.memref_squeeze %dma_wait3A_225 : memref<1x1x1x128xi32, #tpu.memory_space<vmem>> -> memref<128xi32, #tpu.memory_space<vmem>>
        %dma_wait3A_227 = arith.constant 0 : i32
        %dma_wait3A_228 = tpu.memref_slice %arg8[%dma_wait3A_227] : memref<10240xf32, #tpu.memory_space<vmem_shared>> -> memref<10240xf32, #tpu.memory_space<vmem_shared>>
        tpu.wait_indirect_dma semaphore(%arg10 : memref<!tpu.dma_semaphore, #tpu.memory_space<semaphore_mem>>) src(%arg7 : memref<128xf32, #tpu.memory_space<vmem>>) dst(%dma_wait3A_228 : memref<10240xf32, #tpu.memory_space<vmem_shared>>)
        %sub3A_229 = arith.constant 1 : i32
        %sub3A_230 = arith.subi %while3A_137, %sub3A_229 : i32
        %rem3A_231 = arith.constant 2 : i32
        %rem3A_232 = arith.remsi %sub3A_230, %rem3A_231 : i32
        %dma_wait3A_233 = arith.constant 2 : i32
        %dma_wait3A_234 = arith.constant 1 : i32
        %dma_wait3A_235 = arith.constant 0 : i32
        %dma_wait3A_236 = tpu.memref_slice %arg6[%rem3A_232, %dma_wait3A_233, %dma_wait3A_234, %dma_wait3A_235] : memref<2x4x2x128xi32, #tpu.memory_space<vmem>> -> memref<1x1x1x128xi32, #tpu.memory_space<vmem>>
        %dma_wait3A_237 = tpu.memref_squeeze %dma_wait3A_236 : memref<1x1x1x128xi32, #tpu.memory_space<vmem>> -> memref<128xi32, #tpu.memory_space<vmem>>
        %dma_wait3A_238 = arith.constant 0 : i32
        %dma_wait3A_239 = tpu.memref_slice %arg8[%dma_wait3A_238] : memref<10240xf32, #tpu.memory_space<vmem_shared>> -> memref<10240xf32, #tpu.memory_space<vmem_shared>>
        tpu.wait_indirect_dma semaphore(%arg10 : memref<!tpu.dma_semaphore, #tpu.memory_space<semaphore_mem>>) src(%arg7 : memref<128xf32, #tpu.memory_space<vmem>>) dst(%dma_wait3A_239 : memref<10240xf32, #tpu.memory_space<vmem_shared>>)
        %sub3A_240 = arith.constant 1 : i32
        %sub3A_241 = arith.subi %while3A_137, %sub3A_240 : i32
        %rem3A_242 = arith.constant 2 : i32
        %rem3A_243 = arith.remsi %sub3A_241, %rem3A_242 : i32
        %dma_wait3A_244 = arith.constant 3 : i32
        %dma_wait3A_245 = arith.constant 1 : i32
        %dma_wait3A_246 = arith.constant 0 : i32
        %dma_wait3A_247 = tpu.memref_slice %arg6[%rem3A_243, %dma_wait3A_244, %dma_wait3A_245, %dma_wait3A_246] : memref<2x4x2x128xi32, #tpu.memory_space<vmem>> -> memref<1x1x1x128xi32, #tpu.memory_space<vmem>>
        %dma_wait3A_248 = tpu.memref_squeeze %dma_wait3A_247 : memref<1x1x1x128xi32, #tpu.memory_space<vmem>> -> memref<128xi32, #tpu.memory_space<vmem>>
        %dma_wait3A_249 = arith.constant 0 : i32
        %dma_wait3A_250 = tpu.memref_slice %arg8[%dma_wait3A_249] : memref<10240xf32, #tpu.memory_space<vmem_shared>> -> memref<10240xf32, #tpu.memory_space<vmem_shared>>
        tpu.wait_indirect_dma semaphore(%arg10 : memref<!tpu.dma_semaphore, #tpu.memory_space<semaphore_mem>>) src(%arg7 : memref<128xf32, #tpu.memory_space<vmem>>) dst(%dma_wait3A_250 : memref<10240xf32, #tpu.memory_space<vmem_shared>>)
      } else {
      }
      %add3A_142 = arith.constant 1 : i32
      %add3A_143 = arith.addi %while3A_137, %add3A_142 : i32
      %lt3A_144 = arith.cmpi slt, %add3A_143, %add3A_52 : i32
      %convert_element_type3A_145 = arith.extui %lt3A_144 : i1 to i32
      %cond3A_146 = arith.constant 0 : i32
      %cond3A_147 = arith.cmpi ne, %convert_element_type3A_145, %cond3A_146 : i32
      scf.if %cond3A_147 {
        %add3A_207 = arith.constant 1 : i32
        %add3A_208 = arith.addi %while3A_137, %add3A_207 : i32
        %mul3A_209 = arith.constant 32 : i32
        %mul3A_210 = arith.muli %mul3A_209, %add3A_208 : i32
        %add3A_211 = arith.addi %add3A, %mul3A_210 : i32
        %mul3A_212 = arith.constant 4 : i32
        %mul3A_213 = arith.muli %add3A_211, %mul3A_212 : i32
        %rem3A_214 = arith.constant 2 : i32
        %rem3A_215 = arith.remsi %add3A_208, %rem3A_214 : i32
        %dma_start3A_216 = arith.constant 0 : i32
        %dma_start3A_217 = arith.constant 0 : i32
        %dma_start3A_218 = arith.constant 0 : i32
        %dma_start3A_219 = tpu.memref_slice %arg6[%rem3A_215, %dma_start3A_216, %dma_start3A_217, %dma_start3A_218] : memref<2x4x2x128xi32, #tpu.memory_space<vmem>> -> memref<1x4x2x128xi32, #tpu.memory_space<vmem>>
        %dma_start3A_220 = tpu.memref_squeeze %dma_start3A_219 : memref<1x4x2x128xi32, #tpu.memory_space<vmem>> -> memref<4x2x128xi32, #tpu.memory_space<vmem>>
        %dma_start3A_221 = arith.constant 0 : i32
        %dma_start3A_222 = arith.constant 0 : i32
        %dma_start3A_223 = tpu.memref_slice %arg2[%mul3A_213, %dma_start3A_221, %dma_start3A_222] : memref<2500x2x128xi32, #tpu.memory_space<hbm>> -> memref<4x2x128xi32, #tpu.memory_space<hbm>>
        %dma_start3A_224 = arith.constant 0 : i32
        %dma_start3A_225 = arith.constant 0 : i32
        %dma_start3A_226 = arith.constant 0 : i32
        %dma_start3A_227 = tpu.memref_slice %arg6[%rem3A_215, %dma_start3A_224, %dma_start3A_225, %dma_start3A_226] : memref<2x4x2x128xi32, #tpu.memory_space<vmem>> -> memref<1x4x2x128xi32, #tpu.memory_space<vmem>>
        %dma_start3A_228 = tpu.memref_squeeze %dma_start3A_227 : memref<1x4x2x128xi32, #tpu.memory_space<vmem>> -> memref<4x2x128xi32, #tpu.memory_space<vmem>>
        %dma_start3A_229 = arith.constant 0 : i32
        %dma_start3A_230 = arith.constant 0 : i32
        %dma_start3A_231 = tpu.memref_slice %arg2[%mul3A_213, %dma_start3A_229, %dma_start3A_230] : memref<2500x2x128xi32, #tpu.memory_space<hbm>> -> memref<4x2x128xi32, #tpu.memory_space<hbm>>
        tpu.enqueue_dma source(%dma_start3A_231 : memref<4x2x128xi32, #tpu.memory_space<hbm>>) target(%dma_start3A_228 : memref<4x2x128xi32, #tpu.memory_space<vmem>>) target_semaphore(%arg9 : memref<!tpu.dma_semaphore, #tpu.memory_space<semaphore_mem>>)
      } else {
      }
      %mul3A_148 = arith.constant 32 : i32
      %mul3A_149 = arith.muli %mul3A_148, %while3A_137 : i32
      %add3A_150 = arith.addi %add3A, %mul3A_149 : i32
      %mul3A_151 = arith.constant 4 : i32
      %mul3A_152 = arith.muli %add3A_150, %mul3A_151 : i32
      %rem3A_153 = arith.constant 2 : i32
      %rem3A_154 = arith.remsi %while3A_137, %rem3A_153 : i32
      %dma_wait3A_155 = arith.constant 0 : i32
      %dma_wait3A_156 = arith.constant 0 : i32
      %dma_wait3A_157 = arith.constant 0 : i32
      %dma_wait3A_158 = tpu.memref_slice %arg6[%rem3A_154, %dma_wait3A_155, %dma_wait3A_156, %dma_wait3A_157] : memref<2x4x2x128xi32, #tpu.memory_space<vmem>> -> memref<1x4x2x128xi32, #tpu.memory_space<vmem>>
      %dma_wait3A_159 = tpu.memref_squeeze %dma_wait3A_158 : memref<1x4x2x128xi32, #tpu.memory_space<vmem>> -> memref<4x2x128xi32, #tpu.memory_space<vmem>>
      %dma_wait3A_160 = arith.constant 0 : i32
      %dma_wait3A_161 = arith.constant 0 : i32
      %dma_wait3A_162 = tpu.memref_slice %arg2[%mul3A_152, %dma_wait3A_160, %dma_wait3A_161] : memref<2500x2x128xi32, #tpu.memory_space<hbm>> -> memref<4x2x128xi32, #tpu.memory_space<hbm>>
      %dma_wait3A_163 = arith.constant 0 : i32
      %dma_wait3A_164 = arith.constant 0 : i32
      %dma_wait3A_165 = arith.constant 0 : i32
      %dma_wait3A_166 = tpu.memref_slice %arg6[%rem3A_154, %dma_wait3A_163, %dma_wait3A_164, %dma_wait3A_165] : memref<2x4x2x128xi32, #tpu.memory_space<vmem>> -> memref<1x4x2x128xi32, #tpu.memory_space<vmem>>
      %dma_wait3A_167 = tpu.memref_squeeze %dma_wait3A_166 : memref<1x4x2x128xi32, #tpu.memory_space<vmem>> -> memref<4x2x128xi32, #tpu.memory_space<vmem>>
      %dma_wait3A_168 = arith.constant 0 : i32
      %dma_wait3A_169 = arith.constant 0 : i32
      %dma_wait3A_170 = tpu.memref_slice %arg2[%mul3A_152, %dma_wait3A_168, %dma_wait3A_169] : memref<2500x2x128xi32, #tpu.memory_space<hbm>> -> memref<4x2x128xi32, #tpu.memory_space<hbm>>
      tpu.wait_dma2 semaphore(%arg9 : memref<!tpu.dma_semaphore, #tpu.memory_space<semaphore_mem>>) src(%dma_wait3A_170 : memref<4x2x128xi32, #tpu.memory_space<hbm>>) dst(%dma_wait3A_167 : memref<4x2x128xi32, #tpu.memory_space<vmem>>)
      %rem3A_171 = arith.constant 2 : i32
      %rem3A_172 = arith.remsi %while3A_137, %rem3A_171 : i32
      %dma_start3A_173 = arith.constant 0 : i32
      %dma_start3A_174 = arith.constant 1 : i32
      %dma_start3A_175 = arith.constant 0 : i32
      %dma_start3A_176 = tpu.memref_slice %arg6[%rem3A_172, %dma_start3A_173, %dma_start3A_174, %dma_start3A_175] : memref<2x4x2x128xi32, #tpu.memory_space<vmem>> -> memref<1x1x1x128xi32, #tpu.memory_space<vmem>>
      %dma_start3A_177 = tpu.memref_squeeze %dma_start3A_176 : memref<1x1x1x128xi32, #tpu.memory_space<vmem>> -> memref<128xi32, #tpu.memory_space<vmem>>
      %dma_start3A_178 = arith.constant 0 : i32
      %dma_start3A_179 = tpu.memref_slice %arg8[%dma_start3A_178] : memref<10240xf32, #tpu.memory_space<vmem_shared>> -> memref<10240xf32, #tpu.memory_space<vmem_shared>>
      tpu.enqueue_indirect_dma source(%arg7 : memref<128xf32, #tpu.memory_space<vmem>>) target(%dma_start3A_179 : memref<10240xf32, #tpu.memory_space<vmem_shared>>) offsets(%dma_start3A_177 : memref<128xi32, #tpu.memory_space<vmem>>) semaphore(%arg10 : memref<!tpu.dma_semaphore, #tpu.memory_space<semaphore_mem>>) {add = true}
      %rem3A_180 = arith.constant 2 : i32
      %rem3A_181 = arith.remsi %while3A_137, %rem3A_180 : i32
      %dma_start3A_182 = arith.constant 1 : i32
      %dma_start3A_183 = arith.constant 1 : i32
      %dma_start3A_184 = arith.constant 0 : i32
      %dma_start3A_185 = tpu.memref_slice %arg6[%rem3A_181, %dma_start3A_182, %dma_start3A_183, %dma_start3A_184] : memref<2x4x2x128xi32, #tpu.memory_space<vmem>> -> memref<1x1x1x128xi32, #tpu.memory_space<vmem>>
      %dma_start3A_186 = tpu.memref_squeeze %dma_start3A_185 : memref<1x1x1x128xi32, #tpu.memory_space<vmem>> -> memref<128xi32, #tpu.memory_space<vmem>>
      %dma_start3A_187 = arith.constant 0 : i32
      %dma_start3A_188 = tpu.memref_slice %arg8[%dma_start3A_187] : memref<10240xf32, #tpu.memory_space<vmem_shared>> -> memref<10240xf32, #tpu.memory_space<vmem_shared>>
      tpu.enqueue_indirect_dma source(%arg7 : memref<128xf32, #tpu.memory_space<vmem>>) target(%dma_start3A_188 : memref<10240xf32, #tpu.memory_space<vmem_shared>>) offsets(%dma_start3A_186 : memref<128xi32, #tpu.memory_space<vmem>>) semaphore(%arg10 : memref<!tpu.dma_semaphore, #tpu.memory_space<semaphore_mem>>) {add = true}
      %rem3A_189 = arith.constant 2 : i32
      %rem3A_190 = arith.remsi %while3A_137, %rem3A_189 : i32
      %dma_start3A_191 = arith.constant 2 : i32
      %dma_start3A_192 = arith.constant 1 : i32
      %dma_start3A_193 = arith.constant 0 : i32
      %dma_start3A_194 = tpu.memref_slice %arg6[%rem3A_190, %dma_start3A_191, %dma_start3A_192, %dma_start3A_193] : memref<2x4x2x128xi32, #tpu.memory_space<vmem>> -> memref<1x1x1x128xi32, #tpu.memory_space<vmem>>
      %dma_start3A_195 = tpu.memref_squeeze %dma_start3A_194 : memref<1x1x1x128xi32, #tpu.memory_space<vmem>> -> memref<128xi32, #tpu.memory_space<vmem>>
      %dma_start3A_196 = arith.constant 0 : i32
      %dma_start3A_197 = tpu.memref_slice %arg8[%dma_start3A_196] : memref<10240xf32, #tpu.memory_space<vmem_shared>> -> memref<10240xf32, #tpu.memory_space<vmem_shared>>
      tpu.enqueue_indirect_dma source(%arg7 : memref<128xf32, #tpu.memory_space<vmem>>) target(%dma_start3A_197 : memref<10240xf32, #tpu.memory_space<vmem_shared>>) offsets(%dma_start3A_195 : memref<128xi32, #tpu.memory_space<vmem>>) semaphore(%arg10 : memref<!tpu.dma_semaphore, #tpu.memory_space<semaphore_mem>>) {add = true}
      %rem3A_198 = arith.constant 2 : i32
      %rem3A_199 = arith.remsi %while3A_137, %rem3A_198 : i32
      %dma_start3A_200 = arith.constant 3 : i32
      %dma_start3A_201 = arith.constant 1 : i32
      %dma_start3A_202 = arith.constant 0 : i32
      %dma_start3A_203 = tpu.memref_slice %arg6[%rem3A_199, %dma_start3A_200, %dma_start3A_201, %dma_start3A_202] : memref<2x4x2x128xi32, #tpu.memory_space<vmem>> -> memref<1x1x1x128xi32, #tpu.memory_space<vmem>>
      %dma_start3A_204 = tpu.memref_squeeze %dma_start3A_203 : memref<1x1x1x128xi32, #tpu.memory_space<vmem>> -> memref<128xi32, #tpu.memory_space<vmem>>
      %dma_start3A_205 = arith.constant 0 : i32
      %dma_start3A_206 = tpu.memref_slice %arg8[%dma_start3A_205] : memref<10240xf32, #tpu.memory_space<vmem_shared>> -> memref<10240xf32, #tpu.memory_space<vmem_shared>>
      tpu.enqueue_indirect_dma source(%arg7 : memref<128xf32, #tpu.memory_space<vmem>>) target(%dma_start3A_206 : memref<10240xf32, #tpu.memory_space<vmem_shared>>) offsets(%dma_start3A_204 : memref<128xi32, #tpu.memory_space<vmem>>) semaphore(%arg10 : memref<!tpu.dma_semaphore, #tpu.memory_space<semaphore_mem>>) {add = true}
    }
    %while3A_85 = arith.constant 1 : i32
    scf.for %while3A_137 = %while3A_83 to %while3A_79 step %while3A_85  : i32 {
      %ge3A = arith.constant 1 : i32
      %ge3A_138 = arith.cmpi sge, %while3A_137, %ge3A : i32
      %convert_element_type3A_139 = arith.extui %ge3A_138 : i1 to i32
      %cond3A_140 = arith.constant 0 : i32
      %cond3A_141 = arith.cmpi ne, %convert_element_type3A_139, %cond3A_140 : i32
      scf.if %cond3A_141 {
        %sub3A_207 = arith.constant 1 : i32
        %sub3A_208 = arith.subi %while3A_137, %sub3A_207 : i32
        %rem3A_209 = arith.constant 2 : i32
        %rem3A_210 = arith.remsi %sub3A_208, %rem3A_209 : i32
        %dma_wait3A_211 = arith.constant 0 : i32
        %dma_wait3A_212 = arith.constant 1 : i32
        %dma_wait3A_213 = arith.constant 0 : i32
        %dma_wait3A_214 = tpu.memref_slice %arg6[%rem3A_210, %dma_wait3A_211, %dma_wait3A_212, %dma_wait3A_213] : memref<2x4x2x128xi32, #tpu.memory_space<vmem>> -> memref<1x1x1x128xi32, #tpu.memory_space<vmem>>
        %dma_wait3A_215 = tpu.memref_squeeze %dma_wait3A_214 : memref<1x1x1x128xi32, #tpu.memory_space<vmem>> -> memref<128xi32, #tpu.memory_space<vmem>>
        %dma_wait3A_216 = arith.constant 0 : i32
        %dma_wait3A_217 = tpu.memref_slice %arg8[%dma_wait3A_216] : memref<10240xf32, #tpu.memory_space<vmem_shared>> -> memref<10240xf32, #tpu.memory_space<vmem_shared>>
        tpu.wait_indirect_dma semaphore(%arg10 : memref<!tpu.dma_semaphore, #tpu.memory_space<semaphore_mem>>) src(%arg7 : memref<128xf32, #tpu.memory_space<vmem>>) dst(%dma_wait3A_217 : memref<10240xf32, #tpu.memory_space<vmem_shared>>)
        %sub3A_218 = arith.constant 1 : i32
        %sub3A_219 = arith.subi %while3A_137, %sub3A_218 : i32
        %rem3A_220 = arith.constant 2 : i32
        %rem3A_221 = arith.remsi %sub3A_219, %rem3A_220 : i32
        %dma_wait3A_222 = arith.constant 1 : i32
        %dma_wait3A_223 = arith.constant 1 : i32
        %dma_wait3A_224 = arith.constant 0 : i32
        %dma_wait3A_225 = tpu.memref_slice %arg6[%rem3A_221, %dma_wait3A_222, %dma_wait3A_223, %dma_wait3A_224] : memref<2x4x2x128xi32, #tpu.memory_space<vmem>> -> memref<1x1x1x128xi32, #tpu.memory_space<vmem>>
        %dma_wait3A_226 = tpu.memref_squeeze %dma_wait3A_225 : memref<1x1x1x128xi32, #tpu.memory_space<vmem>> -> memref<128xi32, #tpu.memory_space<vmem>>
        %dma_wait3A_227 = arith.constant 0 : i32
        %dma_wait3A_228 = tpu.memref_slice %arg8[%dma_wait3A_227] : memref<10240xf32, #tpu.memory_space<vmem_shared>> -> memref<10240xf32, #tpu.memory_space<vmem_shared>>
        tpu.wait_indirect_dma semaphore(%arg10 : memref<!tpu.dma_semaphore, #tpu.memory_space<semaphore_mem>>) src(%arg7 : memref<128xf32, #tpu.memory_space<vmem>>) dst(%dma_wait3A_228 : memref<10240xf32, #tpu.memory_space<vmem_shared>>)
        %sub3A_229 = arith.constant 1 : i32
        %sub3A_230 = arith.subi %while3A_137, %sub3A_229 : i32
        %rem3A_231 = arith.constant 2 : i32
        %rem3A_232 = arith.remsi %sub3A_230, %rem3A_231 : i32
        %dma_wait3A_233 = arith.constant 2 : i32
        %dma_wait3A_234 = arith.constant 1 : i32
        %dma_wait3A_235 = arith.constant 0 : i32
        %dma_wait3A_236 = tpu.memref_slice %arg6[%rem3A_232, %dma_wait3A_233, %dma_wait3A_234, %dma_wait3A_235] : memref<2x4x2x128xi32, #tpu.memory_space<vmem>> -> memref<1x1x1x128xi32, #tpu.memory_space<vmem>>
        %dma_wait3A_237 = tpu.memref_squeeze %dma_wait3A_236 : memref<1x1x1x128xi32, #tpu.memory_space<vmem>> -> memref<128xi32, #tpu.memory_space<vmem>>
        %dma_wait3A_238 = arith.constant 0 : i32
        %dma_wait3A_239 = tpu.memref_slice %arg8[%dma_wait3A_238] : memref<10240xf32, #tpu.memory_space<vmem_shared>> -> memref<10240xf32, #tpu.memory_space<vmem_shared>>
        tpu.wait_indirect_dma semaphore(%arg10 : memref<!tpu.dma_semaphore, #tpu.memory_space<semaphore_mem>>) src(%arg7 : memref<128xf32, #tpu.memory_space<vmem>>) dst(%dma_wait3A_239 : memref<10240xf32, #tpu.memory_space<vmem_shared>>)
        %sub3A_240 = arith.constant 1 : i32
        %sub3A_241 = arith.subi %while3A_137, %sub3A_240 : i32
        %rem3A_242 = arith.constant 2 : i32
        %rem3A_243 = arith.remsi %sub3A_241, %rem3A_242 : i32
        %dma_wait3A_244 = arith.constant 3 : i32
        %dma_wait3A_245 = arith.constant 1 : i32
        %dma_wait3A_246 = arith.constant 0 : i32
        %dma_wait3A_247 = tpu.memref_slice %arg6[%rem3A_243, %dma_wait3A_244, %dma_wait3A_245, %dma_wait3A_246] : memref<2x4x2x128xi32, #tpu.memory_space<vmem>> -> memref<1x1x1x128xi32, #tpu.memory_space<vmem>>
        %dma_wait3A_248 = tpu.memref_squeeze %dma_wait3A_247 : memref<1x1x1x128xi32, #tpu.memory_space<vmem>> -> memref<128xi32, #tpu.memory_space<vmem>>
        %dma_wait3A_249 = arith.constant 0 : i32
        %dma_wait3A_250 = tpu.memref_slice %arg8[%dma_wait3A_249] : memref<10240xf32, #tpu.memory_space<vmem_shared>> -> memref<10240xf32, #tpu.memory_space<vmem_shared>>
        tpu.wait_indirect_dma semaphore(%arg10 : memref<!tpu.dma_semaphore, #tpu.memory_space<semaphore_mem>>) src(%arg7 : memref<128xf32, #tpu.memory_space<vmem>>) dst(%dma_wait3A_250 : memref<10240xf32, #tpu.memory_space<vmem_shared>>)
      } else {
      }
      %add3A_142 = arith.constant 1 : i32
      %add3A_143 = arith.addi %while3A_137, %add3A_142 : i32
      %lt3A_144 = arith.cmpi slt, %add3A_143, %add3A_52 : i32
      %convert_element_type3A_145 = arith.extui %lt3A_144 : i1 to i32
      %cond3A_146 = arith.constant 0 : i32
      %cond3A_147 = arith.cmpi ne, %convert_element_type3A_145, %cond3A_146 : i32
      scf.if %cond3A_147 {
        %add3A_207 = arith.constant 1 : i32
        %add3A_208 = arith.addi %while3A_137, %add3A_207 : i32
        %mul3A_209 = arith.constant 32 : i32
        %mul3A_210 = arith.muli %mul3A_209, %add3A_208 : i32
        %add3A_211 = arith.addi %add3A, %mul3A_210 : i32
        %mul3A_212 = arith.constant 4 : i32
        %mul3A_213 = arith.muli %add3A_211, %mul3A_212 : i32
        %rem3A_214 = arith.constant 2 : i32
        %rem3A_215 = arith.remsi %add3A_208, %rem3A_214 : i32
        %dma_start3A_216 = arith.constant 0 : i32
        %dma_start3A_217 = arith.constant 0 : i32
        %dma_start3A_218 = arith.constant 0 : i32
        %dma_start3A_219 = tpu.memref_slice %arg6[%rem3A_215, %dma_start3A_216, %dma_start3A_217, %dma_start3A_218] : memref<2x4x2x128xi32, #tpu.memory_space<vmem>> -> memref<1x4x2x128xi32, #tpu.memory_space<vmem>>
        %dma_start3A_220 = tpu.memref_squeeze %dma_start3A_219 : memref<1x4x2x128xi32, #tpu.memory_space<vmem>> -> memref<4x2x128xi32, #tpu.memory_space<vmem>>
        %dma_start3A_221 = arith.constant 0 : i32
        %dma_start3A_222 = arith.constant 0 : i32
        %dma_start3A_223 = tpu.memref_slice %arg2[%mul3A_213, %dma_start3A_221, %dma_start3A_222] : memref<2500x2x128xi32, #tpu.memory_space<hbm>> -> memref<4x2x128xi32, #tpu.memory_space<hbm>>
        %dma_start3A_224 = arith.constant 0 : i32
        %dma_start3A_225 = arith.constant 0 : i32
        %dma_start3A_226 = arith.constant 0 : i32
        %dma_start3A_227 = tpu.memref_slice %arg6[%rem3A_215, %dma_start3A_224, %dma_start3A_225, %dma_start3A_226] : memref<2x4x2x128xi32, #tpu.memory_space<vmem>> -> memref<1x4x2x128xi32, #tpu.memory_space<vmem>>
        %dma_start3A_228 = tpu.memref_squeeze %dma_start3A_227 : memref<1x4x2x128xi32, #tpu.memory_space<vmem>> -> memref<4x2x128xi32, #tpu.memory_space<vmem>>
        %dma_start3A_229 = arith.constant 0 : i32
        %dma_start3A_230 = arith.constant 0 : i32
        %dma_start3A_231 = tpu.memref_slice %arg2[%mul3A_213, %dma_start3A_229, %dma_start3A_230] : memref<2500x2x128xi32, #tpu.memory_space<hbm>> -> memref<4x2x128xi32, #tpu.memory_space<hbm>>
        tpu.enqueue_dma source(%dma_start3A_231 : memref<4x2x128xi32, #tpu.memory_space<hbm>>) target(%dma_start3A_228 : memref<4x2x128xi32, #tpu.memory_space<vmem>>) target_semaphore(%arg9 : memref<!tpu.dma_semaphore, #tpu.memory_space<semaphore_mem>>)
      } else {
      }
      %mul3A_148 = arith.constant 32 : i32
      %mul3A_149 = arith.muli %mul3A_148, %while3A_137 : i32
      %add3A_150 = arith.addi %add3A, %mul3A_149 : i32
      %mul3A_151 = arith.constant 4 : i32
      %mul3A_152 = arith.muli %add3A_150, %mul3A_151 : i32
      %rem3A_153 = arith.constant 2 : i32
      %rem3A_154 = arith.remsi %while3A_137, %rem3A_153 : i32
      %dma_wait3A_155 = arith.constant 0 : i32
      %dma_wait3A_156 = arith.constant 0 : i32
      %dma_wait3A_157 = arith.constant 0 : i32
      %dma_wait3A_158 = tpu.memref_slice %arg6[%rem3A_154, %dma_wait3A_155, %dma_wait3A_156, %dma_wait3A_157] : memref<2x4x2x128xi32, #tpu.memory_space<vmem>> -> memref<1x4x2x128xi32, #tpu.memory_space<vmem>>
      %dma_wait3A_159 = tpu.memref_squeeze %dma_wait3A_158 : memref<1x4x2x128xi32, #tpu.memory_space<vmem>> -> memref<4x2x128xi32, #tpu.memory_space<vmem>>
      %dma_wait3A_160 = arith.constant 0 : i32
      %dma_wait3A_161 = arith.constant 0 : i32
      %dma_wait3A_162 = tpu.memref_slice %arg2[%mul3A_152, %dma_wait3A_160, %dma_wait3A_161] : memref<2500x2x128xi32, #tpu.memory_space<hbm>> -> memref<4x2x128xi32, #tpu.memory_space<hbm>>
      %dma_wait3A_163 = arith.constant 0 : i32
      %dma_wait3A_164 = arith.constant 0 : i32
      %dma_wait3A_165 = arith.constant 0 : i32
      %dma_wait3A_166 = tpu.memref_slice %arg6[%rem3A_154, %dma_wait3A_163, %dma_wait3A_164, %dma_wait3A_165] : memref<2x4x2x128xi32, #tpu.memory_space<vmem>> -> memref<1x4x2x128xi32, #tpu.memory_space<vmem>>
      %dma_wait3A_167 = tpu.memref_squeeze %dma_wait3A_166 : memref<1x4x2x128xi32, #tpu.memory_space<vmem>> -> memref<4x2x128xi32, #tpu.memory_space<vmem>>
      %dma_wait3A_168 = arith.constant 0 : i32
      %dma_wait3A_169 = arith.constant 0 : i32
      %dma_wait3A_170 = tpu.memref_slice %arg2[%mul3A_152, %dma_wait3A_168, %dma_wait3A_169] : memref<2500x2x128xi32, #tpu.memory_space<hbm>> -> memref<4x2x128xi32, #tpu.memory_space<hbm>>
      tpu.wait_dma2 semaphore(%arg9 : memref<!tpu.dma_semaphore, #tpu.memory_space<semaphore_mem>>) src(%dma_wait3A_170 : memref<4x2x128xi32, #tpu.memory_space<hbm>>) dst(%dma_wait3A_167 : memref<4x2x128xi32, #tpu.memory_space<vmem>>)
      %rem3A_171 = arith.constant 2 : i32
      %rem3A_172 = arith.remsi %while3A_137, %rem3A_171 : i32
      %dma_start3A_173 = arith.constant 0 : i32
      %dma_start3A_174 = arith.constant 1 : i32
      %dma_start3A_175 = arith.constant 0 : i32
      %dma_start3A_176 = tpu.memref_slice %arg6[%rem3A_172, %dma_start3A_173, %dma_start3A_174, %dma_start3A_175] : memref<2x4x2x128xi32, #tpu.memory_space<vmem>> -> memref<1x1x1x128xi32, #tpu.memory_space<vmem>>
      %dma_start3A_177 = tpu.memref_squeeze %dma_start3A_176 : memref<1x1x1x128xi32, #tpu.memory_space<vmem>> -> memref<128xi32, #tpu.memory_space<vmem>>
      %dma_start3A_178 = arith.constant 0 : i32
      %dma_start3A_179 = tpu.memref_slice %arg8[%dma_start3A_178] : memref<10240xf32, #tpu.memory_space<vmem_shared>> -> memref<10240xf32, #tpu.memory_space<vmem_shared>>
      tpu.enqueue_indirect_dma source(%arg7 : memref<128xf32, #tpu.memory_space<vmem>>) target(%dma_start3A_179 : memref<10240xf32, #tpu.memory_space<vmem_shared>>) offsets(%dma_start3A_177 : memref<128xi32, #tpu.memory_space<vmem>>) semaphore(%arg10 : memref<!tpu.dma_semaphore, #tpu.memory_space<semaphore_mem>>) {add = true}
      %rem3A_180 = arith.constant 2 : i32
      %rem3A_181 = arith.remsi %while3A_137, %rem3A_180 : i32
      %dma_start3A_182 = arith.constant 1 : i32
      %dma_start3A_183 = arith.constant 1 : i32
      %dma_start3A_184 = arith.constant 0 : i32
      %dma_start3A_185 = tpu.memref_slice %arg6[%rem3A_181, %dma_start3A_182, %dma_start3A_183, %dma_start3A_184] : memref<2x4x2x128xi32, #tpu.memory_space<vmem>> -> memref<1x1x1x128xi32, #tpu.memory_space<vmem>>
      %dma_start3A_186 = tpu.memref_squeeze %dma_start3A_185 : memref<1x1x1x128xi32, #tpu.memory_space<vmem>> -> memref<128xi32, #tpu.memory_space<vmem>>
      %dma_start3A_187 = arith.constant 0 : i32
      %dma_start3A_188 = tpu.memref_slice %arg8[%dma_start3A_187] : memref<10240xf32, #tpu.memory_space<vmem_shared>> -> memref<10240xf32, #tpu.memory_space<vmem_shared>>
      tpu.enqueue_indirect_dma source(%arg7 : memref<128xf32, #tpu.memory_space<vmem>>) target(%dma_start3A_188 : memref<10240xf32, #tpu.memory_space<vmem_shared>>) offsets(%dma_start3A_186 : memref<128xi32, #tpu.memory_space<vmem>>) semaphore(%arg10 : memref<!tpu.dma_semaphore, #tpu.memory_space<semaphore_mem>>) {add = true}
      %rem3A_189 = arith.constant 2 : i32
      %rem3A_190 = arith.remsi %while3A_137, %rem3A_189 : i32
      %dma_start3A_191 = arith.constant 2 : i32
      %dma_start3A_192 = arith.constant 1 : i32
      %dma_start3A_193 = arith.constant 0 : i32
      %dma_start3A_194 = tpu.memref_slice %arg6[%rem3A_190, %dma_start3A_191, %dma_start3A_192, %dma_start3A_193] : memref<2x4x2x128xi32, #tpu.memory_space<vmem>> -> memref<1x1x1x128xi32, #tpu.memory_space<vmem>>
      %dma_start3A_195 = tpu.memref_squeeze %dma_start3A_194 : memref<1x1x1x128xi32, #tpu.memory_space<vmem>> -> memref<128xi32, #tpu.memory_space<vmem>>
      %dma_start3A_196 = arith.constant 0 : i32
      %dma_start3A_197 = tpu.memref_slice %arg8[%dma_start3A_196] : memref<10240xf32, #tpu.memory_space<vmem_shared>> -> memref<10240xf32, #tpu.memory_space<vmem_shared>>
      tpu.enqueue_indirect_dma source(%arg7 : memref<128xf32, #tpu.memory_space<vmem>>) target(%dma_start3A_197 : memref<10240xf32, #tpu.memory_space<vmem_shared>>) offsets(%dma_start3A_195 : memref<128xi32, #tpu.memory_space<vmem>>) semaphore(%arg10 : memref<!tpu.dma_semaphore, #tpu.memory_space<semaphore_mem>>) {add = true}
      %rem3A_198 = arith.constant 2 : i32
      %rem3A_199 = arith.remsi %while3A_137, %rem3A_198 : i32
      %dma_start3A_200 = arith.constant 3 : i32
      %dma_start3A_201 = arith.constant 1 : i32
      %dma_start3A_202 = arith.constant 0 : i32
      %dma_start3A_203 = tpu.memref_slice %arg6[%rem3A_199, %dma_start3A_200, %dma_start3A_201, %dma_start3A_202] : memref<2x4x2x128xi32, #tpu.memory_space<vmem>> -> memref<1x1x1x128xi32, #tpu.memory_space<vmem>>
      %dma_start3A_204 = tpu.memref_squeeze %dma_start3A_203 : memref<1x1x1x128xi32, #tpu.memory_space<vmem>> -> memref<128xi32, #tpu.memory_space<vmem>>
      %dma_start3A_205 = arith.constant 0 : i32
      %dma_start3A_206 = tpu.memref_slice %arg8[%dma_start3A_205] : memref<10240xf32, #tpu.memory_space<vmem_shared>> -> memref<10240xf32, #tpu.memory_space<vmem_shared>>
      tpu.enqueue_indirect_dma source(%arg7 : memref<128xf32, #tpu.memory_space<vmem>>) target(%dma_start3A_206 : memref<10240xf32, #tpu.memory_space<vmem_shared>>) offsets(%dma_start3A_204 : memref<128xi32, #tpu.memory_space<vmem>>) semaphore(%arg10 : memref<!tpu.dma_semaphore, #tpu.memory_space<semaphore_mem>>) {add = true}
    }
    %sub3A = arith.constant 1 : i32
    %sub3A_86 = arith.subi %add3A_52, %sub3A : i32
    %rem3A_87 = arith.constant 2 : i32
    %rem3A_88 = arith.remsi %sub3A_86, %rem3A_87 : i32
    %dma_wait3A_89 = arith.constant 0 : i32
    %dma_wait3A_90 = arith.constant 1 : i32
    %dma_wait3A_91 = arith.constant 0 : i32
    %dma_wait3A_92 = tpu.memref_slice %arg6[%rem3A_88, %dma_wait3A_89, %dma_wait3A_90, %dma_wait3A_91] : memref<2x4x2x128xi32, #tpu.memory_space<vmem>> -> memref<1x1x1x128xi32, #tpu.memory_space<vmem>>
    %dma_wait3A_93 = tpu.memref_squeeze %dma_wait3A_92 : memref<1x1x1x128xi32, #tpu.memory_space<vmem>> -> memref<128xi32, #tpu.memory_space<vmem>>
    %dma_wait3A_94 = arith.constant 0 : i32
    %dma_wait3A_95 = tpu.memref_slice %arg8[%dma_wait3A_94] : memref<10240xf32, #tpu.memory_space<vmem_shared>> -> memref<10240xf32, #tpu.memory_space<vmem_shared>>
    tpu.wait_indirect_dma semaphore(%arg10 : memref<!tpu.dma_semaphore, #tpu.memory_space<semaphore_mem>>) src(%arg7 : memref<128xf32, #tpu.memory_space<vmem>>) dst(%dma_wait3A_95 : memref<10240xf32, #tpu.memory_space<vmem_shared>>)
    %sub3A_96 = arith.constant 1 : i32
    %sub3A_97 = arith.subi %add3A_52, %sub3A_96 : i32
    %rem3A_98 = arith.constant 2 : i32
    %rem3A_99 = arith.remsi %sub3A_97, %rem3A_98 : i32
    %dma_wait3A_100 = arith.constant 1 : i32
    %dma_wait3A_101 = arith.constant 1 : i32
    %dma_wait3A_102 = arith.constant 0 : i32
    %dma_wait3A_103 = tpu.memref_slice %arg6[%rem3A_99, %dma_wait3A_100, %dma_wait3A_101, %dma_wait3A_102] : memref<2x4x2x128xi32, #tpu.memory_space<vmem>> -> memref<1x1x1x128xi32, #tpu.memory_space<vmem>>
    %dma_wait3A_104 = tpu.memref_squeeze %dma_wait3A_103 : memref<1x1x1x128xi32, #tpu.memory_space<vmem>> -> memref<128xi32, #tpu.memory_space<vmem>>
    %dma_wait3A_105 = arith.constant 0 : i32
    %dma_wait3A_106 = tpu.memref_slice %arg8[%dma_wait3A_105] : memref<10240xf32, #tpu.memory_space<vmem_shared>> -> memref<10240xf32, #tpu.memory_space<vmem_shared>>
    tpu.wait_indirect_dma semaphore(%arg10 : memref<!tpu.dma_semaphore, #tpu.memory_space<semaphore_mem>>) src(%arg7 : memref<128xf32, #tpu.memory_space<vmem>>) dst(%dma_wait3A_106 : memref<10240xf32, #tpu.memory_space<vmem_shared>>)
    %sub3A_107 = arith.constant 1 : i32
    %sub3A_108 = arith.subi %add3A_52, %sub3A_107 : i32
    %rem3A_109 = arith.constant 2 : i32
    %rem3A_110 = arith.remsi %sub3A_108, %rem3A_109 : i32
    %dma_wait3A_111 = arith.constant 2 : i32
    %dma_wait3A_112 = arith.constant 1 : i32
    %dma_wait3A_113 = arith.constant 0 : i32
    %dma_wait3A_114 = tpu.memref_slice %arg6[%rem3A_110, %dma_wait3A_111, %dma_wait3A_112, %dma_wait3A_113] : memref<2x4x2x128xi32, #tpu.memory_space<vmem>> -> memref<1x1x1x128xi32, #tpu.memory_space<vmem>>
    %dma_wait3A_115 = tpu.memref_squeeze %dma_wait3A_114 : memref<1x1x1x128xi32, #tpu.memory_space<vmem>> -> memref<128xi32, #tpu.memory_space<vmem>>
    %dma_wait3A_116 = arith.constant 0 : i32
    %dma_wait3A_117 = tpu.memref_slice %arg8[%dma_wait3A_116] : memref<10240xf32, #tpu.memory_space<vmem_shared>> -> memref<10240xf32, #tpu.memory_space<vmem_shared>>
    tpu.wait_indirect_dma semaphore(%arg10 : memref<!tpu.dma_semaphore, #tpu.memory_space<semaphore_mem>>) src(%arg7 : memref<128xf32, #tpu.memory_space<vmem>>) dst(%dma_wait3A_117 : memref<10240xf32, #tpu.memory_space<vmem_shared>>)
    %sub3A_118 = arith.constant 1 : i32
    %sub3A_119 = arith.subi %add3A_52, %sub3A_118 : i32
    %rem3A_120 = arith.constant 2 : i32
    %rem3A_121 = arith.remsi %sub3A_119, %rem3A_120 : i32
    %dma_wait3A_122 = arith.constant 3 : i32
    %dma_wait3A_123 = arith.constant 1 : i32
    %dma_wait3A_124 = arith.constant 0 : i32
    %dma_wait3A_125 = tpu.memref_slice %arg6[%rem3A_121, %dma_wait3A_122, %dma_wait3A_123, %dma_wait3A_124] : memref<2x4x2x128xi32, #tpu.memory_space<vmem>> -> memref<1x1x1x128xi32, #tpu.memory_space<vmem>>
    %dma_wait3A_126 = tpu.memref_squeeze %dma_wait3A_125 : memref<1x1x1x128xi32, #tpu.memory_space<vmem>> -> memref<128xi32, #tpu.memory_space<vmem>>
    %dma_wait3A_127 = arith.constant 0 : i32
    %dma_wait3A_128 = tpu.memref_slice %arg8[%dma_wait3A_127] : memref<10240xf32, #tpu.memory_space<vmem_shared>> -> memref<10240xf32, #tpu.memory_space<vmem_shared>>
    tpu.wait_indirect_dma semaphore(%arg10 : memref<!tpu.dma_semaphore, #tpu.memory_space<semaphore_mem>>) src(%arg7 : memref<128xf32, #tpu.memory_space<vmem>>) dst(%dma_wait3A_128 : memref<10240xf32, #tpu.memory_space<vmem_shared>>)
    %barrier3A_129 = arith.constant 0 : index
    tpu.barrier barrier_id(%barrier3A_129)
    %eq3A = arith.constant 0 : i32
    %eq3A_130 = arith.cmpi eq, %arg0, %eq3A : i32
    %convert_element_type3A = arith.extui %eq3A_130 : i1 to i32
    %cond3A = arith.constant 0 : i32
    %cond3A_131 = arith.cmpi ne, %convert_element_type3A, %cond3A : i32
    scf.if %cond3A_131 {
      "tpu.region"() ({
        %run_scoped3A = tpu.sem_alloc : memref<!tpu.dma_semaphore, #tpu.memory_space<semaphore_mem>>
        %dma_start3A_137 = tpu.memref_slice %arg4[%multiple_of3A] : memref<10240xf32, #tpu.memory_space<hbm>> -> memref<640xf32, #tpu.memory_space<hbm>>
        %dma_start3A_138 = tpu.memref_slice %arg8[%multiple_of3A] : memref<10240xf32, #tpu.memory_space<vmem_shared>> -> memref<640xf32, #tpu.memory_space<vmem_shared>>
        tpu.enqueue_dma source(%dma_start3A_138 : memref<640xf32, #tpu.memory_space<vmem_shared>>) target(%dma_start3A_137 : memref<640xf32, #tpu.memory_space<hbm>>) target_semaphore(%run_scoped3A : memref<!tpu.dma_semaphore, #tpu.memory_space<semaphore_mem>>)
        %dma_wait3A_139 = tpu.memref_slice %arg4[%multiple_of3A] : memref<10240xf32, #tpu.memory_space<hbm>> -> memref<640xf32, #tpu.memory_space<hbm>>
        %dma_wait3A_140 = tpu.memref_slice %arg8[%multiple_of3A] : memref<10240xf32, #tpu.memory_space<vmem_shared>> -> memref<640xf32, #tpu.memory_space<vmem_shared>>
        tpu.wait_dma2 semaphore(%run_scoped3A : memref<!tpu.dma_semaphore, #tpu.memory_space<semaphore_mem>>) src(%dma_wait3A_140 : memref<640xf32, #tpu.memory_space<vmem_shared>>) dst(%dma_wait3A_139 : memref<640xf32, #tpu.memory_space<hbm>>)
        tpu.yield
      }) : () -> ()
    } else {
    }
    %eq3A_132 = arith.constant 1 : i32
    %eq3A_133 = arith.cmpi eq, %arg0, %eq3A_132 : i32
    %convert_element_type3A_134 = arith.extui %eq3A_133 : i1 to i32
    %cond3A_135 = arith.constant 0 : i32
    %cond3A_136 = arith.cmpi ne, %convert_element_type3A_134, %cond3A_135 : i32
    scf.if %cond3A_136 {
      "tpu.region"() ({
        %run_scoped3A = tpu.sem_alloc : memref<!tpu.dma_semaphore, #tpu.memory_space<semaphore_mem>>
        %dma_start3A_137 = tpu.memref_slice %arg5[%multiple_of3A] : memref<10240xf32, #tpu.memory_space<hbm>> -> memref<640xf32, #tpu.memory_space<hbm>>
        %dma_start3A_138 = tpu.memref_slice %arg8[%multiple_of3A] : memref<10240xf32, #tpu.memory_space<vmem_shared>> -> memref<640xf32, #tpu.memory_space<vmem_shared>>
        tpu.enqueue_dma source(%dma_start3A_138 : memref<640xf32, #tpu.memory_space<vmem_shared>>) target(%dma_start3A_137 : memref<640xf32, #tpu.memory_space<hbm>>) target_semaphore(%run_scoped3A : memref<!tpu.dma_semaphore, #tpu.memory_space<semaphore_mem>>)
        %dma_wait3A_139 = tpu.memref_slice %arg5[%multiple_of3A] : memref<10240xf32, #tpu.memory_space<hbm>> -> memref<640xf32, #tpu.memory_space<hbm>>
        %dma_wait3A_140 = tpu.memref_slice %arg8[%multiple_of3A] : memref<10240xf32, #tpu.memory_space<vmem_shared>> -> memref<640xf32, #tpu.memory_space<vmem_shared>>
        tpu.wait_dma2 semaphore(%run_scoped3A : memref<!tpu.dma_semaphore, #tpu.memory_space<semaphore_mem>>) src(%dma_wait3A_140 : memref<640xf32, #tpu.memory_space<vmem_shared>>) dst(%dma_wait3A_139 : memref<640xf32, #tpu.memory_space<hbm>>)
        tpu.yield
      }) : () -> ()
    } else {
    }
    return
  }
}

#map = affine_map<(d0, d1) -> (0, 0)>
#map1 = affine_map<(d0, d1) -> (0, 0, 0)>
module attributes {stable_mosaic.version = 14 : i64} {
  func.func @_sc_agg_body(%arg0: i32, %arg1: i32, %arg2: memref<10000x128xf32, #tpu.memory_space<hbm>>, %arg3: memref<2500x2x128xi32, #tpu.memory_space<hbm>>, %arg4: memref<10240x128xf32, #tpu.memory_space<hbm>>, %arg5: memref<10000x128xf32, #tpu.memory_space<hbm>>, %arg6: memref<10000x128xf32, #tpu.memory_space<hbm>>, %arg7: memref<6x2x128xi32, #tpu.memory_space<vmem>>, %arg8: memref<3x128x128xf32, #tpu.memory_space<vmem>>, %arg9: memref<10000x128xf32, #tpu.memory_space<vmem_shared>>, %arg10: memref<!tpu.dma_semaphore, #tpu.memory_space<semaphore_mem>>, %arg11: memref<!tpu.dma_semaphore, #tpu.memory_space<semaphore_mem>>, %arg12: memref<!tpu.dma_semaphore, #tpu.memory_space<semaphore_mem>>, %arg13: memref<!tpu.dma_semaphore, #tpu.memory_space<semaphore_mem>>) attributes {dimension_semantics = [#tpu.dimension_semantics<core_parallel>, #tpu.dimension_semantics<subcore_parallel>], iteration_bounds = array<i64: 2, 16>, scalar_prefetch = 0 : i64, scratch_operands = 7 : i64, tpu.core_type = #tpu.core_type<sc_vector_subcore>, window_params = [{transform_indices = #map}, {transform_indices = #map1}, {transform_indices = #map}, {transform_indices = #map}, {transform_indices = #map}]} {
    %mul3A = arith.constant 2 : i32
    %mul3A_0 = arith.muli %arg1, %mul3A : i32
    %add3A = arith.addi %mul3A_0, %arg0 : i32
    %mul3A_1 = arith.constant 624 : i32
    %mul3A_2 = arith.muli %arg1, %mul3A_1 : i32
    %multiple_of3A = tpu.assume_multiple %mul3A_2, 8 : i32
    %lt3A = arith.constant 4 : i32
    %lt3A_3 = arith.cmpi slt, %add3A, %lt3A : i32
    %jit3A = arith.constant 1 : i32
    %jit3A_4 = arith.constant 0 : i32
    %select_n3A = arith.select %lt3A_3, %jit3A, %jit3A_4 : i32
    %add3A_5 = arith.constant 78 : i32
    %add3A_6 = arith.addi %add3A_5, %select_n3A : i32
    %dma_start3A = arith.constant 0 : i32
    %dma_start3A_7 = tpu.memref_slice %arg9[%multiple_of3A, %dma_start3A] : memref<10000x128xf32, #tpu.memory_space<vmem_shared>> -> memref<640x128xf32, #tpu.memory_space<vmem_shared>>
    %dma_start3A_8 = arith.constant 0 : i32
    %dma_start3A_9 = tpu.memref_slice %arg4[%multiple_of3A, %dma_start3A_8] : memref<10240x128xf32, #tpu.memory_space<hbm>> -> memref<640x128xf32, #tpu.memory_space<hbm>>
    tpu.enqueue_dma source(%dma_start3A_9 : memref<640x128xf32, #tpu.memory_space<hbm>>) target(%dma_start3A_7 : memref<640x128xf32, #tpu.memory_space<vmem_shared>>) target_semaphore(%arg13 : memref<!tpu.dma_semaphore, #tpu.memory_space<semaphore_mem>>)
    %add3A_10 = arith.constant 0 : i32
    %add3A_11 = arith.addi %add3A, %add3A_10 : i32
    %rem3A = arith.constant 0 : i32
    %rem3A_12 = arith.constant 6 : i32
    %rem3A_13 = arith.remsi %rem3A, %rem3A_12 : i32
    %dma_start3A_14 = arith.constant 0 : i32
    %dma_start3A_15 = arith.constant 0 : i32
    %dma_start3A_16 = tpu.memref_slice %arg7[%rem3A_13, %dma_start3A_14, %dma_start3A_15] : memref<6x2x128xi32, #tpu.memory_space<vmem>> -> memref<1x2x128xi32, #tpu.memory_space<vmem>>
    %dma_start3A_17 = tpu.memref_squeeze %dma_start3A_16 : memref<1x2x128xi32, #tpu.memory_space<vmem>> -> memref<2x128xi32, #tpu.memory_space<vmem>>
    %dma_start3A_18 = arith.constant 0 : i32
    %dma_start3A_19 = arith.constant 0 : i32
    %dma_start3A_20 = tpu.memref_slice %arg3[%add3A_11, %dma_start3A_18, %dma_start3A_19] : memref<2500x2x128xi32, #tpu.memory_space<hbm>> -> memref<1x2x128xi32, #tpu.memory_space<hbm>>
    %dma_start3A_21 = tpu.memref_squeeze %dma_start3A_20 : memref<1x2x128xi32, #tpu.memory_space<hbm>> -> memref<2x128xi32, #tpu.memory_space<hbm>>
    %dma_start3A_22 = arith.constant 0 : i32
    %dma_start3A_23 = arith.constant 0 : i32
    %dma_start3A_24 = tpu.memref_slice %arg7[%rem3A_13, %dma_start3A_22, %dma_start3A_23] : memref<6x2x128xi32, #tpu.memory_space<vmem>> -> memref<1x2x128xi32, #tpu.memory_space<vmem>>
    %dma_start3A_25 = tpu.memref_squeeze %dma_start3A_24 : memref<1x2x128xi32, #tpu.memory_space<vmem>> -> memref<2x128xi32, #tpu.memory_space<vmem>>
    %dma_start3A_26 = arith.constant 0 : i32
    %dma_start3A_27 = arith.constant 0 : i32
    %dma_start3A_28 = tpu.memref_slice %arg3[%add3A_11, %dma_start3A_26, %dma_start3A_27] : memref<2500x2x128xi32, #tpu.memory_space<hbm>> -> memref<1x2x128xi32, #tpu.memory_space<hbm>>
    %dma_start3A_29 = tpu.memref_squeeze %dma_start3A_28 : memref<1x2x128xi32, #tpu.memory_space<hbm>> -> memref<2x128xi32, #tpu.memory_space<hbm>>
    tpu.enqueue_dma source(%dma_start3A_29 : memref<2x128xi32, #tpu.memory_space<hbm>>) target(%dma_start3A_25 : memref<2x128xi32, #tpu.memory_space<vmem>>) target_semaphore(%arg12 : memref<!tpu.dma_semaphore, #tpu.memory_space<semaphore_mem>>)
    %add3A_30 = arith.constant 32 : i32
    %add3A_31 = arith.addi %add3A, %add3A_30 : i32
    %rem3A_32 = arith.constant 1 : i32
    %rem3A_33 = arith.constant 6 : i32
    %rem3A_34 = arith.remsi %rem3A_32, %rem3A_33 : i32
    %dma_start3A_35 = arith.constant 0 : i32
    %dma_start3A_36 = arith.constant 0 : i32
    %dma_start3A_37 = tpu.memref_slice %arg7[%rem3A_34, %dma_start3A_35, %dma_start3A_36] : memref<6x2x128xi32, #tpu.memory_space<vmem>> -> memref<1x2x128xi32, #tpu.memory_space<vmem>>
    %dma_start3A_38 = tpu.memref_squeeze %dma_start3A_37 : memref<1x2x128xi32, #tpu.memory_space<vmem>> -> memref<2x128xi32, #tpu.memory_space<vmem>>
    %dma_start3A_39 = arith.constant 0 : i32
    %dma_start3A_40 = arith.constant 0 : i32
    %dma_start3A_41 = tpu.memref_slice %arg3[%add3A_31, %dma_start3A_39, %dma_start3A_40] : memref<2500x2x128xi32, #tpu.memory_space<hbm>> -> memref<1x2x128xi32, #tpu.memory_space<hbm>>
    %dma_start3A_42 = tpu.memref_squeeze %dma_start3A_41 : memref<1x2x128xi32, #tpu.memory_space<hbm>> -> memref<2x128xi32, #tpu.memory_space<hbm>>
    %dma_start3A_43 = arith.constant 0 : i32
    %dma_start3A_44 = arith.constant 0 : i32
    %dma_start3A_45 = tpu.memref_slice %arg7[%rem3A_34, %dma_start3A_43, %dma_start3A_44] : memref<6x2x128xi32, #tpu.memory_space<vmem>> -> memref<1x2x128xi32, #tpu.memory_space<vmem>>
    %dma_start3A_46 = tpu.memref_squeeze %dma_start3A_45 : memref<1x2x128xi32, #tpu.memory_space<vmem>> -> memref<2x128xi32, #tpu.memory_space<vmem>>
    %dma_start3A_47 = arith.constant 0 : i32
    %dma_start3A_48 = arith.constant 0 : i32
    %dma_start3A_49 = tpu.memref_slice %arg3[%add3A_31, %dma_start3A_47, %dma_start3A_48] : memref<2500x2x128xi32, #tpu.memory_space<hbm>> -> memref<1x2x128xi32, #tpu.memory_space<hbm>>
    %dma_start3A_50 = tpu.memref_squeeze %dma_start3A_49 : memref<1x2x128xi32, #tpu.memory_space<hbm>> -> memref<2x128xi32, #tpu.memory_space<hbm>>
    tpu.enqueue_dma source(%dma_start3A_50 : memref<2x128xi32, #tpu.memory_space<hbm>>) target(%dma_start3A_46 : memref<2x128xi32, #tpu.memory_space<vmem>>) target_semaphore(%arg12 : memref<!tpu.dma_semaphore, #tpu.memory_space<semaphore_mem>>)
    %add3A_51 = arith.constant 64 : i32
    %add3A_52 = arith.addi %add3A, %add3A_51 : i32
    %rem3A_53 = arith.constant 2 : i32
    %rem3A_54 = arith.constant 6 : i32
    %rem3A_55 = arith.remsi %rem3A_53, %rem3A_54 : i32
    %dma_start3A_56 = arith.constant 0 : i32
    %dma_start3A_57 = arith.constant 0 : i32
    %dma_start3A_58 = tpu.memref_slice %arg7[%rem3A_55, %dma_start3A_56, %dma_start3A_57] : memref<6x2x128xi32, #tpu.memory_space<vmem>> -> memref<1x2x128xi32, #tpu.memory_space<vmem>>
    %dma_start3A_59 = tpu.memref_squeeze %dma_start3A_58 : memref<1x2x128xi32, #tpu.memory_space<vmem>> -> memref<2x128xi32, #tpu.memory_space<vmem>>
    %dma_start3A_60 = arith.constant 0 : i32
    %dma_start3A_61 = arith.constant 0 : i32
    %dma_start3A_62 = tpu.memref_slice %arg3[%add3A_52, %dma_start3A_60, %dma_start3A_61] : memref<2500x2x128xi32, #tpu.memory_space<hbm>> -> memref<1x2x128xi32, #tpu.memory_space<hbm>>
    %dma_start3A_63 = tpu.memref_squeeze %dma_start3A_62 : memref<1x2x128xi32, #tpu.memory_space<hbm>> -> memref<2x128xi32, #tpu.memory_space<hbm>>
    %dma_start3A_64 = arith.constant 0 : i32
    %dma_start3A_65 = arith.constant 0 : i32
    %dma_start3A_66 = tpu.memref_slice %arg7[%rem3A_55, %dma_start3A_64, %dma_start3A_65] : memref<6x2x128xi32, #tpu.memory_space<vmem>> -> memref<1x2x128xi32, #tpu.memory_space<vmem>>
    %dma_start3A_67 = tpu.memref_squeeze %dma_start3A_66 : memref<1x2x128xi32, #tpu.memory_space<vmem>> -> memref<2x128xi32, #tpu.memory_space<vmem>>
    %dma_start3A_68 = arith.constant 0 : i32
    %dma_start3A_69 = arith.constant 0 : i32
    %dma_start3A_70 = tpu.memref_slice %arg3[%add3A_52, %dma_start3A_68, %dma_start3A_69] : memref<2500x2x128xi32, #tpu.memory_space<hbm>> -> memref<1x2x128xi32, #tpu.memory_space<hbm>>
    %dma_start3A_71 = tpu.memref_squeeze %dma_start3A_70 : memref<1x2x128xi32, #tpu.memory_space<hbm>> -> memref<2x128xi32, #tpu.memory_space<hbm>>
    tpu.enqueue_dma source(%dma_start3A_71 : memref<2x128xi32, #tpu.memory_space<hbm>>) target(%dma_start3A_67 : memref<2x128xi32, #tpu.memory_space<vmem>>) target_semaphore(%arg12 : memref<!tpu.dma_semaphore, #tpu.memory_space<semaphore_mem>>)
    %add3A_72 = arith.constant 96 : i32
    %add3A_73 = arith.addi %add3A, %add3A_72 : i32
    %rem3A_74 = arith.constant 3 : i32
    %rem3A_75 = arith.constant 6 : i32
    %rem3A_76 = arith.remsi %rem3A_74, %rem3A_75 : i32
    %dma_start3A_77 = arith.constant 0 : i32
    %dma_start3A_78 = arith.constant 0 : i32
    %dma_start3A_79 = tpu.memref_slice %arg7[%rem3A_76, %dma_start3A_77, %dma_start3A_78] : memref<6x2x128xi32, #tpu.memory_space<vmem>> -> memref<1x2x128xi32, #tpu.memory_space<vmem>>
    %dma_start3A_80 = tpu.memref_squeeze %dma_start3A_79 : memref<1x2x128xi32, #tpu.memory_space<vmem>> -> memref<2x128xi32, #tpu.memory_space<vmem>>
    %dma_start3A_81 = arith.constant 0 : i32
    %dma_start3A_82 = arith.constant 0 : i32
    %dma_start3A_83 = tpu.memref_slice %arg3[%add3A_73, %dma_start3A_81, %dma_start3A_82] : memref<2500x2x128xi32, #tpu.memory_space<hbm>> -> memref<1x2x128xi32, #tpu.memory_space<hbm>>
    %dma_start3A_84 = tpu.memref_squeeze %dma_start3A_83 : memref<1x2x128xi32, #tpu.memory_space<hbm>> -> memref<2x128xi32, #tpu.memory_space<hbm>>
    %dma_start3A_85 = arith.constant 0 : i32
    %dma_start3A_86 = arith.constant 0 : i32
    %dma_start3A_87 = tpu.memref_slice %arg7[%rem3A_76, %dma_start3A_85, %dma_start3A_86] : memref<6x2x128xi32, #tpu.memory_space<vmem>> -> memref<1x2x128xi32, #tpu.memory_space<vmem>>
    %dma_start3A_88 = tpu.memref_squeeze %dma_start3A_87 : memref<1x2x128xi32, #tpu.memory_space<vmem>> -> memref<2x128xi32, #tpu.memory_space<vmem>>
    %dma_start3A_89 = arith.constant 0 : i32
    %dma_start3A_90 = arith.constant 0 : i32
    %dma_start3A_91 = tpu.memref_slice %arg3[%add3A_73, %dma_start3A_89, %dma_start3A_90] : memref<2500x2x128xi32, #tpu.memory_space<hbm>> -> memref<1x2x128xi32, #tpu.memory_space<hbm>>
    %dma_start3A_92 = tpu.memref_squeeze %dma_start3A_91 : memref<1x2x128xi32, #tpu.memory_space<hbm>> -> memref<2x128xi32, #tpu.memory_space<hbm>>
    tpu.enqueue_dma source(%dma_start3A_92 : memref<2x128xi32, #tpu.memory_space<hbm>>) target(%dma_start3A_88 : memref<2x128xi32, #tpu.memory_space<vmem>>) target_semaphore(%arg12 : memref<!tpu.dma_semaphore, #tpu.memory_space<semaphore_mem>>)
    %add3A_93 = arith.constant 0 : i32
    %add3A_94 = arith.addi %add3A, %add3A_93 : i32
    %rem3A_95 = arith.constant 0 : i32
    %rem3A_96 = arith.constant 6 : i32
    %rem3A_97 = arith.remsi %rem3A_95, %rem3A_96 : i32
    %dma_wait3A = arith.constant 0 : i32
    %dma_wait3A_98 = arith.constant 0 : i32
    %dma_wait3A_99 = tpu.memref_slice %arg7[%rem3A_97, %dma_wait3A, %dma_wait3A_98] : memref<6x2x128xi32, #tpu.memory_space<vmem>> -> memref<1x2x128xi32, #tpu.memory_space<vmem>>
    %dma_wait3A_100 = tpu.memref_squeeze %dma_wait3A_99 : memref<1x2x128xi32, #tpu.memory_space<vmem>> -> memref<2x128xi32, #tpu.memory_space<vmem>>
    %dma_wait3A_101 = arith.constant 0 : i32
    %dma_wait3A_102 = arith.constant 0 : i32
    %dma_wait3A_103 = tpu.memref_slice %arg3[%add3A_94, %dma_wait3A_101, %dma_wait3A_102] : memref<2500x2x128xi32, #tpu.memory_space<hbm>> -> memref<1x2x128xi32, #tpu.memory_space<hbm>>
    %dma_wait3A_104 = tpu.memref_squeeze %dma_wait3A_103 : memref<1x2x128xi32, #tpu.memory_space<hbm>> -> memref<2x128xi32, #tpu.memory_space<hbm>>
    %dma_wait3A_105 = arith.constant 0 : i32
    %dma_wait3A_106 = arith.constant 0 : i32
    %dma_wait3A_107 = tpu.memref_slice %arg7[%rem3A_97, %dma_wait3A_105, %dma_wait3A_106] : memref<6x2x128xi32, #tpu.memory_space<vmem>> -> memref<1x2x128xi32, #tpu.memory_space<vmem>>
    %dma_wait3A_108 = tpu.memref_squeeze %dma_wait3A_107 : memref<1x2x128xi32, #tpu.memory_space<vmem>> -> memref<2x128xi32, #tpu.memory_space<vmem>>
    %dma_wait3A_109 = arith.constant 0 : i32
    %dma_wait3A_110 = arith.constant 0 : i32
    %dma_wait3A_111 = tpu.memref_slice %arg3[%add3A_94, %dma_wait3A_109, %dma_wait3A_110] : memref<2500x2x128xi32, #tpu.memory_space<hbm>> -> memref<1x2x128xi32, #tpu.memory_space<hbm>>
    %dma_wait3A_112 = tpu.memref_squeeze %dma_wait3A_111 : memref<1x2x128xi32, #tpu.memory_space<hbm>> -> memref<2x128xi32, #tpu.memory_space<hbm>>
    tpu.wait_dma2 semaphore(%arg12 : memref<!tpu.dma_semaphore, #tpu.memory_space<semaphore_mem>>) src(%dma_wait3A_112 : memref<2x128xi32, #tpu.memory_space<hbm>>) dst(%dma_wait3A_108 : memref<2x128xi32, #tpu.memory_space<vmem>>)
    %rem3A_113 = arith.constant 0 : i32
    %rem3A_114 = arith.constant 6 : i32
    %rem3A_115 = arith.remsi %rem3A_113, %rem3A_114 : i32
    %rem3A_116 = arith.constant 0 : i32
    %rem3A_117 = arith.constant 3 : i32
    %rem3A_118 = arith.remsi %rem3A_116, %rem3A_117 : i32
    %dma_start3A_119 = arith.constant 0 : i32
    %dma_start3A_120 = arith.constant 0 : i32
    %dma_start3A_121 = arith.constant 0 : i32
    %dma_start3A_122 = tpu.memref_slice %arg8[%rem3A_118, %dma_start3A_120, %dma_start3A_121] : memref<3x128x128xf32, #tpu.memory_space<vmem>> -> memref<1x128x128xf32, #tpu.memory_space<vmem>>
    %dma_start3A_123 = tpu.memref_squeeze %dma_start3A_122 : memref<1x128x128xf32, #tpu.memory_space<vmem>> -> memref<128x128xf32, #tpu.memory_space<vmem>>
    %dma_start3A_124 = arith.constant 0 : i32
    %dma_start3A_125 = tpu.memref_slice %arg7[%rem3A_115, %dma_start3A_119, %dma_start3A_124] : memref<6x2x128xi32, #tpu.memory_space<vmem>> -> memref<1x1x128xi32, #tpu.memory_space<vmem>>
    %dma_start3A_126 = tpu.memref_squeeze %dma_start3A_125 : memref<1x1x128xi32, #tpu.memory_space<vmem>> -> memref<128xi32, #tpu.memory_space<vmem>>
    %dma_start3A_127 = arith.constant 0 : i32
    %dma_start3A_128 = arith.constant 0 : i32
    %dma_start3A_129 = tpu.memref_slice %arg2[%dma_start3A_127, %dma_start3A_128] : memref<10000x128xf32, #tpu.memory_space<hbm>> -> memref<10000x128xf32, #tpu.memory_space<hbm>>
    tpu.enqueue_indirect_dma source(%dma_start3A_129 : memref<10000x128xf32, #tpu.memory_space<hbm>>) target(%dma_start3A_123 : memref<128x128xf32, #tpu.memory_space<vmem>>) offsets(%dma_start3A_126 : memref<128xi32, #tpu.memory_space<vmem>>) semaphore(%arg10 : memref<!tpu.dma_semaphore, #tpu.memory_space<semaphore_mem>>)
    %add3A_130 = arith.constant 32 : i32
    %add3A_131 = arith.addi %add3A, %add3A_130 : i32
    %rem3A_132 = arith.constant 1 : i32
    %rem3A_133 = arith.constant 6 : i32
    %rem3A_134 = arith.remsi %rem3A_132, %rem3A_133 : i32
    %dma_wait3A_135 = arith.constant 0 : i32
    %dma_wait3A_136 = arith.constant 0 : i32
    %dma_wait3A_137 = tpu.memref_slice %arg7[%rem3A_134, %dma_wait3A_135, %dma_wait3A_136] : memref<6x2x128xi32, #tpu.memory_space<vmem>> -> memref<1x2x128xi32, #tpu.memory_space<vmem>>
    %dma_wait3A_138 = tpu.memref_squeeze %dma_wait3A_137 : memref<1x2x128xi32, #tpu.memory_space<vmem>> -> memref<2x128xi32, #tpu.memory_space<vmem>>
    %dma_wait3A_139 = arith.constant 0 : i32
    %dma_wait3A_140 = arith.constant 0 : i32
    %dma_wait3A_141 = tpu.memref_slice %arg3[%add3A_131, %dma_wait3A_139, %dma_wait3A_140] : memref<2500x2x128xi32, #tpu.memory_space<hbm>> -> memref<1x2x128xi32, #tpu.memory_space<hbm>>
    %dma_wait3A_142 = tpu.memref_squeeze %dma_wait3A_141 : memref<1x2x128xi32, #tpu.memory_space<hbm>> -> memref<2x128xi32, #tpu.memory_space<hbm>>
    %dma_wait3A_143 = arith.constant 0 : i32
    %dma_wait3A_144 = arith.constant 0 : i32
    %dma_wait3A_145 = tpu.memref_slice %arg7[%rem3A_134, %dma_wait3A_143, %dma_wait3A_144] : memref<6x2x128xi32, #tpu.memory_space<vmem>> -> memref<1x2x128xi32, #tpu.memory_space<vmem>>
    %dma_wait3A_146 = tpu.memref_squeeze %dma_wait3A_145 : memref<1x2x128xi32, #tpu.memory_space<vmem>> -> memref<2x128xi32, #tpu.memory_space<vmem>>
    %dma_wait3A_147 = arith.constant 0 : i32
    %dma_wait3A_148 = arith.constant 0 : i32
    %dma_wait3A_149 = tpu.memref_slice %arg3[%add3A_131, %dma_wait3A_147, %dma_wait3A_148] : memref<2500x2x128xi32, #tpu.memory_space<hbm>> -> memref<1x2x128xi32, #tpu.memory_space<hbm>>
    %dma_wait3A_150 = tpu.memref_squeeze %dma_wait3A_149 : memref<1x2x128xi32, #tpu.memory_space<hbm>> -> memref<2x128xi32, #tpu.memory_space<hbm>>
    tpu.wait_dma2 semaphore(%arg12 : memref<!tpu.dma_semaphore, #tpu.memory_space<semaphore_mem>>) src(%dma_wait3A_150 : memref<2x128xi32, #tpu.memory_space<hbm>>) dst(%dma_wait3A_146 : memref<2x128xi32, #tpu.memory_space<vmem>>)
    %rem3A_151 = arith.constant 1 : i32
    %rem3A_152 = arith.constant 6 : i32
    %rem3A_153 = arith.remsi %rem3A_151, %rem3A_152 : i32
    %rem3A_154 = arith.constant 1 : i32
    %rem3A_155 = arith.constant 3 : i32
    %rem3A_156 = arith.remsi %rem3A_154, %rem3A_155 : i32
    %dma_start3A_157 = arith.constant 0 : i32
    %dma_start3A_158 = arith.constant 0 : i32
    %dma_start3A_159 = arith.constant 0 : i32
    %dma_start3A_160 = tpu.memref_slice %arg8[%rem3A_156, %dma_start3A_158, %dma_start3A_159] : memref<3x128x128xf32, #tpu.memory_space<vmem>> -> memref<1x128x128xf32, #tpu.memory_space<vmem>>
    %dma_start3A_161 = tpu.memref_squeeze %dma_start3A_160 : memref<1x128x128xf32, #tpu.memory_space<vmem>> -> memref<128x128xf32, #tpu.memory_space<vmem>>
    %dma_start3A_162 = arith.constant 0 : i32
    %dma_start3A_163 = tpu.memref_slice %arg7[%rem3A_153, %dma_start3A_157, %dma_start3A_162] : memref<6x2x128xi32, #tpu.memory_space<vmem>> -> memref<1x1x128xi32, #tpu.memory_space<vmem>>
    %dma_start3A_164 = tpu.memref_squeeze %dma_start3A_163 : memref<1x1x128xi32, #tpu.memory_space<vmem>> -> memref<128xi32, #tpu.memory_space<vmem>>
    %dma_start3A_165 = arith.constant 0 : i32
    %dma_start3A_166 = arith.constant 0 : i32
    %dma_start3A_167 = tpu.memref_slice %arg2[%dma_start3A_165, %dma_start3A_166] : memref<10000x128xf32, #tpu.memory_space<hbm>> -> memref<10000x128xf32, #tpu.memory_space<hbm>>
    tpu.enqueue_indirect_dma source(%dma_start3A_167 : memref<10000x128xf32, #tpu.memory_space<hbm>>) target(%dma_start3A_161 : memref<128x128xf32, #tpu.memory_space<vmem>>) offsets(%dma_start3A_164 : memref<128xi32, #tpu.memory_space<vmem>>) semaphore(%arg10 : memref<!tpu.dma_semaphore, #tpu.memory_space<semaphore_mem>>)
    %dma_wait3A_168 = arith.constant 0 : i32
    %dma_wait3A_169 = tpu.memref_slice %arg9[%multiple_of3A, %dma_wait3A_168] : memref<10000x128xf32, #tpu.memory_space<vmem_shared>> -> memref<640x128xf32, #tpu.memory_space<vmem_shared>>
    %dma_wait3A_170 = arith.constant 0 : i32
    %dma_wait3A_171 = tpu.memref_slice %arg4[%multiple_of3A, %dma_wait3A_170] : memref<10240x128xf32, #tpu.memory_space<hbm>> -> memref<640x128xf32, #tpu.memory_space<hbm>>
    tpu.wait_dma2 semaphore(%arg13 : memref<!tpu.dma_semaphore, #tpu.memory_space<semaphore_mem>>) src(%dma_wait3A_171 : memref<640x128xf32, #tpu.memory_space<hbm>>) dst(%dma_wait3A_169 : memref<640x128xf32, #tpu.memory_space<vmem_shared>>)
    %barrier3A = arith.constant 0 : index
    tpu.barrier barrier_id(%barrier3A)
    %while3A = arith.constant 0 : i32
    %while3A_172 = arith.constant 0 : i32
    %while3A_173 = arith.subi %add3A_6, %while3A_172 : i32
    %while3A_174 = arith.addi %while3A_172, %while3A_173 : i32
    %while3A_175 = arith.constant 1 : i32
    %while3A_176 = arith.divsi %while3A_173, %while3A_175 : i32
    %while3A_177 = arith.muli %while3A_176, %while3A_175 : i32
    %while3A_178 = arith.addi %while3A_172, %while3A_177 : i32
    %while3A_179 = arith.constant 1 : i32
    scf.for %while3A_205 = %while3A_172 to %while3A_178 step %while3A_179  : i32 {
      %ge3A = arith.constant 1 : i32
      %ge3A_206 = arith.cmpi sge, %while3A_205, %ge3A : i32
      %convert_element_type3A_207 = arith.extui %ge3A_206 : i1 to i32
      %cond3A_208 = arith.constant 0 : i32
      %cond3A_209 = arith.cmpi ne, %convert_element_type3A_207, %cond3A_208 : i32
      scf.if %cond3A_209 {
        %sub3A_252 = arith.constant 1 : i32
        %sub3A_253 = arith.subi %while3A_205, %sub3A_252 : i32
        %rem3A_254 = arith.constant 3 : i32
        %rem3A_255 = arith.remsi %sub3A_253, %rem3A_254 : i32
        %rem3A_256 = arith.constant 6 : i32
        %rem3A_257 = arith.remsi %sub3A_253, %rem3A_256 : i32
        %dma_wait3A_258 = arith.constant 1 : i32
        %dma_wait3A_259 = arith.constant 0 : i32
        %dma_wait3A_260 = arith.constant 0 : i32
        %dma_wait3A_261 = tpu.memref_slice %arg8[%rem3A_255, %dma_wait3A_259, %dma_wait3A_260] : memref<3x128x128xf32, #tpu.memory_space<vmem>> -> memref<1x128x128xf32, #tpu.memory_space<vmem>>
        %dma_wait3A_262 = tpu.memref_squeeze %dma_wait3A_261 : memref<1x128x128xf32, #tpu.memory_space<vmem>> -> memref<128x128xf32, #tpu.memory_space<vmem>>
        %dma_wait3A_263 = arith.constant 0 : i32
        %dma_wait3A_264 = tpu.memref_slice %arg7[%rem3A_257, %dma_wait3A_258, %dma_wait3A_263] : memref<6x2x128xi32, #tpu.memory_space<vmem>> -> memref<1x1x128xi32, #tpu.memory_space<vmem>>
        %dma_wait3A_265 = tpu.memref_squeeze %dma_wait3A_264 : memref<1x1x128xi32, #tpu.memory_space<vmem>> -> memref<128xi32, #tpu.memory_space<vmem>>
        %dma_wait3A_266 = arith.constant 0 : i32
        %dma_wait3A_267 = arith.constant 0 : i32
        %dma_wait3A_268 = tpu.memref_slice %arg9[%dma_wait3A_266, %dma_wait3A_267] : memref<10000x128xf32, #tpu.memory_space<vmem_shared>> -> memref<10000x128xf32, #tpu.memory_space<vmem_shared>>
        tpu.wait_indirect_dma semaphore(%arg11 : memref<!tpu.dma_semaphore, #tpu.memory_space<semaphore_mem>>) src(%dma_wait3A_262 : memref<128x128xf32, #tpu.memory_space<vmem>>) dst(%dma_wait3A_268 : memref<10000x128xf32, #tpu.memory_space<vmem_shared>>)
      } else {
      }
      %add3A_210 = arith.constant 2 : i32
      %add3A_211 = arith.addi %while3A_205, %add3A_210 : i32
      %lt3A_212 = arith.cmpi slt, %add3A_211, %add3A_6 : i32
      %convert_element_type3A_213 = arith.extui %lt3A_212 : i1 to i32
      %cond3A_214 = arith.constant 0 : i32
      %cond3A_215 = arith.cmpi ne, %convert_element_type3A_213, %cond3A_214 : i32
      scf.if %cond3A_215 {
        %add3A_252 = arith.constant 2 : i32
        %add3A_253 = arith.addi %while3A_205, %add3A_252 : i32
        %mul3A_254 = arith.constant 32 : i32
        %mul3A_255 = arith.muli %mul3A_254, %add3A_253 : i32
        %add3A_256 = arith.addi %add3A, %mul3A_255 : i32
        %rem3A_257 = arith.constant 6 : i32
        %rem3A_258 = arith.remsi %add3A_253, %rem3A_257 : i32
        %dma_wait3A_259 = arith.constant 0 : i32
        %dma_wait3A_260 = arith.constant 0 : i32
        %dma_wait3A_261 = tpu.memref_slice %arg7[%rem3A_258, %dma_wait3A_259, %dma_wait3A_260] : memref<6x2x128xi32, #tpu.memory_space<vmem>> -> memref<1x2x128xi32, #tpu.memory_space<vmem>>
        %dma_wait3A_262 = tpu.memref_squeeze %dma_wait3A_261 : memref<1x2x128xi32, #tpu.memory_space<vmem>> -> memref<2x128xi32, #tpu.memory_space<vmem>>
        %dma_wait3A_263 = arith.constant 0 : i32
        %dma_wait3A_264 = arith.constant 0 : i32
        %dma_wait3A_265 = tpu.memref_slice %arg3[%add3A_256, %dma_wait3A_263, %dma_wait3A_264] : memref<2500x2x128xi32, #tpu.memory_space<hbm>> -> memref<1x2x128xi32, #tpu.memory_space<hbm>>
        %dma_wait3A_266 = tpu.memref_squeeze %dma_wait3A_265 : memref<1x2x128xi32, #tpu.memory_space<hbm>> -> memref<2x128xi32, #tpu.memory_space<hbm>>
        %dma_wait3A_267 = arith.constant 0 : i32
        %dma_wait3A_268 = arith.constant 0 : i32
        %dma_wait3A_269 = tpu.memref_slice %arg7[%rem3A_258, %dma_wait3A_267, %dma_wait3A_268] : memref<6x2x128xi32, #tpu.memory_space<vmem>> -> memref<1x2x128xi32, #tpu.memory_space<vmem>>
        %dma_wait3A_270 = tpu.memref_squeeze %dma_wait3A_269 : memref<1x2x128xi32, #tpu.memory_space<vmem>> -> memref<2x128xi32, #tpu.memory_space<vmem>>
        %dma_wait3A_271 = arith.constant 0 : i32
        %dma_wait3A_272 = arith.constant 0 : i32
        %dma_wait3A_273 = tpu.memref_slice %arg3[%add3A_256, %dma_wait3A_271, %dma_wait3A_272] : memref<2500x2x128xi32, #tpu.memory_space<hbm>> -> memref<1x2x128xi32, #tpu.memory_space<hbm>>
        %dma_wait3A_274 = tpu.memref_squeeze %dma_wait3A_273 : memref<1x2x128xi32, #tpu.memory_space<hbm>> -> memref<2x128xi32, #tpu.memory_space<hbm>>
        tpu.wait_dma2 semaphore(%arg12 : memref<!tpu.dma_semaphore, #tpu.memory_space<semaphore_mem>>) src(%dma_wait3A_274 : memref<2x128xi32, #tpu.memory_space<hbm>>) dst(%dma_wait3A_270 : memref<2x128xi32, #tpu.memory_space<vmem>>)
        %add3A_275 = arith.constant 2 : i32
        %add3A_276 = arith.addi %while3A_205, %add3A_275 : i32
        %rem3A_277 = arith.constant 6 : i32
        %rem3A_278 = arith.remsi %add3A_276, %rem3A_277 : i32
        %rem3A_279 = arith.constant 3 : i32
        %rem3A_280 = arith.remsi %add3A_276, %rem3A_279 : i32
        %dma_start3A_281 = arith.constant 0 : i32
        %dma_start3A_282 = arith.constant 0 : i32
        %dma_start3A_283 = arith.constant 0 : i32
        %dma_start3A_284 = tpu.memref_slice %arg8[%rem3A_280, %dma_start3A_282, %dma_start3A_283] : memref<3x128x128xf32, #tpu.memory_space<vmem>> -> memref<1x128x128xf32, #tpu.memory_space<vmem>>
        %dma_start3A_285 = tpu.memref_squeeze %dma_start3A_284 : memref<1x128x128xf32, #tpu.memory_space<vmem>> -> memref<128x128xf32, #tpu.memory_space<vmem>>
        %dma_start3A_286 = arith.constant 0 : i32
        %dma_start3A_287 = tpu.memref_slice %arg7[%rem3A_278, %dma_start3A_281, %dma_start3A_286] : memref<6x2x128xi32, #tpu.memory_space<vmem>> -> memref<1x1x128xi32, #tpu.memory_space<vmem>>
        %dma_start3A_288 = tpu.memref_squeeze %dma_start3A_287 : memref<1x1x128xi32, #tpu.memory_space<vmem>> -> memref<128xi32, #tpu.memory_space<vmem>>
        %dma_start3A_289 = arith.constant 0 : i32
        %dma_start3A_290 = arith.constant 0 : i32
        %dma_start3A_291 = tpu.memref_slice %arg2[%dma_start3A_289, %dma_start3A_290] : memref<10000x128xf32, #tpu.memory_space<hbm>> -> memref<10000x128xf32, #tpu.memory_space<hbm>>
        tpu.enqueue_indirect_dma source(%dma_start3A_291 : memref<10000x128xf32, #tpu.memory_space<hbm>>) target(%dma_start3A_285 : memref<128x128xf32, #tpu.memory_space<vmem>>) offsets(%dma_start3A_288 : memref<128xi32, #tpu.memory_space<vmem>>) semaphore(%arg10 : memref<!tpu.dma_semaphore, #tpu.memory_space<semaphore_mem>>)
      } else {
      }
      %add3A_216 = arith.constant 4 : i32
      %add3A_217 = arith.addi %while3A_205, %add3A_216 : i32
      %lt3A_218 = arith.cmpi slt, %add3A_217, %add3A_6 : i32
      %convert_element_type3A_219 = arith.extui %lt3A_218 : i1 to i32
      %cond3A_220 = arith.constant 0 : i32
      %cond3A_221 = arith.cmpi ne, %convert_element_type3A_219, %cond3A_220 : i32
      scf.if %cond3A_221 {
        %add3A_252 = arith.constant 4 : i32
        %add3A_253 = arith.addi %while3A_205, %add3A_252 : i32
        %mul3A_254 = arith.constant 32 : i32
        %mul3A_255 = arith.muli %mul3A_254, %add3A_253 : i32
        %add3A_256 = arith.addi %add3A, %mul3A_255 : i32
        %rem3A_257 = arith.constant 6 : i32
        %rem3A_258 = arith.remsi %add3A_253, %rem3A_257 : i32
        %dma_start3A_259 = arith.constant 0 : i32
        %dma_start3A_260 = arith.constant 0 : i32
        %dma_start3A_261 = tpu.memref_slice %arg7[%rem3A_258, %dma_start3A_259, %dma_start3A_260] : memref<6x2x128xi32, #tpu.memory_space<vmem>> -> memref<1x2x128xi32, #tpu.memory_space<vmem>>
        %dma_start3A_262 = tpu.memref_squeeze %dma_start3A_261 : memref<1x2x128xi32, #tpu.memory_space<vmem>> -> memref<2x128xi32, #tpu.memory_space<vmem>>
        %dma_start3A_263 = arith.constant 0 : i32
        %dma_start3A_264 = arith.constant 0 : i32
        %dma_start3A_265 = tpu.memref_slice %arg3[%add3A_256, %dma_start3A_263, %dma_start3A_264] : memref<2500x2x128xi32, #tpu.memory_space<hbm>> -> memref<1x2x128xi32, #tpu.memory_space<hbm>>
        %dma_start3A_266 = tpu.memref_squeeze %dma_start3A_265 : memref<1x2x128xi32, #tpu.memory_space<hbm>> -> memref<2x128xi32, #tpu.memory_space<hbm>>
        %dma_start3A_267 = arith.constant 0 : i32
        %dma_start3A_268 = arith.constant 0 : i32
        %dma_start3A_269 = tpu.memref_slice %arg7[%rem3A_258, %dma_start3A_267, %dma_start3A_268] : memref<6x2x128xi32, #tpu.memory_space<vmem>> -> memref<1x2x128xi32, #tpu.memory_space<vmem>>
        %dma_start3A_270 = tpu.memref_squeeze %dma_start3A_269 : memref<1x2x128xi32, #tpu.memory_space<vmem>> -> memref<2x128xi32, #tpu.memory_space<vmem>>
        %dma_start3A_271 = arith.constant 0 : i32
        %dma_start3A_272 = arith.constant 0 : i32
        %dma_start3A_273 = tpu.memref_slice %arg3[%add3A_256, %dma_start3A_271, %dma_start3A_272] : memref<2500x2x128xi32, #tpu.memory_space<hbm>> -> memref<1x2x128xi32, #tpu.memory_space<hbm>>
        %dma_start3A_274 = tpu.memref_squeeze %dma_start3A_273 : memref<1x2x128xi32, #tpu.memory_space<hbm>> -> memref<2x128xi32, #tpu.memory_space<hbm>>
        tpu.enqueue_dma source(%dma_start3A_274 : memref<2x128xi32, #tpu.memory_space<hbm>>) target(%dma_start3A_270 : memref<2x128xi32, #tpu.memory_space<vmem>>) target_semaphore(%arg12 : memref<!tpu.dma_semaphore, #tpu.memory_space<semaphore_mem>>)
      } else {
      }
      %rem3A_222 = arith.constant 6 : i32
      %rem3A_223 = arith.remsi %while3A_205, %rem3A_222 : i32
      %rem3A_224 = arith.constant 3 : i32
      %rem3A_225 = arith.remsi %while3A_205, %rem3A_224 : i32
      %dma_wait3A_226 = arith.constant 0 : i32
      %dma_wait3A_227 = arith.constant 0 : i32
      %dma_wait3A_228 = arith.constant 0 : i32
      %dma_wait3A_229 = tpu.memref_slice %arg8[%rem3A_225, %dma_wait3A_227, %dma_wait3A_228] : memref<3x128x128xf32, #tpu.memory_space<vmem>> -> memref<1x128x128xf32, #tpu.memory_space<vmem>>
      %dma_wait3A_230 = tpu.memref_squeeze %dma_wait3A_229 : memref<1x128x128xf32, #tpu.memory_space<vmem>> -> memref<128x128xf32, #tpu.memory_space<vmem>>
      %dma_wait3A_231 = arith.constant 0 : i32
      %dma_wait3A_232 = tpu.memref_slice %arg7[%rem3A_223, %dma_wait3A_226, %dma_wait3A_231] : memref<6x2x128xi32, #tpu.memory_space<vmem>> -> memref<1x1x128xi32, #tpu.memory_space<vmem>>
      %dma_wait3A_233 = tpu.memref_squeeze %dma_wait3A_232 : memref<1x1x128xi32, #tpu.memory_space<vmem>> -> memref<128xi32, #tpu.memory_space<vmem>>
      %dma_wait3A_234 = arith.constant 0 : i32
      %dma_wait3A_235 = arith.constant 0 : i32
      %dma_wait3A_236 = tpu.memref_slice %arg2[%dma_wait3A_234, %dma_wait3A_235] : memref<10000x128xf32, #tpu.memory_space<hbm>> -> memref<10000x128xf32, #tpu.memory_space<hbm>>
      tpu.wait_indirect_dma semaphore(%arg10 : memref<!tpu.dma_semaphore, #tpu.memory_space<semaphore_mem>>) src(%dma_wait3A_236 : memref<10000x128xf32, #tpu.memory_space<hbm>>) dst(%dma_wait3A_230 : memref<128x128xf32, #tpu.memory_space<vmem>>)
      %rem3A_237 = arith.constant 3 : i32
      %rem3A_238 = arith.remsi %while3A_205, %rem3A_237 : i32
      %rem3A_239 = arith.constant 6 : i32
      %rem3A_240 = arith.remsi %while3A_205, %rem3A_239 : i32
      %dma_start3A_241 = arith.constant 1 : i32
      %dma_start3A_242 = arith.constant 0 : i32
      %dma_start3A_243 = arith.constant 0 : i32
      %dma_start3A_244 = tpu.memref_slice %arg8[%rem3A_238, %dma_start3A_242, %dma_start3A_243] : memref<3x128x128xf32, #tpu.memory_space<vmem>> -> memref<1x128x128xf32, #tpu.memory_space<vmem>>
      %dma_start3A_245 = tpu.memref_squeeze %dma_start3A_244 : memref<1x128x128xf32, #tpu.memory_space<vmem>> -> memref<128x128xf32, #tpu.memory_space<vmem>>
      %dma_start3A_246 = arith.constant 0 : i32
      %dma_start3A_247 = tpu.memref_slice %arg7[%rem3A_240, %dma_start3A_241, %dma_start3A_246] : memref<6x2x128xi32, #tpu.memory_space<vmem>> -> memref<1x1x128xi32, #tpu.memory_space<vmem>>
      %dma_start3A_248 = tpu.memref_squeeze %dma_start3A_247 : memref<1x1x128xi32, #tpu.memory_space<vmem>> -> memref<128xi32, #tpu.memory_space<vmem>>
      %dma_start3A_249 = arith.constant 0 : i32
      %dma_start3A_250 = arith.constant 0 : i32
      %dma_start3A_251 = tpu.memref_slice %arg9[%dma_start3A_249, %dma_start3A_250] : memref<10000x128xf32, #tpu.memory_space<vmem_shared>> -> memref<10000x128xf32, #tpu.memory_space<vmem_shared>>
      tpu.enqueue_indirect_dma source(%dma_start3A_245 : memref<128x128xf32, #tpu.memory_space<vmem>>) target(%dma_start3A_251 : memref<10000x128xf32, #tpu.memory_space<vmem_shared>>) offsets(%dma_start3A_248 : memref<128xi32, #tpu.memory_space<vmem>>) semaphore(%arg11 : memref<!tpu.dma_semaphore, #tpu.memory_space<semaphore_mem>>) {add = true}
    }
    %while3A_180 = arith.constant 1 : i32
    scf.for %while3A_205 = %while3A_178 to %while3A_174 step %while3A_180  : i32 {
      %ge3A = arith.constant 1 : i32
      %ge3A_206 = arith.cmpi sge, %while3A_205, %ge3A : i32
      %convert_element_type3A_207 = arith.extui %ge3A_206 : i1 to i32
      %cond3A_208 = arith.constant 0 : i32
      %cond3A_209 = arith.cmpi ne, %convert_element_type3A_207, %cond3A_208 : i32
      scf.if %cond3A_209 {
        %sub3A_252 = arith.constant 1 : i32
        %sub3A_253 = arith.subi %while3A_205, %sub3A_252 : i32
        %rem3A_254 = arith.constant 3 : i32
        %rem3A_255 = arith.remsi %sub3A_253, %rem3A_254 : i32
        %rem3A_256 = arith.constant 6 : i32
        %rem3A_257 = arith.remsi %sub3A_253, %rem3A_256 : i32
        %dma_wait3A_258 = arith.constant 1 : i32
        %dma_wait3A_259 = arith.constant 0 : i32
        %dma_wait3A_260 = arith.constant 0 : i32
        %dma_wait3A_261 = tpu.memref_slice %arg8[%rem3A_255, %dma_wait3A_259, %dma_wait3A_260] : memref<3x128x128xf32, #tpu.memory_space<vmem>> -> memref<1x128x128xf32, #tpu.memory_space<vmem>>
        %dma_wait3A_262 = tpu.memref_squeeze %dma_wait3A_261 : memref<1x128x128xf32, #tpu.memory_space<vmem>> -> memref<128x128xf32, #tpu.memory_space<vmem>>
        %dma_wait3A_263 = arith.constant 0 : i32
        %dma_wait3A_264 = tpu.memref_slice %arg7[%rem3A_257, %dma_wait3A_258, %dma_wait3A_263] : memref<6x2x128xi32, #tpu.memory_space<vmem>> -> memref<1x1x128xi32, #tpu.memory_space<vmem>>
        %dma_wait3A_265 = tpu.memref_squeeze %dma_wait3A_264 : memref<1x1x128xi32, #tpu.memory_space<vmem>> -> memref<128xi32, #tpu.memory_space<vmem>>
        %dma_wait3A_266 = arith.constant 0 : i32
        %dma_wait3A_267 = arith.constant 0 : i32
        %dma_wait3A_268 = tpu.memref_slice %arg9[%dma_wait3A_266, %dma_wait3A_267] : memref<10000x128xf32, #tpu.memory_space<vmem_shared>> -> memref<10000x128xf32, #tpu.memory_space<vmem_shared>>
        tpu.wait_indirect_dma semaphore(%arg11 : memref<!tpu.dma_semaphore, #tpu.memory_space<semaphore_mem>>) src(%dma_wait3A_262 : memref<128x128xf32, #tpu.memory_space<vmem>>) dst(%dma_wait3A_268 : memref<10000x128xf32, #tpu.memory_space<vmem_shared>>)
      } else {
      }
      %add3A_210 = arith.constant 2 : i32
      %add3A_211 = arith.addi %while3A_205, %add3A_210 : i32
      %lt3A_212 = arith.cmpi slt, %add3A_211, %add3A_6 : i32
      %convert_element_type3A_213 = arith.extui %lt3A_212 : i1 to i32
      %cond3A_214 = arith.constant 0 : i32
      %cond3A_215 = arith.cmpi ne, %convert_element_type3A_213, %cond3A_214 : i32
      scf.if %cond3A_215 {
        %add3A_252 = arith.constant 2 : i32
        %add3A_253 = arith.addi %while3A_205, %add3A_252 : i32
        %mul3A_254 = arith.constant 32 : i32
        %mul3A_255 = arith.muli %mul3A_254, %add3A_253 : i32
        %add3A_256 = arith.addi %add3A, %mul3A_255 : i32
        %rem3A_257 = arith.constant 6 : i32
        %rem3A_258 = arith.remsi %add3A_253, %rem3A_257 : i32
        %dma_wait3A_259 = arith.constant 0 : i32
        %dma_wait3A_260 = arith.constant 0 : i32
        %dma_wait3A_261 = tpu.memref_slice %arg7[%rem3A_258, %dma_wait3A_259, %dma_wait3A_260] : memref<6x2x128xi32, #tpu.memory_space<vmem>> -> memref<1x2x128xi32, #tpu.memory_space<vmem>>
        %dma_wait3A_262 = tpu.memref_squeeze %dma_wait3A_261 : memref<1x2x128xi32, #tpu.memory_space<vmem>> -> memref<2x128xi32, #tpu.memory_space<vmem>>
        %dma_wait3A_263 = arith.constant 0 : i32
        %dma_wait3A_264 = arith.constant 0 : i32
        %dma_wait3A_265 = tpu.memref_slice %arg3[%add3A_256, %dma_wait3A_263, %dma_wait3A_264] : memref<2500x2x128xi32, #tpu.memory_space<hbm>> -> memref<1x2x128xi32, #tpu.memory_space<hbm>>
        %dma_wait3A_266 = tpu.memref_squeeze %dma_wait3A_265 : memref<1x2x128xi32, #tpu.memory_space<hbm>> -> memref<2x128xi32, #tpu.memory_space<hbm>>
        %dma_wait3A_267 = arith.constant 0 : i32
        %dma_wait3A_268 = arith.constant 0 : i32
        %dma_wait3A_269 = tpu.memref_slice %arg7[%rem3A_258, %dma_wait3A_267, %dma_wait3A_268] : memref<6x2x128xi32, #tpu.memory_space<vmem>> -> memref<1x2x128xi32, #tpu.memory_space<vmem>>
        %dma_wait3A_270 = tpu.memref_squeeze %dma_wait3A_269 : memref<1x2x128xi32, #tpu.memory_space<vmem>> -> memref<2x128xi32, #tpu.memory_space<vmem>>
        %dma_wait3A_271 = arith.constant 0 : i32
        %dma_wait3A_272 = arith.constant 0 : i32
        %dma_wait3A_273 = tpu.memref_slice %arg3[%add3A_256, %dma_wait3A_271, %dma_wait3A_272] : memref<2500x2x128xi32, #tpu.memory_space<hbm>> -> memref<1x2x128xi32, #tpu.memory_space<hbm>>
        %dma_wait3A_274 = tpu.memref_squeeze %dma_wait3A_273 : memref<1x2x128xi32, #tpu.memory_space<hbm>> -> memref<2x128xi32, #tpu.memory_space<hbm>>
        tpu.wait_dma2 semaphore(%arg12 : memref<!tpu.dma_semaphore, #tpu.memory_space<semaphore_mem>>) src(%dma_wait3A_274 : memref<2x128xi32, #tpu.memory_space<hbm>>) dst(%dma_wait3A_270 : memref<2x128xi32, #tpu.memory_space<vmem>>)
        %add3A_275 = arith.constant 2 : i32
        %add3A_276 = arith.addi %while3A_205, %add3A_275 : i32
        %rem3A_277 = arith.constant 6 : i32
        %rem3A_278 = arith.remsi %add3A_276, %rem3A_277 : i32
        %rem3A_279 = arith.constant 3 : i32
        %rem3A_280 = arith.remsi %add3A_276, %rem3A_279 : i32
        %dma_start3A_281 = arith.constant 0 : i32
        %dma_start3A_282 = arith.constant 0 : i32
        %dma_start3A_283 = arith.constant 0 : i32
        %dma_start3A_284 = tpu.memref_slice %arg8[%rem3A_280, %dma_start3A_282, %dma_start3A_283] : memref<3x128x128xf32, #tpu.memory_space<vmem>> -> memref<1x128x128xf32, #tpu.memory_space<vmem>>
        %dma_start3A_285 = tpu.memref_squeeze %dma_start3A_284 : memref<1x128x128xf32, #tpu.memory_space<vmem>> -> memref<128x128xf32, #tpu.memory_space<vmem>>
        %dma_start3A_286 = arith.constant 0 : i32
        %dma_start3A_287 = tpu.memref_slice %arg7[%rem3A_278, %dma_start3A_281, %dma_start3A_286] : memref<6x2x128xi32, #tpu.memory_space<vmem>> -> memref<1x1x128xi32, #tpu.memory_space<vmem>>
        %dma_start3A_288 = tpu.memref_squeeze %dma_start3A_287 : memref<1x1x128xi32, #tpu.memory_space<vmem>> -> memref<128xi32, #tpu.memory_space<vmem>>
        %dma_start3A_289 = arith.constant 0 : i32
        %dma_start3A_290 = arith.constant 0 : i32
        %dma_start3A_291 = tpu.memref_slice %arg2[%dma_start3A_289, %dma_start3A_290] : memref<10000x128xf32, #tpu.memory_space<hbm>> -> memref<10000x128xf32, #tpu.memory_space<hbm>>
        tpu.enqueue_indirect_dma source(%dma_start3A_291 : memref<10000x128xf32, #tpu.memory_space<hbm>>) target(%dma_start3A_285 : memref<128x128xf32, #tpu.memory_space<vmem>>) offsets(%dma_start3A_288 : memref<128xi32, #tpu.memory_space<vmem>>) semaphore(%arg10 : memref<!tpu.dma_semaphore, #tpu.memory_space<semaphore_mem>>)
      } else {
      }
      %add3A_216 = arith.constant 4 : i32
      %add3A_217 = arith.addi %while3A_205, %add3A_216 : i32
      %lt3A_218 = arith.cmpi slt, %add3A_217, %add3A_6 : i32
      %convert_element_type3A_219 = arith.extui %lt3A_218 : i1 to i32
      %cond3A_220 = arith.constant 0 : i32
      %cond3A_221 = arith.cmpi ne, %convert_element_type3A_219, %cond3A_220 : i32
      scf.if %cond3A_221 {
        %add3A_252 = arith.constant 4 : i32
        %add3A_253 = arith.addi %while3A_205, %add3A_252 : i32
        %mul3A_254 = arith.constant 32 : i32
        %mul3A_255 = arith.muli %mul3A_254, %add3A_253 : i32
        %add3A_256 = arith.addi %add3A, %mul3A_255 : i32
        %rem3A_257 = arith.constant 6 : i32
        %rem3A_258 = arith.remsi %add3A_253, %rem3A_257 : i32
        %dma_start3A_259 = arith.constant 0 : i32
        %dma_start3A_260 = arith.constant 0 : i32
        %dma_start3A_261 = tpu.memref_slice %arg7[%rem3A_258, %dma_start3A_259, %dma_start3A_260] : memref<6x2x128xi32, #tpu.memory_space<vmem>> -> memref<1x2x128xi32, #tpu.memory_space<vmem>>
        %dma_start3A_262 = tpu.memref_squeeze %dma_start3A_261 : memref<1x2x128xi32, #tpu.memory_space<vmem>> -> memref<2x128xi32, #tpu.memory_space<vmem>>
        %dma_start3A_263 = arith.constant 0 : i32
        %dma_start3A_264 = arith.constant 0 : i32
        %dma_start3A_265 = tpu.memref_slice %arg3[%add3A_256, %dma_start3A_263, %dma_start3A_264] : memref<2500x2x128xi32, #tpu.memory_space<hbm>> -> memref<1x2x128xi32, #tpu.memory_space<hbm>>
        %dma_start3A_266 = tpu.memref_squeeze %dma_start3A_265 : memref<1x2x128xi32, #tpu.memory_space<hbm>> -> memref<2x128xi32, #tpu.memory_space<hbm>>
        %dma_start3A_267 = arith.constant 0 : i32
        %dma_start3A_268 = arith.constant 0 : i32
        %dma_start3A_269 = tpu.memref_slice %arg7[%rem3A_258, %dma_start3A_267, %dma_start3A_268] : memref<6x2x128xi32, #tpu.memory_space<vmem>> -> memref<1x2x128xi32, #tpu.memory_space<vmem>>
        %dma_start3A_270 = tpu.memref_squeeze %dma_start3A_269 : memref<1x2x128xi32, #tpu.memory_space<vmem>> -> memref<2x128xi32, #tpu.memory_space<vmem>>
        %dma_start3A_271 = arith.constant 0 : i32
        %dma_start3A_272 = arith.constant 0 : i32
        %dma_start3A_273 = tpu.memref_slice %arg3[%add3A_256, %dma_start3A_271, %dma_start3A_272] : memref<2500x2x128xi32, #tpu.memory_space<hbm>> -> memref<1x2x128xi32, #tpu.memory_space<hbm>>
        %dma_start3A_274 = tpu.memref_squeeze %dma_start3A_273 : memref<1x2x128xi32, #tpu.memory_space<hbm>> -> memref<2x128xi32, #tpu.memory_space<hbm>>
        tpu.enqueue_dma source(%dma_start3A_274 : memref<2x128xi32, #tpu.memory_space<hbm>>) target(%dma_start3A_270 : memref<2x128xi32, #tpu.memory_space<vmem>>) target_semaphore(%arg12 : memref<!tpu.dma_semaphore, #tpu.memory_space<semaphore_mem>>)
      } else {
      }
      %rem3A_222 = arith.constant 6 : i32
      %rem3A_223 = arith.remsi %while3A_205, %rem3A_222 : i32
      %rem3A_224 = arith.constant 3 : i32
      %rem3A_225 = arith.remsi %while3A_205, %rem3A_224 : i32
      %dma_wait3A_226 = arith.constant 0 : i32
      %dma_wait3A_227 = arith.constant 0 : i32
      %dma_wait3A_228 = arith.constant 0 : i32
      %dma_wait3A_229 = tpu.memref_slice %arg8[%rem3A_225, %dma_wait3A_227, %dma_wait3A_228] : memref<3x128x128xf32, #tpu.memory_space<vmem>> -> memref<1x128x128xf32, #tpu.memory_space<vmem>>
      %dma_wait3A_230 = tpu.memref_squeeze %dma_wait3A_229 : memref<1x128x128xf32, #tpu.memory_space<vmem>> -> memref<128x128xf32, #tpu.memory_space<vmem>>
      %dma_wait3A_231 = arith.constant 0 : i32
      %dma_wait3A_232 = tpu.memref_slice %arg7[%rem3A_223, %dma_wait3A_226, %dma_wait3A_231] : memref<6x2x128xi32, #tpu.memory_space<vmem>> -> memref<1x1x128xi32, #tpu.memory_space<vmem>>
      %dma_wait3A_233 = tpu.memref_squeeze %dma_wait3A_232 : memref<1x1x128xi32, #tpu.memory_space<vmem>> -> memref<128xi32, #tpu.memory_space<vmem>>
      %dma_wait3A_234 = arith.constant 0 : i32
      %dma_wait3A_235 = arith.constant 0 : i32
      %dma_wait3A_236 = tpu.memref_slice %arg2[%dma_wait3A_234, %dma_wait3A_235] : memref<10000x128xf32, #tpu.memory_space<hbm>> -> memref<10000x128xf32, #tpu.memory_space<hbm>>
      tpu.wait_indirect_dma semaphore(%arg10 : memref<!tpu.dma_semaphore, #tpu.memory_space<semaphore_mem>>) src(%dma_wait3A_236 : memref<10000x128xf32, #tpu.memory_space<hbm>>) dst(%dma_wait3A_230 : memref<128x128xf32, #tpu.memory_space<vmem>>)
      %rem3A_237 = arith.constant 3 : i32
      %rem3A_238 = arith.remsi %while3A_205, %rem3A_237 : i32
      %rem3A_239 = arith.constant 6 : i32
      %rem3A_240 = arith.remsi %while3A_205, %rem3A_239 : i32
      %dma_start3A_241 = arith.constant 1 : i32
      %dma_start3A_242 = arith.constant 0 : i32
      %dma_start3A_243 = arith.constant 0 : i32
      %dma_start3A_244 = tpu.memref_slice %arg8[%rem3A_238, %dma_start3A_242, %dma_start3A_243] : memref<3x128x128xf32, #tpu.memory_space<vmem>> -> memref<1x128x128xf32, #tpu.memory_space<vmem>>
      %dma_start3A_245 = tpu.memref_squeeze %dma_start3A_244 : memref<1x128x128xf32, #tpu.memory_space<vmem>> -> memref<128x128xf32, #tpu.memory_space<vmem>>
      %dma_start3A_246 = arith.constant 0 : i32
      %dma_start3A_247 = tpu.memref_slice %arg7[%rem3A_240, %dma_start3A_241, %dma_start3A_246] : memref<6x2x128xi32, #tpu.memory_space<vmem>> -> memref<1x1x128xi32, #tpu.memory_space<vmem>>
      %dma_start3A_248 = tpu.memref_squeeze %dma_start3A_247 : memref<1x1x128xi32, #tpu.memory_space<vmem>> -> memref<128xi32, #tpu.memory_space<vmem>>
      %dma_start3A_249 = arith.constant 0 : i32
      %dma_start3A_250 = arith.constant 0 : i32
      %dma_start3A_251 = tpu.memref_slice %arg9[%dma_start3A_249, %dma_start3A_250] : memref<10000x128xf32, #tpu.memory_space<vmem_shared>> -> memref<10000x128xf32, #tpu.memory_space<vmem_shared>>
      tpu.enqueue_indirect_dma source(%dma_start3A_245 : memref<128x128xf32, #tpu.memory_space<vmem>>) target(%dma_start3A_251 : memref<10000x128xf32, #tpu.memory_space<vmem_shared>>) offsets(%dma_start3A_248 : memref<128xi32, #tpu.memory_space<vmem>>) semaphore(%arg11 : memref<!tpu.dma_semaphore, #tpu.memory_space<semaphore_mem>>) {add = true}
    }
    %sub3A = arith.constant 1 : i32
    %sub3A_181 = arith.subi %add3A_6, %sub3A : i32
    %rem3A_182 = arith.constant 3 : i32
    %rem3A_183 = arith.remsi %sub3A_181, %rem3A_182 : i32
    %rem3A_184 = arith.constant 6 : i32
    %rem3A_185 = arith.remsi %sub3A_181, %rem3A_184 : i32
    %dma_wait3A_186 = arith.constant 1 : i32
    %dma_wait3A_187 = arith.constant 0 : i32
    %dma_wait3A_188 = arith.constant 0 : i32
    %dma_wait3A_189 = tpu.memref_slice %arg8[%rem3A_183, %dma_wait3A_187, %dma_wait3A_188] : memref<3x128x128xf32, #tpu.memory_space<vmem>> -> memref<1x128x128xf32, #tpu.memory_space<vmem>>
    %dma_wait3A_190 = tpu.memref_squeeze %dma_wait3A_189 : memref<1x128x128xf32, #tpu.memory_space<vmem>> -> memref<128x128xf32, #tpu.memory_space<vmem>>
    %dma_wait3A_191 = arith.constant 0 : i32
    %dma_wait3A_192 = tpu.memref_slice %arg7[%rem3A_185, %dma_wait3A_186, %dma_wait3A_191] : memref<6x2x128xi32, #tpu.memory_space<vmem>> -> memref<1x1x128xi32, #tpu.memory_space<vmem>>
    %dma_wait3A_193 = tpu.memref_squeeze %dma_wait3A_192 : memref<1x1x128xi32, #tpu.memory_space<vmem>> -> memref<128xi32, #tpu.memory_space<vmem>>
    %dma_wait3A_194 = arith.constant 0 : i32
    %dma_wait3A_195 = arith.constant 0 : i32
    %dma_wait3A_196 = tpu.memref_slice %arg9[%dma_wait3A_194, %dma_wait3A_195] : memref<10000x128xf32, #tpu.memory_space<vmem_shared>> -> memref<10000x128xf32, #tpu.memory_space<vmem_shared>>
    tpu.wait_indirect_dma semaphore(%arg11 : memref<!tpu.dma_semaphore, #tpu.memory_space<semaphore_mem>>) src(%dma_wait3A_190 : memref<128x128xf32, #tpu.memory_space<vmem>>) dst(%dma_wait3A_196 : memref<10000x128xf32, #tpu.memory_space<vmem_shared>>)
    %barrier3A_197 = arith.constant 0 : index
    tpu.barrier barrier_id(%barrier3A_197)
    %eq3A = arith.constant 0 : i32
    %eq3A_198 = arith.cmpi eq, %arg0, %eq3A : i32
    %convert_element_type3A = arith.extui %eq3A_198 : i1 to i32
    %cond3A = arith.constant 0 : i32
    %cond3A_199 = arith.cmpi ne, %convert_element_type3A, %cond3A : i32
    scf.if %cond3A_199 {
      "tpu.region"() ({
        %run_scoped3A = tpu.sem_alloc : memref<!tpu.dma_semaphore, #tpu.memory_space<semaphore_mem>>
        %dma_start3A_205 = arith.constant 0 : i32
        %dma_start3A_206 = tpu.memref_slice %arg5[%multiple_of3A, %dma_start3A_205] : memref<10000x128xf32, #tpu.memory_space<hbm>> -> memref<640x128xf32, #tpu.memory_space<hbm>>
        %dma_start3A_207 = arith.constant 0 : i32
        %dma_start3A_208 = tpu.memref_slice %arg9[%multiple_of3A, %dma_start3A_207] : memref<10000x128xf32, #tpu.memory_space<vmem_shared>> -> memref<640x128xf32, #tpu.memory_space<vmem_shared>>
        tpu.enqueue_dma source(%dma_start3A_208 : memref<640x128xf32, #tpu.memory_space<vmem_shared>>) target(%dma_start3A_206 : memref<640x128xf32, #tpu.memory_space<hbm>>) target_semaphore(%run_scoped3A : memref<!tpu.dma_semaphore, #tpu.memory_space<semaphore_mem>>)
        %dma_wait3A_209 = arith.constant 0 : i32
        %dma_wait3A_210 = tpu.memref_slice %arg5[%multiple_of3A, %dma_wait3A_209] : memref<10000x128xf32, #tpu.memory_space<hbm>> -> memref<640x128xf32, #tpu.memory_space<hbm>>
        %dma_wait3A_211 = arith.constant 0 : i32
        %dma_wait3A_212 = tpu.memref_slice %arg9[%multiple_of3A, %dma_wait3A_211] : memref<10000x128xf32, #tpu.memory_space<vmem_shared>> -> memref<640x128xf32, #tpu.memory_space<vmem_shared>>
        tpu.wait_dma2 semaphore(%run_scoped3A : memref<!tpu.dma_semaphore, #tpu.memory_space<semaphore_mem>>) src(%dma_wait3A_212 : memref<640x128xf32, #tpu.memory_space<vmem_shared>>) dst(%dma_wait3A_210 : memref<640x128xf32, #tpu.memory_space<hbm>>)
        tpu.yield
      }) : () -> ()
    } else {
    }
    %eq3A_200 = arith.constant 1 : i32
    %eq3A_201 = arith.cmpi eq, %arg0, %eq3A_200 : i32
    %convert_element_type3A_202 = arith.extui %eq3A_201 : i1 to i32
    %cond3A_203 = arith.constant 0 : i32
    %cond3A_204 = arith.cmpi ne, %convert_element_type3A_202, %cond3A_203 : i32
    scf.if %cond3A_204 {
      "tpu.region"() ({
        %run_scoped3A = tpu.sem_alloc : memref<!tpu.dma_semaphore, #tpu.memory_space<semaphore_mem>>
        %dma_start3A_205 = arith.constant 0 : i32
        %dma_start3A_206 = tpu.memref_slice %arg6[%multiple_of3A, %dma_start3A_205] : memref<10000x128xf32, #tpu.memory_space<hbm>> -> memref<640x128xf32, #tpu.memory_space<hbm>>
        %dma_start3A_207 = arith.constant 0 : i32
        %dma_start3A_208 = tpu.memref_slice %arg9[%multiple_of3A, %dma_start3A_207] : memref<10000x128xf32, #tpu.memory_space<vmem_shared>> -> memref<640x128xf32, #tpu.memory_space<vmem_shared>>
        tpu.enqueue_dma source(%dma_start3A_208 : memref<640x128xf32, #tpu.memory_space<vmem_shared>>) target(%dma_start3A_206 : memref<640x128xf32, #tpu.memory_space<hbm>>) target_semaphore(%run_scoped3A : memref<!tpu.dma_semaphore, #tpu.memory_space<semaphore_mem>>)
        %dma_wait3A_209 = arith.constant 0 : i32
        %dma_wait3A_210 = tpu.memref_slice %arg6[%multiple_of3A, %dma_wait3A_209] : memref<10000x128xf32, #tpu.memory_space<hbm>> -> memref<640x128xf32, #tpu.memory_space<hbm>>
        %dma_wait3A_211 = arith.constant 0 : i32
        %dma_wait3A_212 = tpu.memref_slice %arg9[%multiple_of3A, %dma_wait3A_211] : memref<10000x128xf32, #tpu.memory_space<vmem_shared>> -> memref<640x128xf32, #tpu.memory_space<vmem_shared>>
        tpu.wait_dma2 semaphore(%run_scoped3A : memref<!tpu.dma_semaphore, #tpu.memory_space<semaphore_mem>>) src(%dma_wait3A_212 : memref<640x128xf32, #tpu.memory_space<vmem_shared>>) dst(%dma_wait3A_210 : memref<640x128xf32, #tpu.memory_space<hbm>>)
        tpu.yield
      }) : () -> ()
    } else {
    }
    return
  }
}

module attributes {stable_mosaic.version = 14 : i64} {
  func.func @_tc_mm_body(%arg0: i32, %arg1: memref<400x128xf32, #tpu.memory_space<vmem>>, %arg2: memref<128x128xf32, #tpu.memory_space<vmem>>, %arg3: memref<400x128xf32, #tpu.memory_space<vmem>>) attributes {dimension_semantics = [#tpu.dimension_semantics<arbitrary>], iteration_bounds = array<i64: 25>, scalar_prefetch = 0 : i64, scratch_operands = 0 : i64, tpu.core_type = #tpu.core_type<tc>, window_params = [{transform_indices = @transform_0, window_bounds = array<i64: 400, 128>}, {pipeline_mode = #tpu.pipeline_mode<synchronous>, transform_indices = @transform_1, window_bounds = array<i64: 128, 128>}, {transform_indices = @transform_2, window_bounds = array<i64: 400, 128>}]} {
    %get3A = arith.constant 0 : index
    %get3A_0 = arith.constant 0 : index
    %get3A_1 = vector.load %arg1[%get3A, %get3A_0] : memref<400x128xf32, #tpu.memory_space<vmem>>, vector<400x128xf32>
    %get3A_2 = arith.constant 0 : index
    %get3A_3 = arith.constant 0 : index
    %get3A_4 = vector.load %arg2[%get3A_2, %get3A_3] : memref<128x128xf32, #tpu.memory_space<vmem>>, vector<128x128xf32>
    %dot_general3A = arith.constant dense<0.000000e+00> : vector<400x128xf32>
    %dot_general3A_5 = tpu.matmul %get3A_1, %get3A_4, %dot_general3A {dimension_numbers = #tpu.dot_dimension_numbers<[1], [0], [0], [1], [0, 0, 1, 1], [], []>, transpose_lhs_hint = false} : vector<400x128xf32>, vector<128x128xf32>, vector<400x128xf32> -> vector<400x128xf32>
    %swap3A = arith.constant 0 : index
    %swap3A_6 = arith.constant 0 : index
    %swap3A_7 = vector.load %arg3[%swap3A, %swap3A_6] : memref<400x128xf32, #tpu.memory_space<vmem>>, vector<400x128xf32>
    tpu.vector_store %arg3[%swap3A, %swap3A_6], %dot_general3A_5 {strides = array<i32>} : memref<400x128xf32, #tpu.memory_space<vmem>>, vector<400x128xf32>,
    return
  }
  func.func @transform_0(%arg0: i32) -> (i32, i32) {
    %c0_i32 = arith.constant 0 : i32
    %c0_i32_0 = arith.constant 0 : i32
    return %arg0, %c0_i32 : i32, i32
  }
  func.func @transform_1(%arg0: i32) -> (i32, i32) {
    %c0_i32 = arith.constant 0 : i32
    %c0_i32_0 = arith.constant 0 : i32
    %c0_i32_1 = arith.constant 0 : i32
    return %c0_i32, %c0_i32_0 : i32, i32
  }
  func.func @transform_2(%arg0: i32) -> (i32, i32) {
    %c0_i32 = arith.constant 0 : i32
    %c0_i32_0 = arith.constant 0 : i32
    return %arg0, %c0_i32 : i32, i32
  }
}

module attributes {stable_mosaic.version = 14 : i64} {
  func.func @_tc_scale_body(%arg0: i32, %arg1: memref<400x1xf32, #tpu.memory_space<vmem>>, %arg2: memref<400x1xf32, #tpu.memory_space<vmem>>, %arg3: memref<400x128xf32, #tpu.memory_space<vmem>>, %arg4: memref<400x1xf32, #tpu.memory_space<vmem>>, %arg5: memref<400x128xf32, #tpu.memory_space<vmem>>) attributes {dimension_semantics = [#tpu.dimension_semantics<arbitrary>], iteration_bounds = array<i64: 25>, scalar_prefetch = 0 : i64, scratch_operands = 0 : i64, tpu.core_type = #tpu.core_type<tc>, window_params = [{transform_indices = @transform_0, window_bounds = array<i64: 400, 1>}, {transform_indices = @transform_1, window_bounds = array<i64: 400, 1>}, {transform_indices = @transform_2, window_bounds = array<i64: 400, 128>}, {transform_indices = @transform_3, window_bounds = array<i64: 400, 1>}, {transform_indices = @transform_4, window_bounds = array<i64: 400, 128>}]} {
    %get3A = arith.constant 0 : index
    %get3A_0 = arith.constant 0 : index
    %get3A_1 = vector.load %arg1[%get3A, %get3A_0] : memref<400x1xf32, #tpu.memory_space<vmem>>, vector<400x1xf32>
    %get3A_2 = arith.constant 0 : index
    %get3A_3 = arith.constant 0 : index
    %get3A_4 = vector.load %arg2[%get3A_2, %get3A_3] : memref<400x1xf32, #tpu.memory_space<vmem>>, vector<400x1xf32>
    %add3A = arith.addf %get3A_1, %get3A_4 : vector<400x1xf32>
    %add3A_5 = arith.constant 1.000000e+00 : f32
    %add3A_6 = vector.broadcast %add3A_5 : f32 to vector<400x1xf32>
    %add3A_7 = arith.addf %add3A, %add3A_6 : vector<400x1xf32>
    %rsqrt3A = math.rsqrt %add3A_7 : vector<400x1xf32>
    %swap3A = arith.constant 0 : index
    %swap3A_8 = arith.constant 0 : index
    %swap3A_9 = vector.load %arg4[%swap3A, %swap3A_8] : memref<400x1xf32, #tpu.memory_space<vmem>>, vector<400x1xf32>
    tpu.vector_store %arg4[%swap3A, %swap3A_8], %rsqrt3A {strides = array<i32>} : memref<400x1xf32, #tpu.memory_space<vmem>>, vector<400x1xf32>,
    %get3A_10 = arith.constant 0 : index
    %get3A_11 = arith.constant 0 : index
    %get3A_12 = vector.load %arg3[%get3A_10, %get3A_11] : memref<400x128xf32, #tpu.memory_space<vmem>>, vector<400x128xf32>
    %mul3A = vector.broadcast %rsqrt3A : vector<400x1xf32> to vector<400x128xf32>
    %mul3A_13 = arith.mulf %get3A_12, %mul3A : vector<400x128xf32>
    %swap3A_14 = arith.constant 0 : index
    %swap3A_15 = arith.constant 0 : index
    %swap3A_16 = vector.load %arg5[%swap3A_14, %swap3A_15] : memref<400x128xf32, #tpu.memory_space<vmem>>, vector<400x128xf32>
    tpu.vector_store %arg5[%swap3A_14, %swap3A_15], %mul3A_13 {strides = array<i32>} : memref<400x128xf32, #tpu.memory_space<vmem>>, vector<400x128xf32>,
    return
  }
  func.func @transform_0(%arg0: i32) -> (i32, i32) {
    %c0_i32 = arith.constant 0 : i32
    %c0_i32_0 = arith.constant 0 : i32
    return %arg0, %c0_i32 : i32, i32
  }
  func.func @transform_1(%arg0: i32) -> (i32, i32) {
    %c0_i32 = arith.constant 0 : i32
    %c0_i32_0 = arith.constant 0 : i32
    return %arg0, %c0_i32 : i32, i32
  }
  func.func @transform_2(%arg0: i32) -> (i32, i32) {
    %c0_i32 = arith.constant 0 : i32
    %c0_i32_0 = arith.constant 0 : i32
    return %arg0, %c0_i32 : i32, i32
  }
  func.func @transform_3(%arg0: i32) -> (i32, i32) {
    %c0_i32 = arith.constant 0 : i32
    %c0_i32_0 = arith.constant 0 : i32
    return %arg0, %c0_i32 : i32, i32
  }
  func.func @transform_4(%arg0: i32) -> (i32, i32) {
    %c0_i32 = arith.constant 0 : i32
    %c0_i32_0 = arith.constant 0 : i32
    return %arg0, %c0_i32 : i32, i32
  }
}

module attributes {stable_mosaic.version = 14 : i64} {
  func.func @_tc_layer_body(%arg0: i32, %arg1: memref<400x128xf32, #tpu.memory_space<vmem>>, %arg2: memref<400x128xf32, #tpu.memory_space<vmem>>, %arg3: memref<400x128xf32, #tpu.memory_space<vmem>>, %arg4: memref<400x1xf32, #tpu.memory_space<vmem>>, %arg5: memref<128xf32, #tpu.memory_space<vmem>>, %arg6: memref<128x128xf32, #tpu.memory_space<vmem>>, %arg7: memref<400x128xf32, #tpu.memory_space<vmem>>, %arg8: memref<400x128xf32, #tpu.memory_space<vmem>>) attributes {dimension_semantics = [#tpu.dimension_semantics<arbitrary>], iteration_bounds = array<i64: 25>, scalar_prefetch = 0 : i64, scratch_operands = 0 : i64, tpu.core_type = #tpu.core_type<tc>, window_params = [{transform_indices = @transform_0, window_bounds = array<i64: 400, 128>}, {transform_indices = @transform_1, window_bounds = array<i64: 400, 128>}, {transform_indices = @transform_2, window_bounds = array<i64: 400, 128>}, {transform_indices = @transform_3, window_bounds = array<i64: 400, 1>}, {pipeline_mode = #tpu.pipeline_mode<synchronous>, transform_indices = @transform_4, window_bounds = array<i64: 128>}, {pipeline_mode = #tpu.pipeline_mode<synchronous>, transform_indices = @transform_5, window_bounds = array<i64: 128, 128>}, {transform_indices = @transform_6, window_bounds = array<i64: 400, 128>}, {transform_indices = @transform_7, window_bounds = array<i64: 400, 128>}]} {
    %get3A = arith.constant 0 : index
    %get3A_0 = arith.constant 0 : index
    %get3A_1 = vector.load %arg1[%get3A, %get3A_0] : memref<400x128xf32, #tpu.memory_space<vmem>>, vector<400x128xf32>
    %get3A_2 = arith.constant 0 : index
    %get3A_3 = arith.constant 0 : index
    %get3A_4 = vector.load %arg2[%get3A_2, %get3A_3] : memref<400x128xf32, #tpu.memory_space<vmem>>, vector<400x128xf32>
    %add3A = arith.addf %get3A_1, %get3A_4 : vector<400x128xf32>
    %get3A_5 = arith.constant 0 : index
    %get3A_6 = arith.constant 0 : index
    %get3A_7 = vector.load %arg3[%get3A_5, %get3A_6] : memref<400x128xf32, #tpu.memory_space<vmem>>, vector<400x128xf32>
    %add3A_8 = arith.addf %add3A, %get3A_7 : vector<400x128xf32>
    %get3A_9 = arith.constant 0 : index
    %get3A_10 = arith.constant 0 : index
    %get3A_11 = vector.load %arg4[%get3A_9, %get3A_10] : memref<400x1xf32, #tpu.memory_space<vmem>>, vector<400x1xf32>
    %mul3A = vector.broadcast %get3A_11 : vector<400x1xf32> to vector<400x128xf32>
    %mul3A_12 = arith.mulf %mul3A, %add3A_8 : vector<400x128xf32>
    %get3A_13 = arith.constant 0 : index
    %get3A_14 = vector.load %arg5[%get3A_13] : memref<128xf32, #tpu.memory_space<vmem>>, vector<128xf32>
    %broadcast_in_dim3A = vector.shape_cast %get3A_14 : vector<128xf32> to vector<1x128xf32>
    %add3A_15 = vector.broadcast %broadcast_in_dim3A : vector<1x128xf32> to vector<400x128xf32>
    %add3A_16 = arith.addf %mul3A_12, %add3A_15 : vector<400x128xf32>
    %max3A = arith.constant 0.000000e+00 : f32
    %max3A_17 = vector.broadcast %max3A : f32 to vector<400x128xf32>
    %max3A_18 = arith.maximumf %add3A_16, %max3A_17 : vector<400x128xf32>
    %swap3A = arith.constant 0 : index
    %swap3A_19 = arith.constant 0 : index
    %swap3A_20 = vector.load %arg7[%swap3A, %swap3A_19] : memref<400x128xf32, #tpu.memory_space<vmem>>, vector<400x128xf32>
    tpu.vector_store %arg7[%swap3A, %swap3A_19], %max3A_18 {strides = array<i32>} : memref<400x128xf32, #tpu.memory_space<vmem>>, vector<400x128xf32>,
    %get3A_21 = arith.constant 0 : index
    %get3A_22 = arith.constant 0 : index
    %get3A_23 = vector.load %arg6[%get3A_21, %get3A_22] : memref<128x128xf32, #tpu.memory_space<vmem>>, vector<128x128xf32>
    %dot_general3A = arith.constant dense<0.000000e+00> : vector<400x128xf32>
    %dot_general3A_24 = tpu.matmul %max3A_18, %get3A_23, %dot_general3A {dimension_numbers = #tpu.dot_dimension_numbers<[1], [0], [0], [1], [0, 0, 1, 1], [], []>, transpose_lhs_hint = false} : vector<400x128xf32>, vector<128x128xf32>, vector<400x128xf32> -> vector<400x128xf32>
    %get3A_25 = arith.constant 0 : index
    %get3A_26 = arith.constant 0 : index
    %get3A_27 = vector.load %arg4[%get3A_25, %get3A_26] : memref<400x1xf32, #tpu.memory_space<vmem>>, vector<400x1xf32>
    %mul3A_28 = vector.broadcast %get3A_27 : vector<400x1xf32> to vector<400x128xf32>
    %mul3A_29 = arith.mulf %dot_general3A_24, %mul3A_28 : vector<400x128xf32>
    %swap3A_30 = arith.constant 0 : index
    %swap3A_31 = arith.constant 0 : index
    %swap3A_32 = vector.load %arg8[%swap3A_30, %swap3A_31] : memref<400x128xf32, #tpu.memory_space<vmem>>, vector<400x128xf32>
    tpu.vector_store %arg8[%swap3A_30, %swap3A_31], %mul3A_29 {strides = array<i32>} : memref<400x128xf32, #tpu.memory_space<vmem>>, vector<400x128xf32>,
    return
  }
  func.func @transform_0(%arg0: i32) -> (i32, i32) {
    %c0_i32 = arith.constant 0 : i32
    %c0_i32_0 = arith.constant 0 : i32
    return %arg0, %c0_i32 : i32, i32
  }
  func.func @transform_1(%arg0: i32) -> (i32, i32) {
    %c0_i32 = arith.constant 0 : i32
    %c0_i32_0 = arith.constant 0 : i32
    return %arg0, %c0_i32 : i32, i32
  }
  func.func @transform_2(%arg0: i32) -> (i32, i32) {
    %c0_i32 = arith.constant 0 : i32
    %c0_i32_0 = arith.constant 0 : i32
    return %arg0, %c0_i32 : i32, i32
  }
  func.func @transform_3(%arg0: i32) -> (i32, i32) {
    %c0_i32 = arith.constant 0 : i32
    %c0_i32_0 = arith.constant 0 : i32
    return %arg0, %c0_i32 : i32, i32
  }
  func.func @transform_4(%arg0: i32) -> i32 {
    %c0_i32 = arith.constant 0 : i32
    %c0_i32_0 = arith.constant 0 : i32
    return %c0_i32 : i32
  }
  func.func @transform_5(%arg0: i32) -> (i32, i32) {
    %c0_i32 = arith.constant 0 : i32
    %c0_i32_0 = arith.constant 0 : i32
    %c0_i32_1 = arith.constant 0 : i32
    return %c0_i32, %c0_i32_0 : i32, i32
  }
  func.func @transform_6(%arg0: i32) -> (i32, i32) {
    %c0_i32 = arith.constant 0 : i32
    %c0_i32_0 = arith.constant 0 : i32
    return %arg0, %c0_i32 : i32, i32
  }
  func.func @transform_7(%arg0: i32) -> (i32, i32) {
    %c0_i32 = arith.constant 0 : i32
    %c0_i32_0 = arith.constant 0 : i32
    return %arg0, %c0_i32 : i32, i32
  }
}

module attributes {stable_mosaic.version = 14 : i64} {
  func.func @_tc_final_body(%arg0: i32, %arg1: memref<1xi32, #tpu.memory_space<smem>>, %arg2: memref<400x128xf32, #tpu.memory_space<vmem>>, %arg3: memref<400x128xf32, #tpu.memory_space<vmem>>, %arg4: memref<400x128xf32, #tpu.memory_space<vmem>>, %arg5: memref<400x1xf32, #tpu.memory_space<vmem>>, %arg6: memref<128xf32, #tpu.memory_space<vmem>>, %arg7: memref<400x128xf32, #tpu.memory_space<vmem>>, %arg8: memref<400x128xf32, #tpu.memory_space<vmem>>, %arg9: memref<384x10xf32, #tpu.memory_space<vmem>>, %arg10: memref<10xf32, #tpu.memory_space<vmem>>, %arg11: memref<400x384xf32, #tpu.memory_space<vmem>>, %arg12: memref<1x384xf32, #tpu.memory_space<vmem>>, %arg13: memref<1x10xf32, #tpu.memory_space<vmem>>, %arg14: memref<1x384xf32, #tpu.memory_space<vmem>>) attributes {dimension_semantics = [#tpu.dimension_semantics<arbitrary>], iteration_bounds = array<i64: 25>, scalar_prefetch = 0 : i64, scratch_operands = 1 : i64, tpu.core_type = #tpu.core_type<tc>, window_params = [{transform_indices = @transform_0, window_bounds = array<i64: 1>}, {transform_indices = @transform_1, window_bounds = array<i64: 400, 128>}, {transform_indices = @transform_2, window_bounds = array<i64: 400, 128>}, {transform_indices = @transform_3, window_bounds = array<i64: 400, 128>}, {transform_indices = @transform_4, window_bounds = array<i64: 400, 1>}, {pipeline_mode = #tpu.pipeline_mode<synchronous>, transform_indices = @transform_5, window_bounds = array<i64: 128>}, {transform_indices = @transform_6, window_bounds = array<i64: 400, 128>}, {transform_indices = @transform_7, window_bounds = array<i64: 400, 128>}, {pipeline_mode = #tpu.pipeline_mode<synchronous>, transform_indices = @transform_8, window_bounds = array<i64: 384, 10>}, {pipeline_mode = #tpu.pipeline_mode<synchronous>, transform_indices = @transform_9, window_bounds = array<i64: 10>}, {transform_indices = @transform_10, window_bounds = array<i64: 400, 384>}, {pipeline_mode = #tpu.pipeline_mode<synchronous>, transform_indices = @transform_11, window_bounds = array<i64: 1, 384>}, {pipeline_mode = #tpu.pipeline_mode<synchronous>, transform_indices = @transform_12, window_bounds = array<i64: 1, 10>}]} {
    %get3A = arith.constant 0 : index
    %get3A_0 = arith.constant 0 : index
    %get3A_1 = vector.load %arg2[%get3A, %get3A_0] : memref<400x128xf32, #tpu.memory_space<vmem>>, vector<400x128xf32>
    %get3A_2 = arith.constant 0 : index
    %get3A_3 = arith.constant 0 : index
    %get3A_4 = vector.load %arg3[%get3A_2, %get3A_3] : memref<400x128xf32, #tpu.memory_space<vmem>>, vector<400x128xf32>
    %add3A = arith.addf %get3A_1, %get3A_4 : vector<400x128xf32>
    %get3A_5 = arith.constant 0 : index
    %get3A_6 = arith.constant 0 : index
    %get3A_7 = vector.load %arg4[%get3A_5, %get3A_6] : memref<400x128xf32, #tpu.memory_space<vmem>>, vector<400x128xf32>
    %add3A_8 = arith.addf %add3A, %get3A_7 : vector<400x128xf32>
    %get3A_9 = arith.constant 0 : index
    %get3A_10 = arith.constant 0 : index
    %get3A_11 = vector.load %arg5[%get3A_9, %get3A_10] : memref<400x1xf32, #tpu.memory_space<vmem>>, vector<400x1xf32>
    %mul3A = vector.broadcast %get3A_11 : vector<400x1xf32> to vector<400x128xf32>
    %mul3A_12 = arith.mulf %mul3A, %add3A_8 : vector<400x128xf32>
    %get3A_13 = arith.constant 0 : index
    %get3A_14 = vector.load %arg6[%get3A_13] : memref<128xf32, #tpu.memory_space<vmem>>, vector<128xf32>
    %broadcast_in_dim3A = vector.shape_cast %get3A_14 : vector<128xf32> to vector<1x128xf32>
    %add3A_15 = vector.broadcast %broadcast_in_dim3A : vector<1x128xf32> to vector<400x128xf32>
    %add3A_16 = arith.addf %mul3A_12, %add3A_15 : vector<400x128xf32>
    %get3A_17 = arith.constant 0 : index
    %get3A_18 = arith.constant 0 : index
    %get3A_19 = vector.load %arg7[%get3A_17, %get3A_18] : memref<400x128xf32, #tpu.memory_space<vmem>>, vector<400x128xf32>
    %get3A_20 = arith.constant 0 : index
    %get3A_21 = arith.constant 0 : index
    %get3A_22 = vector.load %arg8[%get3A_20, %get3A_21] : memref<400x128xf32, #tpu.memory_space<vmem>>, vector<400x128xf32>
    %concatenate3A = tpu.concatenate %get3A_19, %get3A_22, %add3A_16 in 1 : vector<400x128xf32>, vector<400x128xf32>, vector<400x128xf32> -> vector<400x384xf32>
    %swap3A = arith.constant 0 : index
    %swap3A_23 = arith.constant 0 : index
    %swap3A_24 = vector.load %arg11[%swap3A, %swap3A_23] : memref<400x384xf32, #tpu.memory_space<vmem>>, vector<400x384xf32>
    tpu.vector_store %arg11[%swap3A, %swap3A_23], %concatenate3A {strides = array<i32>} : memref<400x384xf32, #tpu.memory_space<vmem>>, vector<400x384xf32>,
    %reduce_max3A = arith.constant dense<0xFF800000> : vector<384xf32>
    %reduce_max3A_25 = vector.multi_reduction <maximumf>, %concatenate3A, %reduce_max3A [0] : vector<400x384xf32> to vector<384xf32>
    %broadcast_in_dim3A_26 = vector.shape_cast %reduce_max3A_25 : vector<384xf32> to vector<1x384xf32>
    %mul3A_27 = arith.constant 400 : i32
    %mul3A_28 = arith.muli %arg0, %mul3A_27 : i32
    %iota3A = tpu.iota {dimensions = array<i32: 0>} : vector<400x384xi32>
    %add3A_29 = vector.broadcast %mul3A_28 : i32 to vector<400x384xi32>
    %add3A_30 = arith.addi %add3A_29, %iota3A : vector<400x384xi32>
    %get3A_31 = arith.constant 0 : index
    %get3A_32 = memref.load %arg1[%get3A_31] : memref<1xi32, #tpu.memory_space<smem>>
    %eq3A = vector.broadcast %get3A_32 : i32 to vector<400x384xi32>
    %eq3A_33 = arith.cmpi eq, %add3A_30, %eq3A : vector<400x384xi32>
    %jit3A = arith.constant 0.000000e+00 : f32
    %broadcast_in_dim3A_34 = vector.broadcast %jit3A : f32 to vector<400x384xf32>
    %select_n3A = arith.select %eq3A_33, %concatenate3A, %broadcast_in_dim3A_34 : vector<400x384xi1>, vector<400x384xf32>
    %reduce_sum3A = arith.constant dense<0.000000e+00> : vector<384xf32>
    %reduce_sum3A_35 = vector.multi_reduction <add>, %select_n3A, %reduce_sum3A [0] : vector<400x384xf32> to vector<384xf32>
    %broadcast_in_dim3A_36 = vector.shape_cast %reduce_sum3A_35 : vector<384xf32> to vector<1x384xf32>
    %eq3A_37 = arith.constant 0 : i32
    %eq3A_38 = arith.cmpi eq, %arg0, %eq3A_37 : i32
    %convert_element_type3A = arith.extui %eq3A_38 : i1 to i32
    %cond3A = arith.constant 0 : i32
    %cond3A_39 = arith.cmpi ne, %convert_element_type3A, %cond3A : i32
    scf.if %cond3A_39 {
      %swap3A_49 = arith.constant 0 : index
      %swap3A_50 = arith.constant 0 : index
      %swap3A_51 = vector.load %arg12[%swap3A_49, %swap3A_50] : memref<1x384xf32, #tpu.memory_space<vmem>>, vector<1x384xf32>
      tpu.vector_store %arg12[%swap3A_49, %swap3A_50], %broadcast_in_dim3A_26 {strides = array<i32>} : memref<1x384xf32, #tpu.memory_space<vmem>>, vector<1x384xf32>,
      %swap3A_52 = arith.constant 0 : index
      %swap3A_53 = arith.constant 0 : index
      %swap3A_54 = vector.load %arg14[%swap3A_52, %swap3A_53] : memref<1x384xf32, #tpu.memory_space<vmem>>, vector<1x384xf32>
      tpu.vector_store %arg14[%swap3A_52, %swap3A_53], %broadcast_in_dim3A_36 {strides = array<i32>} : memref<1x384xf32, #tpu.memory_space<vmem>>, vector<1x384xf32>,
    } else {
    }
    %gt3A = arith.constant 0 : i32
    %gt3A_40 = arith.cmpi sgt, %arg0, %gt3A : i32
    %convert_element_type3A_41 = arith.extui %gt3A_40 : i1 to i32
    %cond3A_42 = arith.constant 0 : i32
    %cond3A_43 = arith.cmpi ne, %convert_element_type3A_41, %cond3A_42 : i32
    scf.if %cond3A_43 {
      %get3A_49 = arith.constant 0 : index
      %get3A_50 = arith.constant 0 : index
      %get3A_51 = vector.load %arg12[%get3A_49, %get3A_50] : memref<1x384xf32, #tpu.memory_space<vmem>>, vector<1x384xf32>
      %max3A = arith.maximumf %get3A_51, %broadcast_in_dim3A_26 : vector<1x384xf32>
      %swap3A_52 = arith.constant 0 : index
      %swap3A_53 = arith.constant 0 : index
      %swap3A_54 = vector.load %arg12[%swap3A_52, %swap3A_53] : memref<1x384xf32, #tpu.memory_space<vmem>>, vector<1x384xf32>
      tpu.vector_store %arg12[%swap3A_52, %swap3A_53], %max3A {strides = array<i32>} : memref<1x384xf32, #tpu.memory_space<vmem>>, vector<1x384xf32>,
      %get3A_55 = arith.constant 0 : index
      %get3A_56 = arith.constant 0 : index
      %get3A_57 = vector.load %arg14[%get3A_55, %get3A_56] : memref<1x384xf32, #tpu.memory_space<vmem>>, vector<1x384xf32>
      %add3A_58 = arith.addf %get3A_57, %broadcast_in_dim3A_36 : vector<1x384xf32>
      %swap3A_59 = arith.constant 0 : index
      %swap3A_60 = arith.constant 0 : index
      %swap3A_61 = vector.load %arg14[%swap3A_59, %swap3A_60] : memref<1x384xf32, #tpu.memory_space<vmem>>, vector<1x384xf32>
      tpu.vector_store %arg14[%swap3A_59, %swap3A_60], %add3A_58 {strides = array<i32>} : memref<1x384xf32, #tpu.memory_space<vmem>>, vector<1x384xf32>,
    } else {
    }
    %eq3A_44 = arith.constant 24 : i32
    %eq3A_45 = arith.cmpi eq, %arg0, %eq3A_44 : i32
    %convert_element_type3A_46 = arith.extui %eq3A_45 : i1 to i32
    %cond3A_47 = arith.constant 0 : i32
    %cond3A_48 = arith.cmpi ne, %convert_element_type3A_46, %cond3A_47 : i32
    scf.if %cond3A_48 {
      %get3A_49 = arith.constant 0 : index
      %get3A_50 = arith.constant 0 : index
      %get3A_51 = vector.load %arg14[%get3A_49, %get3A_50] : memref<1x384xf32, #tpu.memory_space<vmem>>, vector<1x384xf32>
      %get3A_52 = arith.constant 0 : index
      %get3A_53 = arith.constant 0 : index
      %get3A_54 = vector.load %arg9[%get3A_52, %get3A_53] : memref<384x10xf32, #tpu.memory_space<vmem>>, vector<384x10xf32>
      %dot_general3A = arith.constant dense<0.000000e+00> : vector<1x10xf32>
      %dot_general3A_55 = tpu.matmul %get3A_51, %get3A_54, %dot_general3A {dimension_numbers = #tpu.dot_dimension_numbers<[1], [0], [0], [1], [0, 0, 1, 1], [], []>, transpose_lhs_hint = false} : vector<1x384xf32>, vector<384x10xf32>, vector<1x10xf32> -> vector<1x10xf32>
      %get3A_56 = arith.constant 0 : index
      %get3A_57 = vector.load %arg10[%get3A_56] : memref<10xf32, #tpu.memory_space<vmem>>, vector<10xf32>
      %broadcast_in_dim3A_58 = vector.shape_cast %get3A_57 : vector<10xf32> to vector<1x10xf32>
      %add3A_59 = arith.addf %dot_general3A_55, %broadcast_in_dim3A_58 : vector<1x10xf32>
      %swap3A_60 = arith.constant 0 : index
      %swap3A_61 = arith.constant 0 : index
      %swap3A_62 = vector.load %arg13[%swap3A_60, %swap3A_61] : memref<1x10xf32, #tpu.memory_space<vmem>>, vector<1x10xf32>
      tpu.vector_store %arg13[%swap3A_60, %swap3A_61], %add3A_59 {strides = array<i32>} : memref<1x10xf32, #tpu.memory_space<vmem>>, vector<1x10xf32>,
    } else {
    }
    return
  }
  func.func @transform_0(%arg0: i32) -> i32 {
    %c0_i32 = arith.constant 0 : i32
    %c0_i32_0 = arith.constant 0 : i32
    return %c0_i32 : i32
  }
  func.func @transform_1(%arg0: i32) -> (i32, i32) {
    %c0_i32 = arith.constant 0 : i32
    %c0_i32_0 = arith.constant 0 : i32
    return %arg0, %c0_i32 : i32, i32
  }
  func.func @transform_2(%arg0: i32) -> (i32, i32) {
    %c0_i32 = arith.constant 0 : i32
    %c0_i32_0 = arith.constant 0 : i32
    return %arg0, %c0_i32 : i32, i32
  }
  func.func @transform_3(%arg0: i32) -> (i32, i32) {
    %c0_i32 = arith.constant 0 : i32
    %c0_i32_0 = arith.constant 0 : i32
    return %arg0, %c0_i32 : i32, i32
  }
  func.func @transform_4(%arg0: i32) -> (i32, i32) {
    %c0_i32 = arith.constant 0 : i32
    %c0_i32_0 = arith.constant 0 : i32
    return %arg0, %c0_i32 : i32, i32
  }
  func.func @transform_5(%arg0: i32) -> i32 {
    %c0_i32 = arith.constant 0 : i32
    %c0_i32_0 = arith.constant 0 : i32
    return %c0_i32 : i32
  }
  func.func @transform_6(%arg0: i32) -> (i32, i32) {
    %c0_i32 = arith.constant 0 : i32
    %c0_i32_0 = arith.constant 0 : i32
    return %arg0, %c0_i32 : i32, i32
  }
  func.func @transform_7(%arg0: i32) -> (i32, i32) {
    %c0_i32 = arith.constant 0 : i32
    %c0_i32_0 = arith.constant 0 : i32
    return %arg0, %c0_i32 : i32, i32
  }
  func.func @transform_8(%arg0: i32) -> (i32, i32) {
    %c0_i32 = arith.constant 0 : i32
    %c0_i32_0 = arith.constant 0 : i32
    %c0_i32_1 = arith.constant 0 : i32
    return %c0_i32, %c0_i32_0 : i32, i32
  }
  func.func @transform_9(%arg0: i32) -> i32 {
    %c0_i32 = arith.constant 0 : i32
    %c0_i32_0 = arith.constant 0 : i32
    return %c0_i32 : i32
  }
  func.func @transform_10(%arg0: i32) -> (i32, i32) {
    %c0_i32 = arith.constant 0 : i32
    %c0_i32_0 = arith.constant 0 : i32
    return %arg0, %c0_i32 : i32, i32
  }
  func.func @transform_11(%arg0: i32) -> (i32, i32) {
    %c0_i32 = arith.constant 0 : i32
    %c0_i32_0 = arith.constant 0 : i32
    %c0_i32_1 = arith.constant 0 : i32
    return %c0_i32, %c0_i32_0 : i32, i32
  }
  func.func @transform_12(%arg0: i32) -> (i32, i32) {
    %c0_i32 = arith.constant 0 : i32
    %c0_i32_0 = arith.constant 0 : i32
    %c0_i32_1 = arith.constant 0 : i32
    return %c0_i32, %c0_i32_0 : i32, i32
  }
}

</mosaic_0001>

<sc_bundles>
// kernel: kernel.11.cloned.1.call-start
scs
__scs_entry_jumppad:
0x0: {  	(pc) =	sbr.rel $0x88, $3  }
0x1: {  	(tag) =	ssettag $0x0;
	lr =	simm.s32 $0x1  }
0x2: {  	[smem:$0x3F96] =	sst lr;
	_ =	strace $0xD0000000  }
0x3: {  	_ = 	snop  }
0x4: {  	_ = 	snop  }
0x5: {  	_ = 	snop  }
0x6: {  	_ = 	snop  }
0x7: {  	_ = 	snop  }
__scs_overlays_trampoline_lowered:
0x8: {  	[smem:$0x3FA5] =	sst s0  }
0x9: {  	[smem:$0x3FA6] =	sst s1  }
0xa: {  	[smem:$0x3FA7] =	sst s2  }
0xb: {  	[smem:$0x3FA8] =	sst s3  }
0xc: {  	[smem:$0x3FA9] =	sst s4  }
0xd: {  	[smem:$0x3FAA] =	sst s5  }
0xe: {  	[smem:$0x3FAB] =	sst s6  }
0xf: {  	[smem:$0x3FAC] =	sst s7  }
0x10: {  	[smem:$0x3FAD] =	sst s8  }
0x11: {  	[smem:$0x3FAE] =	sst s9;
	s0 =	simm.s32 @!p0 $0x0  }
0x12: {  	s1 =	sld [smem:$0x3F94];
	s0 =	simm.s32 @p0 $0x1  }
0x13: {  	[smem:$0x3FAF] =	sst s0;
	s0 =	simm.s32 @!p1 $0x0  }
0x14: {  	s2 =	sld [smem:$0x3F93];
	s0 =	simm.s32 @p1 $0x1  }
0x15: {  	[smem:$0x3FB0] =	sst s0;
	s0 =	simm.s32 @!p2 $0x0  }
0x16: {  	s3 =	sld [smem:$0x3FDB];
	s0 =	simm.s32 @p2 $0x1  }
0x17: {  	s4 =	simm.s32 $0x1BF5;
	[smem:$0x3FB2] =	sst s0  }
0x18: {  	s0 =	sld [smem:$0x3F95];
	_ =	swait.ge [sflag:s4], $0x0  }
0x19: {  	s7 =	sld [smem:$0x3F96]  }
0x1a: {  	s8 =	sadd.s32 $0xFFFFE003, lr  }
0x1b: {  	s9 =	sadd.s32 $0xFFFFFEF7, lr;
	s5 =	simm.s32 $0xFFFFFFFF;
	p2 =	slt.u32 s8, $0xFFFFF086  }
0x1c: {  	p1 =	slt.u32 s9, $0xF7A;
	s5 =	simm.s32 @!p2 $0x0  }
0x1d: {  	s5 =	simm.s32 @p1 $0x1;
	p0 =	seq.s32 s7, s2  }
0x1e: {  	s7 =	smul.u32 @!p0 $0xF7A, s2;
	p2 =	seq.s32 @!p0 s5, $0x0  }
0x1f: {  	s9 =	smul.u32 $0xF7A, s1;
	s8 =	simm.s32 @!p0 $0x1BF5;
	p2 =	por !p2, p0  }
0x20: {  	[sflag:s8] =	ssyncset.s32 @!p0 $0xFFFFF086;
	s6 =	sadd.s32 @!p0 s3, s7;
	s7 =	simm.s32 @!p0 $0x108  }
0x21: {  	s3 =	sadd.s32 s3, s9;
	s6 =	sadd.s32 @!p0 $0x88, s6;
	s7 =	simm.s32 @p2 $0x1082  }
0x22: {  	[simem:s7], [sflag:s8] =	dma.local @!p0 [hbm:s6], $0xF7A  }
0x23: {  	s9 =	sor.u32 $0xD0000000, s2;
	s6 =	simm.s32 $0x108;
	_ =	swait.ge @!p0 [sflag:s8], $0x0  }
0x24: {  	s3 =	sadd.s32 $0x88, s3;
	s6 =	simm.s32 @!p1 $0x1082;
	[sflag:s4] =	ssyncset.s32 $0xFFFFF086  }
0x25: {  	[simem:s6], [sflag:s4] =	dma.local [hbm:s3], $0xF7A  }
0x26: {  	[smem:$0x3F96] =	sst s1;
	(tag) =	ssettag s2;
	_ =	strace s9  }
0x27: {  	s1 =	sld [smem:$0x3FA6]  }
0x28: {  	s2 =	sld [smem:$0x3FA7]  }
0x29: {  	s4 =	sld [smem:$0x3FA9]  }
0x2a: {  	p0 =	seq.s32 s5, $0x0;
	s5 =	sld [smem:$0x3FAA]  }
0x2b: {  	s6 =	sld [smem:$0x3FAB]  }
0x2c: {  	s7 =	sld [smem:$0x3FAC]  }
0x2d: {  	s3 =	simm.s32 $0x108;
	s8 =	sld [smem:$0x3FAD]  }
0x2e: {  	s3 =	simm.s32 @!p0 $0x1082;
	s9 =	sld [smem:$0x3FAE]  }
0x2f: {  	lr =	sadd.s32 s0, s3;
	s0 =	sld [smem:$0x3FA5]  }
0x30: {  	s3 =	sld [smem:$0x3FA8]  }
0x31: {  	[smem:$0x3FB1] =	sst s10  }
0x32: {  	s10 =	sld [smem:$0x3FAF];
	_ =	sdelay $0x3  }
0x33: {  	p0 =	seq.s32 s10, $0x1;
	s10 =	sld [smem:$0x3FB1];
	_ =	sdelay $0x3  }
0x34: {  	[smem:$0x3FB1] =	sst s10  }
0x35: {  	s10 =	sld [smem:$0x3FB0];
	_ =	sdelay $0x3  }
0x36: {  	p1 =	seq.s32 s10, $0x1;
	s10 =	sld [smem:$0x3FB1];
	_ =	sdelay $0x3  }
0x37: {  	[smem:$0x3FB1] =	sst s10  }
0x38: {  	s10 =	sld [smem:$0x3FB2]  }
0x39: {  	_ = 	snop;
	(pc) =	sbr.ind lr, $3  }
0x3a: {  	_ = 	snop  }
0x3b: {  	_ = 	snop  }
0x3c: {  	p2 =	seq.s32 s10, $0x1;
	s10 =	sld [smem:$0x3FB1]  }
0x3d: {  	_ =	shalt  }
0x3e: {  	_ =	shalt  }
0x3f: {  	_ =	shalt  }
0x40: {  	_ =	shalt  }
0x41: {  	_ =	shalt  }
0x42: {  	_ =	shalt  }
0x43: {  	_ =	shalt  }
0x44: {  	_ =	shalt  }
0x45: {  	_ =	shalt  }
0x46: {  	_ =	shalt  }
0x47: {  	_ =	shalt  }
0x48: {  	_ =	shalt  }
0x49: {  	_ =	shalt  }
0x4a: {  	_ =	shalt  }
0x4b: {  	_ =	shalt  }
0x4c: {  	_ =	shalt  }
0x4d: {  	_ =	shalt  }
0x4e: {  	_ =	shalt  }
0x4f: {  	_ =	shalt  }
0x50: {  	_ =	shalt  }
0x51: {  	_ =	shalt  }
0x52: {  	_ =	shalt  }
0x53: {  	_ =	shalt  }
0x54: {  	_ =	shalt  }
0x55: {  	_ =	shalt  }
0x56: {  	_ =	shalt  }
0x57: {  	_ =	shalt  }
0x58: {  	_ =	shalt  }
0x59: {  	_ =	shalt  }
0x5a: {  	_ =	shalt  }
0x5b: {  	_ =	shalt  }
0x5c: {  	_ =	shalt  }
0x5d: {  	_ =	shalt  }
0x5e: {  	_ =	shalt  }
0x5f: {  	_ =	shalt  }
0x60: {  	_ =	shalt  }
0x61: {  	_ =	shalt  }
0x62: {  	_ =	shalt  }
0x63: {  	_ =	shalt  }
0x64: {  	_ =	shalt  }
0x65: {  	_ =	shalt  }
0x66: {  	_ =	shalt  }
0x67: {  	_ =	shalt  }
0x68: {  	_ =	shalt  }
0x69: {  	_ =	shalt  }
0x6a: {  	_ =	shalt  }
0x6b: {  	_ =	shalt  }
0x6c: {  	_ =	shalt  }
0x6d: {  	_ =	shalt  }
0x6e: {  	_ =	shalt  }
0x6f: {  	_ =	shalt  }
0x70: {  	_ =	shalt  }
0x71: {  	_ =	shalt  }
0x72: {  	_ =	shalt  }
0x73: {  	_ =	shalt  }
0x74: {  	_ =	shalt  }
0x75: {  	_ =	shalt  }
0x76: {  	_ =	shalt  }
0x77: {  	_ =	shalt  }
0x78: {  	_ =	shalt  }
0x79: {  	_ =	shalt  }
0x7a: {  	_ =	shalt  }
0x7b: {  	_ =	shalt  }
0x7c: {  	_ =	shalt  }
0x7d: {  	_ =	shalt  }
0x7e: {  	_ =	shalt  }
0x7f: {  	_ =	shalt  }
0x80: {  	_ =	shalt  }
0x81: {  	_ =	shalt  }
0x82: {  	_ =	shalt  }
0x83: {  	_ =	shalt  }
0x84: {  	_ =	shalt  }
0x85: {  	_ =	shalt  }
0x86: {  	_ =	shalt  }
0x87: {  	_ =	shalt  }
.Lfunc_end0:
.L_simem_size_0:
called_computation_lowered:
.L_overlay_start_0:
0x88: {  	s2 =	sld [smem:$0x3FD9]  }
0x89: {  	s3 =	sld [smem:$0x3FFE];
	_ =	sdelay $0x1  }
0x8a: {  	s1 =	srdreg.scid  }
0x8b: {  	s0 =	sand.u32 $0x1, s1  }
0x8c: {  	s14 =	sshll.u32 s0, $0xA;
	s2 =	sadd.s32 s3, s2  }
0x8d: {  	s2 =	sadd.s32 s2, s14  }
0x8e: {  	[smem:$0x3FBD] =	sst s2  }
0x8f: {  	_ = 	snop  }
0x90: {  	s2 =	sld [smem:$0x3FD0];
	_ =	sdelay $0x2  }
0x91: {  	s4 =	simm.s32 $0xA;
	s5 =	simm.s32 $0x10;
	s15 =	sld [smem:$0x3FC8]  }
0x92: {  	[smem:s5], [sflag:s4] =	dma.local [hbm:s2], $0x1  }
0x93: {  	_ =	swait.eq [sflag:s4], $0x1  }
0x94: {  	[sflag:s4] =	ssyncset.done $0x0  }
0x95: {  	[sflag:s4] =	ssyncadd.s32 $0xFFFFFFFF  }
0x96: {  	s16 =	sld [smem:$0x10];
	(tm) =	ssettm $0x1  }
0x97: {  	s17 =	sld [smem:$0x3FFB];
	_ =	sdelay $0x3  }
0x98: {  	_ =	strace s17  }
0x99: {  	s4 =	sld [smem:$0x3FFC];
	_ =	sdelay $0x3  }
0x9a: {  	_ =	strace s4  }
0x9b: {  	s4 =	sld [smem:$0x3FFD];
	_ =	sdelay $0x3  }
0x9c: {  	_ =	strace s4  }
0x9d: {  	_ =	strace $0x8FFFFFFF  }
0x9e: {  	s18 =	sld [smem:$0x3FDB];
	_ =	sdelay $0x1  }
0x9f: {  	s19 =	simm.s32 $_scs_section_size  }
0xa0: {  	s6 =	simm.s32 $_size__tile_overlayer_lowered;
	s7 =	simm.s32 $_tile_overlayer_lowered  }
0xa1: {  	s22 =	simm.s32 $0x1BFF;
	s21 =	sshll.u32 s7, $0x1;
	s4 =	sadd.s32 s19, s18  }
0xa2: {  	s8 =	simm.s32 $0x0;
	s20 =	sshll.u32 s6, $0x1;
	s6 =	sadd.s32 s21, s4  }
0xa3: {  	[timem:s8], [sflag:s22] =	dma.local [hbm:s6], s20  }
0xa4: {  	_ =	swait.ge [sflag:s22], s20  }
0xa5: {  	s5 =	ssub.s32 $0x0, s20;
	[sflag:s22] =	ssyncset.done $0x0  }
0xa6: {  	[sflag:s22] =	ssyncadd.s32 s5;
	_ =	sdelay $0x1  }
0xa7: {  	s23 =	simm.s32 $0x1B8B  }
0xa8: {  	_ =	swait.ge [sflag:s23], $0x1  }
0xa9: {  	[sflag:s23] =	ssyncset.done $0x0  }
0xaa: {  	s25 =	simm.s32 $0x1B8E;
	s24 =	sld [smem:$0x3FFE];
	[sflag:s23] =	ssyncadd.s32 $0xFFFFFFFF  }
0xab: {  	s26 =	simm.s32 $execute0_lowered;
	[smem:$0x3FD2] =	sst s25  }
0xac: {  	s6 =	sshll.u32 s26, $0x1;
	_ =	strace $0x80000046;
	[dreg:$0x1] =	wrdreg $0xFFFFFFFF  }
0xad: {  	s28 =	simm.s32 $_size_execute0_lowered;
	s4 =	sadd.s32 s4, s6;
	[dreg:$0x0] =	wrdreg $0x0  }
0xae: {  	s6 =	sshll.u32 s28, $0x1;
	[dreg:$0x2] =	wrdreg s4  }
0xaf: {  	[dreg:$0x3] =	wrdreg s6  }
0xb0: {  	[dreg:$0x4] =	wrdreg $0xC0  }
0xb1: {  	_ =	task [dreg:s8], $0x5FFFF  }
0xb2: {  	[dreg:$0x1] =	wrdreg $0xFFFFFFFF  }
0xb3: {  	[dreg:$0x0] =	wrdreg $0x60  }
0xb4: {  	[dreg:$0x2] =	wrdreg s15  }
0xb5: {  	[dreg:$0x3] =	wrdreg s16  }
0xb6: {  	[dreg:$0x4] =	wrdreg s24  }
0xb7: {  	[dreg:$0x5] =	wrdreg $0x8800  }
0xb8: {  	[dreg:$0x6] =	wrdreg $0x9  }
0xb9: {  	_ =	task.clear_ibuf [dreg:s8], $0x7FFFF;
	_ =	strace $0x90000046  }
0xba: {  	s29 =	simm.s32 $0x9;
	_ =	strace $0x80000048  }
0xbb: {  	_ =	swait.ge [sflag:s29], $0x1  }
0xbc: {  	[sflag:s29] =	ssyncadd.s32 $0xFFFFFFFF  }
0xbd: {  	_ =	strace $0x90000048  }
0xbe: {  	_ =	sfence  }
0xbf: {  	s30 =	sld [smem:$0x0];
	_ =	sdelay $0x2  }
0xc0: {  	s31 =	sshll.u32 s1, $0xD;
	s1 =	sshrl.u32 s1, $0x2  }
0xc1: {  	s3 =	sand.u32 $0x4000, s31;
	s1 =	sadd.s32 s1, s30  }
0xc2: {  	s0 =	sor.u32 s3, s0;
	s1 =	sshll.u32 s1, $0x11  }
0xc3: {  	s0 =	sor.u32 s1, s0  }
0xc4: {  	s0 =	sadd.s32 $0x8F2B, s0  }
0xc5: {  	[sflag:s0] =	ssyncadd.remote.s32 $0x1  }
0xc6: {  	_ =	sfence.sel $0xFFFF  }
0xc7: {  	[dreg:$0x0] =	wrdreg $0xFFFFFFFF;
	(pc) =	sbr.abs _section_cstart, $3  }
0xc8: {  	[dreg:$0x1] =	wrdreg $0xFFFFFFFF  }
0xc9: {  	_ =	task.clear_ibuf [dreg:s8], $0x2FFFF;
	_ =	strace $0x9FFFFFFF  }
0xca: {  	(tm) =	ssettm $0x7FFFFFFF  }
0xcb: {  	_ =	shalt  }
tec
execute0_lowered:
.L_overlay_start_1:
0x0: {  	(tag) =	ssettag $0x1  }
0x1: {  	s11 =	rddreg [dreg:$0x0]  }
0x2: {  	s5 =	rddreg [dreg:$0x1]  }
0x3: {  	s9 =	rddreg [dreg:$0x2]  }
0x4: {  	s1 =	rddreg [dreg:$0x3]  }
0x5: {  	s0 =	rddreg [dreg:$0x4];
	s3 =	simm.s32 $0x0;
	s4 =	srdreg.scid  }
0x6: {  	s2 =	stileid.u32;
	s16 =	simm.s32 $0x5C00;
	s17 =	simm.s32 $0x180  }
0x7: {  	s18 =	simm.s32 $0x280;
	s19 =	simm.s32 $0x380;
	s20 =	simm.s32 $0x2  }
0x8: {  	s22 =	simm.s32 $0x4;
	s23 =	simm.s32 $0x0;
	[smem:$0x7FF] =	sst s3  }
0x9: {  	s7 =	sand.u32 $0x1, s4;
	s6 =	sshll.u32 s2, $0x1;
	s28 =	smul.u32 $0x280, s2  }
0xa: {  	s21 =	sshll.u32 s2, $0x6;
	s14 =	sshll.u32 s2, $0xB;
	_ =	strace $0x80000047  }
0xb: {  	s4 =	ssub.s32 $0x2, s7;
	s10 =	sor.u32 s7, s6;
	s6 =	sor.u32 $0x1C03, s21  }
0xc: {  	s15 =	sshll.u32 s7, $0xA;
	s21 =	sor.u32 $0x1C04, s21;
	s8 =	sshrl.u32 s4, $0x1  }
0xd: {  	p0 =	slt.u32 s10, $0x11;
	s12 =	sshrl.u32 s28, $0x3;
	s13 =	sadd.s32 s28, s1  }
0xe: {  	s10 =	sshll.u32 s10, $0x7;
	s14 =	sor.u32 s15, s14;
	s15 =	simm.s32 $0x80  }
0xf: {  	s8 =	ssub.s32 s4, s8;
	s4 =	simm.s32 $0x14;
	s5 =	sadd.s32 s5, s12  }
0x10: {  	s29 =	sor.u32 $0x10000, s14;
	s14 =	simm.s32 $0x1;
	s4 =	simm.s32 @!p0 $0x13  }
0x11: {  	p0 =	seq.s32 s7, $0x1;
	s7 =	sadd.s32 s11, s10;
	s31 =	sshrl.u32 s29, $0x3  }
0x12: {  	s8 =	smax.u32 s8, $0x1;
	s16 =	simm.s32 @!p0 $0x6200;
	s11 =	sadd.s32 s31, s11  }
0x13: {  	s30 =	sadd.s32 s16, s9;
	s9 =	sadd.s32 $0x1000, s7;
	s16 =	simm.s32 $0x800  }
0x14: {  	v0 =	vimm.f32 $1.000000000e+00;
	s10 =	sadd.s32 s30, s12;
	s12 =	sshrl.u32 s13, $0x3;
	s13 =	simm.s32 $0x3  }
.LBB2_1:
0x15: {  	[tilespmem:$0x800] =	vst v0  }
0x16: {  	[tilespmem:$0x810] =	vst v0  }
0x17: {  	[tilespmem:$0x820] =	vst v0  }
0x18: {  	[tilespmem:$0x830] =	vst v0  }
0x19: {  	[tilespmem:$0x840] =	vst v0  }
0x1a: {  	[tilespmem:$0x850] =	vst v0  }
0x1b: {  	[tilespmem:$0x860] =	vst v0  }
0x1c: {  	[tilespmem:$0x870] =	vst v0  }
0x1d: {  	[spmem:s12], [sflag:s6] =	dma.local [hbm:s5], $0x50  }
0x1e: {  	[tilespmem:s3], [sflag:$0x1] =	stream.linear.gather [hbm4b:s7+s3], $0x400, $0x38;
	[tilespmem:$0xB00] =	vst v63  }
0x1f: {  	_ =	swait.ge [sflag:s13], $0x50  }
0x20: {  	[sflag:s13] =	ssyncset.done $0x0  }
0x21: {  	[sflag:s13] =	ssyncadd.s32 $0xFFFFFFB0  }
0x22: {  	s24 =	simm.s32 $0x400;
	[bflag:$0x0] =	sbarrier.arrive $0xFFFF  }
0x23: {  	[tilespmem:s24], [sflag:$0x1] =	stream.linear.gather [hbm4b:s9+s3], $0x400, $0x38;
	[tilespmem:$0xB00] =	vst v63  }
0x24: {  	_ =	swait.ge [sflag:s14], $0x400  }
0x25: {  	[sflag:s14] =	ssyncset.done $0x0  }
0x26: {  	[sflag:s14] =	ssyncadd.s32 $0xFFFFFC00  }
0x27: {  	[spmem:s1] =	stream.indirect.scatter.add.f32 [tilespmem:s16], [sflag:$0x2], $0x1, s15, s15, $0xb8;
	[tilespmem:$0xB00] =	vst v63  }
0x28: {  	_ = 	snop  }
0x29: {  	[spmem:s1] =	stream.indirect.scatter.add.f32 [tilespmem:s16], [sflag:$0x2], $0x1, s17, s15, $0xb8;
	[tilespmem:$0xB00] =	vst v63  }
0x2a: {  	_ = 	snop  }
0x2b: {  	[spmem:s1] =	stream.indirect.scatter.add.f32 [tilespmem:s16], [sflag:$0x2], $0x1, s18, s15, $0xb8;
	[tilespmem:$0xB00] =	vst v63  }
0x2c: {  	_ = 	snop  }
0x2d: {  	[spmem:s1] =	stream.indirect.scatter.add.f32 [tilespmem:s16], [sflag:$0x2], $0x1, s19, s15, $0xb8;
	[tilespmem:$0xB00] =	vst v63  }
0x2e: {  	_ =	swait.ge [sflag:s20], $0x80  }
0x2f: {  	[sflag:s20] =	ssyncset.done $0x0  }
0x30: {  	[sflag:s20] =	ssyncadd.s32 $0xFFFFFF80  }
0x31: {  	_ =	swait.ge [sflag:s20], $0x80  }
0x32: {  	[sflag:s20] =	ssyncset.done $0x0  }
0x33: {  	[sflag:s20] =	ssyncadd.s32 $0xFFFFFF80  }
0x34: {  	_ =	swait.ge [sflag:s20], $0x80  }
0x35: {  	[sflag:s20] =	ssyncset.done $0x0  }
0x36: {  	[sflag:s20] =	ssyncadd.s32 $0xFFFFFF80  }
0x37: {  	s25 =	simm.s32 $0x2000;
	_ =	swait.ge [sflag:s20], $0x80  }
0x38: {  	s26 =	sadd.s32 $0xFFFFF000, s11;
	s25 =	sand.u32 $0x1000, s25;
	[sflag:s20] =	ssyncset.done $0x0  }
0x39: {  	s26 =	sadd.s32 $0x1000, s26;
	s25 =	sshrl.u32 s25, $0x2;
	[sflag:s20] =	ssyncadd.s32 $0xFFFFFF80  }
0x3a: {  	[tilespmem:s25], [sflag:$0x1] =	stream.linear.gather [hbm4b:s26+s3], $0x400, $0x38;
	[tilespmem:$0xB00] =	vst v63  }
0x3b: {  	_ =	swait.ge [sflag:s14], $0x400  }
0x3c: {  	s24 =	sand.u32 $0x400, s24;
	[sflag:s14] =	ssyncset.done $0x0  }
0x3d: {  	p0 =	sne.s32 s4, $0x3;
	s29 =	sor.u32 $0x80, s24;
	[sflag:s14] =	ssyncadd.s32 $0xFFFFFC00  }
0x3e: {  	[spmem:s1] =	stream.indirect.scatter.add.f32 [tilespmem:s16], [sflag:$0x2], $0x1, s29, s15, $0xb8;
	[tilespmem:$0xB00] =	vst v63  }
.Ltmp0:
0x3f: {  	_ = 	snop;
	(pc) =	sbr.rel @!p0 .LBB2_3-.Ltmp0, $4  }
0x40: {  	s30 =	sor.u32 $0x180, s24;
	s31 =	sor.u32 $0x280, s24;
	s28 =	sor.u32 $0x380, s24  }
0x41: {  	[spmem:s1] =	stream.indirect.scatter.add.f32 [tilespmem:s16], [sflag:$0x2], $0x1, s30, s15, $0xb8;
	[tilespmem:$0xB00] =	vst v63  }
0x42: {  	s24 =	simm.s32 $0x800;
	s25 =	simm.s32 $0x3;
	s26 =	simm.s32 $0x0  }
0x43: {  	[spmem:s1] =	stream.indirect.scatter.add.f32 [tilespmem:s16], [sflag:$0x2], $0x1, s31, s15, $0xb8;
	[tilespmem:$0xB00] =	vst v63  }
.LBB2_2:
0x44: {  	[spmem:s1] =	stream.indirect.scatter.add.f32 [tilespmem:s16], [sflag:$0x2], $0x1, s28, s15, $0xb8;
	[tilespmem:$0xB00] =	vst v63  }
0x45: {  	s25 =	sadd.s32 $0x1, s25;
	_ =	swait.ge [sflag:s20], $0x80  }
0x46: {  	p0 =	sne.s32 s4, s25;
	[sflag:s20] =	ssyncset.done $0x0  }
0x47: {  	[sflag:s20] =	ssyncadd.s32 $0xFFFFFF80  }
0x48: {  	_ =	swait.ge [sflag:s20], $0x80  }
0x49: {  	[sflag:s20] =	ssyncset.done $0x0  }
0x4a: {  	[sflag:s20] =	ssyncadd.s32 $0xFFFFFF80  }
0x4b: {  	_ =	swait.ge [sflag:s20], $0x80  }
0x4c: {  	[sflag:s20] =	ssyncset.done $0x0  }
0x4d: {  	[sflag:s20] =	ssyncadd.s32 $0xFFFFFF80  }
0x4e: {  	s28 =	sadd.s32 $0x3000, s26;
	_ =	swait.ge [sflag:s20], $0x80  }
0x4f: {  	s29 =	sadd.s32 s26, s11;
	s28 =	sand.u32 $0x1000, s28;
	[sflag:s20] =	ssyncset.done $0x0  }
0x50: {  	s29 =	sadd.s32 $0x1000, s29;
	s28 =	sshrl.u32 s28, $0x2;
	[sflag:s20] =	ssyncadd.s32 $0xFFFFFF80  }
0x51: {  	[tilespmem:s28], [sflag:$0x1] =	stream.linear.gather [hbm4b:s29+s3], $0x400, $0x38;
	[tilespmem:$0xB00] =	vst v63  }
0x52: {  	_ =	swait.ge [sflag:s14], $0x400  }
0x53: {  	s28 =	sand.u32 $0x400, s24;
	[sflag:s14] =	ssyncset.done $0x0  }
0x54: {  	s29 =	sor.u32 $0x80, s28;
	[sflag:s14] =	ssyncadd.s32 $0xFFFFFC00  }
0x55: {  	[spmem:s1] =	stream.indirect.scatter.add.f32 [tilespmem:s16], [sflag:$0x2], $0x1, s29, s15, $0xb8;
	[tilespmem:$0xB00] =	vst v63  }
.Ltmp1:
0x56: {  	s29 =	sor.u32 $0x180, s28;
	(pc) =	sbr.rel @p0 .LBB2_2-.Ltmp1, $4  }
0x57: {  	[spmem:s1] =	stream.indirect.scatter.add.f32 [tilespmem:s16], [sflag:$0x2], $0x1, s29, s15, $0xb8;
	[tilespmem:$0xB00] =	vst v63  }
0x58: {  	s29 =	sor.u32 $0x280, s28  }
0x59: {  	[spmem:s1] =	stream.indirect.scatter.add.f32 [tilespmem:s16], [sflag:$0x2], $0x1, s29, s15, $0xb8;
	[tilespmem:$0xB00] =	vst v63  }
0x5a: {  	s26 =	sadd.s32 $0x1000, s26;
	s24 =	sadd.s32 $0x400, s24;
	s28 =	sor.u32 $0x380, s28  }
.LBB2_3:
0x5b: {  	[spmem:s1] =	stream.indirect.scatter.add.f32 [tilespmem:s16], [sflag:$0x2], $0x1, s28, s15, $0xb8;
	[tilespmem:$0xB00] =	vst v63  }
0x5c: {  	_ =	swait.ge [sflag:s20], $0x80  }
0x5d: {  	[sflag:s20] =	ssyncset.done $0x0  }
0x5e: {  	[sflag:s20] =	ssyncadd.s32 $0xFFFFFF80  }
0x5f: {  	_ =	swait.ge [sflag:s20], $0x80  }
0x60: {  	[sflag:s20] =	ssyncset.done $0x0  }
0x61: {  	[sflag:s20] =	ssyncadd.s32 $0xFFFFFF80  }
0x62: {  	_ =	swait.ge [sflag:s20], $0x80  }
0x63: {  	[sflag:s20] =	ssyncset.done $0x0  }
0x64: {  	[sflag:s20] =	ssyncadd.s32 $0xFFFFFF80  }
0x65: {  	_ =	swait.ge [sflag:s20], $0x80  }
0x66: {  	[sflag:s20] =	ssyncset.done $0x0  }
0x67: {  	[sflag:s20] =	ssyncadd.s32 $0xFFFFFF80  }
0x68: {  	_ =	swait.ge [sflag:s14], $0x400  }
0x69: {  	s24 =	sand.u32 $0x400, s24;
	[sflag:s14] =	ssyncset.done $0x0  }
0x6a: {  	s25 =	sor.u32 $0x80, s24;
	[sflag:s14] =	ssyncadd.s32 $0xFFFFFC00  }
0x6b: {  	[spmem:s1] =	stream.indirect.scatter.add.f32 [tilespmem:s16], [sflag:$0x2], $0x1, s25, s15, $0xb8;
	[tilespmem:$0xB00] =	vst v63  }
0x6c: {  	s30 =	sor.u32 $0x180, s24  }
0x6d: {  	[spmem:s1] =	stream.indirect.scatter.add.f32 [tilespmem:s16], [sflag:$0x2], $0x1, s30, s15, $0xb8;
	[tilespmem:$0xB00] =	vst v63  }
0x6e: {  	s31 =	sor.u32 $0x280, s24  }
0x6f: {  	[spmem:s1] =	stream.indirect.scatter.add.f32 [tilespmem:s16], [sflag:$0x2], $0x1, s31, s15, $0xb8;
	[tilespmem:$0xB00] =	vst v63  }
0x70: {  	s24 =	sor.u32 $0x380, s24  }
0x71: {  	[spmem:s1] =	stream.indirect.scatter.add.f32 [tilespmem:s16], [sflag:$0x2], $0x1, s24, s15, $0xb8;
	[tilespmem:$0xB00] =	vst v63  }
0x72: {  	_ =	swait.ge [sflag:s20], $0x80  }
0x73: {  	[sflag:s20] =	ssyncset.done $0x0  }
0x74: {  	[sflag:s20] =	ssyncadd.s32 $0xFFFFFF80  }
0x75: {  	_ =	swait.ge [sflag:s20], $0x80  }
0x76: {  	[sflag:s20] =	ssyncset.done $0x0  }
0x77: {  	[sflag:s20] =	ssyncadd.s32 $0xFFFFFF80  }
0x78: {  	_ =	swait.ge [sflag:s20], $0x80  }
0x79: {  	[sflag:s20] =	ssyncset.done $0x0  }
0x7a: {  	[sflag:s20] =	ssyncadd.s32 $0xFFFFFF80  }
0x7b: {  	_ =	swait.ge [sflag:s20], $0x80  }
0x7c: {  	s23 =	sadd.s32 $0x1, s23;
	[sflag:s20] =	ssyncset.done $0x0  }
0x7d: {  	p0 =	sne.s32 s23, s8;
	[sflag:s20] =	ssyncadd.s32 $0xFFFFFF80  }
.Ltmp2:
0x7e: {  	[bflag:$0x0] =	sbarrier.arrive $0xFFFF;
	(pc) =	sbr.rel @p0 .LBB2_1-.Ltmp2, $4  }
0x7f: {  	[hbm:s10], [sflag:s21] =	dma.local [spmem:s12], $0x50  }
0x80: {  	_ =	swait.ge [sflag:s22], $0x50  }
0x81: {  	[sflag:s22] =	ssyncset.done $0x0  }
0x82: {  	[sflag:s22] =	ssyncadd.s32 $0xFFFFFFB0  }
0x83: {  	_ =	sfence.sel $0x180000  }
0x84: {  	[bflag:$0x0] =	sbarrier.arrive $0xFFFF  }
0x85: {  	p0 =	sne.s32 s2, $0x0;
	_ =	strace $0x90000047  }
0x86: {  	s0 =	sadd.s32 @!p0 $0x100000, s0;
	[bflag:$0x2] =	sbarrier.arrive $0xFFFF  }
0x87: {  	[sflag:s0] =	ssyncadd.tile.s32 @!p0 $0x1;
	_ =	shalt  }
.Lfunc_end2:
_tile_overlayer_lowered:
.L_overlay_start_2:
0x88: {  	(tag) =	ssettag $0x2  }
0x89: {  	s0 =	rddreg [dreg:$0x0];
	s2 =	stileid.u32  }
0x8a: {  	s1 =	rddreg [dreg:$0x1];
	p0 =	sne.s32 s2, $0x0  }
0x8b: {  	s3 =	rddreg [dreg:$0x2];
	[bflag:$0x3] =	sbarrier.arrive $0xFFFF;
	s2 =	simm.s32 @!p0 $0x1C04  }
0x8c: {  	[timem:s3], [sflag:s2] =	dma.local @!p0 [hbm:s0], s1  }
0x8d: {  	s0 =	simm.s32 @!p0 $0x4  }
0x8e: {  	_ =	swait.ge @!p0 [sflag:s0], s1  }
0x8f: {  	s1 =	ssub.s32 @!p0 $0x0, s1;
	[sflag:s0] =	ssyncset.done @!p0 $0x0  }
0x90: {  	[sflag:s0] =	ssyncadd.s32 @!p0 s1  }
0x91: {  	[bflag:$0x3] =	sbarrier.arrive $0xFFFF  }
0x92: {  	_ =	shalt  }

// kernel: kernel.14.cloned.1.call-start
scs
__scs_entry_jumppad:
0x0: {  	(pc) =	sbr.rel $0x88, $3  }
0x1: {  	(tag) =	ssettag $0x0;
	lr =	simm.s32 $0x1  }
0x2: {  	[smem:$0x3F96] =	sst lr;
	_ =	strace $0xD0000000  }
0x3: {  	_ = 	snop  }
0x4: {  	_ = 	snop  }
0x5: {  	_ = 	snop  }
0x6: {  	_ = 	snop  }
0x7: {  	_ = 	snop  }
__scs_overlays_trampoline_lowered:
0x8: {  	[smem:$0x3FA5] =	sst s0  }
0x9: {  	[smem:$0x3FA6] =	sst s1  }
0xa: {  	[smem:$0x3FA7] =	sst s2  }
0xb: {  	[smem:$0x3FA8] =	sst s3  }
0xc: {  	[smem:$0x3FA9] =	sst s4  }
0xd: {  	[smem:$0x3FAA] =	sst s5  }
0xe: {  	[smem:$0x3FAB] =	sst s6  }
0xf: {  	[smem:$0x3FAC] =	sst s7  }
0x10: {  	[smem:$0x3FAD] =	sst s8  }
0x11: {  	[smem:$0x3FAE] =	sst s9;
	s0 =	simm.s32 @!p0 $0x0  }
0x12: {  	s1 =	sld [smem:$0x3F94];
	s0 =	simm.s32 @p0 $0x1  }
0x13: {  	[smem:$0x3FAF] =	sst s0;
	s0 =	simm.s32 @!p1 $0x0  }
0x14: {  	s2 =	sld [smem:$0x3F93];
	s0 =	simm.s32 @p1 $0x1  }
0x15: {  	[smem:$0x3FB0] =	sst s0;
	s0 =	simm.s32 @!p2 $0x0  }
0x16: {  	s3 =	sld [smem:$0x3FDB];
	s0 =	simm.s32 @p2 $0x1  }
0x17: {  	s4 =	simm.s32 $0x1BF5;
	[smem:$0x3FB2] =	sst s0  }
0x18: {  	s0 =	sld [smem:$0x3F95];
	_ =	swait.ge [sflag:s4], $0x0  }
0x19: {  	s7 =	sld [smem:$0x3F96]  }
0x1a: {  	s8 =	sadd.s32 $0xFFFFE003, lr  }
0x1b: {  	s9 =	sadd.s32 $0xFFFFFEF7, lr;
	s5 =	simm.s32 $0xFFFFFFFF;
	p2 =	slt.u32 s8, $0xFFFFF086  }
0x1c: {  	p1 =	slt.u32 s9, $0xF7A;
	s5 =	simm.s32 @!p2 $0x0  }
0x1d: {  	s5 =	simm.s32 @p1 $0x1;
	p0 =	seq.s32 s7, s2  }
0x1e: {  	s7 =	smul.u32 @!p0 $0xF7A, s2;
	p2 =	seq.s32 @!p0 s5, $0x0  }
0x1f: {  	s9 =	smul.u32 $0xF7A, s1;
	s8 =	simm.s32 @!p0 $0x1BF5;
	p2 =	por !p2, p0  }
0x20: {  	[sflag:s8] =	ssyncset.s32 @!p0 $0xFFFFF086;
	s6 =	sadd.s32 @!p0 s3, s7;
	s7 =	simm.s32 @!p0 $0x108  }
0x21: {  	s3 =	sadd.s32 s3, s9;
	s6 =	sadd.s32 @!p0 $0x88, s6;
	s7 =	simm.s32 @p2 $0x1082  }
0x22: {  	[simem:s7], [sflag:s8] =	dma.local @!p0 [hbm:s6], $0xF7A  }
0x23: {  	s9 =	sor.u32 $0xD0000000, s2;
	s6 =	simm.s32 $0x108;
	_ =	swait.ge @!p0 [sflag:s8], $0x0  }
0x24: {  	s3 =	sadd.s32 $0x88, s3;
	s6 =	simm.s32 @!p1 $0x1082;
	[sflag:s4] =	ssyncset.s32 $0xFFFFF086  }
0x25: {  	[simem:s6], [sflag:s4] =	dma.local [hbm:s3], $0xF7A  }
0x26: {  	[smem:$0x3F96] =	sst s1;
	(tag) =	ssettag s2;
	_ =	strace s9  }
0x27: {  	s1 =	sld [smem:$0x3FA6]  }
0x28: {  	s2 =	sld [smem:$0x3FA7]  }
0x29: {  	s4 =	sld [smem:$0x3FA9]  }
0x2a: {  	p0 =	seq.s32 s5, $0x0;
	s5 =	sld [smem:$0x3FAA]  }
0x2b: {  	s6 =	sld [smem:$0x3FAB]  }
0x2c: {  	s7 =	sld [smem:$0x3FAC]  }
0x2d: {  	s3 =	simm.s32 $0x108;
	s8 =	sld [smem:$0x3FAD]  }
0x2e: {  	s3 =	simm.s32 @!p0 $0x1082;
	s9 =	sld [smem:$0x3FAE]  }
0x2f: {  	lr =	sadd.s32 s0, s3;
	s0 =	sld [smem:$0x3FA5]  }
0x30: {  	s3 =	sld [smem:$0x3FA8]  }
0x31: {  	[smem:$0x3FB1] =	sst s10  }
0x32: {  	s10 =	sld [smem:$0x3FAF];
	_ =	sdelay $0x3  }
0x33: {  	p0 =	seq.s32 s10, $0x1;
	s10 =	sld [smem:$0x3FB1];
	_ =	sdelay $0x3  }
0x34: {  	[smem:$0x3FB1] =	sst s10  }
0x35: {  	s10 =	sld [smem:$0x3FB0];
	_ =	sdelay $0x3  }
0x36: {  	p1 =	seq.s32 s10, $0x1;
	s10 =	sld [smem:$0x3FB1];
	_ =	sdelay $0x3  }
0x37: {  	[smem:$0x3FB1] =	sst s10  }
0x38: {  	s10 =	sld [smem:$0x3FB2]  }
0x39: {  	_ = 	snop;
	(pc) =	sbr.ind lr, $3  }
0x3a: {  	_ = 	snop  }
0x3b: {  	_ = 	snop  }
0x3c: {  	p2 =	seq.s32 s10, $0x1;
	s10 =	sld [smem:$0x3FB1]  }
0x3d: {  	_ =	shalt  }
0x3e: {  	_ =	shalt  }
0x3f: {  	_ =	shalt  }
0x40: {  	_ =	shalt  }
0x41: {  	_ =	shalt  }
0x42: {  	_ =	shalt  }
0x43: {  	_ =	shalt  }
0x44: {  	_ =	shalt  }
0x45: {  	_ =	shalt  }
0x46: {  	_ =	shalt  }
0x47: {  	_ =	shalt  }
0x48: {  	_ =	shalt  }
0x49: {  	_ =	shalt  }
0x4a: {  	_ =	shalt  }
0x4b: {  	_ =	shalt  }
0x4c: {  	_ =	shalt  }
0x4d: {  	_ =	shalt  }
0x4e: {  	_ =	shalt  }
0x4f: {  	_ =	shalt  }
0x50: {  	_ =	shalt  }
0x51: {  	_ =	shalt  }
0x52: {  	_ =	shalt  }
0x53: {  	_ =	shalt  }
0x54: {  	_ =	shalt  }
0x55: {  	_ =	shalt  }
0x56: {  	_ =	shalt  }
0x57: {  	_ =	shalt  }
0x58: {  	_ =	shalt  }
0x59: {  	_ =	shalt  }
0x5a: {  	_ =	shalt  }
0x5b: {  	_ =	shalt  }
0x5c: {  	_ =	shalt  }
0x5d: {  	_ =	shalt  }
0x5e: {  	_ =	shalt  }
0x5f: {  	_ =	shalt  }
0x60: {  	_ =	shalt  }
0x61: {  	_ =	shalt  }
0x62: {  	_ =	shalt  }
0x63: {  	_ =	shalt  }
0x64: {  	_ =	shalt  }
0x65: {  	_ =	shalt  }
0x66: {  	_ =	shalt  }
0x67: {  	_ =	shalt  }
0x68: {  	_ =	shalt  }
0x69: {  	_ =	shalt  }
0x6a: {  	_ =	shalt  }
0x6b: {  	_ =	shalt  }
0x6c: {  	_ =	shalt  }
0x6d: {  	_ =	shalt  }
0x6e: {  	_ =	shalt  }
0x6f: {  	_ =	shalt  }
0x70: {  	_ =	shalt  }
0x71: {  	_ =	shalt  }
0x72: {  	_ =	shalt  }
0x73: {  	_ =	shalt  }
0x74: {  	_ =	shalt  }
0x75: {  	_ =	shalt  }
0x76: {  	_ =	shalt  }
0x77: {  	_ =	shalt  }
0x78: {  	_ =	shalt  }
0x79: {  	_ =	shalt  }
0x7a: {  	_ =	shalt  }
0x7b: {  	_ =	shalt  }
0x7c: {  	_ =	shalt  }
0x7d: {  	_ =	shalt  }
0x7e: {  	_ =	shalt  }
0x7f: {  	_ =	shalt  }
0x80: {  	_ =	shalt  }
0x81: {  	_ =	shalt  }
0x82: {  	_ =	shalt  }
0x83: {  	_ =	shalt  }
0x84: {  	_ =	shalt  }
0x85: {  	_ =	shalt  }
0x86: {  	_ =	shalt  }
0x87: {  	_ =	shalt  }
.Lfunc_end0:
.L_simem_size_0:
called_computation.1_lowered:
.L_overlay_start_0:
0x88: {  	s2 =	sld [smem:$0x3FD9]  }
0x89: {  	s3 =	sld [smem:$0x3FFE];
	_ =	sdelay $0x1  }
0x8a: {  	s1 =	srdreg.scid  }
0x8b: {  	s0 =	sand.u32 $0x1, s1  }
0x8c: {  	s14 =	sshll.u32 s0, $0xA;
	s2 =	sadd.s32 s3, s2  }
0x8d: {  	s2 =	sadd.s32 s2, s14  }
0x8e: {  	[smem:$0x3FBD] =	sst s2  }
0x8f: {  	_ = 	snop  }
0x90: {  	s2 =	sld [smem:$0x3FD0];
	_ =	sdelay $0x2  }
0x91: {  	s4 =	simm.s32 $0xA;
	s5 =	simm.s32 $0x10;
	s15 =	sld [smem:$0x3FC8]  }
0x92: {  	[smem:s5], [sflag:s4] =	dma.local [hbm:s2], $0x1  }
0x93: {  	_ =	swait.eq [sflag:s4], $0x1  }
0x94: {  	[sflag:s4] =	ssyncset.done $0x0  }
0x95: {  	[sflag:s4] =	ssyncadd.s32 $0xFFFFFFFF  }
0x96: {  	s16 =	sld [smem:$0x10];
	(tm) =	ssettm $0x1  }
0x97: {  	s17 =	sld [smem:$0x3FFB];
	_ =	sdelay $0x3  }
0x98: {  	_ =	strace s17  }
0x99: {  	s4 =	sld [smem:$0x3FFC];
	_ =	sdelay $0x3  }
0x9a: {  	_ =	strace s4  }
0x9b: {  	s4 =	sld [smem:$0x3FFD];
	_ =	sdelay $0x3  }
0x9c: {  	_ =	strace s4  }
0x9d: {  	_ =	strace $0x8FFFFFFF  }
0x9e: {  	s18 =	sld [smem:$0x3FDB];
	_ =	sdelay $0x1  }
0x9f: {  	s19 =	simm.s32 $_scs_section_size  }
0xa0: {  	s6 =	simm.s32 $_size__tile_overlayer_lowered;
	s7 =	simm.s32 $_tile_overlayer_lowered  }
0xa1: {  	s22 =	simm.s32 $0x1BFF;
	s21 =	sshll.u32 s7, $0x1;
	s4 =	sadd.s32 s19, s18  }
0xa2: {  	s8 =	simm.s32 $0x0;
	s20 =	sshll.u32 s6, $0x1;
	s6 =	sadd.s32 s21, s4  }
0xa3: {  	[timem:s8], [sflag:s22] =	dma.local [hbm:s6], s20  }
0xa4: {  	_ =	swait.ge [sflag:s22], s20  }
0xa5: {  	s5 =	ssub.s32 $0x0, s20;
	[sflag:s22] =	ssyncset.done $0x0  }
0xa6: {  	[sflag:s22] =	ssyncadd.s32 s5;
	_ =	sdelay $0x1  }
0xa7: {  	s23 =	simm.s32 $0x1B8B  }
0xa8: {  	_ =	swait.ge [sflag:s23], $0x1  }
0xa9: {  	[sflag:s23] =	ssyncset.done $0x0  }
0xaa: {  	s25 =	simm.s32 $0x1B8E;
	s24 =	sld [smem:$0x3FFE];
	[sflag:s23] =	ssyncadd.s32 $0xFFFFFFFF  }
0xab: {  	s26 =	simm.s32 $execute0_lowered;
	[smem:$0x3FD2] =	sst s25  }
0xac: {  	s6 =	sshll.u32 s26, $0x1;
	_ =	strace $0x80000049;
	[dreg:$0x1] =	wrdreg $0xFFFFFFFF  }
0xad: {  	s28 =	simm.s32 $_size_execute0_lowered;
	s4 =	sadd.s32 s4, s6;
	[dreg:$0x0] =	wrdreg $0x0  }
0xae: {  	s6 =	sshll.u32 s28, $0x1;
	[dreg:$0x2] =	wrdreg s4  }
0xaf: {  	[dreg:$0x3] =	wrdreg s6  }
0xb0: {  	[dreg:$0x4] =	wrdreg $0xC0  }
0xb1: {  	_ =	task [dreg:s8], $0x5FFFF  }
0xb2: {  	[dreg:$0x1] =	wrdreg $0xFFFFFFFF  }
0xb3: {  	[dreg:$0x0] =	wrdreg $0x60  }
0xb4: {  	[dreg:$0x2] =	wrdreg s24  }
0xb5: {  	[dreg:$0x3] =	wrdreg s15  }
0xb6: {  	[dreg:$0x4] =	wrdreg s16  }
0xb7: {  	[dreg:$0x5] =	wrdreg $0xC6000  }
0xb8: {  	[dreg:$0x6] =	wrdreg $0x9  }
0xb9: {  	_ =	task.clear_ibuf [dreg:s8], $0x7FFFF;
	_ =	strace $0x90000049  }
0xba: {  	s29 =	simm.s32 $0x9;
	_ =	strace $0x8000004B  }
0xbb: {  	_ =	swait.ge [sflag:s29], $0x1  }
0xbc: {  	[sflag:s29] =	ssyncadd.s32 $0xFFFFFFFF  }
0xbd: {  	_ =	strace $0x9000004B  }
0xbe: {  	_ =	sfence  }
0xbf: {  	s30 =	sld [smem:$0x0];
	_ =	sdelay $0x2  }
0xc0: {  	s31 =	sshll.u32 s1, $0xD;
	s1 =	sshrl.u32 s1, $0x2  }
0xc1: {  	s3 =	sand.u32 $0x4000, s31;
	s1 =	sadd.s32 s1, s30  }
0xc2: {  	s0 =	sor.u32 s3, s0;
	s1 =	sshll.u32 s1, $0x11  }
0xc3: {  	s0 =	sor.u32 s1, s0  }
0xc4: {  	s0 =	sadd.s32 $0x8F2B, s0  }
0xc5: {  	[sflag:s0] =	ssyncadd.remote.s32 $0x1  }
0xc6: {  	_ =	sfence.sel $0xFFFF  }
0xc7: {  	[dreg:$0x0] =	wrdreg $0xFFFFFFFF;
	(pc) =	sbr.abs _section_cstart, $3  }
0xc8: {  	[dreg:$0x1] =	wrdreg $0xFFFFFFFF  }
0xc9: {  	_ =	task.clear_ibuf [dreg:s8], $0x2FFFF;
	_ =	strace $0x9FFFFFFF  }
0xca: {  	(tm) =	ssettm $0x7FFFFFFF  }
0xcb: {  	_ =	shalt  }
tec
execute0_lowered:
.L_overlay_start_1:
0x0: {  	(tag) =	ssettag $0x1  }
0x1: {  	s0 =	rddreg [dreg:$0x0]  }
0x2: {  	s2 =	rddreg [dreg:$0x1]  }
0x3: {  	s7 =	rddreg [dreg:$0x2]  }
0x4: {  	s1 =	rddreg [dreg:$0x3];
	s3 =	srdreg.scid  }
0x5: {  	s12 =	stileid.u32;
	s16 =	simm.s32 $0x100;
	s19 =	simm.s32 $0x3  }
0x6: {  	s20 =	simm.s32 $0x80;
	s8 =	sand.u32 $0x1, s3;
	s3 =	simm.s32 $0x0  }
0x7: {  	s9 =	smul.u32 $0x4E000, s12;
	s4 =	sadd.s32 $0x5C00, s0;
	p0 =	slt.u32 s12, $0x2  }
0x8: {  	s14 =	smul.u32 $0x2700, s12;
	s22 =	sshll.u32 s12, $0x6;
	s25 =	sshll.u32 s12, $0x9  }
0x9: {  	s5 =	ssub.s32 $0x2, s8;
	[smem:$0x7FF] =	sst s3;
	s11 =	sshll.u32 s8, $0x5  }
0xa: {  	s26 =	sshll.u32 s8, $0x8;
	s6 =	sshrl.u32 s5, $0x1;
	_ =	strace $0x8000004A  }
0xb: {  	s9 =	sshrl.u32 s9, $0x2;
	s23 =	sor.u32 s11, s22;
	s7 =	sadd.s32 s7, s14  }
0xc: {  	[dreg:$0x6] =	wrdreg s22;
	s10 =	ssub.s32 s5, s6;
	s5 =	simm.s32 $0x4F  }
0xd: {  	s15 =	sadd.s32 s9, s1;
	[dreg:$0x7] =	wrdreg s7;
	s6 =	sor.u32 $0x1C04, s22  }
0xe: {  	s9 =	sadd.s32 s2, s23;
	s7 =	sor.u32 s26, s25;
	s22 =	simm.s32 $0x1  }
0xf: {  	s23 =	simm.s32 $0x2;
	s5 =	simm.s32 @!p0 $0x4E;
	[dreg:$0x8] =	wrdreg s6  }
0x10: {  	s24 =	sadd.s32 $0x400, s9;
	p0 =	seq.s32 s8, $0x1;
	s8 =	simm.s32 $0x7B200  }
0x11: {  	s28 =	sadd.s32 $0x800, s9;
	s7 =	sor.u32 $0x8000, s7;
	[dreg:$0x9] =	wrdreg s24  }
0x12: {  	s29 =	sadd.s32 $0xC00, s9;
	s30 =	smax.u32 s10, $0x1;
	[dreg:$0xa] =	wrdreg s28  }
0x13: {  	s8 =	simm.s32 @!p0 $0x54000;
	[dreg:$0xb] =	wrdreg s29;
	s7 =	sshrl.u32 s7, $0x3  }
0x14: {  	[dreg:$0xc] =	wrdreg s30;
	s0 =	sadd.s32 s8, s0;
	s31 =	sadd.s32 s7, s2  }
0x15: {  	s25 =	simm.s32 $0x0;
	s0 =	sadd.s32 s0, s14;
	[dreg:$0x5] =	wrdreg s31  }
0x16: {  	s15 =	sshrl.u32 s15, $0x3;
	s24 =	simm.s32 $0x5;
	[dreg:$0xd] =	wrdreg s0  }
.LBB2_1:
0x17: {  	s0 =	rddreg [dreg:$0x7]  }
0x18: {  	s2 =	rddreg [dreg:$0x8]  }
0x19: {  	[spmem:s15], [sflag:s2] =	dma.local [hbm:s0], $0x2800  }
0x1a: {  	[tilespmem:s3], [sflag:$0x3] =	stream.linear.gather [hbm4b:s9+s3], $0x100, $0x38;
	[tilespmem:$0x1FE80] =	vst v63  }
0x1b: {  	s0 =	rddreg [dreg:$0x9]  }
0x1c: {  	[tilespmem:s16], [sflag:$0x3] =	stream.linear.gather [hbm4b:s0+s3], $0x100, $0x38;
	[tilespmem:$0x1FE80] =	vst v63  }
0x1d: {  	s8 =	simm.s32 $0x200;
	s7 =	rddreg [dreg:$0xa]  }
0x1e: {  	[tilespmem:s8], [sflag:$0x3] =	stream.linear.gather [hbm4b:s7+s3], $0x100, $0x38;
	[tilespmem:$0x1FE80] =	vst v63  }
0x1f: {  	s11 =	simm.s32 $0x300;
	s10 =	rddreg [dreg:$0xb]  }
0x20: {  	[tilespmem:s11], [sflag:$0x3] =	stream.linear.gather [hbm4b:s10+s3], $0x100, $0x38;
	[tilespmem:$0x1FE80] =	vst v63  }
0x21: {  	_ =	swait.ge [sflag:s19], $0x100  }
0x22: {  	[sflag:s19] =	ssyncset.done $0x0  }
0x23: {  	s26 =	simm.s32 $0x600;
	[sflag:s19] =	ssyncadd.s32 $0xFFFFFF00  }
0x24: {  	[tilespmem:s26], [sflag:$0x1] =	stream.indirect.gather [hbm4b:s4+s20], $0x80, s3, s20, $0xb8;
	[tilespmem:$0x1FE80] =	vst v63  }
0x25: {  	_ =	swait.ge [sflag:s19], $0x100  }
0x26: {  	s12 =	simm.s32 $0x4600;
	s13 =	simm.s32 $0x4;
	[sflag:s19] =	ssyncset.done $0x0  }
0x27: {  	s28 =	simm.s32 $0x1;
	p0 =	sne.s32 s5, $0x1;
	[sflag:s19] =	ssyncadd.s32 $0xFFFFFF00  }
0x28: {  	[tilespmem:s12], [sflag:$0x1] =	stream.indirect.gather [hbm4b:s4+s20], $0x80, s16, s20, $0xb8;
	[tilespmem:$0x1FE80] =	vst v63  }
0x29: {  	s29 =	simm.s32 $0x0;
	s30 =	simm.s32 $0xC600;
	_ =	swait.ge [sflag:s13], $0x2800  }
0x2a: {  	s31 =	simm.s32 $0x4600;
	p1 =	por $0x1, $0x1;
	[sflag:s13] =	ssyncset.done $0x0  }
0x2b: {  	s2 =	simm.s32 $0x3;
	s10 =	smulhi.u32 $0xAAAAAAAB, s23;
	[sflag:s13] =	ssyncadd.s32 $0xFFFFD800  }
0x2c: {  	s17 =	simm.s32 @!p1 $0x2;
	s7 =	smulhi.u32 $0xAAAAAAAB, s13;
	[bflag:$0x0] =	sbarrier.arrive $0xFFFF  }
0x2d: {  	s8 =	smulhi.u32 $0xAAAAAAAB, s3;
	s18 =	sshrl.u32 s10, $0x2;
	_ =	swait.ge @!p1 [sflag:s17], $0x4000  }
0x2e: {  	s10 =	sshrl.u32 s10, $0x1;
	s18 =	smul.u32 $0xFFFFE800, s18;
	[sflag:s17] =	ssyncset.done @!p1 $0x0  }
0x2f: {  	s10 =	smul.u32 $0xFFFD0000, s10;
	[sflag:s17] =	ssyncadd.s32 @!p1 $0xFFFFC000;
	p1 =	sle.u32 s5, $0x2  }
0x30: {  	s7 =	sshrl.u32 s7, $0x2;
	s14 =	sshra.s32 s18, $0x2;
	s18 =	simm.s32 @!p1 $0x3  }
0x31: {  	s7 =	smul.u32 $0xFFFFE800, s7;
	s10 =	sshra.s32 s10, $0x2;
	_ =	swait.ge @!p1 [sflag:s18], $0x100  }
0x32: {  	s10 =	sadd.s32 $0x8600, s10;
	s17 =	sadd.s32 $0x200, s14;
	[sflag:s18] =	ssyncset.done @!p1 $0x0  }
0x33: {  	s17 =	sadd.s32 @!p1 $0x0, s17;
	s21 =	simm.s32 @!p1 $0x80;
	[sflag:s18] =	ssyncadd.s32 @!p1 $0xFFFFFF00  }
0x34: {  	[tilespmem:s10], [sflag:$0x1] =	stream.indirect.gather @!p1 [hbm4b:s4+s21], $0x80, s17, s21, $0xb8;
	[tilespmem:$0x1FE80] =	vst v63  }
.Ltmp0:
0x35: {  	s0 =	simm.s32 $0x5;
	s7 =	sshra.s32 s7, $0x2;
	(pc) =	sbr.rel @!p0 .LBB2_3-.Ltmp0, $4  }
0x36: {  	s7 =	sadd.s32 $0x400, s7;
	s18 =	rddreg [dreg:$0x5];
	s21 =	sshrl.u32 s8, $0x2  }
0x37: {  	p1 =	sle.u32 s5, $0x4;
	s8 =	sshrl.u32 s8, $0x1;
	s10 =	smul.u32 $0xFFFFE800, s21  }
0x38: {  	s17 =	simm.s32 $0x0;
	s21 =	sadd.s32 @!p1 $0x0, s7;
	s7 =	sadd.s32 @!p1 $0x0, s18  }
0x39: {  	s18 =	smul.u32 $0xFFFD0000, s8;
	s8 =	simm.s32 @!p1 $0x0;
	s10 =	sshra.s32 s10, $0x2  }
.LBB2_2:
0x3a: {  	s10 =	sor.u32 $0x80, s10  }
0x3b: {  	s17 =	sadd.s32 $0x400, s17;
	s6 =	smov.u32 s28;
	s28 =	sadd.s32 $0x1, s28  }
0x3c: {  	[tilespmem:s21], [sflag:$0x3] =	stream.linear.gather @!p1 [hbm4b:s7+s8], $0x100, $0x38;
	[tilespmem:$0x1FE80] =	vst v63  }
0x3d: {  	s11 =	smov.u32 s30;
	s12 =	smov.u32 s2;
	s30 =	sadd.s32 $0x4000, s30  }
0x3e: {  	s2 =	sadd.s32 $0x1, s2;
	p0 =	sne.s32 s28, s5;
	s8 =	sshra.s32 s18, $0x2  }
0x3f: {  	_ =	swait.ge [sflag:s22], $0x4000;
	s13 =	sadd.s32 s29, s10;
	s29 =	sshra.s32 s17, $0x2  }
0x40: {  	s14 =	smulhi.u32 $0xAAAAAAAB, s12;
	p2 =	seq.s32 s17, $0x0;
	s21 =	sadd.s32 $0x4, s6  }
0x41: {  	s7 =	sadd.s32 s8, s26;
	[sflag:s22] =	ssyncset.done $0x0;
	s26 =	smov.u32 s31  }
0x42: {  	s31 =	sadd.s32 $0x4000, s31;
	s8 =	smulhi.u32 $0xAAAAAAAB, s6;
	s18 =	simm.s32 @!p2 $0x2  }
0x43: {  	s6 =	sadd.s32 $0x2, s6;
	p1 =	sge.u32 s21, s5;
	[sflag:s22] =	ssyncadd.s32 $0xFFFFC000  }
0x44: {  	[spmem:s1] =	stream.indirect.scatter.add.f32 [tilespmem:s7], [sflag:$0x2], $0x80, s13, s20, $0xb8;
	[tilespmem:$0x1FE80] =	vst v63  }
0x45: {  	s10 =	sshrl.u32 s14, $0x1;
	s7 =	smulhi.u32 $0xAAAAAAAB, s0;
	s0 =	sadd.s32 $0x1, s0  }
0x46: {  	s13 =	sshrl.u32 s14, $0x2;
	s10 =	smul.u32 $0xFFFD0000, s10;
	s21 =	sshrl.u32 s8, $0x2  }
0x47: {  	s8 =	sshrl.u32 s8, $0x1;
	_ =	swait.ge @!p2 [sflag:s18], $0x4000;
	s12 =	smul.u32 $0xFFFFE800, s13  }
0x48: {  	s7 =	sshrl.u32 s7, $0x2;
	[sflag:s18] =	ssyncset.done @!p2 $0x0;
	s10 =	sshra.s32 s10, $0x2  }
0x49: {  	[sflag:s18] =	ssyncadd.s32 @!p2 $0xFFFFC000;
	p2 =	sge.u32 s6, s5;
	s14 =	smul.u32 $0xFFFFE800, s7  }
0x4a: {  	s18 =	sshra.s32 s12, $0x2;
	s11 =	sadd.s32 s10, s11;
	s10 =	smul.u32 $0xFFFFE800, s21  }
0x4b: {  	s12 =	simm.s32 @!p2 $0x3;
	s7 =	sadd.s32 $0x200, s18;
	s18 =	sshra.s32 @!p2 s17, $0x2  }
0x4c: {  	_ =	swait.ge @!p2 [sflag:s12], $0x100;
	s13 =	sadd.s32 @!p2 s18, s7;
	s18 =	smul.u32 $0xFFFD0000, s8  }
.Ltmp1:
0x4d: {  	s6 =	sshra.s32 s14, $0x2;
	s14 =	simm.s32 @!p2 $0x80;
	(pc) =	sbr.rel @p0 .LBB2_2-.Ltmp1, $4  }
0x4e: {  	s10 =	sshra.s32 s10, $0x2;
	[sflag:s12] =	ssyncset.done @!p2 $0x0;
	s7 =	rddreg [dreg:$0x5]  }
0x4f: {  	s6 =	sadd.s32 $0x400, s6;
	[sflag:s12] =	ssyncadd.s32 @!p2 $0xFFFFFF00;
	s12 =	sshra.s32 @!p1 s17, $0x2  }
0x50: {  	s8 =	simm.s32 @!p1 $0x0;
	s7 =	sadd.s32 @!p1 s17, s7;
	s21 =	sadd.s32 @!p1 s12, s6  }
0x51: {  	[tilespmem:s11], [sflag:$0x1] =	stream.indirect.gather @!p2 [hbm4b:s4+s14], $0x80, s13, s14, $0xb8;
	[tilespmem:$0x1FE80] =	vst v63  }
.LBB2_3:
0x52: {  	[tilespmem:s21], [sflag:$0x3] =	stream.linear.gather @!p1 [hbm4b:s7+s8], $0x100, $0x38;
	[tilespmem:$0x1FE80] =	vst v63  }
0x53: {  	_ =	swait.ge [sflag:s22], $0x4000  }
0x54: {  	s0 =	sor.u32 $0x80, s10;
	s2 =	sshra.s32 s18, $0x2;
	[sflag:s22] =	ssyncset.done $0x0  }
0x55: {  	s0 =	sadd.s32 s29, s0;
	s2 =	sadd.s32 s2, s26;
	[sflag:s22] =	ssyncadd.s32 $0xFFFFC000  }
0x56: {  	[spmem:s1] =	stream.indirect.scatter.add.f32 [tilespmem:s2], [sflag:$0x2], $0x80, s0, s20, $0xb8;
	[tilespmem:$0x1FE80] =	vst v63  }
0x57: {  	_ =	swait.ge [sflag:s23], $0x4000  }
0x58: {  	[sflag:s23] =	ssyncset.done $0x0  }
0x59: {  	[sflag:s23] =	ssyncadd.s32 $0xFFFFC000  }
0x5a: {  	[bflag:$0x0] =	sbarrier.arrive $0xFFFF  }
0x5b: {  	s29 =	rddreg [dreg:$0x6]  }
0x5c: {  	s30 =	rddreg [dreg:$0xd];
	s0 =	sor.u32 $0x1C05, s29  }
0x5d: {  	[hbm:s30], [sflag:s0] =	dma.local [spmem:s15], $0x2800  }
0x5e: {  	_ =	swait.ge [sflag:s24], $0x2800  }
0x5f: {  	s25 =	sadd.s32 $0x1, s25;
	s31 =	rddreg [dreg:$0xc]  }
0x60: {  	p0 =	sne.s32 s25, s31  }
.Ltmp2:
0x61: {  	_ = 	snop;
	(pc) =	sbr.rel @p0 .LBB2_1-.Ltmp2, $3  }
0x62: {  	_ =	sdelay $0x1  }
0x63: {  	[sflag:s24] =	ssyncset.done $0x0  }
0x64: {  	[sflag:s24] =	ssyncadd.s32 $0xFFFFD800  }
0x65: {  	_ =	sfence.sel $0x180000  }
0x66: {  	[bflag:$0x0] =	sbarrier.arrive $0xFFFF  }
0x67: {  	_ =	strace $0x9000004A  }
0x68: {  	s0 =	stileid.u32;
	[bflag:$0x2] =	sbarrier.arrive $0xFFFF  }
0x69: {  	p0 =	sne.s32 s0, $0x0;
	s0 =	rddreg [dreg:$0x4]  }
0x6a: {  	s0 =	sadd.s32 @!p0 $0x100000, s0  }
0x6b: {  	[sflag:s0] =	ssyncadd.tile.s32 @!p0 $0x1;
	_ =	shalt  }
.Lfunc_end2:
_tile_overlayer_lowered:
.L_overlay_start_2:
0x6c: {  	(tag) =	ssettag $0x2  }
0x6d: {  	s0 =	rddreg [dreg:$0x0];
	s2 =	stileid.u32  }
0x6e: {  	s1 =	rddreg [dreg:$0x1];
	p0 =	sne.s32 s2, $0x0  }
0x6f: {  	s3 =	rddreg [dreg:$0x2];
	[bflag:$0x3] =	sbarrier.arrive $0xFFFF;
	s2 =	simm.s32 @!p0 $0x1C05  }
0x70: {  	[timem:s3], [sflag:s2] =	dma.local @!p0 [hbm:s0], s1  }
0x71: {  	s0 =	simm.s32 @!p0 $0x5  }
0x72: {  	_ =	swait.ge @!p0 [sflag:s0], s1  }
0x73: {  	s1 =	ssub.s32 @!p0 $0x0, s1;
	[sflag:s0] =	ssyncset.done @!p0 $0x0  }
0x74: {  	[sflag:s0] =	ssyncadd.s32 @!p0 s1  }
0x75: {  	[bflag:$0x3] =	sbarrier.arrive $0xFFFF  }
0x76: {  	_ =	shalt  }

// kernel: kernel.17.cloned.1.call-start
scs
__scs_entry_jumppad:
0x0: {  	(pc) =	sbr.rel $0x88, $3  }
0x1: {  	(tag) =	ssettag $0x0;
	lr =	simm.s32 $0x1  }
0x2: {  	[smem:$0x3F96] =	sst lr;
	_ =	strace $0xD0000000  }
0x3: {  	_ = 	snop  }
0x4: {  	_ = 	snop  }
0x5: {  	_ = 	snop  }
0x6: {  	_ = 	snop  }
0x7: {  	_ = 	snop  }
__scs_overlays_trampoline_lowered:
0x8: {  	[smem:$0x3FA5] =	sst s0  }
0x9: {  	[smem:$0x3FA6] =	sst s1  }
0xa: {  	[smem:$0x3FA7] =	sst s2  }
0xb: {  	[smem:$0x3FA8] =	sst s3  }
0xc: {  	[smem:$0x3FA9] =	sst s4  }
0xd: {  	[smem:$0x3FAA] =	sst s5  }
0xe: {  	[smem:$0x3FAB] =	sst s6  }
0xf: {  	[smem:$0x3FAC] =	sst s7  }
0x10: {  	[smem:$0x3FAD] =	sst s8  }
0x11: {  	[smem:$0x3FAE] =	sst s9;
	s0 =	simm.s32 @!p0 $0x0  }
0x12: {  	s1 =	sld [smem:$0x3F94];
	s0 =	simm.s32 @p0 $0x1  }
0x13: {  	[smem:$0x3FAF] =	sst s0;
	s0 =	simm.s32 @!p1 $0x0  }
0x14: {  	s2 =	sld [smem:$0x3F93];
	s0 =	simm.s32 @p1 $0x1  }
0x15: {  	[smem:$0x3FB0] =	sst s0;
	s0 =	simm.s32 @!p2 $0x0  }
0x16: {  	s3 =	sld [smem:$0x3FDB];
	s0 =	simm.s32 @p2 $0x1  }
0x17: {  	s4 =	simm.s32 $0x1BF5;
	[smem:$0x3FB2] =	sst s0  }
0x18: {  	s0 =	sld [smem:$0x3F95];
	_ =	swait.ge [sflag:s4], $0x0  }
0x19: {  	s7 =	sld [smem:$0x3F96]  }
0x1a: {  	s8 =	sadd.s32 $0xFFFFE003, lr  }
0x1b: {  	s9 =	sadd.s32 $0xFFFFFEF7, lr;
	s5 =	simm.s32 $0xFFFFFFFF;
	p2 =	slt.u32 s8, $0xFFFFF086  }
0x1c: {  	p1 =	slt.u32 s9, $0xF7A;
	s5 =	simm.s32 @!p2 $0x0  }
0x1d: {  	s5 =	simm.s32 @p1 $0x1;
	p0 =	seq.s32 s7, s2  }
0x1e: {  	s7 =	smul.u32 @!p0 $0xF7A, s2;
	p2 =	seq.s32 @!p0 s5, $0x0  }
0x1f: {  	s9 =	smul.u32 $0xF7A, s1;
	s8 =	simm.s32 @!p0 $0x1BF5;
	p2 =	por !p2, p0  }
0x20: {  	[sflag:s8] =	ssyncset.s32 @!p0 $0xFFFFF086;
	s6 =	sadd.s32 @!p0 s3, s7;
	s7 =	simm.s32 @!p0 $0x108  }
0x21: {  	s3 =	sadd.s32 s3, s9;
	s6 =	sadd.s32 @!p0 $0x88, s6;
	s7 =	simm.s32 @p2 $0x1082  }
0x22: {  	[simem:s7], [sflag:s8] =	dma.local @!p0 [hbm:s6], $0xF7A  }
0x23: {  	s9 =	sor.u32 $0xD0000000, s2;
	s6 =	simm.s32 $0x108;
	_ =	swait.ge @!p0 [sflag:s8], $0x0  }
0x24: {  	s3 =	sadd.s32 $0x88, s3;
	s6 =	simm.s32 @!p1 $0x1082;
	[sflag:s4] =	ssyncset.s32 $0xFFFFF086  }
0x25: {  	[simem:s6], [sflag:s4] =	dma.local [hbm:s3], $0xF7A  }
0x26: {  	[smem:$0x3F96] =	sst s1;
	(tag) =	ssettag s2;
	_ =	strace s9  }
0x27: {  	s1 =	sld [smem:$0x3FA6]  }
0x28: {  	s2 =	sld [smem:$0x3FA7]  }
0x29: {  	s4 =	sld [smem:$0x3FA9]  }
0x2a: {  	p0 =	seq.s32 s5, $0x0;
	s5 =	sld [smem:$0x3FAA]  }
0x2b: {  	s6 =	sld [smem:$0x3FAB]  }
0x2c: {  	s7 =	sld [smem:$0x3FAC]  }
0x2d: {  	s3 =	simm.s32 $0x108;
	s8 =	sld [smem:$0x3FAD]  }
0x2e: {  	s3 =	simm.s32 @!p0 $0x1082;
	s9 =	sld [smem:$0x3FAE]  }
0x2f: {  	lr =	sadd.s32 s0, s3;
	s0 =	sld [smem:$0x3FA5]  }
0x30: {  	s3 =	sld [smem:$0x3FA8]  }
0x31: {  	[smem:$0x3FB1] =	sst s10  }
0x32: {  	s10 =	sld [smem:$0x3FAF];
	_ =	sdelay $0x3  }
0x33: {  	p0 =	seq.s32 s10, $0x1;
	s10 =	sld [smem:$0x3FB1];
	_ =	sdelay $0x3  }
0x34: {  	[smem:$0x3FB1] =	sst s10  }
0x35: {  	s10 =	sld [smem:$0x3FB0];
	_ =	sdelay $0x3  }
0x36: {  	p1 =	seq.s32 s10, $0x1;
	s10 =	sld [smem:$0x3FB1];
	_ =	sdelay $0x3  }
0x37: {  	[smem:$0x3FB1] =	sst s10  }
0x38: {  	s10 =	sld [smem:$0x3FB2]  }
0x39: {  	_ = 	snop;
	(pc) =	sbr.ind lr, $3  }
0x3a: {  	_ = 	snop  }
0x3b: {  	_ = 	snop  }
0x3c: {  	p2 =	seq.s32 s10, $0x1;
	s10 =	sld [smem:$0x3FB1]  }
0x3d: {  	_ =	shalt  }
0x3e: {  	_ =	shalt  }
0x3f: {  	_ =	shalt  }
0x40: {  	_ =	shalt  }
0x41: {  	_ =	shalt  }
0x42: {  	_ =	shalt  }
0x43: {  	_ =	shalt  }
0x44: {  	_ =	shalt  }
0x45: {  	_ =	shalt  }
0x46: {  	_ =	shalt  }
0x47: {  	_ =	shalt  }
0x48: {  	_ =	shalt  }
0x49: {  	_ =	shalt  }
0x4a: {  	_ =	shalt  }
0x4b: {  	_ =	shalt  }
0x4c: {  	_ =	shalt  }
0x4d: {  	_ =	shalt  }
0x4e: {  	_ =	shalt  }
0x4f: {  	_ =	shalt  }
0x50: {  	_ =	shalt  }
0x51: {  	_ =	shalt  }
0x52: {  	_ =	shalt  }
0x53: {  	_ =	shalt  }
0x54: {  	_ =	shalt  }
0x55: {  	_ =	shalt  }
0x56: {  	_ =	shalt  }
0x57: {  	_ =	shalt  }
0x58: {  	_ =	shalt  }
0x59: {  	_ =	shalt  }
0x5a: {  	_ =	shalt  }
0x5b: {  	_ =	shalt  }
0x5c: {  	_ =	shalt  }
0x5d: {  	_ =	shalt  }
0x5e: {  	_ =	shalt  }
0x5f: {  	_ =	shalt  }
0x60: {  	_ =	shalt  }
0x61: {  	_ =	shalt  }
0x62: {  	_ =	shalt  }
0x63: {  	_ =	shalt  }
0x64: {  	_ =	shalt  }
0x65: {  	_ =	shalt  }
0x66: {  	_ =	shalt  }
0x67: {  	_ =	shalt  }
0x68: {  	_ =	shalt  }
0x69: {  	_ =	shalt  }
0x6a: {  	_ =	shalt  }
0x6b: {  	_ =	shalt  }
0x6c: {  	_ =	shalt  }
0x6d: {  	_ =	shalt  }
0x6e: {  	_ =	shalt  }
0x6f: {  	_ =	shalt  }
0x70: {  	_ =	shalt  }
0x71: {  	_ =	shalt  }
0x72: {  	_ =	shalt  }
0x73: {  	_ =	shalt  }
0x74: {  	_ =	shalt  }
0x75: {  	_ =	shalt  }
0x76: {  	_ =	shalt  }
0x77: {  	_ =	shalt  }
0x78: {  	_ =	shalt  }
0x79: {  	_ =	shalt  }
0x7a: {  	_ =	shalt  }
0x7b: {  	_ =	shalt  }
0x7c: {  	_ =	shalt  }
0x7d: {  	_ =	shalt  }
0x7e: {  	_ =	shalt  }
0x7f: {  	_ =	shalt  }
0x80: {  	_ =	shalt  }
0x81: {  	_ =	shalt  }
0x82: {  	_ =	shalt  }
0x83: {  	_ =	shalt  }
0x84: {  	_ =	shalt  }
0x85: {  	_ =	shalt  }
0x86: {  	_ =	shalt  }
0x87: {  	_ =	shalt  }
.Lfunc_end0:
.L_simem_size_0:
called_computation.2_lowered:
.L_overlay_start_0:
0x88: {  	s2 =	sld [smem:$0x3FD9]  }
0x89: {  	s3 =	sld [smem:$0x3FFE];
	_ =	sdelay $0x1  }
0x8a: {  	s1 =	srdreg.scid  }
0x8b: {  	s0 =	sand.u32 $0x1, s1  }
0x8c: {  	s14 =	sshll.u32 s0, $0xA;
	s2 =	sadd.s32 s3, s2  }
0x8d: {  	s2 =	sadd.s32 s2, s14  }
0x8e: {  	[smem:$0x3FBD] =	sst s2  }
0x8f: {  	_ = 	snop  }
0x90: {  	s2 =	sld [smem:$0x3FD0];
	_ =	sdelay $0x2  }
0x91: {  	s4 =	simm.s32 $0xA;
	s5 =	simm.s32 $0x10;
	s15 =	sld [smem:$0x3FC8]  }
0x92: {  	[smem:s5], [sflag:s4] =	dma.local [hbm:s2], $0x1  }
0x93: {  	_ =	swait.eq [sflag:s4], $0x1  }
0x94: {  	[sflag:s4] =	ssyncset.done $0x0  }
0x95: {  	[sflag:s4] =	ssyncadd.s32 $0xFFFFFFFF  }
0x96: {  	s16 =	sld [smem:$0x10];
	(tm) =	ssettm $0x1  }
0x97: {  	s17 =	sld [smem:$0x3FFB];
	_ =	sdelay $0x3  }
0x98: {  	_ =	strace s17  }
0x99: {  	s4 =	sld [smem:$0x3FFC];
	_ =	sdelay $0x3  }
0x9a: {  	_ =	strace s4  }
0x9b: {  	s4 =	sld [smem:$0x3FFD];
	_ =	sdelay $0x3  }
0x9c: {  	_ =	strace s4  }
0x9d: {  	_ =	strace $0x8FFFFFFF  }
0x9e: {  	s18 =	sld [smem:$0x3FDB];
	_ =	sdelay $0x1  }
0x9f: {  	s19 =	simm.s32 $_scs_section_size  }
0xa0: {  	s6 =	simm.s32 $_size__tile_overlayer_lowered;
	s7 =	simm.s32 $_tile_overlayer_lowered  }
0xa1: {  	s22 =	simm.s32 $0x1BFF;
	s21 =	sshll.u32 s7, $0x1;
	s4 =	sadd.s32 s19, s18  }
0xa2: {  	s8 =	simm.s32 $0x0;
	s20 =	sshll.u32 s6, $0x1;
	s6 =	sadd.s32 s21, s4  }
0xa3: {  	[timem:s8], [sflag:s22] =	dma.local [hbm:s6], s20  }
0xa4: {  	_ =	swait.ge [sflag:s22], s20  }
0xa5: {  	s5 =	ssub.s32 $0x0, s20;
	[sflag:s22] =	ssyncset.done $0x0  }
0xa6: {  	[sflag:s22] =	ssyncadd.s32 s5;
	_ =	sdelay $0x1  }
0xa7: {  	s23 =	simm.s32 $0x1B8B  }
0xa8: {  	_ =	swait.ge [sflag:s23], $0x1  }
0xa9: {  	[sflag:s23] =	ssyncset.done $0x0  }
0xaa: {  	s25 =	simm.s32 $0x1B8E;
	s24 =	sld [smem:$0x3FFE];
	[sflag:s23] =	ssyncadd.s32 $0xFFFFFFFF  }
0xab: {  	s26 =	simm.s32 $execute0_lowered;
	[smem:$0x3FD2] =	sst s25  }
0xac: {  	s6 =	sshll.u32 s26, $0x1;
	_ =	strace $0x8000004C;
	[dreg:$0x1] =	wrdreg $0xFFFFFFFF  }
0xad: {  	s28 =	simm.s32 $_size_execute0_lowered;
	s4 =	sadd.s32 s4, s6;
	[dreg:$0x0] =	wrdreg $0x0  }
0xae: {  	s6 =	sshll.u32 s28, $0x1;
	[dreg:$0x2] =	wrdreg s4  }
0xaf: {  	[dreg:$0x3] =	wrdreg s6  }
0xb0: {  	[dreg:$0x4] =	wrdreg $0xC0  }
0xb1: {  	_ =	task [dreg:s8], $0x5FFFF  }
0xb2: {  	[dreg:$0x1] =	wrdreg $0xFFFFFFFF  }
0xb3: {  	[dreg:$0x0] =	wrdreg $0x60  }
0xb4: {  	[dreg:$0x2] =	wrdreg s24  }
0xb5: {  	[dreg:$0x3] =	wrdreg s15  }
0xb6: {  	[dreg:$0x4] =	wrdreg s16  }
0xb7: {  	[dreg:$0x5] =	wrdreg $0xC6000  }
0xb8: {  	[dreg:$0x6] =	wrdreg $0x9  }
0xb9: {  	_ =	task.clear_ibuf [dreg:s8], $0x7FFFF;
	_ =	strace $0x9000004C  }
0xba: {  	s29 =	simm.s32 $0x9;
	_ =	strace $0x8000004E  }
0xbb: {  	_ =	swait.ge [sflag:s29], $0x1  }
0xbc: {  	[sflag:s29] =	ssyncadd.s32 $0xFFFFFFFF  }
0xbd: {  	_ =	strace $0x9000004E  }
0xbe: {  	_ =	sfence  }
0xbf: {  	s30 =	sld [smem:$0x0];
	_ =	sdelay $0x2  }
0xc0: {  	s31 =	sshll.u32 s1, $0xD;
	s1 =	sshrl.u32 s1, $0x2  }
0xc1: {  	s3 =	sand.u32 $0x4000, s31;
	s1 =	sadd.s32 s1, s30  }
0xc2: {  	s0 =	sor.u32 s3, s0;
	s1 =	sshll.u32 s1, $0x11  }
0xc3: {  	s0 =	sor.u32 s1, s0  }
0xc4: {  	s0 =	sadd.s32 $0x8F2B, s0  }
0xc5: {  	[sflag:s0] =	ssyncadd.remote.s32 $0x1  }
0xc6: {  	_ =	sfence.sel $0xFFFF  }
0xc7: {  	[dreg:$0x0] =	wrdreg $0xFFFFFFFF;
	(pc) =	sbr.abs _section_cstart, $3  }
0xc8: {  	[dreg:$0x1] =	wrdreg $0xFFFFFFFF  }
0xc9: {  	_ =	task.clear_ibuf [dreg:s8], $0x2FFFF;
	_ =	strace $0x9FFFFFFF  }
0xca: {  	(tm) =	ssettm $0x7FFFFFFF  }
0xcb: {  	_ =	shalt  }
tec
execute0_lowered:
.L_overlay_start_1:
0x0: {  	(tag) =	ssettag $0x1  }
0x1: {  	s0 =	rddreg [dreg:$0x0]  }
0x2: {  	s2 =	rddreg [dreg:$0x1]  }
0x3: {  	s7 =	rddreg [dreg:$0x2]  }
0x4: {  	s1 =	rddreg [dreg:$0x3];
	s3 =	srdreg.scid  }
0x5: {  	s12 =	stileid.u32;
	s16 =	simm.s32 $0x100;
	s19 =	simm.s32 $0x3  }
0x6: {  	s20 =	simm.s32 $0x80;
	s8 =	sand.u32 $0x1, s3;
	s3 =	simm.s32 $0x0  }
0x7: {  	s9 =	smul.u32 $0x4E000, s12;
	s4 =	sadd.s32 $0x5C00, s0;
	p0 =	slt.u32 s12, $0x2  }
0x8: {  	s14 =	smul.u32 $0x2700, s12;
	s22 =	sshll.u32 s12, $0x6;
	s25 =	sshll.u32 s12, $0x9  }
0x9: {  	s5 =	ssub.s32 $0x2, s8;
	[smem:$0x7FF] =	sst s3;
	s11 =	sshll.u32 s8, $0x5  }
0xa: {  	s26 =	sshll.u32 s8, $0x8;
	s6 =	sshrl.u32 s5, $0x1;
	_ =	strace $0x8000004D  }
0xb: {  	s9 =	sshrl.u32 s9, $0x2;
	s23 =	sor.u32 s11, s22;
	s7 =	sadd.s32 s7, s14  }
0xc: {  	[dreg:$0x6] =	wrdreg s22;
	s10 =	ssub.s32 s5, s6;
	s5 =	simm.s32 $0x4F  }
0xd: {  	s15 =	sadd.s32 s9, s1;
	[dreg:$0x7] =	wrdreg s7;
	s6 =	sor.u32 $0x1C04, s22  }
0xe: {  	s9 =	sadd.s32 s2, s23;
	s7 =	sor.u32 s26, s25;
	s22 =	simm.s32 $0x1  }
0xf: {  	s23 =	simm.s32 $0x2;
	s5 =	simm.s32 @!p0 $0x4E;
	[dreg:$0x8] =	wrdreg s6  }
0x10: {  	s24 =	sadd.s32 $0x400, s9;
	p0 =	seq.s32 s8, $0x1;
	s8 =	simm.s32 $0xA2400  }
0x11: {  	s28 =	sadd.s32 $0x800, s9;
	s7 =	sor.u32 $0x8000, s7;
	[dreg:$0x9] =	wrdreg s24  }
0x12: {  	s29 =	sadd.s32 $0xC00, s9;
	s30 =	smax.u32 s10, $0x1;
	[dreg:$0xa] =	wrdreg s28  }
0x13: {  	s8 =	simm.s32 @!p0 $0x7B200;
	[dreg:$0xb] =	wrdreg s29;
	s7 =	sshrl.u32 s7, $0x3  }
0x14: {  	[dreg:$0xc] =	wrdreg s30;
	s0 =	sadd.s32 s8, s0;
	s31 =	sadd.s32 s7, s2  }
0x15: {  	s25 =	simm.s32 $0x0;
	s0 =	sadd.s32 s0, s14;
	[dreg:$0x5] =	wrdreg s31  }
0x16: {  	s15 =	sshrl.u32 s15, $0x3;
	s24 =	simm.s32 $0x5;
	[dreg:$0xd] =	wrdreg s0  }
.LBB2_1:
0x17: {  	s0 =	rddreg [dreg:$0x7]  }
0x18: {  	s2 =	rddreg [dreg:$0x8]  }
0x19: {  	[spmem:s15], [sflag:s2] =	dma.local [hbm:s0], $0x2800  }
0x1a: {  	[tilespmem:s3], [sflag:$0x3] =	stream.linear.gather [hbm4b:s9+s3], $0x100, $0x38;
	[tilespmem:$0x1FE80] =	vst v63  }
0x1b: {  	s0 =	rddreg [dreg:$0x9]  }
0x1c: {  	[tilespmem:s16], [sflag:$0x3] =	stream.linear.gather [hbm4b:s0+s3], $0x100, $0x38;
	[tilespmem:$0x1FE80] =	vst v63  }
0x1d: {  	s8 =	simm.s32 $0x200;
	s7 =	rddreg [dreg:$0xa]  }
0x1e: {  	[tilespmem:s8], [sflag:$0x3] =	stream.linear.gather [hbm4b:s7+s3], $0x100, $0x38;
	[tilespmem:$0x1FE80] =	vst v63  }
0x1f: {  	s11 =	simm.s32 $0x300;
	s10 =	rddreg [dreg:$0xb]  }
0x20: {  	[tilespmem:s11], [sflag:$0x3] =	stream.linear.gather [hbm4b:s10+s3], $0x100, $0x38;
	[tilespmem:$0x1FE80] =	vst v63  }
0x21: {  	_ =	swait.ge [sflag:s19], $0x100  }
0x22: {  	[sflag:s19] =	ssyncset.done $0x0  }
0x23: {  	s26 =	simm.s32 $0x600;
	[sflag:s19] =	ssyncadd.s32 $0xFFFFFF00  }
0x24: {  	[tilespmem:s26], [sflag:$0x1] =	stream.indirect.gather [hbm4b:s4+s20], $0x80, s3, s20, $0xb8;
	[tilespmem:$0x1FE80] =	vst v63  }
0x25: {  	_ =	swait.ge [sflag:s19], $0x100  }
0x26: {  	s12 =	simm.s32 $0x4600;
	s13 =	simm.s32 $0x4;
	[sflag:s19] =	ssyncset.done $0x0  }
0x27: {  	s28 =	simm.s32 $0x1;
	p0 =	sne.s32 s5, $0x1;
	[sflag:s19] =	ssyncadd.s32 $0xFFFFFF00  }
0x28: {  	[tilespmem:s12], [sflag:$0x1] =	stream.indirect.gather [hbm4b:s4+s20], $0x80, s16, s20, $0xb8;
	[tilespmem:$0x1FE80] =	vst v63  }
0x29: {  	s29 =	simm.s32 $0x0;
	s30 =	simm.s32 $0xC600;
	_ =	swait.ge [sflag:s13], $0x2800  }
0x2a: {  	s31 =	simm.s32 $0x4600;
	p1 =	por $0x1, $0x1;
	[sflag:s13] =	ssyncset.done $0x0  }
0x2b: {  	s2 =	simm.s32 $0x3;
	s10 =	smulhi.u32 $0xAAAAAAAB, s23;
	[sflag:s13] =	ssyncadd.s32 $0xFFFFD800  }
0x2c: {  	s17 =	simm.s32 @!p1 $0x2;
	s7 =	smulhi.u32 $0xAAAAAAAB, s13;
	[bflag:$0x0] =	sbarrier.arrive $0xFFFF  }
0x2d: {  	s8 =	smulhi.u32 $0xAAAAAAAB, s3;
	s18 =	sshrl.u32 s10, $0x2;
	_ =	swait.ge @!p1 [sflag:s17], $0x4000  }
0x2e: {  	s10 =	sshrl.u32 s10, $0x1;
	s18 =	smul.u32 $0xFFFFE800, s18;
	[sflag:s17] =	ssyncset.done @!p1 $0x0  }
0x2f: {  	s10 =	smul.u32 $0xFFFD0000, s10;
	[sflag:s17] =	ssyncadd.s32 @!p1 $0xFFFFC000;
	p1 =	sle.u32 s5, $0x2  }
0x30: {  	s7 =	sshrl.u32 s7, $0x2;
	s14 =	sshra.s32 s18, $0x2;
	s18 =	simm.s32 @!p1 $0x3  }
0x31: {  	s7 =	smul.u32 $0xFFFFE800, s7;
	s10 =	sshra.s32 s10, $0x2;
	_ =	swait.ge @!p1 [sflag:s18], $0x100  }
0x32: {  	s10 =	sadd.s32 $0x8600, s10;
	s17 =	sadd.s32 $0x200, s14;
	[sflag:s18] =	ssyncset.done @!p1 $0x0  }
0x33: {  	s17 =	sadd.s32 @!p1 $0x0, s17;
	s21 =	simm.s32 @!p1 $0x80;
	[sflag:s18] =	ssyncadd.s32 @!p1 $0xFFFFFF00  }
0x34: {  	[tilespmem:s10], [sflag:$0x1] =	stream.indirect.gather @!p1 [hbm4b:s4+s21], $0x80, s17, s21, $0xb8;
	[tilespmem:$0x1FE80] =	vst v63  }
.Ltmp0:
0x35: {  	s0 =	simm.s32 $0x5;
	s7 =	sshra.s32 s7, $0x2;
	(pc) =	sbr.rel @!p0 .LBB2_3-.Ltmp0, $4  }
0x36: {  	s7 =	sadd.s32 $0x400, s7;
	s18 =	rddreg [dreg:$0x5];
	s21 =	sshrl.u32 s8, $0x2  }
0x37: {  	p1 =	sle.u32 s5, $0x4;
	s8 =	sshrl.u32 s8, $0x1;
	s10 =	smul.u32 $0xFFFFE800, s21  }
0x38: {  	s17 =	simm.s32 $0x0;
	s21 =	sadd.s32 @!p1 $0x0, s7;
	s7 =	sadd.s32 @!p1 $0x0, s18  }
0x39: {  	s18 =	smul.u32 $0xFFFD0000, s8;
	s8 =	simm.s32 @!p1 $0x0;
	s10 =	sshra.s32 s10, $0x2  }
.LBB2_2:
0x3a: {  	s10 =	sor.u32 $0x80, s10  }
0x3b: {  	s17 =	sadd.s32 $0x400, s17;
	s6 =	smov.u32 s28;
	s28 =	sadd.s32 $0x1, s28  }
0x3c: {  	[tilespmem:s21], [sflag:$0x3] =	stream.linear.gather @!p1 [hbm4b:s7+s8], $0x100, $0x38;
	[tilespmem:$0x1FE80] =	vst v63  }
0x3d: {  	s11 =	smov.u32 s30;
	s12 =	smov.u32 s2;
	s30 =	sadd.s32 $0x4000, s30  }
0x3e: {  	s2 =	sadd.s32 $0x1, s2;
	p0 =	sne.s32 s28, s5;
	s8 =	sshra.s32 s18, $0x2  }
0x3f: {  	_ =	swait.ge [sflag:s22], $0x4000;
	s13 =	sadd.s32 s29, s10;
	s29 =	sshra.s32 s17, $0x2  }
0x40: {  	s14 =	smulhi.u32 $0xAAAAAAAB, s12;
	p2 =	seq.s32 s17, $0x0;
	s21 =	sadd.s32 $0x4, s6  }
0x41: {  	s7 =	sadd.s32 s8, s26;
	[sflag:s22] =	ssyncset.done $0x0;
	s26 =	smov.u32 s31  }
0x42: {  	s31 =	sadd.s32 $0x4000, s31;
	s8 =	smulhi.u32 $0xAAAAAAAB, s6;
	s18 =	simm.s32 @!p2 $0x2  }
0x43: {  	s6 =	sadd.s32 $0x2, s6;
	p1 =	sge.u32 s21, s5;
	[sflag:s22] =	ssyncadd.s32 $0xFFFFC000  }
0x44: {  	[spmem:s1] =	stream.indirect.scatter.add.f32 [tilespmem:s7], [sflag:$0x2], $0x80, s13, s20, $0xb8;
	[tilespmem:$0x1FE80] =	vst v63  }
0x45: {  	s10 =	sshrl.u32 s14, $0x1;
	s7 =	smulhi.u32 $0xAAAAAAAB, s0;
	s0 =	sadd.s32 $0x1, s0  }
0x46: {  	s13 =	sshrl.u32 s14, $0x2;
	s10 =	smul.u32 $0xFFFD0000, s10;
	s21 =	sshrl.u32 s8, $0x2  }
0x47: {  	s8 =	sshrl.u32 s8, $0x1;
	_ =	swait.ge @!p2 [sflag:s18], $0x4000;
	s12 =	smul.u32 $0xFFFFE800, s13  }
0x48: {  	s7 =	sshrl.u32 s7, $0x2;
	[sflag:s18] =	ssyncset.done @!p2 $0x0;
	s10 =	sshra.s32 s10, $0x2  }
0x49: {  	[sflag:s18] =	ssyncadd.s32 @!p2 $0xFFFFC000;
	p2 =	sge.u32 s6, s5;
	s14 =	smul.u32 $0xFFFFE800, s7  }
0x4a: {  	s18 =	sshra.s32 s12, $0x2;
	s11 =	sadd.s32 s10, s11;
	s10 =	smul.u32 $0xFFFFE800, s21  }
0x4b: {  	s12 =	simm.s32 @!p2 $0x3;
	s7 =	sadd.s32 $0x200, s18;
	s18 =	sshra.s32 @!p2 s17, $0x2  }
0x4c: {  	_ =	swait.ge @!p2 [sflag:s12], $0x100;
	s13 =	sadd.s32 @!p2 s18, s7;
	s18 =	smul.u32 $0xFFFD0000, s8  }
.Ltmp1:
0x4d: {  	s6 =	sshra.s32 s14, $0x2;
	s14 =	simm.s32 @!p2 $0x80;
	(pc) =	sbr.rel @p0 .LBB2_2-.Ltmp1, $4  }
0x4e: {  	s10 =	sshra.s32 s10, $0x2;
	[sflag:s12] =	ssyncset.done @!p2 $0x0;
	s7 =	rddreg [dreg:$0x5]  }
0x4f: {  	s6 =	sadd.s32 $0x400, s6;
	[sflag:s12] =	ssyncadd.s32 @!p2 $0xFFFFFF00;
	s12 =	sshra.s32 @!p1 s17, $0x2  }
0x50: {  	s8 =	simm.s32 @!p1 $0x0;
	s7 =	sadd.s32 @!p1 s17, s7;
	s21 =	sadd.s32 @!p1 s12, s6  }
0x51: {  	[tilespmem:s11], [sflag:$0x1] =	stream.indirect.gather @!p2 [hbm4b:s4+s14], $0x80, s13, s14, $0xb8;
	[tilespmem:$0x1FE80] =	vst v63  }
.LBB2_3:
0x52: {  	[tilespmem:s21], [sflag:$0x3] =	stream.linear.gather @!p1 [hbm4b:s7+s8], $0x100, $0x38;
	[tilespmem:$0x1FE80] =	vst v63  }
0x53: {  	_ =	swait.ge [sflag:s22], $0x4000  }
0x54: {  	s0 =	sor.u32 $0x80, s10;
	s2 =	sshra.s32 s18, $0x2;
	[sflag:s22] =	ssyncset.done $0x0  }
0x55: {  	s0 =	sadd.s32 s29, s0;
	s2 =	sadd.s32 s2, s26;
	[sflag:s22] =	ssyncadd.s32 $0xFFFFC000  }
0x56: {  	[spmem:s1] =	stream.indirect.scatter.add.f32 [tilespmem:s2], [sflag:$0x2], $0x80, s0, s20, $0xb8;
	[tilespmem:$0x1FE80] =	vst v63  }
0x57: {  	_ =	swait.ge [sflag:s23], $0x4000  }
0x58: {  	[sflag:s23] =	ssyncset.done $0x0  }
0x59: {  	[sflag:s23] =	ssyncadd.s32 $0xFFFFC000  }
0x5a: {  	[bflag:$0x0] =	sbarrier.arrive $0xFFFF  }
0x5b: {  	s29 =	rddreg [dreg:$0x6]  }
0x5c: {  	s30 =	rddreg [dreg:$0xd];
	s0 =	sor.u32 $0x1C05, s29  }
0x5d: {  	[hbm:s30], [sflag:s0] =	dma.local [spmem:s15], $0x2800  }
0x5e: {  	_ =	swait.ge [sflag:s24], $0x2800  }
0x5f: {  	s25 =	sadd.s32 $0x1, s25;
	s31 =	rddreg [dreg:$0xc]  }
0x60: {  	p0 =	sne.s32 s25, s31  }
.Ltmp2:
0x61: {  	_ = 	snop;
	(pc) =	sbr.rel @p0 .LBB2_1-.Ltmp2, $3  }
0x62: {  	_ =	sdelay $0x1  }
0x63: {  	[sflag:s24] =	ssyncset.done $0x0  }
0x64: {  	[sflag:s24] =	ssyncadd.s32 $0xFFFFD800  }
0x65: {  	_ =	sfence.sel $0x180000  }
0x66: {  	[bflag:$0x0] =	sbarrier.arrive $0xFFFF  }
0x67: {  	_ =	strace $0x9000004D  }
0x68: {  	s0 =	stileid.u32;
	[bflag:$0x2] =	sbarrier.arrive $0xFFFF  }
0x69: {  	p0 =	sne.s32 s0, $0x0;
	s0 =	rddreg [dreg:$0x4]  }
0x6a: {  	s0 =	sadd.s32 @!p0 $0x100000, s0  }
0x6b: {  	[sflag:s0] =	ssyncadd.tile.s32 @!p0 $0x1;
	_ =	shalt  }
.Lfunc_end2:
_tile_overlayer_lowered:
.L_overlay_start_2:
0x6c: {  	(tag) =	ssettag $0x2  }
0x6d: {  	s0 =	rddreg [dreg:$0x0];
	s2 =	stileid.u32  }
0x6e: {  	s1 =	rddreg [dreg:$0x1];
	p0 =	sne.s32 s2, $0x0  }
0x6f: {  	s3 =	rddreg [dreg:$0x2];
	[bflag:$0x3] =	sbarrier.arrive $0xFFFF;
	s2 =	simm.s32 @!p0 $0x1C05  }
0x70: {  	[timem:s3], [sflag:s2] =	dma.local @!p0 [hbm:s0], s1  }
0x71: {  	s0 =	simm.s32 @!p0 $0x5  }
0x72: {  	_ =	swait.ge @!p0 [sflag:s0], s1  }
0x73: {  	s1 =	ssub.s32 @!p0 $0x0, s1;
	[sflag:s0] =	ssyncset.done @!p0 $0x0  }
0x74: {  	[sflag:s0] =	ssyncadd.s32 @!p0 s1  }
0x75: {  	[bflag:$0x3] =	sbarrier.arrive $0xFFFF  }
0x76: {  	_ =	shalt  }

// kernel: kernel.20.cloned.1.call-start
scs
__scs_entry_jumppad:
0x0: {  	(pc) =	sbr.rel $0x88, $3  }
0x1: {  	(tag) =	ssettag $0x0;
	lr =	simm.s32 $0x1  }
0x2: {  	[smem:$0x3F96] =	sst lr;
	_ =	strace $0xD0000000  }
0x3: {  	_ = 	snop  }
0x4: {  	_ = 	snop  }
0x5: {  	_ = 	snop  }
0x6: {  	_ = 	snop  }
0x7: {  	_ = 	snop  }
__scs_overlays_trampoline_lowered:
0x8: {  	[smem:$0x3FA5] =	sst s0  }
0x9: {  	[smem:$0x3FA6] =	sst s1  }
0xa: {  	[smem:$0x3FA7] =	sst s2  }
0xb: {  	[smem:$0x3FA8] =	sst s3  }
0xc: {  	[smem:$0x3FA9] =	sst s4  }
0xd: {  	[smem:$0x3FAA] =	sst s5  }
0xe: {  	[smem:$0x3FAB] =	sst s6  }
0xf: {  	[smem:$0x3FAC] =	sst s7  }
0x10: {  	[smem:$0x3FAD] =	sst s8  }
0x11: {  	[smem:$0x3FAE] =	sst s9;
	s0 =	simm.s32 @!p0 $0x0  }
0x12: {  	s1 =	sld [smem:$0x3F94];
	s0 =	simm.s32 @p0 $0x1  }
0x13: {  	[smem:$0x3FAF] =	sst s0;
	s0 =	simm.s32 @!p1 $0x0  }
0x14: {  	s2 =	sld [smem:$0x3F93];
	s0 =	simm.s32 @p1 $0x1  }
0x15: {  	[smem:$0x3FB0] =	sst s0;
	s0 =	simm.s32 @!p2 $0x0  }
0x16: {  	s3 =	sld [smem:$0x3FDB];
	s0 =	simm.s32 @p2 $0x1  }
0x17: {  	s4 =	simm.s32 $0x1BF5;
	[smem:$0x3FB2] =	sst s0  }
0x18: {  	s0 =	sld [smem:$0x3F95];
	_ =	swait.ge [sflag:s4], $0x0  }
0x19: {  	s7 =	sld [smem:$0x3F96]  }
0x1a: {  	s8 =	sadd.s32 $0xFFFFE003, lr  }
0x1b: {  	s9 =	sadd.s32 $0xFFFFFEF7, lr;
	s5 =	simm.s32 $0xFFFFFFFF;
	p2 =	slt.u32 s8, $0xFFFFF086  }
0x1c: {  	p1 =	slt.u32 s9, $0xF7A;
	s5 =	simm.s32 @!p2 $0x0  }
0x1d: {  	s5 =	simm.s32 @p1 $0x1;
	p0 =	seq.s32 s7, s2  }
0x1e: {  	s7 =	smul.u32 @!p0 $0xF7A, s2;
	p2 =	seq.s32 @!p0 s5, $0x0  }
0x1f: {  	s9 =	smul.u32 $0xF7A, s1;
	s8 =	simm.s32 @!p0 $0x1BF5;
	p2 =	por !p2, p0  }
0x20: {  	[sflag:s8] =	ssyncset.s32 @!p0 $0xFFFFF086;
	s6 =	sadd.s32 @!p0 s3, s7;
	s7 =	simm.s32 @!p0 $0x108  }
0x21: {  	s3 =	sadd.s32 s3, s9;
	s6 =	sadd.s32 @!p0 $0x88, s6;
	s7 =	simm.s32 @p2 $0x1082  }
0x22: {  	[simem:s7], [sflag:s8] =	dma.local @!p0 [hbm:s6], $0xF7A  }
0x23: {  	s9 =	sor.u32 $0xD0000000, s2;
	s6 =	simm.s32 $0x108;
	_ =	swait.ge @!p0 [sflag:s8], $0x0  }
0x24: {  	s3 =	sadd.s32 $0x88, s3;
	s6 =	simm.s32 @!p1 $0x1082;
	[sflag:s4] =	ssyncset.s32 $0xFFFFF086  }
0x25: {  	[simem:s6], [sflag:s4] =	dma.local [hbm:s3], $0xF7A  }
0x26: {  	[smem:$0x3F96] =	sst s1;
	(tag) =	ssettag s2;
	_ =	strace s9  }
0x27: {  	s1 =	sld [smem:$0x3FA6]  }
0x28: {  	s2 =	sld [smem:$0x3FA7]  }
0x29: {  	s4 =	sld [smem:$0x3FA9]  }
0x2a: {  	p0 =	seq.s32 s5, $0x0;
	s5 =	sld [smem:$0x3FAA]  }
0x2b: {  	s6 =	sld [smem:$0x3FAB]  }
0x2c: {  	s7 =	sld [smem:$0x3FAC]  }
0x2d: {  	s3 =	simm.s32 $0x108;
	s8 =	sld [smem:$0x3FAD]  }
0x2e: {  	s3 =	simm.s32 @!p0 $0x1082;
	s9 =	sld [smem:$0x3FAE]  }
0x2f: {  	lr =	sadd.s32 s0, s3;
	s0 =	sld [smem:$0x3FA5]  }
0x30: {  	s3 =	sld [smem:$0x3FA8]  }
0x31: {  	[smem:$0x3FB1] =	sst s10  }
0x32: {  	s10 =	sld [smem:$0x3FAF];
	_ =	sdelay $0x3  }
0x33: {  	p0 =	seq.s32 s10, $0x1;
	s10 =	sld [smem:$0x3FB1];
	_ =	sdelay $0x3  }
0x34: {  	[smem:$0x3FB1] =	sst s10  }
0x35: {  	s10 =	sld [smem:$0x3FB0];
	_ =	sdelay $0x3  }
0x36: {  	p1 =	seq.s32 s10, $0x1;
	s10 =	sld [smem:$0x3FB1];
	_ =	sdelay $0x3  }
0x37: {  	[smem:$0x3FB1] =	sst s10  }
0x38: {  	s10 =	sld [smem:$0x3FB2]  }
0x39: {  	_ = 	snop;
	(pc) =	sbr.ind lr, $3  }
0x3a: {  	_ = 	snop  }
0x3b: {  	_ = 	snop  }
0x3c: {  	p2 =	seq.s32 s10, $0x1;
	s10 =	sld [smem:$0x3FB1]  }
0x3d: {  	_ =	shalt  }
0x3e: {  	_ =	shalt  }
0x3f: {  	_ =	shalt  }
0x40: {  	_ =	shalt  }
0x41: {  	_ =	shalt  }
0x42: {  	_ =	shalt  }
0x43: {  	_ =	shalt  }
0x44: {  	_ =	shalt  }
0x45: {  	_ =	shalt  }
0x46: {  	_ =	shalt  }
0x47: {  	_ =	shalt  }
0x48: {  	_ =	shalt  }
0x49: {  	_ =	shalt  }
0x4a: {  	_ =	shalt  }
0x4b: {  	_ =	shalt  }
0x4c: {  	_ =	shalt  }
0x4d: {  	_ =	shalt  }
0x4e: {  	_ =	shalt  }
0x4f: {  	_ =	shalt  }
0x50: {  	_ =	shalt  }
0x51: {  	_ =	shalt  }
0x52: {  	_ =	shalt  }
0x53: {  	_ =	shalt  }
0x54: {  	_ =	shalt  }
0x55: {  	_ =	shalt  }
0x56: {  	_ =	shalt  }
0x57: {  	_ =	shalt  }
0x58: {  	_ =	shalt  }
0x59: {  	_ =	shalt  }
0x5a: {  	_ =	shalt  }
0x5b: {  	_ =	shalt  }
0x5c: {  	_ =	shalt  }
0x5d: {  	_ =	shalt  }
0x5e: {  	_ =	shalt  }
0x5f: {  	_ =	shalt  }
0x60: {  	_ =	shalt  }
0x61: {  	_ =	shalt  }
0x62: {  	_ =	shalt  }
0x63: {  	_ =	shalt  }
0x64: {  	_ =	shalt  }
0x65: {  	_ =	shalt  }
0x66: {  	_ =	shalt  }
0x67: {  	_ =	shalt  }
0x68: {  	_ =	shalt  }
0x69: {  	_ =	shalt  }
0x6a: {  	_ =	shalt  }
0x6b: {  	_ =	shalt  }
0x6c: {  	_ =	shalt  }
0x6d: {  	_ =	shalt  }
0x6e: {  	_ =	shalt  }
0x6f: {  	_ =	shalt  }
0x70: {  	_ =	shalt  }
0x71: {  	_ =	shalt  }
0x72: {  	_ =	shalt  }
0x73: {  	_ =	shalt  }
0x74: {  	_ =	shalt  }
0x75: {  	_ =	shalt  }
0x76: {  	_ =	shalt  }
0x77: {  	_ =	shalt  }
0x78: {  	_ =	shalt  }
0x79: {  	_ =	shalt  }
0x7a: {  	_ =	shalt  }
0x7b: {  	_ =	shalt  }
0x7c: {  	_ =	shalt  }
0x7d: {  	_ =	shalt  }
0x7e: {  	_ =	shalt  }
0x7f: {  	_ =	shalt  }
0x80: {  	_ =	shalt  }
0x81: {  	_ =	shalt  }
0x82: {  	_ =	shalt  }
0x83: {  	_ =	shalt  }
0x84: {  	_ =	shalt  }
0x85: {  	_ =	shalt  }
0x86: {  	_ =	shalt  }
0x87: {  	_ =	shalt  }
.Lfunc_end0:
.L_simem_size_0:
called_computation.3_lowered:
.L_overlay_start_0:
0x88: {  	s2 =	sld [smem:$0x3FD9]  }
0x89: {  	s3 =	sld [smem:$0x3FFE];
	_ =	sdelay $0x1  }
0x8a: {  	s1 =	srdreg.scid  }
0x8b: {  	s0 =	sand.u32 $0x1, s1  }
0x8c: {  	s14 =	sshll.u32 s0, $0xA;
	s2 =	sadd.s32 s3, s2  }
0x8d: {  	s2 =	sadd.s32 s2, s14  }
0x8e: {  	[smem:$0x3FBD] =	sst s2  }
0x8f: {  	_ = 	snop  }
0x90: {  	s2 =	sld [smem:$0x3FD0];
	_ =	sdelay $0x2  }
0x91: {  	s4 =	simm.s32 $0xA;
	s5 =	simm.s32 $0x10;
	s15 =	sld [smem:$0x3FC8]  }
0x92: {  	[smem:s5], [sflag:s4] =	dma.local [hbm:s2], $0x1  }
0x93: {  	_ =	swait.eq [sflag:s4], $0x1  }
0x94: {  	[sflag:s4] =	ssyncset.done $0x0  }
0x95: {  	[sflag:s4] =	ssyncadd.s32 $0xFFFFFFFF  }
0x96: {  	s16 =	sld [smem:$0x10];
	(tm) =	ssettm $0x1  }
0x97: {  	s17 =	sld [smem:$0x3FFB];
	_ =	sdelay $0x3  }
0x98: {  	_ =	strace s17  }
0x99: {  	s4 =	sld [smem:$0x3FFC];
	_ =	sdelay $0x3  }
0x9a: {  	_ =	strace s4  }
0x9b: {  	s4 =	sld [smem:$0x3FFD];
	_ =	sdelay $0x3  }
0x9c: {  	_ =	strace s4  }
0x9d: {  	_ =	strace $0x8FFFFFFF  }
0x9e: {  	s18 =	sld [smem:$0x3FDB];
	_ =	sdelay $0x1  }
0x9f: {  	s19 =	simm.s32 $_scs_section_size  }
0xa0: {  	s6 =	simm.s32 $_size__tile_overlayer_lowered;
	s7 =	simm.s32 $_tile_overlayer_lowered  }
0xa1: {  	s22 =	simm.s32 $0x1BFF;
	s21 =	sshll.u32 s7, $0x1;
	s4 =	sadd.s32 s19, s18  }
0xa2: {  	s8 =	simm.s32 $0x0;
	s20 =	sshll.u32 s6, $0x1;
	s6 =	sadd.s32 s21, s4  }
0xa3: {  	[timem:s8], [sflag:s22] =	dma.local [hbm:s6], s20  }
0xa4: {  	_ =	swait.ge [sflag:s22], s20  }
0xa5: {  	s5 =	ssub.s32 $0x0, s20;
	[sflag:s22] =	ssyncset.done $0x0  }
0xa6: {  	[sflag:s22] =	ssyncadd.s32 s5;
	_ =	sdelay $0x1  }
0xa7: {  	s23 =	simm.s32 $0x1B8B  }
0xa8: {  	_ =	swait.ge [sflag:s23], $0x1  }
0xa9: {  	[sflag:s23] =	ssyncset.done $0x0  }
0xaa: {  	s25 =	simm.s32 $0x1B8E;
	s24 =	sld [smem:$0x3FFE];
	[sflag:s23] =	ssyncadd.s32 $0xFFFFFFFF  }
0xab: {  	s26 =	simm.s32 $execute0_lowered;
	[smem:$0x3FD2] =	sst s25  }
0xac: {  	s6 =	sshll.u32 s26, $0x1;
	_ =	strace $0x8000004F;
	[dreg:$0x1] =	wrdreg $0xFFFFFFFF  }
0xad: {  	s28 =	simm.s32 $_size_execute0_lowered;
	s4 =	sadd.s32 s4, s6;
	[dreg:$0x0] =	wrdreg $0x0  }
0xae: {  	s6 =	sshll.u32 s28, $0x1;
	[dreg:$0x2] =	wrdreg s4  }
0xaf: {  	[dreg:$0x3] =	wrdreg s6  }
0xb0: {  	[dreg:$0x4] =	wrdreg $0xC0  }
0xb1: {  	_ =	task [dreg:s8], $0x5FFFF  }
0xb2: {  	[dreg:$0x1] =	wrdreg $0xFFFFFFFF  }
0xb3: {  	[dreg:$0x0] =	wrdreg $0x60  }
0xb4: {  	[dreg:$0x2] =	wrdreg s24  }
0xb5: {  	[dreg:$0x3] =	wrdreg s15  }
0xb6: {  	[dreg:$0x4] =	wrdreg s16  }
0xb7: {  	[dreg:$0x5] =	wrdreg $0xC6000  }
0xb8: {  	[dreg:$0x6] =	wrdreg $0x9  }
0xb9: {  	_ =	task.clear_ibuf [dreg:s8], $0x7FFFF;
	_ =	strace $0x9000004F  }
0xba: {  	s29 =	simm.s32 $0x9;
	_ =	strace $0x80000051  }
0xbb: {  	_ =	swait.ge [sflag:s29], $0x1  }
0xbc: {  	[sflag:s29] =	ssyncadd.s32 $0xFFFFFFFF  }
0xbd: {  	_ =	strace $0x90000051  }
0xbe: {  	_ =	sfence  }
0xbf: {  	s30 =	sld [smem:$0x0];
	_ =	sdelay $0x2  }
0xc0: {  	s31 =	sshll.u32 s1, $0xD;
	s1 =	sshrl.u32 s1, $0x2  }
0xc1: {  	s3 =	sand.u32 $0x4000, s31;
	s1 =	sadd.s32 s1, s30  }
0xc2: {  	s0 =	sor.u32 s3, s0;
	s1 =	sshll.u32 s1, $0x11  }
0xc3: {  	s0 =	sor.u32 s1, s0  }
0xc4: {  	s0 =	sadd.s32 $0x8F2B, s0  }
0xc5: {  	[sflag:s0] =	ssyncadd.remote.s32 $0x1  }
0xc6: {  	_ =	sfence.sel $0xFFFF  }
0xc7: {  	[dreg:$0x0] =	wrdreg $0xFFFFFFFF;
	(pc) =	sbr.abs _section_cstart, $3  }
0xc8: {  	[dreg:$0x1] =	wrdreg $0xFFFFFFFF  }
0xc9: {  	_ =	task.clear_ibuf [dreg:s8], $0x2FFFF;
	_ =	strace $0x9FFFFFFF  }
0xca: {  	(tm) =	ssettm $0x7FFFFFFF  }
0xcb: {  	_ =	shalt  }
tec
execute0_lowered:
.L_overlay_start_1:
0x0: {  	(tag) =	ssettag $0x1  }
0x1: {  	s0 =	rddreg [dreg:$0x0]  }
0x2: {  	s2 =	rddreg [dreg:$0x1]  }
0x3: {  	s7 =	rddreg [dreg:$0x2]  }
0x4: {  	s1 =	rddreg [dreg:$0x3];
	s3 =	srdreg.scid  }
0x5: {  	s12 =	stileid.u32;
	s16 =	simm.s32 $0x100;
	s19 =	simm.s32 $0x3  }
0x6: {  	s20 =	simm.s32 $0x80;
	s8 =	sand.u32 $0x1, s3;
	s3 =	simm.s32 $0x0  }
0x7: {  	s9 =	smul.u32 $0x4E000, s12;
	s4 =	sadd.s32 $0x5C00, s0;
	p0 =	slt.u32 s12, $0x2  }
0x8: {  	s14 =	smul.u32 $0x2700, s12;
	s22 =	sshll.u32 s12, $0x6;
	s25 =	sshll.u32 s12, $0x9  }
0x9: {  	s5 =	ssub.s32 $0x2, s8;
	[smem:$0x7FF] =	sst s3;
	s11 =	sshll.u32 s8, $0x5  }
0xa: {  	s26 =	sshll.u32 s8, $0x8;
	s6 =	sshrl.u32 s5, $0x1;
	_ =	strace $0x80000050  }
0xb: {  	s9 =	sshrl.u32 s9, $0x2;
	s23 =	sor.u32 s11, s22;
	s7 =	sadd.s32 s7, s14  }
0xc: {  	[dreg:$0x6] =	wrdreg s22;
	s10 =	ssub.s32 s5, s6;
	s5 =	simm.s32 $0x4F  }
0xd: {  	s15 =	sadd.s32 s9, s1;
	[dreg:$0x7] =	wrdreg s7;
	s6 =	sor.u32 $0x1C04, s22  }
0xe: {  	s9 =	sadd.s32 s2, s23;
	s7 =	sor.u32 s26, s25;
	s22 =	simm.s32 $0x1  }
0xf: {  	s23 =	simm.s32 $0x2;
	s5 =	simm.s32 @!p0 $0x4E;
	[dreg:$0x8] =	wrdreg s6  }
0x10: {  	s24 =	sadd.s32 $0x400, s9;
	p0 =	seq.s32 s8, $0x1;
	s8 =	simm.s32 $0xC9600  }
0x11: {  	s28 =	sadd.s32 $0x800, s9;
	s7 =	sor.u32 $0x8000, s7;
	[dreg:$0x9] =	wrdreg s24  }
0x12: {  	s29 =	sadd.s32 $0xC00, s9;
	s30 =	smax.u32 s10, $0x1;
	[dreg:$0xa] =	wrdreg s28  }
0x13: {  	s8 =	simm.s32 @!p0 $0xA2400;
	[dreg:$0xb] =	wrdreg s29;
	s7 =	sshrl.u32 s7, $0x3  }
0x14: {  	[dreg:$0xc] =	wrdreg s30;
	s0 =	sadd.s32 s8, s0;
	s31 =	sadd.s32 s7, s2  }
0x15: {  	s25 =	simm.s32 $0x0;
	s0 =	sadd.s32 s0, s14;
	[dreg:$0x5] =	wrdreg s31  }
0x16: {  	s15 =	sshrl.u32 s15, $0x3;
	s24 =	simm.s32 $0x5;
	[dreg:$0xd] =	wrdreg s0  }
.LBB2_1:
0x17: {  	s0 =	rddreg [dreg:$0x7]  }
0x18: {  	s2 =	rddreg [dreg:$0x8]  }
0x19: {  	[spmem:s15], [sflag:s2] =	dma.local [hbm:s0], $0x2800  }
0x1a: {  	[tilespmem:s3], [sflag:$0x3] =	stream.linear.gather [hbm4b:s9+s3], $0x100, $0x38;
	[tilespmem:$0x1FE80] =	vst v63  }
0x1b: {  	s0 =	rddreg [dreg:$0x9]  }
0x1c: {  	[tilespmem:s16], [sflag:$0x3] =	stream.linear.gather [hbm4b:s0+s3], $0x100, $0x38;
	[tilespmem:$0x1FE80] =	vst v63  }
0x1d: {  	s8 =	simm.s32 $0x200;
	s7 =	rddreg [dreg:$0xa]  }
0x1e: {  	[tilespmem:s8], [sflag:$0x3] =	stream.linear.gather [hbm4b:s7+s3], $0x100, $0x38;
	[tilespmem:$0x1FE80] =	vst v63  }
0x1f: {  	s11 =	simm.s32 $0x300;
	s10 =	rddreg [dreg:$0xb]  }
0x20: {  	[tilespmem:s11], [sflag:$0x3] =	stream.linear.gather [hbm4b:s10+s3], $0x100, $0x38;
	[tilespmem:$0x1FE80] =	vst v63  }
0x21: {  	_ =	swait.ge [sflag:s19], $0x100  }
0x22: {  	[sflag:s19] =	ssyncset.done $0x0  }
0x23: {  	s26 =	simm.s32 $0x600;
	[sflag:s19] =	ssyncadd.s32 $0xFFFFFF00  }
0x24: {  	[tilespmem:s26], [sflag:$0x1] =	stream.indirect.gather [hbm4b:s4+s20], $0x80, s3, s20, $0xb8;
	[tilespmem:$0x1FE80] =	vst v63  }
0x25: {  	_ =	swait.ge [sflag:s19], $0x100  }
0x26: {  	s12 =	simm.s32 $0x4600;
	s13 =	simm.s32 $0x4;
	[sflag:s19] =	ssyncset.done $0x0  }
0x27: {  	s28 =	simm.s32 $0x1;
	p0 =	sne.s32 s5, $0x1;
	[sflag:s19] =	ssyncadd.s32 $0xFFFFFF00  }
0x28: {  	[tilespmem:s12], [sflag:$0x1] =	stream.indirect.gather [hbm4b:s4+s20], $0x80, s16, s20, $0xb8;
	[tilespmem:$0x1FE80] =	vst v63  }
0x29: {  	s29 =	simm.s32 $0x0;
	s30 =	simm.s32 $0xC600;
	_ =	swait.ge [sflag:s13], $0x2800  }
0x2a: {  	s31 =	simm.s32 $0x4600;
	p1 =	por $0x1, $0x1;
	[sflag:s13] =	ssyncset.done $0x0  }
0x2b: {  	s2 =	simm.s32 $0x3;
	s10 =	smulhi.u32 $0xAAAAAAAB, s23;
	[sflag:s13] =	ssyncadd.s32 $0xFFFFD800  }
0x2c: {  	s17 =	simm.s32 @!p1 $0x2;
	s7 =	smulhi.u32 $0xAAAAAAAB, s13;
	[bflag:$0x0] =	sbarrier.arrive $0xFFFF  }
0x2d: {  	s8 =	smulhi.u32 $0xAAAAAAAB, s3;
	s18 =	sshrl.u32 s10, $0x2;
	_ =	swait.ge @!p1 [sflag:s17], $0x4000  }
0x2e: {  	s10 =	sshrl.u32 s10, $0x1;
	s18 =	smul.u32 $0xFFFFE800, s18;
	[sflag:s17] =	ssyncset.done @!p1 $0x0  }
0x2f: {  	s10 =	smul.u32 $0xFFFD0000, s10;
	[sflag:s17] =	ssyncadd.s32 @!p1 $0xFFFFC000;
	p1 =	sle.u32 s5, $0x2  }
0x30: {  	s7 =	sshrl.u32 s7, $0x2;
	s14 =	sshra.s32 s18, $0x2;
	s18 =	simm.s32 @!p1 $0x3  }
0x31: {  	s7 =	smul.u32 $0xFFFFE800, s7;
	s10 =	sshra.s32 s10, $0x2;
	_ =	swait.ge @!p1 [sflag:s18], $0x100  }
0x32: {  	s10 =	sadd.s32 $0x8600, s10;
	s17 =	sadd.s32 $0x200, s14;
	[sflag:s18] =	ssyncset.done @!p1 $0x0  }
0x33: {  	s17 =	sadd.s32 @!p1 $0x0, s17;
	s21 =	simm.s32 @!p1 $0x80;
	[sflag:s18] =	ssyncadd.s32 @!p1 $0xFFFFFF00  }
0x34: {  	[tilespmem:s10], [sflag:$0x1] =	stream.indirect.gather @!p1 [hbm4b:s4+s21], $0x80, s17, s21, $0xb8;
	[tilespmem:$0x1FE80] =	vst v63  }
.Ltmp0:
0x35: {  	s0 =	simm.s32 $0x5;
	s7 =	sshra.s32 s7, $0x2;
	(pc) =	sbr.rel @!p0 .LBB2_3-.Ltmp0, $4  }
0x36: {  	s7 =	sadd.s32 $0x400, s7;
	s18 =	rddreg [dreg:$0x5];
	s21 =	sshrl.u32 s8, $0x2  }
0x37: {  	p1 =	sle.u32 s5, $0x4;
	s8 =	sshrl.u32 s8, $0x1;
	s10 =	smul.u32 $0xFFFFE800, s21  }
0x38: {  	s17 =	simm.s32 $0x0;
	s21 =	sadd.s32 @!p1 $0x0, s7;
	s7 =	sadd.s32 @!p1 $0x0, s18  }
0x39: {  	s18 =	smul.u32 $0xFFFD0000, s8;
	s8 =	simm.s32 @!p1 $0x0;
	s10 =	sshra.s32 s10, $0x2  }
.LBB2_2:
0x3a: {  	s10 =	sor.u32 $0x80, s10  }
0x3b: {  	s17 =	sadd.s32 $0x400, s17;
	s6 =	smov.u32 s28;
	s28 =	sadd.s32 $0x1, s28  }
0x3c: {  	[tilespmem:s21], [sflag:$0x3] =	stream.linear.gather @!p1 [hbm4b:s7+s8], $0x100, $0x38;
	[tilespmem:$0x1FE80] =	vst v63  }
0x3d: {  	s11 =	smov.u32 s30;
	s12 =	smov.u32 s2;
	s30 =	sadd.s32 $0x4000, s30  }
0x3e: {  	s2 =	sadd.s32 $0x1, s2;
	p0 =	sne.s32 s28, s5;
	s8 =	sshra.s32 s18, $0x2  }
0x3f: {  	_ =	swait.ge [sflag:s22], $0x4000;
	s13 =	sadd.s32 s29, s10;
	s29 =	sshra.s32 s17, $0x2  }
0x40: {  	s14 =	smulhi.u32 $0xAAAAAAAB, s12;
	p2 =	seq.s32 s17, $0x0;
	s21 =	sadd.s32 $0x4, s6  }
0x41: {  	s7 =	sadd.s32 s8, s26;
	[sflag:s22] =	ssyncset.done $0x0;
	s26 =	smov.u32 s31  }
0x42: {  	s31 =	sadd.s32 $0x4000, s31;
	s8 =	smulhi.u32 $0xAAAAAAAB, s6;
	s18 =	simm.s32 @!p2 $0x2  }
0x43: {  	s6 =	sadd.s32 $0x2, s6;
	p1 =	sge.u32 s21, s5;
	[sflag:s22] =	ssyncadd.s32 $0xFFFFC000  }
0x44: {  	[spmem:s1] =	stream.indirect.scatter.add.f32 [tilespmem:s7], [sflag:$0x2], $0x80, s13, s20, $0xb8;
	[tilespmem:$0x1FE80] =	vst v63  }
0x45: {  	s10 =	sshrl.u32 s14, $0x1;
	s7 =	smulhi.u32 $0xAAAAAAAB, s0;
	s0 =	sadd.s32 $0x1, s0  }
0x46: {  	s13 =	sshrl.u32 s14, $0x2;
	s10 =	smul.u32 $0xFFFD0000, s10;
	s21 =	sshrl.u32 s8, $0x2  }
0x47: {  	s8 =	sshrl.u32 s8, $0x1;
	_ =	swait.ge @!p2 [sflag:s18], $0x4000;
	s12 =	smul.u32 $0xFFFFE800, s13  }
0x48: {  	s7 =	sshrl.u32 s7, $0x2;
	[sflag:s18] =	ssyncset.done @!p2 $0x0;
	s10 =	sshra.s32 s10, $0x2  }
0x49: {  	[sflag:s18] =	ssyncadd.s32 @!p2 $0xFFFFC000;
	p2 =	sge.u32 s6, s5;
	s14 =	smul.u32 $0xFFFFE800, s7  }
0x4a: {  	s18 =	sshra.s32 s12, $0x2;
	s11 =	sadd.s32 s10, s11;
	s10 =	smul.u32 $0xFFFFE800, s21  }
0x4b: {  	s12 =	simm.s32 @!p2 $0x3;
	s7 =	sadd.s32 $0x200, s18;
	s18 =	sshra.s32 @!p2 s17, $0x2  }
0x4c: {  	_ =	swait.ge @!p2 [sflag:s12], $0x100;
	s13 =	sadd.s32 @!p2 s18, s7;
	s18 =	smul.u32 $0xFFFD0000, s8  }
.Ltmp1:
0x4d: {  	s6 =	sshra.s32 s14, $0x2;
	s14 =	simm.s32 @!p2 $0x80;
	(pc) =	sbr.rel @p0 .LBB2_2-.Ltmp1, $4  }
0x4e: {  	s10 =	sshra.s32 s10, $0x2;
	[sflag:s12] =	ssyncset.done @!p2 $0x0;
	s7 =	rddreg [dreg:$0x5]  }
0x4f: {  	s6 =	sadd.s32 $0x400, s6;
	[sflag:s12] =	ssyncadd.s32 @!p2 $0xFFFFFF00;
	s12 =	sshra.s32 @!p1 s17, $0x2  }
0x50: {  	s8 =	simm.s32 @!p1 $0x0;
	s7 =	sadd.s32 @!p1 s17, s7;
	s21 =	sadd.s32 @!p1 s12, s6  }
0x51: {  	[tilespmem:s11], [sflag:$0x1] =	stream.indirect.gather @!p2 [hbm4b:s4+s14], $0x80, s13, s14, $0xb8;
	[tilespmem:$0x1FE80] =	vst v63  }
.LBB2_3:
0x52: {  	[tilespmem:s21], [sflag:$0x3] =	stream.linear.gather @!p1 [hbm4b:s7+s8], $0x100, $0x38;
	[tilespmem:$0x1FE80] =	vst v63  }
0x53: {  	_ =	swait.ge [sflag:s22], $0x4000  }
0x54: {  	s0 =	sor.u32 $0x80, s10;
	s2 =	sshra.s32 s18, $0x2;
	[sflag:s22] =	ssyncset.done $0x0  }
0x55: {  	s0 =	sadd.s32 s29, s0;
	s2 =	sadd.s32 s2, s26;
	[sflag:s22] =	ssyncadd.s32 $0xFFFFC000  }
0x56: {  	[spmem:s1] =	stream.indirect.scatter.add.f32 [tilespmem:s2], [sflag:$0x2], $0x80, s0, s20, $0xb8;
	[tilespmem:$0x1FE80] =	vst v63  }
0x57: {  	_ =	swait.ge [sflag:s23], $0x4000  }
0x58: {  	[sflag:s23] =	ssyncset.done $0x0  }
0x59: {  	[sflag:s23] =	ssyncadd.s32 $0xFFFFC000  }
0x5a: {  	[bflag:$0x0] =	sbarrier.arrive $0xFFFF  }
0x5b: {  	s29 =	rddreg [dreg:$0x6]  }
0x5c: {  	s30 =	rddreg [dreg:$0xd];
	s0 =	sor.u32 $0x1C05, s29  }
0x5d: {  	[hbm:s30], [sflag:s0] =	dma.local [spmem:s15], $0x2800  }
0x5e: {  	_ =	swait.ge [sflag:s24], $0x2800  }
0x5f: {  	s25 =	sadd.s32 $0x1, s25;
	s31 =	rddreg [dreg:$0xc]  }
0x60: {  	p0 =	sne.s32 s25, s31  }
.Ltmp2:
0x61: {  	_ = 	snop;
	(pc) =	sbr.rel @p0 .LBB2_1-.Ltmp2, $3  }
0x62: {  	_ =	sdelay $0x1  }
0x63: {  	[sflag:s24] =	ssyncset.done $0x0  }
0x64: {  	[sflag:s24] =	ssyncadd.s32 $0xFFFFD800  }
0x65: {  	_ =	sfence.sel $0x180000  }
0x66: {  	[bflag:$0x0] =	sbarrier.arrive $0xFFFF  }
0x67: {  	_ =	strace $0x90000050  }
0x68: {  	s0 =	stileid.u32;
	[bflag:$0x2] =	sbarrier.arrive $0xFFFF  }
0x69: {  	p0 =	sne.s32 s0, $0x0;
	s0 =	rddreg [dreg:$0x4]  }
0x6a: {  	s0 =	sadd.s32 @!p0 $0x100000, s0  }
0x6b: {  	[sflag:s0] =	ssyncadd.tile.s32 @!p0 $0x1;
	_ =	shalt  }
.Lfunc_end2:
_tile_overlayer_lowered:
.L_overlay_start_2:
0x6c: {  	(tag) =	ssettag $0x2  }
0x6d: {  	s0 =	rddreg [dreg:$0x0];
	s2 =	stileid.u32  }
0x6e: {  	s1 =	rddreg [dreg:$0x1];
	p0 =	sne.s32 s2, $0x0  }
0x6f: {  	s3 =	rddreg [dreg:$0x2];
	[bflag:$0x3] =	sbarrier.arrive $0xFFFF;
	s2 =	simm.s32 @!p0 $0x1C05  }
0x70: {  	[timem:s3], [sflag:s2] =	dma.local @!p0 [hbm:s0], s1  }
0x71: {  	s0 =	simm.s32 @!p0 $0x5  }
0x72: {  	_ =	swait.ge @!p0 [sflag:s0], s1  }
0x73: {  	s1 =	ssub.s32 @!p0 $0x0, s1;
	[sflag:s0] =	ssyncset.done @!p0 $0x0  }
0x74: {  	[sflag:s0] =	ssyncadd.s32 @!p0 s1  }
0x75: {  	[bflag:$0x3] =	sbarrier.arrive $0xFFFF  }
0x76: {  	_ =	shalt  }

</sc_bundles>
